<compile_context>
chip_gen: v7x
topology: tpu7x:2x2x1
jax: 0.10.2.dev20260603
libtpu: 0.0.44.dev20260713+nightly
codegen_flags: <defaults>
</compile_context>

<pallas_src>
import functools
import jax
import jax.numpy as jnp
import numpy as np
from jax import lax
from jax.experimental import pallas as pl
from jax.experimental.pallas import tpu as pltpu
from jax.experimental.pallas import tpu_sc as plsc

N_NODES = 10000
N_EDGES = 320000
D = 128
H = 8
DH = 16
OUT = 64

ROW_BLK = 1000
N_ROW_BLKS = N_NODES // ROW_BLK



def _pre_body(h_ref, W_ref, alS_ref, arS_ref, featx_ref, erx_ref):
    h = h_ref[...]
    W = W_ref[0]
    feat = jnp.dot(h, W, preferred_element_type=jnp.float32)
    elx = jnp.dot(feat, alS_ref[0], preferred_element_type=jnp.float32)
    featx_ref[0] = jnp.concatenate([feat, elx], axis=1)
    erx_ref[0] = jnp.dot(feat, arS_ref[0], preferred_element_type=jnp.float32)


def _tc_pre(h, Ws, alS, arS):
    return pl.pallas_call(
        _pre_body,
        grid=(2, N_ROW_BLKS),
        in_specs=[
            pl.BlockSpec((ROW_BLK, D), lambda p, i: (i, 0)),
            pl.BlockSpec((1, D, D), lambda p, i: (p, 0, 0)),
            pl.BlockSpec((1, D, 2 * H), lambda p, i: (p, 0, 0)),
            pl.BlockSpec((1, D, 2 * H), lambda p, i: (p, 0, 0)),
        ],
        out_specs=[
            pl.BlockSpec((1, ROW_BLK, D + 2 * H), lambda p, i: (p, i, 0)),
            pl.BlockSpec((1, ROW_BLK, 2 * H), lambda p, i: (p, i, 0)),
        ],
        out_shape=[
            jax.ShapeDtypeStruct((2, N_NODES, D + 2 * H), jnp.float32),
            jax.ShapeDtypeStruct((2, N_NODES, 2 * H), jnp.float32),
        ],
    )(h, Ws, alS, arS)



def _post_body(acc_ref, Rsel_ref, sW1_ref, sb1_ref, w2_ref,
               pW_ref, pb_ref, out_ref):
    Rsel = Rsel_ref[...]
    sW1 = sW1_ref[...]
    sb1 = sb1_ref[...]
    w2 = w2_ref[...]

    def make_z(p):
        blk = acc_ref[p]
        s_rep = jnp.dot(blk[:, D:], Rsel, preferred_element_type=jnp.float32)
        x = blk[:, :D] / (s_rep + 1e-9)
        return jnp.where(x > 0, x, jnp.exp(x) - 1.0)

    z0 = make_z(0)
    z1 = make_z(1)

    def sem_w(z):
        t = jnp.tanh(jnp.dot(z, sW1, preferred_element_type=jnp.float32) + sb1)
        return (t * w2).sum(axis=1, keepdims=True)

    w0 = sem_w(z0)
    w1 = sem_w(z1)
    m = jnp.maximum(w0, w1)
    e0 = jnp.exp(w0 - m)
    e1 = jnp.exp(w1 - m)
    b0 = e0 / (e0 + e1)
    hz = b0 * z0 + (1.0 - b0) * z1
    logits = jnp.dot(hz, pW_ref[...], preferred_element_type=jnp.float32) + pb_ref[...]
    lm = jnp.max(logits, axis=1, keepdims=True)
    lse = jnp.log(jnp.sum(jnp.exp(logits - lm), axis=1, keepdims=True)) + lm
    out_ref[...] = logits - lse


def _tc_post(acc, Rsel, sem_W1, sem_b1, w2row, pred_W, pred_b):
    return pl.pallas_call(
        _post_body,
        grid=(N_ROW_BLKS,),
        in_specs=[
            pl.BlockSpec((2, ROW_BLK, D + 2 * H), lambda i: (0, i, 0)),
            pl.BlockSpec((2 * H, D), lambda i: (0, 0)),
            pl.BlockSpec((D, D), lambda i: (0, 0)),
            pl.BlockSpec((1, D), lambda i: (0, 0)),
            pl.BlockSpec((1, D), lambda i: (0, 0)),
            pl.BlockSpec((D, OUT), lambda i: (0, 0)),
            pl.BlockSpec((1, OUT), lambda i: (0, 0)),
        ],
        out_specs=pl.BlockSpec((ROW_BLK, OUT), lambda i: (i, 0)),
        out_shape=jax.ShapeDtypeStruct((N_NODES, OUT), jnp.float32),
    )(acc, Rsel, sem_W1, sem_b1, w2row, pred_W, pred_b)



CH = 80
CHUNKS_PER_CORE = N_EDGES // CH
TILES = 16
R_MAIN = 624
ZR = 312


def _edge_sc_body(featx2, erx2, idx3, zerX,
                  accx_out,
                  idx_v0, idx_v1, idx_v2, er_v0, er_v1,
                  fx_v0, fx_v1,
                  accS, sem0, sem1, sco0, sco1, si0, si1, si2):
    idx_v = (idx_v0, idx_v1, idx_v2)
    er_v = (er_v0, er_v1)
    fx_v = (fx_v0, fx_v1)
    sems = (sem0, sem1)
    scat_sems = (sco0, sco1)
    idx_sems = (si0, si1, si2)
    c = lax.axis_index("c")
    s = lax.axis_index("s")
    row0 = s * R_MAIN

    for k in range(2):
        pltpu.sync_copy(zerX, accS.at[pl.ds(row0 + k * ZR, ZR), :])

    @pl.when(s == TILES - 1)
    def _zero_tail():
        pltpu.sync_copy(zerX.at[pl.ds(0, 16), :],
                        accS.at[pl.ds(TILES * R_MAIN, 16), :])

    plsc.subcore_barrier()

    nj = CHUNKS_PER_CORE // TILES

    def chunk_of(step):
        return c * CHUNKS_PER_CORE + s + step * TILES

    def idx_copy(step, b3):
        return pltpu.make_async_copy(idx3.at[chunk_of(step)], idx_v[b3],
                                     idx_sems[b3])

    def gather_copies(b2, b3):
        return (pltpu.make_async_copy(erx2.at[idx_v[b3].at[1]], er_v[b2], sems[b2]),
                pltpu.make_async_copy(featx2.at[idx_v[b3].at[0]], fx_v[b2], sems[b2]))

    def scatter_start(b2, b3):
        pltpu.async_copy(fx_v[b2], accS.at[idx_v[b3].at[2]], scat_sems[b2],
                         add=True)

    def scatter_wait(b2, b3):
        pltpu.make_async_copy(fx_v[b2], accS.at[idx_v[b3].at[2]],
                              scat_sems[b2]).wait()

    def fire_idx(step, b3):
        idx_copy(step, b3).start()

    def fire_gather(step, b2, b3):
        @pl.when(step >= 2)
        def _w():
            scatter_wait(b2, (b3 + 1) % 3)

        idx_copy(step, b3).wait()
        for cp in gather_copies(b2, b3):
            cp.start()

    def consume(step, b2, b3):
        for cp in gather_copies(b2, b3):
            cp.wait()

        @plsc.parallel_loop(0, CH, unroll=4)
        def edge_body(i):
            x = fx_v[b2][i, pl.ds(D, 2 * H)] + er_v[b2][i]
            x = jnp.where(x >= 0, x, 0.2 * x)
            ex = jnp.exp(x)
            fx_v[b2][i, pl.ds(D, 2 * H)] = ex
            for hh in range(H):
                idx = jnp.full((16, 1), hh, dtype=jnp.int32)
                g = lax.gather(
                    ex, idx,
                    lax.GatherDimensionNumbers(offset_dims=(),
                                               collapsed_slice_dims=(0,),
                                               start_index_map=(0,)),
                    slice_sizes=(1,),
                    mode=lax.GatherScatterMode.PROMISE_IN_BOUNDS)
                fx_v[b2][i, pl.ds(hh * DH, DH)] = fx_v[b2][i, pl.ds(hh * DH, DH)] * g

        scatter_start(b2, b3)

    fire_idx(0, 0)
    fire_idx(1, 1)
    fire_gather(0, 0, 0)

    def six_body(jj, carry):
        for u in range(6):
            step = 6 * jj + u

            @pl.when(step + 1 < nj)
            def _fg():
                fire_gather(step + 1, (u + 1) % 2, (u + 1) % 3)

            @pl.when(step + 2 < nj)
            def _fi():
                fire_idx(step + 2, (u + 2) % 3)

            @pl.when(step < nj)
            def _c():
                consume(step, u % 2, u % 3)
        return carry

    lax.fori_loop(0, (nj + 5) // 6, six_body, 0)

    scatter_wait((nj - 2) % 2, (nj - 2) % 3)
    scatter_wait((nj - 1) % 2, (nj - 1) % 3)

    plsc.subcore_barrier()
    out_row0 = c * N_NODES + row0
    pltpu.sync_copy(accS.at[pl.ds(row0, R_MAIN), :],
                    accx_out.at[pl.ds(out_row0, R_MAIN), :])

    @pl.when(s == TILES - 1)
    def _write_tail():
        t0 = TILES * R_MAIN
        pltpu.sync_copy(accS.at[pl.ds(t0, 16), :],
                        accx_out.at[pl.ds(c * N_NODES + t0, 16), :])


def _edge_pass_sc(featx2, erx2, idx3):
    DX = D + 2 * H
    zerX = jnp.zeros((ZR, DX), jnp.float32)
    mesh = plsc.VectorSubcoreMesh(core_axis_name="c", subcore_axis_name="s")
    f = functools.partial(
        pl.kernel,
        mesh=mesh,
        compiler_params=pltpu.CompilerParams(use_tc_tiling_on_sc=False),
        out_type=[
            jax.ShapeDtypeStruct((2 * N_NODES, DX), jnp.float32),
        ],
        scratch_types=[
            pltpu.VMEM((3, CH), jnp.int32),
            pltpu.VMEM((3, CH), jnp.int32),
            pltpu.VMEM((3, CH), jnp.int32),
            pltpu.VMEM((CH, 2 * H), jnp.float32),
            pltpu.VMEM((CH, 2 * H), jnp.float32),
            pltpu.VMEM((CH, DX), jnp.float32),
            pltpu.VMEM((CH, DX), jnp.float32),
            pltpu.VMEM_SHARED((N_NODES, DX), jnp.float32),
            pltpu.SemaphoreType.DMA,
            pltpu.SemaphoreType.DMA,
            pltpu.SemaphoreType.DMA,
            pltpu.SemaphoreType.DMA,
            pltpu.SemaphoreType.DMA,
            pltpu.SemaphoreType.DMA,
            pltpu.SemaphoreType.DMA,
        ],
    )(_edge_sc_body)
    return f(featx2, erx2, idx3, zerX)[0]



def kernel(h, edge_index_0, edge_index_1, fc_W_0, attn_l_0, attn_r_0,
           fc_W_1, attn_l_1, attn_r_1, sem_W1, sem_b1, sem_W2, sem_b2,
           pred_W, pred_b):
    Ws = jnp.stack([fc_W_0, fc_W_1])
    d_ids = np.arange(D) // DH
    sel = (d_ids[:, None] == (np.arange(2 * H)[None, :] % H)).astype(np.float32)
    sel = jnp.asarray(sel)
    alS = jnp.stack([attn_l_0.reshape(D, 1) * sel, attn_l_1.reshape(D, 1) * sel])
    arS = jnp.stack([attn_r_0.reshape(D, 1) * sel, attn_r_1.reshape(D, 1) * sel])

    srcg = jnp.concatenate([edge_index_0[0], edge_index_1[0] + N_NODES]).astype(jnp.int32)
    dstg = jnp.concatenate([edge_index_0[1], edge_index_1[1] + N_NODES]).astype(jnp.int32)
    dstl = jnp.concatenate([edge_index_0[1], edge_index_1[1]]).astype(jnp.int32)
    idx3 = jnp.stack([srcg.reshape(-1, CH), dstg.reshape(-1, CH),
                      dstl.reshape(-1, CH)], axis=1)

    featx, erx = _tc_pre(h, Ws, alS, arS)

    acc2 = _edge_pass_sc(featx.reshape(2 * N_NODES, D + 2 * H),
                         erx.reshape(2 * N_NODES, 2 * H), idx3)
    acc = acc2.reshape(2, N_NODES, D + 2 * H)

    Rsel = (np.arange(2 * H)[:, None] == (np.arange(D)[None, :] // DH)).astype(np.float32)
    Rsel = jnp.asarray(Rsel)
    return _tc_post(acc, Rsel, sem_W1, sem_b1.reshape(1, D),
                    sem_W2.reshape(1, D), pred_W, pred_b.reshape(1, OUT))

# --- scband reference (transcript-rebuilt; emitter-appended) ---
"""Pipeline reference for scband-hgan-10849087390166 (READ-ONLY COPY).

The authoritative reference and input builder live on the scoring server;
editing this copy changes nothing except your own understanding.
"""

import jax, jax.numpy as jnp
import numpy as np

N_NODES = 10000
N_EDGES = 320000
D_IN = 128
H = 8
D_HEAD = 16
D_HID = H * D_HEAD  # 128
OUT_SIZE = 64
SEM_HIDDEN = 128


def setup_inputs(seed: int = 0) -> dict:
    key = jax.random.key(seed)
    ks = jax.random.split(key, 16)
    h = jax.random.normal(ks[0], (N_NODES, D_IN), dtype=jnp.float32)
    edge_index_0 = jax.random.randint(ks[1], (2, N_EDGES), 0, N_NODES, dtype=jnp.int64)
    edge_index_1 = jax.random.randint(ks[2], (2, N_EDGES), 0, N_NODES, dtype=jnp.int64)
    sc = 0.1
    fc_W_0 = jax.random.normal(ks[3], (D_IN, D_HID), dtype=jnp.float32) * sc
    attn_l_0 = jax.random.normal(ks[4], (H, D_HEAD), dtype=jnp.float32) * sc
    attn_r_0 = jax.random.normal(ks[5], (H, D_HEAD), dtype=jnp.float32) * sc
    fc_W_1 = jax.random.normal(ks[6], (D_IN, D_HID), dtype=jnp.float32) * sc
    attn_l_1 = jax.random.normal(ks[7], (H, D_HEAD), dtype=jnp.float32) * sc
    attn_r_1 = jax.random.normal(ks[8], (H, D_HEAD), dtype=jnp.float32) * sc
    sem_W1 = jax.random.normal(ks[9], (D_HID, SEM_HIDDEN), dtype=jnp.float32) * sc
    sem_b1 = jnp.zeros((SEM_HIDDEN,), dtype=jnp.float32)
    sem_W2 = jax.random.normal(ks[10], (SEM_HIDDEN, 1), dtype=jnp.float32) * sc
    sem_b2 = jnp.zeros((1,), dtype=jnp.float32)
    pred_W = jax.random.normal(ks[11], (D_HID, OUT_SIZE), dtype=jnp.float32) * sc
    pred_b = jnp.zeros((OUT_SIZE,), dtype=jnp.float32)
    return {
        "h": h,
        "edge_index_0": edge_index_0,
        "edge_index_1": edge_index_1,
        "fc_W_0": fc_W_0, "attn_l_0": attn_l_0, "attn_r_0": attn_r_0,
        "fc_W_1": fc_W_1, "attn_l_1": attn_l_1, "attn_r_1": attn_r_1,
        "sem_W1": sem_W1, "sem_b1": sem_b1, "sem_W2": sem_W2, "sem_b2": sem_b2,
        "pred_W": pred_W, "pred_b": pred_b,
    }


def _gat_conv(h, edge_index, W, attn_l, attn_r):
    # DGL-style GATConv: linear proj, additive attention, edge softmax over dst,
    # scatter-add aggregation, ELU activation, flatten heads.
    N = h.shape[0]
    feat = (h @ W).reshape(N, H, D_HEAD)
    el = (feat * attn_l[None, :, :]).sum(-1)  # [N, H]
    er = (feat * attn_r[None, :, :]).sum(-1)  # [N, H]
    src = edge_index[0]
    dst = edge_index[1]
    e = jax.nn.leaky_relu(el[src] + er[dst], negative_slope=0.2)  # [E, H]
    m = jax.ops.segment_max(e, dst, num_segments=N)  # [N, H]
    ex = jnp.exp(e - m[dst])
    s = jax.ops.segment_sum(ex, dst, num_segments=N)
    alpha = ex / (s[dst] + 1e-9)  # [E, H]
    msg = feat[src] * alpha[:, :, None]  # [E, H, D_HEAD]
    out = jax.ops.segment_sum(msg, dst, num_segments=N)  # [N, H, D_HEAD]
    return jax.nn.elu(out).reshape(N, H * D_HEAD)


def reference(h, edge_index_0, edge_index_1,
              fc_W_0, attn_l_0, attn_r_0,
              fc_W_1, attn_l_1, attn_r_1,
              sem_W1, sem_b1, sem_W2, sem_b2,
              pred_W, pred_b):
    # HANLayer: node-level GAT per metapath graph
    z0 = _gat_conv(h, edge_index_0, fc_W_0, attn_l_0, attn_r_0)
    z1 = _gat_conv(h, edge_index_1, fc_W_1, attn_l_1, attn_r_1)
    z = jnp.stack([z0, z1], axis=1)  # [N, P=2, D_HID]
    # SemanticAttention
    w = jnp.tanh(z @ sem_W1 + sem_b1) @ sem_W2 + sem_b2  # [N, P, 1]
    beta = jax.nn.softmax(w, axis=1)
    hz = (beta * z).sum(1)  # [N, D_HID]
    # predict + log_softmax
    logits = hz @ pred_W + pred_b
    return jax.nn.log_softmax(logits, axis=1)

if __name__ == "__main__":
    import jax
    _d = setup_inputs()
    print(jax.jit(kernel)(*tuple(_d.values())))

</pallas_src>

<mosaic_0001>
#map = affine_map<(d0, d1) -> (0, 0)>
#map1 = affine_map<(d0, d1) -> (0, 0, 0)>
module attributes {stable_mosaic.version = 14 : i64} {
  func.func @_edge_sc_body(%arg0: i32, %arg1: i32, %arg2: memref<20000x144xf32, #tpu.memory_space<hbm>>, %arg3: memref<20000x16xf32, #tpu.memory_space<hbm>>, %arg4: memref<8000x3x80xi32, #tpu.memory_space<hbm>>, %arg5: memref<312x144xf32, #tpu.memory_space<hbm>>, %arg6: memref<20000x144xf32, #tpu.memory_space<hbm>>, %arg7: memref<3x80xi32, #tpu.memory_space<vmem>>, %arg8: memref<3x80xi32, #tpu.memory_space<vmem>>, %arg9: memref<3x80xi32, #tpu.memory_space<vmem>>, %arg10: memref<80x16xf32, #tpu.memory_space<vmem>>, %arg11: memref<80x16xf32, #tpu.memory_space<vmem>>, %arg12: memref<80x144xf32, #tpu.memory_space<vmem>>, %arg13: memref<80x144xf32, #tpu.memory_space<vmem>>, %arg14: memref<10000x144xf32, #tpu.memory_space<vmem_shared>>, %arg15: memref<!tpu.dma_semaphore, #tpu.memory_space<semaphore_mem>>, %arg16: memref<!tpu.dma_semaphore, #tpu.memory_space<semaphore_mem>>, %arg17: memref<!tpu.dma_semaphore, #tpu.memory_space<semaphore_mem>>, %arg18: memref<!tpu.dma_semaphore, #tpu.memory_space<semaphore_mem>>, %arg19: memref<!tpu.dma_semaphore, #tpu.memory_space<semaphore_mem>>, %arg20: memref<!tpu.dma_semaphore, #tpu.memory_space<semaphore_mem>>, %arg21: memref<!tpu.dma_semaphore, #tpu.memory_space<semaphore_mem>>) attributes {dimension_semantics = [#tpu.dimension_semantics<core_parallel>, #tpu.dimension_semantics<subcore_parallel>], iteration_bounds = array<i64: 2, 16>, scalar_prefetch = 0 : i64, scratch_operands = 15 : i64, tpu.core_type = #tpu.core_type<sc_vector_subcore>, window_params = [{transform_indices = #map}, {transform_indices = #map}, {transform_indices = #map1}, {transform_indices = #map}, {transform_indices = #map}]} {
    %mul3A = arith.constant 624 : i32
    %mul3A_0 = arith.muli %arg1, %mul3A : i32
    %add3A = arith.constant 0 : i32
    %add3A_1 = arith.addi %mul3A_0, %add3A : i32
    "tpu.region"() ({
      %run_scoped3A = tpu.sem_alloc : memref<!tpu.dma_semaphore, #tpu.memory_space<semaphore_mem>>
      %dma_start3A_85 = arith.constant 0 : i32
      %dma_start3A_86 = tpu.memref_slice %arg14[%add3A_1, %dma_start3A_85] : memref<10000x144xf32, #tpu.memory_space<vmem_shared>> -> memref<312x144xf32, #tpu.memory_space<vmem_shared>>
      tpu.enqueue_dma source(%arg5 : memref<312x144xf32, #tpu.memory_space<hbm>>) target(%dma_start3A_86 : memref<312x144xf32, #tpu.memory_space<vmem_shared>>) target_semaphore(%run_scoped3A : memref<!tpu.dma_semaphore, #tpu.memory_space<semaphore_mem>>)
      %dma_wait3A_87 = arith.constant 0 : i32
      %dma_wait3A_88 = tpu.memref_slice %arg14[%add3A_1, %dma_wait3A_87] : memref<10000x144xf32, #tpu.memory_space<vmem_shared>> -> memref<312x144xf32, #tpu.memory_space<vmem_shared>>
      tpu.wait_dma2 semaphore(%run_scoped3A : memref<!tpu.dma_semaphore, #tpu.memory_space<semaphore_mem>>) src(%arg5 : memref<312x144xf32, #tpu.memory_space<hbm>>) dst(%dma_wait3A_88 : memref<312x144xf32, #tpu.memory_space<vmem_shared>>)
      tpu.yield
    }) : () -> ()
    %add3A_2 = arith.constant 312 : i32
    %add3A_3 = arith.addi %mul3A_0, %add3A_2 : i32
    "tpu.region"() ({
      %run_scoped3A = tpu.sem_alloc : memref<!tpu.dma_semaphore, #tpu.memory_space<semaphore_mem>>
      %dma_start3A_85 = arith.constant 0 : i32
      %dma_start3A_86 = tpu.memref_slice %arg14[%add3A_3, %dma_start3A_85] : memref<10000x144xf32, #tpu.memory_space<vmem_shared>> -> memref<312x144xf32, #tpu.memory_space<vmem_shared>>
      tpu.enqueue_dma source(%arg5 : memref<312x144xf32, #tpu.memory_space<hbm>>) target(%dma_start3A_86 : memref<312x144xf32, #tpu.memory_space<vmem_shared>>) target_semaphore(%run_scoped3A : memref<!tpu.dma_semaphore, #tpu.memory_space<semaphore_mem>>)
      %dma_wait3A_87 = arith.constant 0 : i32
      %dma_wait3A_88 = tpu.memref_slice %arg14[%add3A_3, %dma_wait3A_87] : memref<10000x144xf32, #tpu.memory_space<vmem_shared>> -> memref<312x144xf32, #tpu.memory_space<vmem_shared>>
      tpu.wait_dma2 semaphore(%run_scoped3A : memref<!tpu.dma_semaphore, #tpu.memory_space<semaphore_mem>>) src(%arg5 : memref<312x144xf32, #tpu.memory_space<hbm>>) dst(%dma_wait3A_88 : memref<312x144xf32, #tpu.memory_space<vmem_shared>>)
      tpu.yield
    }) : () -> ()
    %eq3A = arith.constant 15 : i32
    %eq3A_4 = arith.cmpi eq, %arg1, %eq3A : i32
    %convert_element_type3A = arith.extui %eq3A_4 : i1 to i32
    %cond3A = arith.constant 0 : i32
    %cond3A_5 = arith.cmpi ne, %convert_element_type3A, %cond3A : i32
    scf.if %cond3A_5 {
      "tpu.region"() ({
        %run_scoped3A = tpu.sem_alloc : memref<!tpu.dma_semaphore, #tpu.memory_space<semaphore_mem>>
        %dma_start3A_85 = arith.constant 9984 : i32
        %dma_start3A_86 = arith.constant 0 : i32
        %dma_start3A_87 = tpu.memref_slice %arg14[%dma_start3A_85, %dma_start3A_86] : memref<10000x144xf32, #tpu.memory_space<vmem_shared>> -> memref<16x144xf32, #tpu.memory_space<vmem_shared>>
        %dma_start3A_88 = arith.constant 0 : i32
        %dma_start3A_89 = arith.constant 0 : i32
        %dma_start3A_90 = tpu.memref_slice %arg5[%dma_start3A_88, %dma_start3A_89] : memref<312x144xf32, #tpu.memory_space<hbm>> -> memref<16x144xf32, #tpu.memory_space<hbm>>
        tpu.enqueue_dma source(%dma_start3A_90 : memref<16x144xf32, #tpu.memory_space<hbm>>) target(%dma_start3A_87 : memref<16x144xf32, #tpu.memory_space<vmem_shared>>) target_semaphore(%run_scoped3A : memref<!tpu.dma_semaphore, #tpu.memory_space<semaphore_mem>>)
        %dma_wait3A_91 = arith.constant 9984 : i32
        %dma_wait3A_92 = arith.constant 0 : i32
        %dma_wait3A_93 = tpu.memref_slice %arg14[%dma_wait3A_91, %dma_wait3A_92] : memref<10000x144xf32, #tpu.memory_space<vmem_shared>> -> memref<16x144xf32, #tpu.memory_space<vmem_shared>>
        %dma_wait3A_94 = arith.constant 0 : i32
        %dma_wait3A_95 = arith.constant 0 : i32
        %dma_wait3A_96 = tpu.memref_slice %arg5[%dma_wait3A_94, %dma_wait3A_95] : memref<312x144xf32, #tpu.memory_space<hbm>> -> memref<16x144xf32, #tpu.memory_space<hbm>>
        tpu.wait_dma2 semaphore(%run_scoped3A : memref<!tpu.dma_semaphore, #tpu.memory_space<semaphore_mem>>) src(%dma_wait3A_96 : memref<16x144xf32, #tpu.memory_space<hbm>>) dst(%dma_wait3A_93 : memref<16x144xf32, #tpu.memory_space<vmem_shared>>)
        tpu.yield
      }) : () -> ()
    } else {
    }
    %barrier3A = arith.constant 0 : index
    tpu.barrier barrier_id(%barrier3A)
    %mul3A_6 = arith.constant 4000 : i32
    %mul3A_7 = arith.muli %arg0, %mul3A_6 : i32
    %add3A_8 = arith.addi %mul3A_7, %arg1 : i32
    %add3A_9 = arith.constant 0 : i32
    %add3A_10 = arith.addi %add3A_8, %add3A_9 : i32
    %dma_start3A = arith.constant 0 : i32
    %dma_start3A_11 = arith.constant 0 : i32
    %dma_start3A_12 = tpu.memref_slice %arg4[%add3A_10, %dma_start3A, %dma_start3A_11] : memref<8000x3x80xi32, #tpu.memory_space<hbm>> -> memref<1x3x80xi32, #tpu.memory_space<hbm>>
    %dma_start3A_13 = tpu.memref_squeeze %dma_start3A_12 : memref<1x3x80xi32, #tpu.memory_space<hbm>> -> memref<3x80xi32, #tpu.memory_space<hbm>>
    %dma_start3A_14 = arith.constant 0 : i32
    %dma_start3A_15 = arith.constant 0 : i32
    %dma_start3A_16 = tpu.memref_slice %arg4[%add3A_10, %dma_start3A_14, %dma_start3A_15] : memref<8000x3x80xi32, #tpu.memory_space<hbm>> -> memref<1x3x80xi32, #tpu.memory_space<hbm>>
    %dma_start3A_17 = tpu.memref_squeeze %dma_start3A_16 : memref<1x3x80xi32, #tpu.memory_space<hbm>> -> memref<3x80xi32, #tpu.memory_space<hbm>>
    tpu.enqueue_dma source(%dma_start3A_17 : memref<3x80xi32, #tpu.memory_space<hbm>>) target(%arg7 : memref<3x80xi32, #tpu.memory_space<vmem>>) target_semaphore(%arg19 : memref<!tpu.dma_semaphore, #tpu.memory_space<semaphore_mem>>)
    %mul3A_18 = arith.constant 4000 : i32
    %mul3A_19 = arith.muli %arg0, %mul3A_18 : i32
    %add3A_20 = arith.addi %mul3A_19, %arg1 : i32
    %add3A_21 = arith.constant 16 : i32
    %add3A_22 = arith.addi %add3A_20, %add3A_21 : i32
    %dma_start3A_23 = arith.constant 0 : i32
    %dma_start3A_24 = arith.constant 0 : i32
    %dma_start3A_25 = tpu.memref_slice %arg4[%add3A_22, %dma_start3A_23, %dma_start3A_24] : memref<8000x3x80xi32, #tpu.memory_space<hbm>> -> memref<1x3x80xi32, #tpu.memory_space<hbm>>
    %dma_start3A_26 = tpu.memref_squeeze %dma_start3A_25 : memref<1x3x80xi32, #tpu.memory_space<hbm>> -> memref<3x80xi32, #tpu.memory_space<hbm>>
    %dma_start3A_27 = arith.constant 0 : i32
    %dma_start3A_28 = arith.constant 0 : i32
    %dma_start3A_29 = tpu.memref_slice %arg4[%add3A_22, %dma_start3A_27, %dma_start3A_28] : memref<8000x3x80xi32, #tpu.memory_space<hbm>> -> memref<1x3x80xi32, #tpu.memory_space<hbm>>
    %dma_start3A_30 = tpu.memref_squeeze %dma_start3A_29 : memref<1x3x80xi32, #tpu.memory_space<hbm>> -> memref<3x80xi32, #tpu.memory_space<hbm>>
    tpu.enqueue_dma source(%dma_start3A_30 : memref<3x80xi32, #tpu.memory_space<hbm>>) target(%arg8 : memref<3x80xi32, #tpu.memory_space<vmem>>) target_semaphore(%arg20 : memref<!tpu.dma_semaphore, #tpu.memory_space<semaphore_mem>>)
    %mul3A_31 = arith.constant 4000 : i32
    %mul3A_32 = arith.muli %arg0, %mul3A_31 : i32
    %add3A_33 = arith.addi %mul3A_32, %arg1 : i32
    %add3A_34 = arith.constant 0 : i32
    %add3A_35 = arith.addi %add3A_33, %add3A_34 : i32
    %dma_wait3A = arith.constant 0 : i32
    %dma_wait3A_36 = arith.constant 0 : i32
    %dma_wait3A_37 = tpu.memref_slice %arg4[%add3A_35, %dma_wait3A, %dma_wait3A_36] : memref<8000x3x80xi32, #tpu.memory_space<hbm>> -> memref<1x3x80xi32, #tpu.memory_space<hbm>>
    %dma_wait3A_38 = tpu.memref_squeeze %dma_wait3A_37 : memref<1x3x80xi32, #tpu.memory_space<hbm>> -> memref<3x80xi32, #tpu.memory_space<hbm>>
    %dma_wait3A_39 = arith.constant 0 : i32
    %dma_wait3A_40 = arith.constant 0 : i32
    %dma_wait3A_41 = tpu.memref_slice %arg4[%add3A_35, %dma_wait3A_39, %dma_wait3A_40] : memref<8000x3x80xi32, #tpu.memory_space<hbm>> -> memref<1x3x80xi32, #tpu.memory_space<hbm>>
    %dma_wait3A_42 = tpu.memref_squeeze %dma_wait3A_41 : memref<1x3x80xi32, #tpu.memory_space<hbm>> -> memref<3x80xi32, #tpu.memory_space<hbm>>
    tpu.wait_dma2 semaphore(%arg19 : memref<!tpu.dma_semaphore, #tpu.memory_space<semaphore_mem>>) src(%dma_wait3A_42 : memref<3x80xi32, #tpu.memory_space<hbm>>) dst(%arg7 : memref<3x80xi32, #tpu.memory_space<vmem>>)
    %dma_start3A_43 = arith.constant 1 : i32
    %dma_start3A_44 = arith.constant 0 : i32
    %dma_start3A_45 = tpu.memref_slice %arg7[%dma_start3A_43, %dma_start3A_44] : memref<3x80xi32, #tpu.memory_space<vmem>> -> memref<1x80xi32, #tpu.memory_space<vmem>>
    %dma_start3A_46 = tpu.memref_squeeze %dma_start3A_45 : memref<1x80xi32, #tpu.memory_space<vmem>> -> memref<80xi32, #tpu.memory_space<vmem>>
    %dma_start3A_47 = arith.constant 0 : i32
    %dma_start3A_48 = arith.constant 0 : i32
    %dma_start3A_49 = tpu.memref_slice %arg3[%dma_start3A_47, %dma_start3A_48] : memref<20000x16xf32, #tpu.memory_space<hbm>> -> memref<20000x16xf32, #tpu.memory_space<hbm>>
    tpu.enqueue_indirect_dma source(%dma_start3A_49 : memref<20000x16xf32, #tpu.memory_space<hbm>>) target(%arg10 : memref<80x16xf32, #tpu.memory_space<vmem>>) offsets(%dma_start3A_46 : memref<80xi32, #tpu.memory_space<vmem>>) semaphore(%arg15 : memref<!tpu.dma_semaphore, #tpu.memory_space<semaphore_mem>>)
    %dma_start3A_50 = arith.constant 0 : i32
    %dma_start3A_51 = arith.constant 0 : i32
    %dma_start3A_52 = tpu.memref_slice %arg7[%dma_start3A_50, %dma_start3A_51] : memref<3x80xi32, #tpu.memory_space<vmem>> -> memref<1x80xi32, #tpu.memory_space<vmem>>
    %dma_start3A_53 = tpu.memref_squeeze %dma_start3A_52 : memref<1x80xi32, #tpu.memory_space<vmem>> -> memref<80xi32, #tpu.memory_space<vmem>>
    %dma_start3A_54 = arith.constant 0 : i32
    %dma_start3A_55 = arith.constant 0 : i32
    %dma_start3A_56 = tpu.memref_slice %arg2[%dma_start3A_54, %dma_start3A_55] : memref<20000x144xf32, #tpu.memory_space<hbm>> -> memref<20000x144xf32, #tpu.memory_space<hbm>>
    tpu.enqueue_indirect_dma source(%dma_start3A_56 : memref<20000x144xf32, #tpu.memory_space<hbm>>) target(%arg12 : memref<80x144xf32, #tpu.memory_space<vmem>>) offsets(%dma_start3A_53 : memref<80xi32, #tpu.memory_space<vmem>>) semaphore(%arg15 : memref<!tpu.dma_semaphore, #tpu.memory_space<semaphore_mem>>)
    %scan3A = arith.constant 0 : i32
    %scan3A_57 = arith.constant 0 : i32
    %scan3A_58 = arith.constant 42 : i32
    %scan3A_59 = arith.addi %scan3A_57, %scan3A_58 : i32
    %scan3A_60 = arith.constant 1 : i32
    scf.for %scan3A_85 = %scan3A_57 to %scan3A_59 step %scan3A_60  : i32 {
      %mul3A_86 = arith.constant 6 : i32
      %mul3A_87 = arith.muli %mul3A_86, %scan3A_85 : i32
      %add3A_88 = arith.constant 0 : i32
      %add3A_89 = arith.addi %mul3A_87, %add3A_88 : i32
      %add3A_90 = arith.constant 1 : i32
      %add3A_91 = arith.addi %add3A_89, %add3A_90 : i32
      %lt3A = arith.constant 250 : i32
      %lt3A_92 = arith.cmpi slt, %add3A_91, %lt3A : i32
      %convert_element_type3A_93 = arith.extui %lt3A_92 : i1 to i32
      %cond3A_94 = arith.constant 0 : i32
      %cond3A_95 = arith.cmpi ne, %convert_element_type3A_93, %cond3A_94 : i32
      scf.if %cond3A_95 {
        %add3A_223 = arith.constant 1 : i32
        %add3A_224 = arith.addi %add3A_89, %add3A_223 : i32
        %ge3A = arith.constant 2 : i32
        %ge3A_225 = arith.cmpi sge, %add3A_224, %ge3A : i32
        %convert_element_type3A_226 = arith.extui %ge3A_225 : i1 to i32
        %cond3A_227 = arith.constant 0 : i32
        %cond3A_228 = arith.cmpi ne, %convert_element_type3A_226, %cond3A_227 : i32
        scf.if %cond3A_228 {
          %dma_wait3A_257 = arith.constant 2 : i32
          %dma_wait3A_258 = arith.constant 0 : i32
          %dma_wait3A_259 = tpu.memref_slice %arg9[%dma_wait3A_257, %dma_wait3A_258] : memref<3x80xi32, #tpu.memory_space<vmem>> -> memref<1x80xi32, #tpu.memory_space<vmem>>
          %dma_wait3A_260 = tpu.memref_squeeze %dma_wait3A_259 : memref<1x80xi32, #tpu.memory_space<vmem>> -> memref<80xi32, #tpu.memory_space<vmem>>
          %dma_wait3A_261 = arith.constant 0 : i32
          %dma_wait3A_262 = arith.constant 0 : i32
          %dma_wait3A_263 = tpu.memref_slice %arg14[%dma_wait3A_261, %dma_wait3A_262] : memref<10000x144xf32, #tpu.memory_space<vmem_shared>> -> memref<10000x144xf32, #tpu.memory_space<vmem_shared>>
          tpu.wait_indirect_dma semaphore(%arg18 : memref<!tpu.dma_semaphore, #tpu.memory_space<semaphore_mem>>) src(%arg13 : memref<80x144xf32, #tpu.memory_space<vmem>>) dst(%dma_wait3A_263 : memref<10000x144xf32, #tpu.memory_space<vmem_shared>>)
        } else {
        }
        %mul3A_229 = arith.constant 4000 : i32
        %mul3A_230 = arith.muli %arg0, %mul3A_229 : i32
        %add3A_231 = arith.addi %mul3A_230, %arg1 : i32
        %mul3A_232 = arith.constant 16 : i32
        %mul3A_233 = arith.muli %add3A_224, %mul3A_232 : i32
        %add3A_234 = arith.addi %add3A_231, %mul3A_233 : i32
        %dma_wait3A_235 = arith.constant 0 : i32
        %dma_wait3A_236 = arith.constant 0 : i32
        %dma_wait3A_237 = tpu.memref_slice %arg4[%add3A_234, %dma_wait3A_235, %dma_wait3A_236] : memref<8000x3x80xi32, #tpu.memory_space<hbm>> -> memref<1x3x80xi32, #tpu.memory_space<hbm>>
        %dma_wait3A_238 = tpu.memref_squeeze %dma_wait3A_237 : memref<1x3x80xi32, #tpu.memory_space<hbm>> -> memref<3x80xi32, #tpu.memory_space<hbm>>
        %dma_wait3A_239 = arith.constant 0 : i32
        %dma_wait3A_240 = arith.constant 0 : i32
        %dma_wait3A_241 = tpu.memref_slice %arg4[%add3A_234, %dma_wait3A_239, %dma_wait3A_240] : memref<8000x3x80xi32, #tpu.memory_space<hbm>> -> memref<1x3x80xi32, #tpu.memory_space<hbm>>
        %dma_wait3A_242 = tpu.memref_squeeze %dma_wait3A_241 : memref<1x3x80xi32, #tpu.memory_space<hbm>> -> memref<3x80xi32, #tpu.memory_space<hbm>>
        tpu.wait_dma2 semaphore(%arg20 : memref<!tpu.dma_semaphore, #tpu.memory_space<semaphore_mem>>) src(%dma_wait3A_242 : memref<3x80xi32, #tpu.memory_space<hbm>>) dst(%arg8 : memref<3x80xi32, #tpu.memory_space<vmem>>)
        %dma_start3A_243 = arith.constant 1 : i32
        %dma_start3A_244 = arith.constant 0 : i32
        %dma_start3A_245 = tpu.memref_slice %arg8[%dma_start3A_243, %dma_start3A_244] : memref<3x80xi32, #tpu.memory_space<vmem>> -> memref<1x80xi32, #tpu.memory_space<vmem>>
        %dma_start3A_246 = tpu.memref_squeeze %dma_start3A_245 : memref<1x80xi32, #tpu.memory_space<vmem>> -> memref<80xi32, #tpu.memory_space<vmem>>
        %dma_start3A_247 = arith.constant 0 : i32
        %dma_start3A_248 = arith.constant 0 : i32
        %dma_start3A_249 = tpu.memref_slice %arg3[%dma_start3A_247, %dma_start3A_248] : memref<20000x16xf32, #tpu.memory_space<hbm>> -> memref<20000x16xf32, #tpu.memory_space<hbm>>
        tpu.enqueue_indirect_dma source(%dma_start3A_249 : memref<20000x16xf32, #tpu.memory_space<hbm>>) target(%arg11 : memref<80x16xf32, #tpu.memory_space<vmem>>) offsets(%dma_start3A_246 : memref<80xi32, #tpu.memory_space<vmem>>) semaphore(%arg16 : memref<!tpu.dma_semaphore, #tpu.memory_space<semaphore_mem>>)
        %dma_start3A_250 = arith.constant 0 : i32
        %dma_start3A_251 = arith.constant 0 : i32
        %dma_start3A_252 = tpu.memref_slice %arg8[%dma_start3A_250, %dma_start3A_251] : memref<3x80xi32, #tpu.memory_space<vmem>> -> memref<1x80xi32, #tpu.memory_space<vmem>>
        %dma_start3A_253 = tpu.memref_squeeze %dma_start3A_252 : memref<1x80xi32, #tpu.memory_space<vmem>> -> memref<80xi32, #tpu.memory_space<vmem>>
        %dma_start3A_254 = arith.constant 0 : i32
        %dma_start3A_255 = arith.constant 0 : i32
        %dma_start3A_256 = tpu.memref_slice %arg2[%dma_start3A_254, %dma_start3A_255] : memref<20000x144xf32, #tpu.memory_space<hbm>> -> memref<20000x144xf32, #tpu.memory_space<hbm>>
        tpu.enqueue_indirect_dma source(%dma_start3A_256 : memref<20000x144xf32, #tpu.memory_space<hbm>>) target(%arg13 : memref<80x144xf32, #tpu.memory_space<vmem>>) offsets(%dma_start3A_253 : memref<80xi32, #tpu.memory_space<vmem>>) semaphore(%arg16 : memref<!tpu.dma_semaphore, #tpu.memory_space<semaphore_mem>>)
      } else {
      }
      %add3A_96 = arith.constant 2 : i32
      %add3A_97 = arith.addi %add3A_89, %add3A_96 : i32
      %lt3A_98 = arith.constant 250 : i32
      %lt3A_99 = arith.cmpi slt, %add3A_97, %lt3A_98 : i32
      %convert_element_type3A_100 = arith.extui %lt3A_99 : i1 to i32
      %cond3A_101 = arith.constant 0 : i32
      %cond3A_102 = arith.cmpi ne, %convert_element_type3A_100, %cond3A_101 : i32
      scf.if %cond3A_102 {
        %add3A_223 = arith.constant 2 : i32
        %add3A_224 = arith.addi %add3A_89, %add3A_223 : i32
        %mul3A_225 = arith.constant 4000 : i32
        %mul3A_226 = arith.muli %arg0, %mul3A_225 : i32
        %add3A_227 = arith.addi %mul3A_226, %arg1 : i32
        %mul3A_228 = arith.constant 16 : i32
        %mul3A_229 = arith.muli %add3A_224, %mul3A_228 : i32
        %add3A_230 = arith.addi %add3A_227, %mul3A_229 : i32
        %dma_start3A_231 = arith.constant 0 : i32
        %dma_start3A_232 = arith.constant 0 : i32
        %dma_start3A_233 = tpu.memref_slice %arg4[%add3A_230, %dma_start3A_231, %dma_start3A_232] : memref<8000x3x80xi32, #tpu.memory_space<hbm>> -> memref<1x3x80xi32, #tpu.memory_space<hbm>>
        %dma_start3A_234 = tpu.memref_squeeze %dma_start3A_233 : memref<1x3x80xi32, #tpu.memory_space<hbm>> -> memref<3x80xi32, #tpu.memory_space<hbm>>
        %dma_start3A_235 = arith.constant 0 : i32
        %dma_start3A_236 = arith.constant 0 : i32
        %dma_start3A_237 = tpu.memref_slice %arg4[%add3A_230, %dma_start3A_235, %dma_start3A_236] : memref<8000x3x80xi32, #tpu.memory_space<hbm>> -> memref<1x3x80xi32, #tpu.memory_space<hbm>>
        %dma_start3A_238 = tpu.memref_squeeze %dma_start3A_237 : memref<1x3x80xi32, #tpu.memory_space<hbm>> -> memref<3x80xi32, #tpu.memory_space<hbm>>
        tpu.enqueue_dma source(%dma_start3A_238 : memref<3x80xi32, #tpu.memory_space<hbm>>) target(%arg9 : memref<3x80xi32, #tpu.memory_space<vmem>>) target_semaphore(%arg21 : memref<!tpu.dma_semaphore, #tpu.memory_space<semaphore_mem>>)
      } else {
      }
      %lt3A_103 = arith.constant 250 : i32
      %lt3A_104 = arith.cmpi slt, %add3A_89, %lt3A_103 : i32
      %convert_element_type3A_105 = arith.extui %lt3A_104 : i1 to i32
      %cond3A_106 = arith.constant 0 : i32
      %cond3A_107 = arith.cmpi ne, %convert_element_type3A_105, %cond3A_106 : i32
      scf.if %cond3A_107 {
        %dma_wait3A_223 = arith.constant 1 : i32
        %dma_wait3A_224 = arith.constant 0 : i32
        %dma_wait3A_225 = tpu.memref_slice %arg7[%dma_wait3A_223, %dma_wait3A_224] : memref<3x80xi32, #tpu.memory_space<vmem>> -> memref<1x80xi32, #tpu.memory_space<vmem>>
        %dma_wait3A_226 = tpu.memref_squeeze %dma_wait3A_225 : memref<1x80xi32, #tpu.memory_space<vmem>> -> memref<80xi32, #tpu.memory_space<vmem>>
        %dma_wait3A_227 = arith.constant 0 : i32
        %dma_wait3A_228 = arith.constant 0 : i32
        %dma_wait3A_229 = tpu.memref_slice %arg3[%dma_wait3A_227, %dma_wait3A_228] : memref<20000x16xf32, #tpu.memory_space<hbm>> -> memref<20000x16xf32, #tpu.memory_space<hbm>>
        tpu.wait_indirect_dma semaphore(%arg15 : memref<!tpu.dma_semaphore, #tpu.memory_space<semaphore_mem>>) src(%dma_wait3A_229 : memref<20000x16xf32, #tpu.memory_space<hbm>>) dst(%arg10 : memref<80x16xf32, #tpu.memory_space<vmem>>)
        %dma_wait3A_230 = arith.constant 0 : i32
        %dma_wait3A_231 = arith.constant 0 : i32
        %dma_wait3A_232 = tpu.memref_slice %arg7[%dma_wait3A_230, %dma_wait3A_231] : memref<3x80xi32, #tpu.memory_space<vmem>> -> memref<1x80xi32, #tpu.memory_space<vmem>>
        %dma_wait3A_233 = tpu.memref_squeeze %dma_wait3A_232 : memref<1x80xi32, #tpu.memory_space<vmem>> -> memref<80xi32, #tpu.memory_space<vmem>>
        %dma_wait3A_234 = arith.constant 0 : i32
        %dma_wait3A_235 = arith.constant 0 : i32
        %dma_wait3A_236 = tpu.memref_slice %arg2[%dma_wait3A_234, %dma_wait3A_235] : memref<20000x144xf32, #tpu.memory_space<hbm>> -> memref<20000x144xf32, #tpu.memory_space<hbm>>
        tpu.wait_indirect_dma semaphore(%arg15 : memref<!tpu.dma_semaphore, #tpu.memory_space<semaphore_mem>>) src(%dma_wait3A_236 : memref<20000x144xf32, #tpu.memory_space<hbm>>) dst(%arg12 : memref<80x144xf32, #tpu.memory_space<vmem>>)
        %parallel_loop3A = arith.constant 0 : i32
        %parallel_loop3A_237 = arith.constant 80 : i32
        %parallel_loop3A_238 = arith.constant 1 : i32
        scf.for %parallel_loop3A_246 = %parallel_loop3A to %parallel_loop3A_237 step %parallel_loop3A_238  : i32 {
          %parallel_loop3A_247 = arith.index_cast %parallel_loop3A_246 : i32 to index
          %parallel_loop3A_248 = arith.constant 128 : index
          %parallel_loop3A_249 = tpu.vector_load %arg12[%parallel_loop3A_247, %parallel_loop3A_248] {strides = array<i32>} : memref<80x144xf32, #tpu.memory_space<vmem>>, vector<1x16xf32>,
          %parallel_loop3A_250 = vector.shape_cast %parallel_loop3A_249 : vector<1x16xf32> to vector<16xf32>
          %parallel_loop3A_251 = arith.index_cast %parallel_loop3A_246 : i32 to index
          %parallel_loop3A_252 = arith.constant 0 : index
          %parallel_loop3A_253 = tpu.vector_load %arg10[%parallel_loop3A_251, %parallel_loop3A_252] {strides = array<i32>} : memref<80x16xf32, #tpu.memory_space<vmem>>, vector<1x16xf32>,
          %parallel_loop3A_254 = vector.shape_cast %parallel_loop3A_253 : vector<1x16xf32> to vector<16xf32>
          %parallel_loop3A_255 = arith.addf %parallel_loop3A_250, %parallel_loop3A_254 : vector<16xf32>
          %parallel_loop3A_256 = arith.constant 0.000000e+00 : f32
          %parallel_loop3A_257 = vector.broadcast %parallel_loop3A_256 : f32 to vector<16xf32>
          %parallel_loop3A_258 = arith.cmpf oge, %parallel_loop3A_255, %parallel_loop3A_257 : vector<16xf32>
          %parallel_loop3A_259 = arith.constant 2.000000e-01 : f32
          %parallel_loop3A_260 = vector.broadcast %parallel_loop3A_259 : f32 to vector<16xf32>
          %parallel_loop3A_261 = arith.mulf %parallel_loop3A_260, %parallel_loop3A_255 : vector<16xf32>
          %parallel_loop3A_262 = arith.select %parallel_loop3A_258, %parallel_loop3A_255, %parallel_loop3A_261 : vector<16xi1>, vector<16xf32>
          %parallel_loop3A_263 = math.exp %parallel_loop3A_262 : vector<16xf32>
          %parallel_loop3A_264 = arith.index_cast %parallel_loop3A_246 : i32 to index
          %parallel_loop3A_265 = arith.constant 128 : index
          %parallel_loop3A_266 = tpu.vector_load %arg12[%parallel_loop3A_264, %parallel_loop3A_265] {strides = array<i32>} : memref<80x144xf32, #tpu.memory_space<vmem>>, vector<1x16xf32>,
          %parallel_loop3A_267 = vector.shape_cast %parallel_loop3A_266 : vector<1x16xf32> to vector<16xf32>
          %parallel_loop3A_268 = vector.shape_cast %parallel_loop3A_263 : vector<16xf32> to vector<1x16xf32>
          tpu.vector_store %arg12[%parallel_loop3A_264, %parallel_loop3A_265], %parallel_loop3A_268 {strides = array<i32>} : memref<80x144xf32, #tpu.memory_space<vmem>>, vector<1x16xf32>,
          %parallel_loop3A_269 = arith.constant 0 : i32
          %parallel_loop3A_270 = vector.broadcast %parallel_loop3A_269 : i32 to vector<16x1xi32>
          %parallel_loop3A_271 = vector.shape_cast %parallel_loop3A_270 : vector<16x1xi32> to vector<16xi32>
          %parallel_loop3A_272 = tpu.dynamic_gather %parallel_loop3A_263[%parallel_loop3A_271] in [0] : vector<16xf32>, vector<16xi32> -> vector<16xf32>
          %parallel_loop3A_273 = arith.index_cast %parallel_loop3A_246 : i32 to index
          %parallel_loop3A_274 = arith.constant 0 : index
          %parallel_loop3A_275 = tpu.vector_load %arg12[%parallel_loop3A_273, %parallel_loop3A_274] {strides = array<i32>} : memref<80x144xf32, #tpu.memory_space<vmem>>, vector<1x16xf32>,
          %parallel_loop3A_276 = vector.shape_cast %parallel_loop3A_275 : vector<1x16xf32> to vector<16xf32>
          %parallel_loop3A_277 = arith.mulf %parallel_loop3A_276, %parallel_loop3A_272 : vector<16xf32>
          %parallel_loop3A_278 = arith.index_cast %parallel_loop3A_246 : i32 to index
          %parallel_loop3A_279 = arith.constant 0 : index
          %parallel_loop3A_280 = tpu.vector_load %arg12[%parallel_loop3A_278, %parallel_loop3A_279] {strides = array<i32>} : memref<80x144xf32, #tpu.memory_space<vmem>>, vector<1x16xf32>,
          %parallel_loop3A_281 = vector.shape_cast %parallel_loop3A_280 : vector<1x16xf32> to vector<16xf32>
          %parallel_loop3A_282 = vector.shape_cast %parallel_loop3A_277 : vector<16xf32> to vector<1x16xf32>
          tpu.vector_store %arg12[%parallel_loop3A_278, %parallel_loop3A_279], %parallel_loop3A_282 {strides = array<i32>} : memref<80x144xf32, #tpu.memory_space<vmem>>, vector<1x16xf32>,
          %parallel_loop3A_283 = arith.constant 1 : i32
          %parallel_loop3A_284 = vector.broadcast %parallel_loop3A_283 : i32 to vector<16x1xi32>
          %parallel_loop3A_285 = vector.shape_cast %parallel_loop3A_284 : vector<16x1xi32> to vector<16xi32>
          %parallel_loop3A_286 = tpu.dynamic_gather %parallel_loop3A_263[%parallel_loop3A_285] in [0] : vector<16xf32>, vector<16xi32> -> vector<16xf32>
          %parallel_loop3A_287 = arith.index_cast %parallel_loop3A_246 : i32 to index
          %parallel_loop3A_288 = arith.constant 16 : index
          %parallel_loop3A_289 = tpu.vector_load %arg12[%parallel_loop3A_287, %parallel_loop3A_288] {strides = array<i32>} : memref<80x144xf32, #tpu.memory_space<vmem>>, vector<1x16xf32>,
          %parallel_loop3A_290 = vector.shape_cast %parallel_loop3A_289 : vector<1x16xf32> to vector<16xf32>
          %parallel_loop3A_291 = arith.mulf %parallel_loop3A_290, %parallel_loop3A_286 : vector<16xf32>
          %parallel_loop3A_292 = arith.index_cast %parallel_loop3A_246 : i32 to index
          %parallel_loop3A_293 = arith.constant 16 : index
          %parallel_loop3A_294 = tpu.vector_load %arg12[%parallel_loop3A_292, %parallel_loop3A_293] {strides = array<i32>} : memref<80x144xf32, #tpu.memory_space<vmem>>, vector<1x16xf32>,
          %parallel_loop3A_295 = vector.shape_cast %parallel_loop3A_294 : vector<1x16xf32> to vector<16xf32>
          %parallel_loop3A_296 = vector.shape_cast %parallel_loop3A_291 : vector<16xf32> to vector<1x16xf32>
          tpu.vector_store %arg12[%parallel_loop3A_292, %parallel_loop3A_293], %parallel_loop3A_296 {strides = array<i32>} : memref<80x144xf32, #tpu.memory_space<vmem>>, vector<1x16xf32>,
          %parallel_loop3A_297 = arith.constant 2 : i32
          %parallel_loop3A_298 = vector.broadcast %parallel_loop3A_297 : i32 to vector<16x1xi32>
          %parallel_loop3A_299 = vector.shape_cast %parallel_loop3A_298 : vector<16x1xi32> to vector<16xi32>
          %parallel_loop3A_300 = tpu.dynamic_gather %parallel_loop3A_263[%parallel_loop3A_299] in [0] : vector<16xf32>, vector<16xi32> -> vector<16xf32>
          %parallel_loop3A_301 = arith.index_cast %parallel_loop3A_246 : i32 to index
          %parallel_loop3A_302 = arith.constant 32 : index
          %parallel_loop3A_303 = tpu.vector_load %arg12[%parallel_loop3A_301, %parallel_loop3A_302] {strides = array<i32>} : memref<80x144xf32, #tpu.memory_space<vmem>>, vector<1x16xf32>,
          %parallel_loop3A_304 = vector.shape_cast %parallel_loop3A_303 : vector<1x16xf32> to vector<16xf32>
          %parallel_loop3A_305 = arith.mulf %parallel_loop3A_304, %parallel_loop3A_300 : vector<16xf32>
          %parallel_loop3A_306 = arith.index_cast %parallel_loop3A_246 : i32 to index
          %parallel_loop3A_307 = arith.constant 32 : index
          %parallel_loop3A_308 = tpu.vector_load %arg12[%parallel_loop3A_306, %parallel_loop3A_307] {strides = array<i32>} : memref<80x144xf32, #tpu.memory_space<vmem>>, vector<1x16xf32>,
          %parallel_loop3A_309 = vector.shape_cast %parallel_loop3A_308 : vector<1x16xf32> to vector<16xf32>
          %parallel_loop3A_310 = vector.shape_cast %parallel_loop3A_305 : vector<16xf32> to vector<1x16xf32>
          tpu.vector_store %arg12[%parallel_loop3A_306, %parallel_loop3A_307], %parallel_loop3A_310 {strides = array<i32>} : memref<80x144xf32, #tpu.memory_space<vmem>>, vector<1x16xf32>,
          %parallel_loop3A_311 = arith.constant 3 : i32
          %parallel_loop3A_312 = vector.broadcast %parallel_loop3A_311 : i32 to vector<16x1xi32>
          %parallel_loop3A_313 = vector.shape_cast %parallel_loop3A_312 : vector<16x1xi32> to vector<16xi32>
          %parallel_loop3A_314 = tpu.dynamic_gather %parallel_loop3A_263[%parallel_loop3A_313] in [0] : vector<16xf32>, vector<16xi32> -> vector<16xf32>
          %parallel_loop3A_315 = arith.index_cast %parallel_loop3A_246 : i32 to index
          %parallel_loop3A_316 = arith.constant 48 : index
          %parallel_loop3A_317 = tpu.vector_load %arg12[%parallel_loop3A_315, %parallel_loop3A_316] {strides = array<i32>} : memref<80x144xf32, #tpu.memory_space<vmem>>, vector<1x16xf32>,
          %parallel_loop3A_318 = vector.shape_cast %parallel_loop3A_317 : vector<1x16xf32> to vector<16xf32>
          %parallel_loop3A_319 = arith.mulf %parallel_loop3A_318, %parallel_loop3A_314 : vector<16xf32>
          %parallel_loop3A_320 = arith.index_cast %parallel_loop3A_246 : i32 to index
          %parallel_loop3A_321 = arith.constant 48 : index
          %parallel_loop3A_322 = tpu.vector_load %arg12[%parallel_loop3A_320, %parallel_loop3A_321] {strides = array<i32>} : memref<80x144xf32, #tpu.memory_space<vmem>>, vector<1x16xf32>,
          %parallel_loop3A_323 = vector.shape_cast %parallel_loop3A_322 : vector<1x16xf32> to vector<16xf32>
          %parallel_loop3A_324 = vector.shape_cast %parallel_loop3A_319 : vector<16xf32> to vector<1x16xf32>
          tpu.vector_store %arg12[%parallel_loop3A_320, %parallel_loop3A_321], %parallel_loop3A_324 {strides = array<i32>} : memref<80x144xf32, #tpu.memory_space<vmem>>, vector<1x16xf32>,
          %parallel_loop3A_325 = arith.constant 4 : i32
          %parallel_loop3A_326 = vector.broadcast %parallel_loop3A_325 : i32 to vector<16x1xi32>
          %parallel_loop3A_327 = vector.shape_cast %parallel_loop3A_326 : vector<16x1xi32> to vector<16xi32>
          %parallel_loop3A_328 = tpu.dynamic_gather %parallel_loop3A_263[%parallel_loop3A_327] in [0] : vector<16xf32>, vector<16xi32> -> vector<16xf32>
          %parallel_loop3A_329 = arith.index_cast %parallel_loop3A_246 : i32 to index
          %parallel_loop3A_330 = arith.constant 64 : index
          %parallel_loop3A_331 = tpu.vector_load %arg12[%parallel_loop3A_329, %parallel_loop3A_330] {strides = array<i32>} : memref<80x144xf32, #tpu.memory_space<vmem>>, vector<1x16xf32>,
          %parallel_loop3A_332 = vector.shape_cast %parallel_loop3A_331 : vector<1x16xf32> to vector<16xf32>
          %parallel_loop3A_333 = arith.mulf %parallel_loop3A_332, %parallel_loop3A_328 : vector<16xf32>
          %parallel_loop3A_334 = arith.index_cast %parallel_loop3A_246 : i32 to index
          %parallel_loop3A_335 = arith.constant 64 : index
          %parallel_loop3A_336 = tpu.vector_load %arg12[%parallel_loop3A_334, %parallel_loop3A_335] {strides = array<i32>} : memref<80x144xf32, #tpu.memory_space<vmem>>, vector<1x16xf32>,
          %parallel_loop3A_337 = vector.shape_cast %parallel_loop3A_336 : vector<1x16xf32> to vector<16xf32>
          %parallel_loop3A_338 = vector.shape_cast %parallel_loop3A_333 : vector<16xf32> to vector<1x16xf32>
          tpu.vector_store %arg12[%parallel_loop3A_334, %parallel_loop3A_335], %parallel_loop3A_338 {strides = array<i32>} : memref<80x144xf32, #tpu.memory_space<vmem>>, vector<1x16xf32>,
          %parallel_loop3A_339 = arith.constant 5 : i32
          %parallel_loop3A_340 = vector.broadcast %parallel_loop3A_339 : i32 to vector<16x1xi32>
          %parallel_loop3A_341 = vector.shape_cast %parallel_loop3A_340 : vector<16x1xi32> to vector<16xi32>
          %parallel_loop3A_342 = tpu.dynamic_gather %parallel_loop3A_263[%parallel_loop3A_341] in [0] : vector<16xf32>, vector<16xi32> -> vector<16xf32>
          %parallel_loop3A_343 = arith.index_cast %parallel_loop3A_246 : i32 to index
          %parallel_loop3A_344 = arith.constant 80 : index
          %parallel_loop3A_345 = tpu.vector_load %arg12[%parallel_loop3A_343, %parallel_loop3A_344] {strides = array<i32>} : memref<80x144xf32, #tpu.memory_space<vmem>>, vector<1x16xf32>,
          %parallel_loop3A_346 = vector.shape_cast %parallel_loop3A_345 : vector<1x16xf32> to vector<16xf32>
          %parallel_loop3A_347 = arith.mulf %parallel_loop3A_346, %parallel_loop3A_342 : vector<16xf32>
          %parallel_loop3A_348 = arith.index_cast %parallel_loop3A_246 : i32 to index
          %parallel_loop3A_349 = arith.constant 80 : index
          %parallel_loop3A_350 = tpu.vector_load %arg12[%parallel_loop3A_348, %parallel_loop3A_349] {strides = array<i32>} : memref<80x144xf32, #tpu.memory_space<vmem>>, vector<1x16xf32>,
          %parallel_loop3A_351 = vector.shape_cast %parallel_loop3A_350 : vector<1x16xf32> to vector<16xf32>
          %parallel_loop3A_352 = vector.shape_cast %parallel_loop3A_347 : vector<16xf32> to vector<1x16xf32>
          tpu.vector_store %arg12[%parallel_loop3A_348, %parallel_loop3A_349], %parallel_loop3A_352 {strides = array<i32>} : memref<80x144xf32, #tpu.memory_space<vmem>>, vector<1x16xf32>,
          %parallel_loop3A_353 = arith.constant 6 : i32
          %parallel_loop3A_354 = vector.broadcast %parallel_loop3A_353 : i32 to vector<16x1xi32>
          %parallel_loop3A_355 = vector.shape_cast %parallel_loop3A_354 : vector<16x1xi32> to vector<16xi32>
          %parallel_loop3A_356 = tpu.dynamic_gather %parallel_loop3A_263[%parallel_loop3A_355] in [0] : vector<16xf32>, vector<16xi32> -> vector<16xf32>
          %parallel_loop3A_357 = arith.index_cast %parallel_loop3A_246 : i32 to index
          %parallel_loop3A_358 = arith.constant 96 : index
          %parallel_loop3A_359 = tpu.vector_load %arg12[%parallel_loop3A_357, %parallel_loop3A_358] {strides = array<i32>} : memref<80x144xf32, #tpu.memory_space<vmem>>, vector<1x16xf32>,
          %parallel_loop3A_360 = vector.shape_cast %parallel_loop3A_359 : vector<1x16xf32> to vector<16xf32>
          %parallel_loop3A_361 = arith.mulf %parallel_loop3A_360, %parallel_loop3A_356 : vector<16xf32>
          %parallel_loop3A_362 = arith.index_cast %parallel_loop3A_246 : i32 to index
          %parallel_loop3A_363 = arith.constant 96 : index
          %parallel_loop3A_364 = tpu.vector_load %arg12[%parallel_loop3A_362, %parallel_loop3A_363] {strides = array<i32>} : memref<80x144xf32, #tpu.memory_space<vmem>>, vector<1x16xf32>,
          %parallel_loop3A_365 = vector.shape_cast %parallel_loop3A_364 : vector<1x16xf32> to vector<16xf32>
          %parallel_loop3A_366 = vector.shape_cast %parallel_loop3A_361 : vector<16xf32> to vector<1x16xf32>
          tpu.vector_store %arg12[%parallel_loop3A_362, %parallel_loop3A_363], %parallel_loop3A_366 {strides = array<i32>} : memref<80x144xf32, #tpu.memory_space<vmem>>, vector<1x16xf32>,
          %parallel_loop3A_367 = arith.constant 7 : i32
          %parallel_loop3A_368 = vector.broadcast %parallel_loop3A_367 : i32 to vector<16x1xi32>
          %parallel_loop3A_369 = vector.shape_cast %parallel_loop3A_368 : vector<16x1xi32> to vector<16xi32>
          %parallel_loop3A_370 = tpu.dynamic_gather %parallel_loop3A_263[%parallel_loop3A_369] in [0] : vector<16xf32>, vector<16xi32> -> vector<16xf32>
          %parallel_loop3A_371 = arith.index_cast %parallel_loop3A_246 : i32 to index
          %parallel_loop3A_372 = arith.constant 112 : index
          %parallel_loop3A_373 = tpu.vector_load %arg12[%parallel_loop3A_371, %parallel_loop3A_372] {strides = array<i32>} : memref<80x144xf32, #tpu.memory_space<vmem>>, vector<1x16xf32>,
          %parallel_loop3A_374 = vector.shape_cast %parallel_loop3A_373 : vector<1x16xf32> to vector<16xf32>
          %parallel_loop3A_375 = arith.mulf %parallel_loop3A_374, %parallel_loop3A_370 : vector<16xf32>
          %parallel_loop3A_376 = arith.index_cast %parallel_loop3A_246 : i32 to index
          %parallel_loop3A_377 = arith.constant 112 : index
          %parallel_loop3A_378 = tpu.vector_load %arg12[%parallel_loop3A_376, %parallel_loop3A_377] {strides = array<i32>} : memref<80x144xf32, #tpu.memory_space<vmem>>, vector<1x16xf32>,
          %parallel_loop3A_379 = vector.shape_cast %parallel_loop3A_378 : vector<1x16xf32> to vector<16xf32>
          %parallel_loop3A_380 = vector.shape_cast %parallel_loop3A_375 : vector<16xf32> to vector<1x16xf32>
          tpu.vector_store %arg12[%parallel_loop3A_376, %parallel_loop3A_377], %parallel_loop3A_380 {strides = array<i32>} : memref<80x144xf32, #tpu.memory_space<vmem>>, vector<1x16xf32>,
        } {sc.loop_unroll_factor = 4 : i64, sc.parallel_access}
        %dma_start3A_239 = arith.constant 2 : i32
        %dma_start3A_240 = arith.constant 0 : i32
        %dma_start3A_241 = tpu.memref_slice %arg7[%dma_start3A_239, %dma_start3A_240] : memref<3x80xi32, #tpu.memory_space<vmem>> -> memref<1x80xi32, #tpu.memory_space<vmem>>
        %dma_start3A_242 = tpu.memref_squeeze %dma_start3A_241 : memref<1x80xi32, #tpu.memory_space<vmem>> -> memref<80xi32, #tpu.memory_space<vmem>>
        %dma_start3A_243 = arith.constant 0 : i32
        %dma_start3A_244 = arith.constant 0 : i32
        %dma_start3A_245 = tpu.memref_slice %arg14[%dma_start3A_243, %dma_start3A_244] : memref<10000x144xf32, #tpu.memory_space<vmem_shared>> -> memref<10000x144xf32, #tpu.memory_space<vmem_shared>>
        tpu.enqueue_indirect_dma source(%arg12 : memref<80x144xf32, #tpu.memory_space<vmem>>) target(%dma_start3A_245 : memref<10000x144xf32, #tpu.memory_space<vmem_shared>>) offsets(%dma_start3A_242 : memref<80xi32, #tpu.memory_space<vmem>>) semaphore(%arg17 : memref<!tpu.dma_semaphore, #tpu.memory_space<semaphore_mem>>) {add = true}
      } else {
      }
      %mul3A_108 = arith.constant 6 : i32
      %mul3A_109 = arith.muli %mul3A_108, %scan3A_85 : i32
      %add3A_110 = arith.constant 1 : i32
      %add3A_111 = arith.addi %mul3A_109, %add3A_110 : i32
      %add3A_112 = arith.constant 1 : i32
      %add3A_113 = arith.addi %add3A_111, %add3A_112 : i32
      %lt3A_114 = arith.constant 250 : i32
      %lt3A_115 = arith.cmpi slt, %add3A_113, %lt3A_114 : i32
      %convert_element_type3A_116 = arith.extui %lt3A_115 : i1 to i32
      %cond3A_117 = arith.constant 0 : i32
      %cond3A_118 = arith.cmpi ne, %convert_element_type3A_116, %cond3A_117 : i32
      scf.if %cond3A_118 {
        %add3A_223 = arith.constant 1 : i32
        %add3A_224 = arith.addi %add3A_111, %add3A_223 : i32
        %ge3A = arith.constant 2 : i32
        %ge3A_225 = arith.cmpi sge, %add3A_224, %ge3A : i32
        %convert_element_type3A_226 = arith.extui %ge3A_225 : i1 to i32
        %cond3A_227 = arith.constant 0 : i32
        %cond3A_228 = arith.cmpi ne, %convert_element_type3A_226, %cond3A_227 : i32
        scf.if %cond3A_228 {
          %dma_wait3A_257 = arith.constant 2 : i32
          %dma_wait3A_258 = arith.constant 0 : i32
          %dma_wait3A_259 = tpu.memref_slice %arg7[%dma_wait3A_257, %dma_wait3A_258] : memref<3x80xi32, #tpu.memory_space<vmem>> -> memref<1x80xi32, #tpu.memory_space<vmem>>
          %dma_wait3A_260 = tpu.memref_squeeze %dma_wait3A_259 : memref<1x80xi32, #tpu.memory_space<vmem>> -> memref<80xi32, #tpu.memory_space<vmem>>
          %dma_wait3A_261 = arith.constant 0 : i32
          %dma_wait3A_262 = arith.constant 0 : i32
          %dma_wait3A_263 = tpu.memref_slice %arg14[%dma_wait3A_261, %dma_wait3A_262] : memref<10000x144xf32, #tpu.memory_space<vmem_shared>> -> memref<10000x144xf32, #tpu.memory_space<vmem_shared>>
          tpu.wait_indirect_dma semaphore(%arg17 : memref<!tpu.dma_semaphore, #tpu.memory_space<semaphore_mem>>) src(%arg12 : memref<80x144xf32, #tpu.memory_space<vmem>>) dst(%dma_wait3A_263 : memref<10000x144xf32, #tpu.memory_space<vmem_shared>>)
        } else {
        }
        %mul3A_229 = arith.constant 4000 : i32
        %mul3A_230 = arith.muli %arg0, %mul3A_229 : i32
        %add3A_231 = arith.addi %mul3A_230, %arg1 : i32
        %mul3A_232 = arith.constant 16 : i32
        %mul3A_233 = arith.muli %add3A_224, %mul3A_232 : i32
        %add3A_234 = arith.addi %add3A_231, %mul3A_233 : i32
        %dma_wait3A_235 = arith.constant 0 : i32
        %dma_wait3A_236 = arith.constant 0 : i32
        %dma_wait3A_237 = tpu.memref_slice %arg4[%add3A_234, %dma_wait3A_235, %dma_wait3A_236] : memref<8000x3x80xi32, #tpu.memory_space<hbm>> -> memref<1x3x80xi32, #tpu.memory_space<hbm>>
        %dma_wait3A_238 = tpu.memref_squeeze %dma_wait3A_237 : memref<1x3x80xi32, #tpu.memory_space<hbm>> -> memref<3x80xi32, #tpu.memory_space<hbm>>
        %dma_wait3A_239 = arith.constant 0 : i32
        %dma_wait3A_240 = arith.constant 0 : i32
        %dma_wait3A_241 = tpu.memref_slice %arg4[%add3A_234, %dma_wait3A_239, %dma_wait3A_240] : memref<8000x3x80xi32, #tpu.memory_space<hbm>> -> memref<1x3x80xi32, #tpu.memory_space<hbm>>
        %dma_wait3A_242 = tpu.memref_squeeze %dma_wait3A_241 : memref<1x3x80xi32, #tpu.memory_space<hbm>> -> memref<3x80xi32, #tpu.memory_space<hbm>>
        tpu.wait_dma2 semaphore(%arg21 : memref<!tpu.dma_semaphore, #tpu.memory_space<semaphore_mem>>) src(%dma_wait3A_242 : memref<3x80xi32, #tpu.memory_space<hbm>>) dst(%arg9 : memref<3x80xi32, #tpu.memory_space<vmem>>)
        %dma_start3A_243 = arith.constant 1 : i32
        %dma_start3A_244 = arith.constant 0 : i32
        %dma_start3A_245 = tpu.memref_slice %arg9[%dma_start3A_243, %dma_start3A_244] : memref<3x80xi32, #tpu.memory_space<vmem>> -> memref<1x80xi32, #tpu.memory_space<vmem>>
        %dma_start3A_246 = tpu.memref_squeeze %dma_start3A_245 : memref<1x80xi32, #tpu.memory_space<vmem>> -> memref<80xi32, #tpu.memory_space<vmem>>
        %dma_start3A_247 = arith.constant 0 : i32
        %dma_start3A_248 = arith.constant 0 : i32
        %dma_start3A_249 = tpu.memref_slice %arg3[%dma_start3A_247, %dma_start3A_248] : memref<20000x16xf32, #tpu.memory_space<hbm>> -> memref<20000x16xf32, #tpu.memory_space<hbm>>
        tpu.enqueue_indirect_dma source(%dma_start3A_249 : memref<20000x16xf32, #tpu.memory_space<hbm>>) target(%arg10 : memref<80x16xf32, #tpu.memory_space<vmem>>) offsets(%dma_start3A_246 : memref<80xi32, #tpu.memory_space<vmem>>) semaphore(%arg15 : memref<!tpu.dma_semaphore, #tpu.memory_space<semaphore_mem>>)
        %dma_start3A_250 = arith.constant 0 : i32
        %dma_start3A_251 = arith.constant 0 : i32
        %dma_start3A_252 = tpu.memref_slice %arg9[%dma_start3A_250, %dma_start3A_251] : memref<3x80xi32, #tpu.memory_space<vmem>> -> memref<1x80xi32, #tpu.memory_space<vmem>>
        %dma_start3A_253 = tpu.memref_squeeze %dma_start3A_252 : memref<1x80xi32, #tpu.memory_space<vmem>> -> memref<80xi32, #tpu.memory_space<vmem>>
        %dma_start3A_254 = arith.constant 0 : i32
        %dma_start3A_255 = arith.constant 0 : i32
        %dma_start3A_256 = tpu.memref_slice %arg2[%dma_start3A_254, %dma_start3A_255] : memref<20000x144xf32, #tpu.memory_space<hbm>> -> memref<20000x144xf32, #tpu.memory_space<hbm>>
        tpu.enqueue_indirect_dma source(%dma_start3A_256 : memref<20000x144xf32, #tpu.memory_space<hbm>>) target(%arg12 : memref<80x144xf32, #tpu.memory_space<vmem>>) offsets(%dma_start3A_253 : memref<80xi32, #tpu.memory_space<vmem>>) semaphore(%arg15 : memref<!tpu.dma_semaphore, #tpu.memory_space<semaphore_mem>>)
      } else {
      }
      %add3A_119 = arith.constant 2 : i32
      %add3A_120 = arith.addi %add3A_111, %add3A_119 : i32
      %lt3A_121 = arith.constant 250 : i32
      %lt3A_122 = arith.cmpi slt, %add3A_120, %lt3A_121 : i32
      %convert_element_type3A_123 = arith.extui %lt3A_122 : i1 to i32
      %cond3A_124 = arith.constant 0 : i32
      %cond3A_125 = arith.cmpi ne, %convert_element_type3A_123, %cond3A_124 : i32
      scf.if %cond3A_125 {
        %add3A_223 = arith.constant 2 : i32
        %add3A_224 = arith.addi %add3A_111, %add3A_223 : i32
        %mul3A_225 = arith.constant 4000 : i32
        %mul3A_226 = arith.muli %arg0, %mul3A_225 : i32
        %add3A_227 = arith.addi %mul3A_226, %arg1 : i32
        %mul3A_228 = arith.constant 16 : i32
        %mul3A_229 = arith.muli %add3A_224, %mul3A_228 : i32
        %add3A_230 = arith.addi %add3A_227, %mul3A_229 : i32
        %dma_start3A_231 = arith.constant 0 : i32
        %dma_start3A_232 = arith.constant 0 : i32
        %dma_start3A_233 = tpu.memref_slice %arg4[%add3A_230, %dma_start3A_231, %dma_start3A_232] : memref<8000x3x80xi32, #tpu.memory_space<hbm>> -> memref<1x3x80xi32, #tpu.memory_space<hbm>>
        %dma_start3A_234 = tpu.memref_squeeze %dma_start3A_233 : memref<1x3x80xi32, #tpu.memory_space<hbm>> -> memref<3x80xi32, #tpu.memory_space<hbm>>
        %dma_start3A_235 = arith.constant 0 : i32
        %dma_start3A_236 = arith.constant 0 : i32
        %dma_start3A_237 = tpu.memref_slice %arg4[%add3A_230, %dma_start3A_235, %dma_start3A_236] : memref<8000x3x80xi32, #tpu.memory_space<hbm>> -> memref<1x3x80xi32, #tpu.memory_space<hbm>>
        %dma_start3A_238 = tpu.memref_squeeze %dma_start3A_237 : memref<1x3x80xi32, #tpu.memory_space<hbm>> -> memref<3x80xi32, #tpu.memory_space<hbm>>
        tpu.enqueue_dma source(%dma_start3A_238 : memref<3x80xi32, #tpu.memory_space<hbm>>) target(%arg7 : memref<3x80xi32, #tpu.memory_space<vmem>>) target_semaphore(%arg19 : memref<!tpu.dma_semaphore, #tpu.memory_space<semaphore_mem>>)
      } else {
      }
      %lt3A_126 = arith.constant 250 : i32
      %lt3A_127 = arith.cmpi slt, %add3A_111, %lt3A_126 : i32
      %convert_element_type3A_128 = arith.extui %lt3A_127 : i1 to i32
      %cond3A_129 = arith.constant 0 : i32
      %cond3A_130 = arith.cmpi ne, %convert_element_type3A_128, %cond3A_129 : i32
      scf.if %cond3A_130 {
        %dma_wait3A_223 = arith.constant 1 : i32
        %dma_wait3A_224 = arith.constant 0 : i32
        %dma_wait3A_225 = tpu.memref_slice %arg8[%dma_wait3A_223, %dma_wait3A_224] : memref<3x80xi32, #tpu.memory_space<vmem>> -> memref<1x80xi32, #tpu.memory_space<vmem>>
        %dma_wait3A_226 = tpu.memref_squeeze %dma_wait3A_225 : memref<1x80xi32, #tpu.memory_space<vmem>> -> memref<80xi32, #tpu.memory_space<vmem>>
        %dma_wait3A_227 = arith.constant 0 : i32
        %dma_wait3A_228 = arith.constant 0 : i32
        %dma_wait3A_229 = tpu.memref_slice %arg3[%dma_wait3A_227, %dma_wait3A_228] : memref<20000x16xf32, #tpu.memory_space<hbm>> -> memref<20000x16xf32, #tpu.memory_space<hbm>>
        tpu.wait_indirect_dma semaphore(%arg16 : memref<!tpu.dma_semaphore, #tpu.memory_space<semaphore_mem>>) src(%dma_wait3A_229 : memref<20000x16xf32, #tpu.memory_space<hbm>>) dst(%arg11 : memref<80x16xf32, #tpu.memory_space<vmem>>)
        %dma_wait3A_230 = arith.constant 0 : i32
        %dma_wait3A_231 = arith.constant 0 : i32
        %dma_wait3A_232 = tpu.memref_slice %arg8[%dma_wait3A_230, %dma_wait3A_231] : memref<3x80xi32, #tpu.memory_space<vmem>> -> memref<1x80xi32, #tpu.memory_space<vmem>>
        %dma_wait3A_233 = tpu.memref_squeeze %dma_wait3A_232 : memref<1x80xi32, #tpu.memory_space<vmem>> -> memref<80xi32, #tpu.memory_space<vmem>>
        %dma_wait3A_234 = arith.constant 0 : i32
        %dma_wait3A_235 = arith.constant 0 : i32
        %dma_wait3A_236 = tpu.memref_slice %arg2[%dma_wait3A_234, %dma_wait3A_235] : memref<20000x144xf32, #tpu.memory_space<hbm>> -> memref<20000x144xf32, #tpu.memory_space<hbm>>
        tpu.wait_indirect_dma semaphore(%arg16 : memref<!tpu.dma_semaphore, #tpu.memory_space<semaphore_mem>>) src(%dma_wait3A_236 : memref<20000x144xf32, #tpu.memory_space<hbm>>) dst(%arg13 : memref<80x144xf32, #tpu.memory_space<vmem>>)
        %parallel_loop3A = arith.constant 0 : i32
        %parallel_loop3A_237 = arith.constant 80 : i32
        %parallel_loop3A_238 = arith.constant 1 : i32
        scf.for %parallel_loop3A_246 = %parallel_loop3A to %parallel_loop3A_237 step %parallel_loop3A_238  : i32 {
          %parallel_loop3A_247 = arith.index_cast %parallel_loop3A_246 : i32 to index
          %parallel_loop3A_248 = arith.constant 128 : index
          %parallel_loop3A_249 = tpu.vector_load %arg13[%parallel_loop3A_247, %parallel_loop3A_248] {strides = array<i32>} : memref<80x144xf32, #tpu.memory_space<vmem>>, vector<1x16xf32>,
          %parallel_loop3A_250 = vector.shape_cast %parallel_loop3A_249 : vector<1x16xf32> to vector<16xf32>
          %parallel_loop3A_251 = arith.index_cast %parallel_loop3A_246 : i32 to index
          %parallel_loop3A_252 = arith.constant 0 : index
          %parallel_loop3A_253 = tpu.vector_load %arg11[%parallel_loop3A_251, %parallel_loop3A_252] {strides = array<i32>} : memref<80x16xf32, #tpu.memory_space<vmem>>, vector<1x16xf32>,
          %parallel_loop3A_254 = vector.shape_cast %parallel_loop3A_253 : vector<1x16xf32> to vector<16xf32>
          %parallel_loop3A_255 = arith.addf %parallel_loop3A_250, %parallel_loop3A_254 : vector<16xf32>
          %parallel_loop3A_256 = arith.constant 0.000000e+00 : f32
          %parallel_loop3A_257 = vector.broadcast %parallel_loop3A_256 : f32 to vector<16xf32>
          %parallel_loop3A_258 = arith.cmpf oge, %parallel_loop3A_255, %parallel_loop3A_257 : vector<16xf32>
          %parallel_loop3A_259 = arith.constant 2.000000e-01 : f32
          %parallel_loop3A_260 = vector.broadcast %parallel_loop3A_259 : f32 to vector<16xf32>
          %parallel_loop3A_261 = arith.mulf %parallel_loop3A_260, %parallel_loop3A_255 : vector<16xf32>
          %parallel_loop3A_262 = arith.select %parallel_loop3A_258, %parallel_loop3A_255, %parallel_loop3A_261 : vector<16xi1>, vector<16xf32>
          %parallel_loop3A_263 = math.exp %parallel_loop3A_262 : vector<16xf32>
          %parallel_loop3A_264 = arith.index_cast %parallel_loop3A_246 : i32 to index
          %parallel_loop3A_265 = arith.constant 128 : index
          %parallel_loop3A_266 = tpu.vector_load %arg13[%parallel_loop3A_264, %parallel_loop3A_265] {strides = array<i32>} : memref<80x144xf32, #tpu.memory_space<vmem>>, vector<1x16xf32>,
          %parallel_loop3A_267 = vector.shape_cast %parallel_loop3A_266 : vector<1x16xf32> to vector<16xf32>
          %parallel_loop3A_268 = vector.shape_cast %parallel_loop3A_263 : vector<16xf32> to vector<1x16xf32>
          tpu.vector_store %arg13[%parallel_loop3A_264, %parallel_loop3A_265], %parallel_loop3A_268 {strides = array<i32>} : memref<80x144xf32, #tpu.memory_space<vmem>>, vector<1x16xf32>,
          %parallel_loop3A_269 = arith.constant 0 : i32
          %parallel_loop3A_270 = vector.broadcast %parallel_loop3A_269 : i32 to vector<16x1xi32>
          %parallel_loop3A_271 = vector.shape_cast %parallel_loop3A_270 : vector<16x1xi32> to vector<16xi32>
          %parallel_loop3A_272 = tpu.dynamic_gather %parallel_loop3A_263[%parallel_loop3A_271] in [0] : vector<16xf32>, vector<16xi32> -> vector<16xf32>
          %parallel_loop3A_273 = arith.index_cast %parallel_loop3A_246 : i32 to index
          %parallel_loop3A_274 = arith.constant 0 : index
          %parallel_loop3A_275 = tpu.vector_load %arg13[%parallel_loop3A_273, %parallel_loop3A_274] {strides = array<i32>} : memref<80x144xf32, #tpu.memory_space<vmem>>, vector<1x16xf32>,
          %parallel_loop3A_276 = vector.shape_cast %parallel_loop3A_275 : vector<1x16xf32> to vector<16xf32>
          %parallel_loop3A_277 = arith.mulf %parallel_loop3A_276, %parallel_loop3A_272 : vector<16xf32>
          %parallel_loop3A_278 = arith.index_cast %parallel_loop3A_246 : i32 to index
          %parallel_loop3A_279 = arith.constant 0 : index
          %parallel_loop3A_280 = tpu.vector_load %arg13[%parallel_loop3A_278, %parallel_loop3A_279] {strides = array<i32>} : memref<80x144xf32, #tpu.memory_space<vmem>>, vector<1x16xf32>,
          %parallel_loop3A_281 = vector.shape_cast %parallel_loop3A_280 : vector<1x16xf32> to vector<16xf32>
          %parallel_loop3A_282 = vector.shape_cast %parallel_loop3A_277 : vector<16xf32> to vector<1x16xf32>
          tpu.vector_store %arg13[%parallel_loop3A_278, %parallel_loop3A_279], %parallel_loop3A_282 {strides = array<i32>} : memref<80x144xf32, #tpu.memory_space<vmem>>, vector<1x16xf32>,
          %parallel_loop3A_283 = arith.constant 1 : i32
          %parallel_loop3A_284 = vector.broadcast %parallel_loop3A_283 : i32 to vector<16x1xi32>
          %parallel_loop3A_285 = vector.shape_cast %parallel_loop3A_284 : vector<16x1xi32> to vector<16xi32>
          %parallel_loop3A_286 = tpu.dynamic_gather %parallel_loop3A_263[%parallel_loop3A_285] in [0] : vector<16xf32>, vector<16xi32> -> vector<16xf32>
          %parallel_loop3A_287 = arith.index_cast %parallel_loop3A_246 : i32 to index
          %parallel_loop3A_288 = arith.constant 16 : index
          %parallel_loop3A_289 = tpu.vector_load %arg13[%parallel_loop3A_287, %parallel_loop3A_288] {strides = array<i32>} : memref<80x144xf32, #tpu.memory_space<vmem>>, vector<1x16xf32>,
          %parallel_loop3A_290 = vector.shape_cast %parallel_loop3A_289 : vector<1x16xf32> to vector<16xf32>
          %parallel_loop3A_291 = arith.mulf %parallel_loop3A_290, %parallel_loop3A_286 : vector<16xf32>
          %parallel_loop3A_292 = arith.index_cast %parallel_loop3A_246 : i32 to index
          %parallel_loop3A_293 = arith.constant 16 : index
          %parallel_loop3A_294 = tpu.vector_load %arg13[%parallel_loop3A_292, %parallel_loop3A_293] {strides = array<i32>} : memref<80x144xf32, #tpu.memory_space<vmem>>, vector<1x16xf32>,
          %parallel_loop3A_295 = vector.shape_cast %parallel_loop3A_294 : vector<1x16xf32> to vector<16xf32>
          %parallel_loop3A_296 = vector.shape_cast %parallel_loop3A_291 : vector<16xf32> to vector<1x16xf32>
          tpu.vector_store %arg13[%parallel_loop3A_292, %parallel_loop3A_293], %parallel_loop3A_296 {strides = array<i32>} : memref<80x144xf32, #tpu.memory_space<vmem>>, vector<1x16xf32>,
          %parallel_loop3A_297 = arith.constant 2 : i32
          %parallel_loop3A_298 = vector.broadcast %parallel_loop3A_297 : i32 to vector<16x1xi32>
          %parallel_loop3A_299 = vector.shape_cast %parallel_loop3A_298 : vector<16x1xi32> to vector<16xi32>
          %parallel_loop3A_300 = tpu.dynamic_gather %parallel_loop3A_263[%parallel_loop3A_299] in [0] : vector<16xf32>, vector<16xi32> -> vector<16xf32>
          %parallel_loop3A_301 = arith.index_cast %parallel_loop3A_246 : i32 to index
          %parallel_loop3A_302 = arith.constant 32 : index
          %parallel_loop3A_303 = tpu.vector_load %arg13[%parallel_loop3A_301, %parallel_loop3A_302] {strides = array<i32>} : memref<80x144xf32, #tpu.memory_space<vmem>>, vector<1x16xf32>,
          %parallel_loop3A_304 = vector.shape_cast %parallel_loop3A_303 : vector<1x16xf32> to vector<16xf32>
          %parallel_loop3A_305 = arith.mulf %parallel_loop3A_304, %parallel_loop3A_300 : vector<16xf32>
          %parallel_loop3A_306 = arith.index_cast %parallel_loop3A_246 : i32 to index
          %parallel_loop3A_307 = arith.constant 32 : index
          %parallel_loop3A_308 = tpu.vector_load %arg13[%parallel_loop3A_306, %parallel_loop3A_307] {strides = array<i32>} : memref<80x144xf32, #tpu.memory_space<vmem>>, vector<1x16xf32>,
          %parallel_loop3A_309 = vector.shape_cast %parallel_loop3A_308 : vector<1x16xf32> to vector<16xf32>
          %parallel_loop3A_310 = vector.shape_cast %parallel_loop3A_305 : vector<16xf32> to vector<1x16xf32>
          tpu.vector_store %arg13[%parallel_loop3A_306, %parallel_loop3A_307], %parallel_loop3A_310 {strides = array<i32>} : memref<80x144xf32, #tpu.memory_space<vmem>>, vector<1x16xf32>,
          %parallel_loop3A_311 = arith.constant 3 : i32
          %parallel_loop3A_312 = vector.broadcast %parallel_loop3A_311 : i32 to vector<16x1xi32>
          %parallel_loop3A_313 = vector.shape_cast %parallel_loop3A_312 : vector<16x1xi32> to vector<16xi32>
          %parallel_loop3A_314 = tpu.dynamic_gather %parallel_loop3A_263[%parallel_loop3A_313] in [0] : vector<16xf32>, vector<16xi32> -> vector<16xf32>
          %parallel_loop3A_315 = arith.index_cast %parallel_loop3A_246 : i32 to index
          %parallel_loop3A_316 = arith.constant 48 : index
          %parallel_loop3A_317 = tpu.vector_load %arg13[%parallel_loop3A_315, %parallel_loop3A_316] {strides = array<i32>} : memref<80x144xf32, #tpu.memory_space<vmem>>, vector<1x16xf32>,
          %parallel_loop3A_318 = vector.shape_cast %parallel_loop3A_317 : vector<1x16xf32> to vector<16xf32>
          %parallel_loop3A_319 = arith.mulf %parallel_loop3A_318, %parallel_loop3A_314 : vector<16xf32>
          %parallel_loop3A_320 = arith.index_cast %parallel_loop3A_246 : i32 to index
          %parallel_loop3A_321 = arith.constant 48 : index
          %parallel_loop3A_322 = tpu.vector_load %arg13[%parallel_loop3A_320, %parallel_loop3A_321] {strides = array<i32>} : memref<80x144xf32, #tpu.memory_space<vmem>>, vector<1x16xf32>,
          %parallel_loop3A_323 = vector.shape_cast %parallel_loop3A_322 : vector<1x16xf32> to vector<16xf32>
          %parallel_loop3A_324 = vector.shape_cast %parallel_loop3A_319 : vector<16xf32> to vector<1x16xf32>
          tpu.vector_store %arg13[%parallel_loop3A_320, %parallel_loop3A_321], %parallel_loop3A_324 {strides = array<i32>} : memref<80x144xf32, #tpu.memory_space<vmem>>, vector<1x16xf32>,
          %parallel_loop3A_325 = arith.constant 4 : i32
          %parallel_loop3A_326 = vector.broadcast %parallel_loop3A_325 : i32 to vector<16x1xi32>
          %parallel_loop3A_327 = vector.shape_cast %parallel_loop3A_326 : vector<16x1xi32> to vector<16xi32>
          %parallel_loop3A_328 = tpu.dynamic_gather %parallel_loop3A_263[%parallel_loop3A_327] in [0] : vector<16xf32>, vector<16xi32> -> vector<16xf32>
          %parallel_loop3A_329 = arith.index_cast %parallel_loop3A_246 : i32 to index
          %parallel_loop3A_330 = arith.constant 64 : index
          %parallel_loop3A_331 = tpu.vector_load %arg13[%parallel_loop3A_329, %parallel_loop3A_330] {strides = array<i32>} : memref<80x144xf32, #tpu.memory_space<vmem>>, vector<1x16xf32>,
          %parallel_loop3A_332 = vector.shape_cast %parallel_loop3A_331 : vector<1x16xf32> to vector<16xf32>
          %parallel_loop3A_333 = arith.mulf %parallel_loop3A_332, %parallel_loop3A_328 : vector<16xf32>
          %parallel_loop3A_334 = arith.index_cast %parallel_loop3A_246 : i32 to index
          %parallel_loop3A_335 = arith.constant 64 : index
          %parallel_loop3A_336 = tpu.vector_load %arg13[%parallel_loop3A_334, %parallel_loop3A_335] {strides = array<i32>} : memref<80x144xf32, #tpu.memory_space<vmem>>, vector<1x16xf32>,
          %parallel_loop3A_337 = vector.shape_cast %parallel_loop3A_336 : vector<1x16xf32> to vector<16xf32>
          %parallel_loop3A_338 = vector.shape_cast %parallel_loop3A_333 : vector<16xf32> to vector<1x16xf32>
          tpu.vector_store %arg13[%parallel_loop3A_334, %parallel_loop3A_335], %parallel_loop3A_338 {strides = array<i32>} : memref<80x144xf32, #tpu.memory_space<vmem>>, vector<1x16xf32>,
          %parallel_loop3A_339 = arith.constant 5 : i32
          %parallel_loop3A_340 = vector.broadcast %parallel_loop3A_339 : i32 to vector<16x1xi32>
          %parallel_loop3A_341 = vector.shape_cast %parallel_loop3A_340 : vector<16x1xi32> to vector<16xi32>
          %parallel_loop3A_342 = tpu.dynamic_gather %parallel_loop3A_263[%parallel_loop3A_341] in [0] : vector<16xf32>, vector<16xi32> -> vector<16xf32>
          %parallel_loop3A_343 = arith.index_cast %parallel_loop3A_246 : i32 to index
          %parallel_loop3A_344 = arith.constant 80 : index
          %parallel_loop3A_345 = tpu.vector_load %arg13[%parallel_loop3A_343, %parallel_loop3A_344] {strides = array<i32>} : memref<80x144xf32, #tpu.memory_space<vmem>>, vector<1x16xf32>,
          %parallel_loop3A_346 = vector.shape_cast %parallel_loop3A_345 : vector<1x16xf32> to vector<16xf32>
          %parallel_loop3A_347 = arith.mulf %parallel_loop3A_346, %parallel_loop3A_342 : vector<16xf32>
          %parallel_loop3A_348 = arith.index_cast %parallel_loop3A_246 : i32 to index
          %parallel_loop3A_349 = arith.constant 80 : index
          %parallel_loop3A_350 = tpu.vector_load %arg13[%parallel_loop3A_348, %parallel_loop3A_349] {strides = array<i32>} : memref<80x144xf32, #tpu.memory_space<vmem>>, vector<1x16xf32>,
          %parallel_loop3A_351 = vector.shape_cast %parallel_loop3A_350 : vector<1x16xf32> to vector<16xf32>
          %parallel_loop3A_352 = vector.shape_cast %parallel_loop3A_347 : vector<16xf32> to vector<1x16xf32>
          tpu.vector_store %arg13[%parallel_loop3A_348, %parallel_loop3A_349], %parallel_loop3A_352 {strides = array<i32>} : memref<80x144xf32, #tpu.memory_space<vmem>>, vector<1x16xf32>,
          %parallel_loop3A_353 = arith.constant 6 : i32
          %parallel_loop3A_354 = vector.broadcast %parallel_loop3A_353 : i32 to vector<16x1xi32>
          %parallel_loop3A_355 = vector.shape_cast %parallel_loop3A_354 : vector<16x1xi32> to vector<16xi32>
          %parallel_loop3A_356 = tpu.dynamic_gather %parallel_loop3A_263[%parallel_loop3A_355] in [0] : vector<16xf32>, vector<16xi32> -> vector<16xf32>
          %parallel_loop3A_357 = arith.index_cast %parallel_loop3A_246 : i32 to index
          %parallel_loop3A_358 = arith.constant 96 : index
          %parallel_loop3A_359 = tpu.vector_load %arg13[%parallel_loop3A_357, %parallel_loop3A_358] {strides = array<i32>} : memref<80x144xf32, #tpu.memory_space<vmem>>, vector<1x16xf32>,
          %parallel_loop3A_360 = vector.shape_cast %parallel_loop3A_359 : vector<1x16xf32> to vector<16xf32>
          %parallel_loop3A_361 = arith.mulf %parallel_loop3A_360, %parallel_loop3A_356 : vector<16xf32>
          %parallel_loop3A_362 = arith.index_cast %parallel_loop3A_246 : i32 to index
          %parallel_loop3A_363 = arith.constant 96 : index
          %parallel_loop3A_364 = tpu.vector_load %arg13[%parallel_loop3A_362, %parallel_loop3A_363] {strides = array<i32>} : memref<80x144xf32, #tpu.memory_space<vmem>>, vector<1x16xf32>,
          %parallel_loop3A_365 = vector.shape_cast %parallel_loop3A_364 : vector<1x16xf32> to vector<16xf32>
          %parallel_loop3A_366 = vector.shape_cast %parallel_loop3A_361 : vector<16xf32> to vector<1x16xf32>
          tpu.vector_store %arg13[%parallel_loop3A_362, %parallel_loop3A_363], %parallel_loop3A_366 {strides = array<i32>} : memref<80x144xf32, #tpu.memory_space<vmem>>, vector<1x16xf32>,
          %parallel_loop3A_367 = arith.constant 7 : i32
          %parallel_loop3A_368 = vector.broadcast %parallel_loop3A_367 : i32 to vector<16x1xi32>
          %parallel_loop3A_369 = vector.shape_cast %parallel_loop3A_368 : vector<16x1xi32> to vector<16xi32>
          %parallel_loop3A_370 = tpu.dynamic_gather %parallel_loop3A_263[%parallel_loop3A_369] in [0] : vector<16xf32>, vector<16xi32> -> vector<16xf32>
          %parallel_loop3A_371 = arith.index_cast %parallel_loop3A_246 : i32 to index
          %parallel_loop3A_372 = arith.constant 112 : index
          %parallel_loop3A_373 = tpu.vector_load %arg13[%parallel_loop3A_371, %parallel_loop3A_372] {strides = array<i32>} : memref<80x144xf32, #tpu.memory_space<vmem>>, vector<1x16xf32>,
          %parallel_loop3A_374 = vector.shape_cast %parallel_loop3A_373 : vector<1x16xf32> to vector<16xf32>
          %parallel_loop3A_375 = arith.mulf %parallel_loop3A_374, %parallel_loop3A_370 : vector<16xf32>
          %parallel_loop3A_376 = arith.index_cast %parallel_loop3A_246 : i32 to index
          %parallel_loop3A_377 = arith.constant 112 : index
          %parallel_loop3A_378 = tpu.vector_load %arg13[%parallel_loop3A_376, %parallel_loop3A_377] {strides = array<i32>} : memref<80x144xf32, #tpu.memory_space<vmem>>, vector<1x16xf32>,
          %parallel_loop3A_379 = vector.shape_cast %parallel_loop3A_378 : vector<1x16xf32> to vector<16xf32>
          %parallel_loop3A_380 = vector.shape_cast %parallel_loop3A_375 : vector<16xf32> to vector<1x16xf32>
          tpu.vector_store %arg13[%parallel_loop3A_376, %parallel_loop3A_377], %parallel_loop3A_380 {strides = array<i32>} : memref<80x144xf32, #tpu.memory_space<vmem>>, vector<1x16xf32>,
        } {sc.loop_unroll_factor = 4 : i64, sc.parallel_access}
        %dma_start3A_239 = arith.constant 2 : i32
        %dma_start3A_240 = arith.constant 0 : i32
        %dma_start3A_241 = tpu.memref_slice %arg8[%dma_start3A_239, %dma_start3A_240] : memref<3x80xi32, #tpu.memory_space<vmem>> -> memref<1x80xi32, #tpu.memory_space<vmem>>
        %dma_start3A_242 = tpu.memref_squeeze %dma_start3A_241 : memref<1x80xi32, #tpu.memory_space<vmem>> -> memref<80xi32, #tpu.memory_space<vmem>>
        %dma_start3A_243 = arith.constant 0 : i32
        %dma_start3A_244 = arith.constant 0 : i32
        %dma_start3A_245 = tpu.memref_slice %arg14[%dma_start3A_243, %dma_start3A_244] : memref<10000x144xf32, #tpu.memory_space<vmem_shared>> -> memref<10000x144xf32, #tpu.memory_space<vmem_shared>>
        tpu.enqueue_indirect_dma source(%arg13 : memref<80x144xf32, #tpu.memory_space<vmem>>) target(%dma_start3A_245 : memref<10000x144xf32, #tpu.memory_space<vmem_shared>>) offsets(%dma_start3A_242 : memref<80xi32, #tpu.memory_space<vmem>>) semaphore(%arg18 : memref<!tpu.dma_semaphore, #tpu.memory_space<semaphore_mem>>) {add = true}
      } else {
      }
      %mul3A_131 = arith.constant 6 : i32
      %mul3A_132 = arith.muli %mul3A_131, %scan3A_85 : i32
      %add3A_133 = arith.constant 2 : i32
      %add3A_134 = arith.addi %mul3A_132, %add3A_133 : i32
      %add3A_135 = arith.constant 1 : i32
      %add3A_136 = arith.addi %add3A_134, %add3A_135 : i32
      %lt3A_137 = arith.constant 250 : i32
      %lt3A_138 = arith.cmpi slt, %add3A_136, %lt3A_137 : i32
      %convert_element_type3A_139 = arith.extui %lt3A_138 : i1 to i32
      %cond3A_140 = arith.constant 0 : i32
      %cond3A_141 = arith.cmpi ne, %convert_element_type3A_139, %cond3A_140 : i32
      scf.if %cond3A_141 {
        %add3A_223 = arith.constant 1 : i32
        %add3A_224 = arith.addi %add3A_134, %add3A_223 : i32
        %ge3A = arith.constant 2 : i32
        %ge3A_225 = arith.cmpi sge, %add3A_224, %ge3A : i32
        %convert_element_type3A_226 = arith.extui %ge3A_225 : i1 to i32
        %cond3A_227 = arith.constant 0 : i32
        %cond3A_228 = arith.cmpi ne, %convert_element_type3A_226, %cond3A_227 : i32
        scf.if %cond3A_228 {
          %dma_wait3A_257 = arith.constant 2 : i32
          %dma_wait3A_258 = arith.constant 0 : i32
          %dma_wait3A_259 = tpu.memref_slice %arg8[%dma_wait3A_257, %dma_wait3A_258] : memref<3x80xi32, #tpu.memory_space<vmem>> -> memref<1x80xi32, #tpu.memory_space<vmem>>
          %dma_wait3A_260 = tpu.memref_squeeze %dma_wait3A_259 : memref<1x80xi32, #tpu.memory_space<vmem>> -> memref<80xi32, #tpu.memory_space<vmem>>
          %dma_wait3A_261 = arith.constant 0 : i32
          %dma_wait3A_262 = arith.constant 0 : i32
          %dma_wait3A_263 = tpu.memref_slice %arg14[%dma_wait3A_261, %dma_wait3A_262] : memref<10000x144xf32, #tpu.memory_space<vmem_shared>> -> memref<10000x144xf32, #tpu.memory_space<vmem_shared>>
          tpu.wait_indirect_dma semaphore(%arg18 : memref<!tpu.dma_semaphore, #tpu.memory_space<semaphore_mem>>) src(%arg13 : memref<80x144xf32, #tpu.memory_space<vmem>>) dst(%dma_wait3A_263 : memref<10000x144xf32, #tpu.memory_space<vmem_shared>>)
        } else {
        }
        %mul3A_229 = arith.constant 4000 : i32
        %mul3A_230 = arith.muli %arg0, %mul3A_229 : i32
        %add3A_231 = arith.addi %mul3A_230, %arg1 : i32
        %mul3A_232 = arith.constant 16 : i32
        %mul3A_233 = arith.muli %add3A_224, %mul3A_232 : i32
        %add3A_234 = arith.addi %add3A_231, %mul3A_233 : i32
        %dma_wait3A_235 = arith.constant 0 : i32
        %dma_wait3A_236 = arith.constant 0 : i32
        %dma_wait3A_237 = tpu.memref_slice %arg4[%add3A_234, %dma_wait3A_235, %dma_wait3A_236] : memref<8000x3x80xi32, #tpu.memory_space<hbm>> -> memref<1x3x80xi32, #tpu.memory_space<hbm>>
        %dma_wait3A_238 = tpu.memref_squeeze %dma_wait3A_237 : memref<1x3x80xi32, #tpu.memory_space<hbm>> -> memref<3x80xi32, #tpu.memory_space<hbm>>
        %dma_wait3A_239 = arith.constant 0 : i32
        %dma_wait3A_240 = arith.constant 0 : i32
        %dma_wait3A_241 = tpu.memref_slice %arg4[%add3A_234, %dma_wait3A_239, %dma_wait3A_240] : memref<8000x3x80xi32, #tpu.memory_space<hbm>> -> memref<1x3x80xi32, #tpu.memory_space<hbm>>
        %dma_wait3A_242 = tpu.memref_squeeze %dma_wait3A_241 : memref<1x3x80xi32, #tpu.memory_space<hbm>> -> memref<3x80xi32, #tpu.memory_space<hbm>>
        tpu.wait_dma2 semaphore(%arg19 : memref<!tpu.dma_semaphore, #tpu.memory_space<semaphore_mem>>) src(%dma_wait3A_242 : memref<3x80xi32, #tpu.memory_space<hbm>>) dst(%arg7 : memref<3x80xi32, #tpu.memory_space<vmem>>)
        %dma_start3A_243 = arith.constant 1 : i32
        %dma_start3A_244 = arith.constant 0 : i32
        %dma_start3A_245 = tpu.memref_slice %arg7[%dma_start3A_243, %dma_start3A_244] : memref<3x80xi32, #tpu.memory_space<vmem>> -> memref<1x80xi32, #tpu.memory_space<vmem>>
        %dma_start3A_246 = tpu.memref_squeeze %dma_start3A_245 : memref<1x80xi32, #tpu.memory_space<vmem>> -> memref<80xi32, #tpu.memory_space<vmem>>
        %dma_start3A_247 = arith.constant 0 : i32
        %dma_start3A_248 = arith.constant 0 : i32
        %dma_start3A_249 = tpu.memref_slice %arg3[%dma_start3A_247, %dma_start3A_248] : memref<20000x16xf32, #tpu.memory_space<hbm>> -> memref<20000x16xf32, #tpu.memory_space<hbm>>
        tpu.enqueue_indirect_dma source(%dma_start3A_249 : memref<20000x16xf32, #tpu.memory_space<hbm>>) target(%arg11 : memref<80x16xf32, #tpu.memory_space<vmem>>) offsets(%dma_start3A_246 : memref<80xi32, #tpu.memory_space<vmem>>) semaphore(%arg16 : memref<!tpu.dma_semaphore, #tpu.memory_space<semaphore_mem>>)
        %dma_start3A_250 = arith.constant 0 : i32
        %dma_start3A_251 = arith.constant 0 : i32
        %dma_start3A_252 = tpu.memref_slice %arg7[%dma_start3A_250, %dma_start3A_251] : memref<3x80xi32, #tpu.memory_space<vmem>> -> memref<1x80xi32, #tpu.memory_space<vmem>>
        %dma_start3A_253 = tpu.memref_squeeze %dma_start3A_252 : memref<1x80xi32, #tpu.memory_space<vmem>> -> memref<80xi32, #tpu.memory_space<vmem>>
        %dma_start3A_254 = arith.constant 0 : i32
        %dma_start3A_255 = arith.constant 0 : i32
        %dma_start3A_256 = tpu.memref_slice %arg2[%dma_start3A_254, %dma_start3A_255] : memref<20000x144xf32, #tpu.memory_space<hbm>> -> memref<20000x144xf32, #tpu.memory_space<hbm>>
        tpu.enqueue_indirect_dma source(%dma_start3A_256 : memref<20000x144xf32, #tpu.memory_space<hbm>>) target(%arg13 : memref<80x144xf32, #tpu.memory_space<vmem>>) offsets(%dma_start3A_253 : memref<80xi32, #tpu.memory_space<vmem>>) semaphore(%arg16 : memref<!tpu.dma_semaphore, #tpu.memory_space<semaphore_mem>>)
      } else {
      }
      %add3A_142 = arith.constant 2 : i32
      %add3A_143 = arith.addi %add3A_134, %add3A_142 : i32
      %lt3A_144 = arith.constant 250 : i32
      %lt3A_145 = arith.cmpi slt, %add3A_143, %lt3A_144 : i32
      %convert_element_type3A_146 = arith.extui %lt3A_145 : i1 to i32
      %cond3A_147 = arith.constant 0 : i32
      %cond3A_148 = arith.cmpi ne, %convert_element_type3A_146, %cond3A_147 : i32
      scf.if %cond3A_148 {
        %add3A_223 = arith.constant 2 : i32
        %add3A_224 = arith.addi %add3A_134, %add3A_223 : i32
        %mul3A_225 = arith.constant 4000 : i32
        %mul3A_226 = arith.muli %arg0, %mul3A_225 : i32
        %add3A_227 = arith.addi %mul3A_226, %arg1 : i32
        %mul3A_228 = arith.constant 16 : i32
        %mul3A_229 = arith.muli %add3A_224, %mul3A_228 : i32
        %add3A_230 = arith.addi %add3A_227, %mul3A_229 : i32
        %dma_start3A_231 = arith.constant 0 : i32
        %dma_start3A_232 = arith.constant 0 : i32
        %dma_start3A_233 = tpu.memref_slice %arg4[%add3A_230, %dma_start3A_231, %dma_start3A_232] : memref<8000x3x80xi32, #tpu.memory_space<hbm>> -> memref<1x3x80xi32, #tpu.memory_space<hbm>>
        %dma_start3A_234 = tpu.memref_squeeze %dma_start3A_233 : memref<1x3x80xi32, #tpu.memory_space<hbm>> -> memref<3x80xi32, #tpu.memory_space<hbm>>
        %dma_start3A_235 = arith.constant 0 : i32
        %dma_start3A_236 = arith.constant 0 : i32
        %dma_start3A_237 = tpu.memref_slice %arg4[%add3A_230, %dma_start3A_235, %dma_start3A_236] : memref<8000x3x80xi32, #tpu.memory_space<hbm>> -> memref<1x3x80xi32, #tpu.memory_space<hbm>>
        %dma_start3A_238 = tpu.memref_squeeze %dma_start3A_237 : memref<1x3x80xi32, #tpu.memory_space<hbm>> -> memref<3x80xi32, #tpu.memory_space<hbm>>
        tpu.enqueue_dma source(%dma_start3A_238 : memref<3x80xi32, #tpu.memory_space<hbm>>) target(%arg8 : memref<3x80xi32, #tpu.memory_space<vmem>>) target_semaphore(%arg20 : memref<!tpu.dma_semaphore, #tpu.memory_space<semaphore_mem>>)
      } else {
      }
      %lt3A_149 = arith.constant 250 : i32
      %lt3A_150 = arith.cmpi slt, %add3A_134, %lt3A_149 : i32
      %convert_element_type3A_151 = arith.extui %lt3A_150 : i1 to i32
      %cond3A_152 = arith.constant 0 : i32
      %cond3A_153 = arith.cmpi ne, %convert_element_type3A_151, %cond3A_152 : i32
      scf.if %cond3A_153 {
        %dma_wait3A_223 = arith.constant 1 : i32
        %dma_wait3A_224 = arith.constant 0 : i32
        %dma_wait3A_225 = tpu.memref_slice %arg9[%dma_wait3A_223, %dma_wait3A_224] : memref<3x80xi32, #tpu.memory_space<vmem>> -> memref<1x80xi32, #tpu.memory_space<vmem>>
        %dma_wait3A_226 = tpu.memref_squeeze %dma_wait3A_225 : memref<1x80xi32, #tpu.memory_space<vmem>> -> memref<80xi32, #tpu.memory_space<vmem>>
        %dma_wait3A_227 = arith.constant 0 : i32
        %dma_wait3A_228 = arith.constant 0 : i32
        %dma_wait3A_229 = tpu.memref_slice %arg3[%dma_wait3A_227, %dma_wait3A_228] : memref<20000x16xf32, #tpu.memory_space<hbm>> -> memref<20000x16xf32, #tpu.memory_space<hbm>>
        tpu.wait_indirect_dma semaphore(%arg15 : memref<!tpu.dma_semaphore, #tpu.memory_space<semaphore_mem>>) src(%dma_wait3A_229 : memref<20000x16xf32, #tpu.memory_space<hbm>>) dst(%arg10 : memref<80x16xf32, #tpu.memory_space<vmem>>)
        %dma_wait3A_230 = arith.constant 0 : i32
        %dma_wait3A_231 = arith.constant 0 : i32
        %dma_wait3A_232 = tpu.memref_slice %arg9[%dma_wait3A_230, %dma_wait3A_231] : memref<3x80xi32, #tpu.memory_space<vmem>> -> memref<1x80xi32, #tpu.memory_space<vmem>>
        %dma_wait3A_233 = tpu.memref_squeeze %dma_wait3A_232 : memref<1x80xi32, #tpu.memory_space<vmem>> -> memref<80xi32, #tpu.memory_space<vmem>>
        %dma_wait3A_234 = arith.constant 0 : i32
        %dma_wait3A_235 = arith.constant 0 : i32
        %dma_wait3A_236 = tpu.memref_slice %arg2[%dma_wait3A_234, %dma_wait3A_235] : memref<20000x144xf32, #tpu.memory_space<hbm>> -> memref<20000x144xf32, #tpu.memory_space<hbm>>
        tpu.wait_indirect_dma semaphore(%arg15 : memref<!tpu.dma_semaphore, #tpu.memory_space<semaphore_mem>>) src(%dma_wait3A_236 : memref<20000x144xf32, #tpu.memory_space<hbm>>) dst(%arg12 : memref<80x144xf32, #tpu.memory_space<vmem>>)
        %parallel_loop3A = arith.constant 0 : i32
        %parallel_loop3A_237 = arith.constant 80 : i32
        %parallel_loop3A_238 = arith.constant 1 : i32
        scf.for %parallel_loop3A_246 = %parallel_loop3A to %parallel_loop3A_237 step %parallel_loop3A_238  : i32 {
          %parallel_loop3A_247 = arith.index_cast %parallel_loop3A_246 : i32 to index
          %parallel_loop3A_248 = arith.constant 128 : index
          %parallel_loop3A_249 = tpu.vector_load %arg12[%parallel_loop3A_247, %parallel_loop3A_248] {strides = array<i32>} : memref<80x144xf32, #tpu.memory_space<vmem>>, vector<1x16xf32>,
          %parallel_loop3A_250 = vector.shape_cast %parallel_loop3A_249 : vector<1x16xf32> to vector<16xf32>
          %parallel_loop3A_251 = arith.index_cast %parallel_loop3A_246 : i32 to index
          %parallel_loop3A_252 = arith.constant 0 : index
          %parallel_loop3A_253 = tpu.vector_load %arg10[%parallel_loop3A_251, %parallel_loop3A_252] {strides = array<i32>} : memref<80x16xf32, #tpu.memory_space<vmem>>, vector<1x16xf32>,
          %parallel_loop3A_254 = vector.shape_cast %parallel_loop3A_253 : vector<1x16xf32> to vector<16xf32>
          %parallel_loop3A_255 = arith.addf %parallel_loop3A_250, %parallel_loop3A_254 : vector<16xf32>
          %parallel_loop3A_256 = arith.constant 0.000000e+00 : f32
          %parallel_loop3A_257 = vector.broadcast %parallel_loop3A_256 : f32 to vector<16xf32>
          %parallel_loop3A_258 = arith.cmpf oge, %parallel_loop3A_255, %parallel_loop3A_257 : vector<16xf32>
          %parallel_loop3A_259 = arith.constant 2.000000e-01 : f32
          %parallel_loop3A_260 = vector.broadcast %parallel_loop3A_259 : f32 to vector<16xf32>
          %parallel_loop3A_261 = arith.mulf %parallel_loop3A_260, %parallel_loop3A_255 : vector<16xf32>
          %parallel_loop3A_262 = arith.select %parallel_loop3A_258, %parallel_loop3A_255, %parallel_loop3A_261 : vector<16xi1>, vector<16xf32>
          %parallel_loop3A_263 = math.exp %parallel_loop3A_262 : vector<16xf32>
          %parallel_loop3A_264 = arith.index_cast %parallel_loop3A_246 : i32 to index
          %parallel_loop3A_265 = arith.constant 128 : index
          %parallel_loop3A_266 = tpu.vector_load %arg12[%parallel_loop3A_264, %parallel_loop3A_265] {strides = array<i32>} : memref<80x144xf32, #tpu.memory_space<vmem>>, vector<1x16xf32>,
          %parallel_loop3A_267 = vector.shape_cast %parallel_loop3A_266 : vector<1x16xf32> to vector<16xf32>
          %parallel_loop3A_268 = vector.shape_cast %parallel_loop3A_263 : vector<16xf32> to vector<1x16xf32>
          tpu.vector_store %arg12[%parallel_loop3A_264, %parallel_loop3A_265], %parallel_loop3A_268 {strides = array<i32>} : memref<80x144xf32, #tpu.memory_space<vmem>>, vector<1x16xf32>,
          %parallel_loop3A_269 = arith.constant 0 : i32
          %parallel_loop3A_270 = vector.broadcast %parallel_loop3A_269 : i32 to vector<16x1xi32>
          %parallel_loop3A_271 = vector.shape_cast %parallel_loop3A_270 : vector<16x1xi32> to vector<16xi32>
          %parallel_loop3A_272 = tpu.dynamic_gather %parallel_loop3A_263[%parallel_loop3A_271] in [0] : vector<16xf32>, vector<16xi32> -> vector<16xf32>
          %parallel_loop3A_273 = arith.index_cast %parallel_loop3A_246 : i32 to index
          %parallel_loop3A_274 = arith.constant 0 : index
          %parallel_loop3A_275 = tpu.vector_load %arg12[%parallel_loop3A_273, %parallel_loop3A_274] {strides = array<i32>} : memref<80x144xf32, #tpu.memory_space<vmem>>, vector<1x16xf32>,
          %parallel_loop3A_276 = vector.shape_cast %parallel_loop3A_275 : vector<1x16xf32> to vector<16xf32>
          %parallel_loop3A_277 = arith.mulf %parallel_loop3A_276, %parallel_loop3A_272 : vector<16xf32>
          %parallel_loop3A_278 = arith.index_cast %parallel_loop3A_246 : i32 to index
          %parallel_loop3A_279 = arith.constant 0 : index
          %parallel_loop3A_280 = tpu.vector_load %arg12[%parallel_loop3A_278, %parallel_loop3A_279] {strides = array<i32>} : memref<80x144xf32, #tpu.memory_space<vmem>>, vector<1x16xf32>,
          %parallel_loop3A_281 = vector.shape_cast %parallel_loop3A_280 : vector<1x16xf32> to vector<16xf32>
          %parallel_loop3A_282 = vector.shape_cast %parallel_loop3A_277 : vector<16xf32> to vector<1x16xf32>
          tpu.vector_store %arg12[%parallel_loop3A_278, %parallel_loop3A_279], %parallel_loop3A_282 {strides = array<i32>} : memref<80x144xf32, #tpu.memory_space<vmem>>, vector<1x16xf32>,
          %parallel_loop3A_283 = arith.constant 1 : i32
          %parallel_loop3A_284 = vector.broadcast %parallel_loop3A_283 : i32 to vector<16x1xi32>
          %parallel_loop3A_285 = vector.shape_cast %parallel_loop3A_284 : vector<16x1xi32> to vector<16xi32>
          %parallel_loop3A_286 = tpu.dynamic_gather %parallel_loop3A_263[%parallel_loop3A_285] in [0] : vector<16xf32>, vector<16xi32> -> vector<16xf32>
          %parallel_loop3A_287 = arith.index_cast %parallel_loop3A_246 : i32 to index
          %parallel_loop3A_288 = arith.constant 16 : index
          %parallel_loop3A_289 = tpu.vector_load %arg12[%parallel_loop3A_287, %parallel_loop3A_288] {strides = array<i32>} : memref<80x144xf32, #tpu.memory_space<vmem>>, vector<1x16xf32>,
          %parallel_loop3A_290 = vector.shape_cast %parallel_loop3A_289 : vector<1x16xf32> to vector<16xf32>
          %parallel_loop3A_291 = arith.mulf %parallel_loop3A_290, %parallel_loop3A_286 : vector<16xf32>
          %parallel_loop3A_292 = arith.index_cast %parallel_loop3A_246 : i32 to index
          %parallel_loop3A_293 = arith.constant 16 : index
          %parallel_loop3A_294 = tpu.vector_load %arg12[%parallel_loop3A_292, %parallel_loop3A_293] {strides = array<i32>} : memref<80x144xf32, #tpu.memory_space<vmem>>, vector<1x16xf32>,
          %parallel_loop3A_295 = vector.shape_cast %parallel_loop3A_294 : vector<1x16xf32> to vector<16xf32>
          %parallel_loop3A_296 = vector.shape_cast %parallel_loop3A_291 : vector<16xf32> to vector<1x16xf32>
          tpu.vector_store %arg12[%parallel_loop3A_292, %parallel_loop3A_293], %parallel_loop3A_296 {strides = array<i32>} : memref<80x144xf32, #tpu.memory_space<vmem>>, vector<1x16xf32>,
          %parallel_loop3A_297 = arith.constant 2 : i32
          %parallel_loop3A_298 = vector.broadcast %parallel_loop3A_297 : i32 to vector<16x1xi32>
          %parallel_loop3A_299 = vector.shape_cast %parallel_loop3A_298 : vector<16x1xi32> to vector<16xi32>
          %parallel_loop3A_300 = tpu.dynamic_gather %parallel_loop3A_263[%parallel_loop3A_299] in [0] : vector<16xf32>, vector<16xi32> -> vector<16xf32>
          %parallel_loop3A_301 = arith.index_cast %parallel_loop3A_246 : i32 to index
          %parallel_loop3A_302 = arith.constant 32 : index
          %parallel_loop3A_303 = tpu.vector_load %arg12[%parallel_loop3A_301, %parallel_loop3A_302] {strides = array<i32>} : memref<80x144xf32, #tpu.memory_space<vmem>>, vector<1x16xf32>,
          %parallel_loop3A_304 = vector.shape_cast %parallel_loop3A_303 : vector<1x16xf32> to vector<16xf32>
          %parallel_loop3A_305 = arith.mulf %parallel_loop3A_304, %parallel_loop3A_300 : vector<16xf32>
          %parallel_loop3A_306 = arith.index_cast %parallel_loop3A_246 : i32 to index
          %parallel_loop3A_307 = arith.constant 32 : index
          %parallel_loop3A_308 = tpu.vector_load %arg12[%parallel_loop3A_306, %parallel_loop3A_307] {strides = array<i32>} : memref<80x144xf32, #tpu.memory_space<vmem>>, vector<1x16xf32>,
          %parallel_loop3A_309 = vector.shape_cast %parallel_loop3A_308 : vector<1x16xf32> to vector<16xf32>
          %parallel_loop3A_310 = vector.shape_cast %parallel_loop3A_305 : vector<16xf32> to vector<1x16xf32>
          tpu.vector_store %arg12[%parallel_loop3A_306, %parallel_loop3A_307], %parallel_loop3A_310 {strides = array<i32>} : memref<80x144xf32, #tpu.memory_space<vmem>>, vector<1x16xf32>,
          %parallel_loop3A_311 = arith.constant 3 : i32
          %parallel_loop3A_312 = vector.broadcast %parallel_loop3A_311 : i32 to vector<16x1xi32>
          %parallel_loop3A_313 = vector.shape_cast %parallel_loop3A_312 : vector<16x1xi32> to vector<16xi32>
          %parallel_loop3A_314 = tpu.dynamic_gather %parallel_loop3A_263[%parallel_loop3A_313] in [0] : vector<16xf32>, vector<16xi32> -> vector<16xf32>
          %parallel_loop3A_315 = arith.index_cast %parallel_loop3A_246 : i32 to index
          %parallel_loop3A_316 = arith.constant 48 : index
          %parallel_loop3A_317 = tpu.vector_load %arg12[%parallel_loop3A_315, %parallel_loop3A_316] {strides = array<i32>} : memref<80x144xf32, #tpu.memory_space<vmem>>, vector<1x16xf32>,
          %parallel_loop3A_318 = vector.shape_cast %parallel_loop3A_317 : vector<1x16xf32> to vector<16xf32>
          %parallel_loop3A_319 = arith.mulf %parallel_loop3A_318, %parallel_loop3A_314 : vector<16xf32>
          %parallel_loop3A_320 = arith.index_cast %parallel_loop3A_246 : i32 to index
          %parallel_loop3A_321 = arith.constant 48 : index
          %parallel_loop3A_322 = tpu.vector_load %arg12[%parallel_loop3A_320, %parallel_loop3A_321] {strides = array<i32>} : memref<80x144xf32, #tpu.memory_space<vmem>>, vector<1x16xf32>,
          %parallel_loop3A_323 = vector.shape_cast %parallel_loop3A_322 : vector<1x16xf32> to vector<16xf32>
          %parallel_loop3A_324 = vector.shape_cast %parallel_loop3A_319 : vector<16xf32> to vector<1x16xf32>
          tpu.vector_store %arg12[%parallel_loop3A_320, %parallel_loop3A_321], %parallel_loop3A_324 {strides = array<i32>} : memref<80x144xf32, #tpu.memory_space<vmem>>, vector<1x16xf32>,
          %parallel_loop3A_325 = arith.constant 4 : i32
          %parallel_loop3A_326 = vector.broadcast %parallel_loop3A_325 : i32 to vector<16x1xi32>
          %parallel_loop3A_327 = vector.shape_cast %parallel_loop3A_326 : vector<16x1xi32> to vector<16xi32>
          %parallel_loop3A_328 = tpu.dynamic_gather %parallel_loop3A_263[%parallel_loop3A_327] in [0] : vector<16xf32>, vector<16xi32> -> vector<16xf32>
          %parallel_loop3A_329 = arith.index_cast %parallel_loop3A_246 : i32 to index
          %parallel_loop3A_330 = arith.constant 64 : index
          %parallel_loop3A_331 = tpu.vector_load %arg12[%parallel_loop3A_329, %parallel_loop3A_330] {strides = array<i32>} : memref<80x144xf32, #tpu.memory_space<vmem>>, vector<1x16xf32>,
          %parallel_loop3A_332 = vector.shape_cast %parallel_loop3A_331 : vector<1x16xf32> to vector<16xf32>
          %parallel_loop3A_333 = arith.mulf %parallel_loop3A_332, %parallel_loop3A_328 : vector<16xf32>
          %parallel_loop3A_334 = arith.index_cast %parallel_loop3A_246 : i32 to index
          %parallel_loop3A_335 = arith.constant 64 : index
          %parallel_loop3A_336 = tpu.vector_load %arg12[%parallel_loop3A_334, %parallel_loop3A_335] {strides = array<i32>} : memref<80x144xf32, #tpu.memory_space<vmem>>, vector<1x16xf32>,
          %parallel_loop3A_337 = vector.shape_cast %parallel_loop3A_336 : vector<1x16xf32> to vector<16xf32>
          %parallel_loop3A_338 = vector.shape_cast %parallel_loop3A_333 : vector<16xf32> to vector<1x16xf32>
          tpu.vector_store %arg12[%parallel_loop3A_334, %parallel_loop3A_335], %parallel_loop3A_338 {strides = array<i32>} : memref<80x144xf32, #tpu.memory_space<vmem>>, vector<1x16xf32>,
          %parallel_loop3A_339 = arith.constant 5 : i32
          %parallel_loop3A_340 = vector.broadcast %parallel_loop3A_339 : i32 to vector<16x1xi32>
          %parallel_loop3A_341 = vector.shape_cast %parallel_loop3A_340 : vector<16x1xi32> to vector<16xi32>
          %parallel_loop3A_342 = tpu.dynamic_gather %parallel_loop3A_263[%parallel_loop3A_341] in [0] : vector<16xf32>, vector<16xi32> -> vector<16xf32>
          %parallel_loop3A_343 = arith.index_cast %parallel_loop3A_246 : i32 to index
          %parallel_loop3A_344 = arith.constant 80 : index
          %parallel_loop3A_345 = tpu.vector_load %arg12[%parallel_loop3A_343, %parallel_loop3A_344] {strides = array<i32>} : memref<80x144xf32, #tpu.memory_space<vmem>>, vector<1x16xf32>,
          %parallel_loop3A_346 = vector.shape_cast %parallel_loop3A_345 : vector<1x16xf32> to vector<16xf32>
          %parallel_loop3A_347 = arith.mulf %parallel_loop3A_346, %parallel_loop3A_342 : vector<16xf32>
          %parallel_loop3A_348 = arith.index_cast %parallel_loop3A_246 : i32 to index
          %parallel_loop3A_349 = arith.constant 80 : index
          %parallel_loop3A_350 = tpu.vector_load %arg12[%parallel_loop3A_348, %parallel_loop3A_349] {strides = array<i32>} : memref<80x144xf32, #tpu.memory_space<vmem>>, vector<1x16xf32>,
          %parallel_loop3A_351 = vector.shape_cast %parallel_loop3A_350 : vector<1x16xf32> to vector<16xf32>
          %parallel_loop3A_352 = vector.shape_cast %parallel_loop3A_347 : vector<16xf32> to vector<1x16xf32>
          tpu.vector_store %arg12[%parallel_loop3A_348, %parallel_loop3A_349], %parallel_loop3A_352 {strides = array<i32>} : memref<80x144xf32, #tpu.memory_space<vmem>>, vector<1x16xf32>,
          %parallel_loop3A_353 = arith.constant 6 : i32
          %parallel_loop3A_354 = vector.broadcast %parallel_loop3A_353 : i32 to vector<16x1xi32>
          %parallel_loop3A_355 = vector.shape_cast %parallel_loop3A_354 : vector<16x1xi32> to vector<16xi32>
          %parallel_loop3A_356 = tpu.dynamic_gather %parallel_loop3A_263[%parallel_loop3A_355] in [0] : vector<16xf32>, vector<16xi32> -> vector<16xf32>
          %parallel_loop3A_357 = arith.index_cast %parallel_loop3A_246 : i32 to index
          %parallel_loop3A_358 = arith.constant 96 : index
          %parallel_loop3A_359 = tpu.vector_load %arg12[%parallel_loop3A_357, %parallel_loop3A_358] {strides = array<i32>} : memref<80x144xf32, #tpu.memory_space<vmem>>, vector<1x16xf32>,
          %parallel_loop3A_360 = vector.shape_cast %parallel_loop3A_359 : vector<1x16xf32> to vector<16xf32>
          %parallel_loop3A_361 = arith.mulf %parallel_loop3A_360, %parallel_loop3A_356 : vector<16xf32>
          %parallel_loop3A_362 = arith.index_cast %parallel_loop3A_246 : i32 to index
          %parallel_loop3A_363 = arith.constant 96 : index
          %parallel_loop3A_364 = tpu.vector_load %arg12[%parallel_loop3A_362, %parallel_loop3A_363] {strides = array<i32>} : memref<80x144xf32, #tpu.memory_space<vmem>>, vector<1x16xf32>,
          %parallel_loop3A_365 = vector.shape_cast %parallel_loop3A_364 : vector<1x16xf32> to vector<16xf32>
          %parallel_loop3A_366 = vector.shape_cast %parallel_loop3A_361 : vector<16xf32> to vector<1x16xf32>
          tpu.vector_store %arg12[%parallel_loop3A_362, %parallel_loop3A_363], %parallel_loop3A_366 {strides = array<i32>} : memref<80x144xf32, #tpu.memory_space<vmem>>, vector<1x16xf32>,
          %parallel_loop3A_367 = arith.constant 7 : i32
          %parallel_loop3A_368 = vector.broadcast %parallel_loop3A_367 : i32 to vector<16x1xi32>
          %parallel_loop3A_369 = vector.shape_cast %parallel_loop3A_368 : vector<16x1xi32> to vector<16xi32>
          %parallel_loop3A_370 = tpu.dynamic_gather %parallel_loop3A_263[%parallel_loop3A_369] in [0] : vector<16xf32>, vector<16xi32> -> vector<16xf32>
          %parallel_loop3A_371 = arith.index_cast %parallel_loop3A_246 : i32 to index
          %parallel_loop3A_372 = arith.constant 112 : index
          %parallel_loop3A_373 = tpu.vector_load %arg12[%parallel_loop3A_371, %parallel_loop3A_372] {strides = array<i32>} : memref<80x144xf32, #tpu.memory_space<vmem>>, vector<1x16xf32>,
          %parallel_loop3A_374 = vector.shape_cast %parallel_loop3A_373 : vector<1x16xf32> to vector<16xf32>
          %parallel_loop3A_375 = arith.mulf %parallel_loop3A_374, %parallel_loop3A_370 : vector<16xf32>
          %parallel_loop3A_376 = arith.index_cast %parallel_loop3A_246 : i32 to index
          %parallel_loop3A_377 = arith.constant 112 : index
          %parallel_loop3A_378 = tpu.vector_load %arg12[%parallel_loop3A_376, %parallel_loop3A_377] {strides = array<i32>} : memref<80x144xf32, #tpu.memory_space<vmem>>, vector<1x16xf32>,
          %parallel_loop3A_379 = vector.shape_cast %parallel_loop3A_378 : vector<1x16xf32> to vector<16xf32>
          %parallel_loop3A_380 = vector.shape_cast %parallel_loop3A_375 : vector<16xf32> to vector<1x16xf32>
          tpu.vector_store %arg12[%parallel_loop3A_376, %parallel_loop3A_377], %parallel_loop3A_380 {strides = array<i32>} : memref<80x144xf32, #tpu.memory_space<vmem>>, vector<1x16xf32>,
        } {sc.loop_unroll_factor = 4 : i64, sc.parallel_access}
        %dma_start3A_239 = arith.constant 2 : i32
        %dma_start3A_240 = arith.constant 0 : i32
        %dma_start3A_241 = tpu.memref_slice %arg9[%dma_start3A_239, %dma_start3A_240] : memref<3x80xi32, #tpu.memory_space<vmem>> -> memref<1x80xi32, #tpu.memory_space<vmem>>
        %dma_start3A_242 = tpu.memref_squeeze %dma_start3A_241 : memref<1x80xi32, #tpu.memory_space<vmem>> -> memref<80xi32, #tpu.memory_space<vmem>>
        %dma_start3A_243 = arith.constant 0 : i32
        %dma_start3A_244 = arith.constant 0 : i32
        %dma_start3A_245 = tpu.memref_slice %arg14[%dma_start3A_243, %dma_start3A_244] : memref<10000x144xf32, #tpu.memory_space<vmem_shared>> -> memref<10000x144xf32, #tpu.memory_space<vmem_shared>>
        tpu.enqueue_indirect_dma source(%arg12 : memref<80x144xf32, #tpu.memory_space<vmem>>) target(%dma_start3A_245 : memref<10000x144xf32, #tpu.memory_space<vmem_shared>>) offsets(%dma_start3A_242 : memref<80xi32, #tpu.memory_space<vmem>>) semaphore(%arg17 : memref<!tpu.dma_semaphore, #tpu.memory_space<semaphore_mem>>) {add = true}
      } else {
      }
      %mul3A_154 = arith.constant 6 : i32
      %mul3A_155 = arith.muli %mul3A_154, %scan3A_85 : i32
      %add3A_156 = arith.constant 3 : i32
      %add3A_157 = arith.addi %mul3A_155, %add3A_156 : i32
      %add3A_158 = arith.constant 1 : i32
      %add3A_159 = arith.addi %add3A_157, %add3A_158 : i32
      %lt3A_160 = arith.constant 250 : i32
      %lt3A_161 = arith.cmpi slt, %add3A_159, %lt3A_160 : i32
      %convert_element_type3A_162 = arith.extui %lt3A_161 : i1 to i32
      %cond3A_163 = arith.constant 0 : i32
      %cond3A_164 = arith.cmpi ne, %convert_element_type3A_162, %cond3A_163 : i32
      scf.if %cond3A_164 {
        %add3A_223 = arith.constant 1 : i32
        %add3A_224 = arith.addi %add3A_157, %add3A_223 : i32
        %ge3A = arith.constant 2 : i32
        %ge3A_225 = arith.cmpi sge, %add3A_224, %ge3A : i32
        %convert_element_type3A_226 = arith.extui %ge3A_225 : i1 to i32
        %cond3A_227 = arith.constant 0 : i32
        %cond3A_228 = arith.cmpi ne, %convert_element_type3A_226, %cond3A_227 : i32
        scf.if %cond3A_228 {
          %dma_wait3A_257 = arith.constant 2 : i32
          %dma_wait3A_258 = arith.constant 0 : i32
          %dma_wait3A_259 = tpu.memref_slice %arg9[%dma_wait3A_257, %dma_wait3A_258] : memref<3x80xi32, #tpu.memory_space<vmem>> -> memref<1x80xi32, #tpu.memory_space<vmem>>
          %dma_wait3A_260 = tpu.memref_squeeze %dma_wait3A_259 : memref<1x80xi32, #tpu.memory_space<vmem>> -> memref<80xi32, #tpu.memory_space<vmem>>
          %dma_wait3A_261 = arith.constant 0 : i32
          %dma_wait3A_262 = arith.constant 0 : i32
          %dma_wait3A_263 = tpu.memref_slice %arg14[%dma_wait3A_261, %dma_wait3A_262] : memref<10000x144xf32, #tpu.memory_space<vmem_shared>> -> memref<10000x144xf32, #tpu.memory_space<vmem_shared>>
          tpu.wait_indirect_dma semaphore(%arg17 : memref<!tpu.dma_semaphore, #tpu.memory_space<semaphore_mem>>) src(%arg12 : memref<80x144xf32, #tpu.memory_space<vmem>>) dst(%dma_wait3A_263 : memref<10000x144xf32, #tpu.memory_space<vmem_shared>>)
        } else {
        }
        %mul3A_229 = arith.constant 4000 : i32
        %mul3A_230 = arith.muli %arg0, %mul3A_229 : i32
        %add3A_231 = arith.addi %mul3A_230, %arg1 : i32
        %mul3A_232 = arith.constant 16 : i32
        %mul3A_233 = arith.muli %add3A_224, %mul3A_232 : i32
        %add3A_234 = arith.addi %add3A_231, %mul3A_233 : i32
        %dma_wait3A_235 = arith.constant 0 : i32
        %dma_wait3A_236 = arith.constant 0 : i32
        %dma_wait3A_237 = tpu.memref_slice %arg4[%add3A_234, %dma_wait3A_235, %dma_wait3A_236] : memref<8000x3x80xi32, #tpu.memory_space<hbm>> -> memref<1x3x80xi32, #tpu.memory_space<hbm>>
        %dma_wait3A_238 = tpu.memref_squeeze %dma_wait3A_237 : memref<1x3x80xi32, #tpu.memory_space<hbm>> -> memref<3x80xi32, #tpu.memory_space<hbm>>
        %dma_wait3A_239 = arith.constant 0 : i32
        %dma_wait3A_240 = arith.constant 0 : i32
        %dma_wait3A_241 = tpu.memref_slice %arg4[%add3A_234, %dma_wait3A_239, %dma_wait3A_240] : memref<8000x3x80xi32, #tpu.memory_space<hbm>> -> memref<1x3x80xi32, #tpu.memory_space<hbm>>
        %dma_wait3A_242 = tpu.memref_squeeze %dma_wait3A_241 : memref<1x3x80xi32, #tpu.memory_space<hbm>> -> memref<3x80xi32, #tpu.memory_space<hbm>>
        tpu.wait_dma2 semaphore(%arg20 : memref<!tpu.dma_semaphore, #tpu.memory_space<semaphore_mem>>) src(%dma_wait3A_242 : memref<3x80xi32, #tpu.memory_space<hbm>>) dst(%arg8 : memref<3x80xi32, #tpu.memory_space<vmem>>)
        %dma_start3A_243 = arith.constant 1 : i32
        %dma_start3A_244 = arith.constant 0 : i32
        %dma_start3A_245 = tpu.memref_slice %arg8[%dma_start3A_243, %dma_start3A_244] : memref<3x80xi32, #tpu.memory_space<vmem>> -> memref<1x80xi32, #tpu.memory_space<vmem>>
        %dma_start3A_246 = tpu.memref_squeeze %dma_start3A_245 : memref<1x80xi32, #tpu.memory_space<vmem>> -> memref<80xi32, #tpu.memory_space<vmem>>
        %dma_start3A_247 = arith.constant 0 : i32
        %dma_start3A_248 = arith.constant 0 : i32
        %dma_start3A_249 = tpu.memref_slice %arg3[%dma_start3A_247, %dma_start3A_248] : memref<20000x16xf32, #tpu.memory_space<hbm>> -> memref<20000x16xf32, #tpu.memory_space<hbm>>
        tpu.enqueue_indirect_dma source(%dma_start3A_249 : memref<20000x16xf32, #tpu.memory_space<hbm>>) target(%arg10 : memref<80x16xf32, #tpu.memory_space<vmem>>) offsets(%dma_start3A_246 : memref<80xi32, #tpu.memory_space<vmem>>) semaphore(%arg15 : memref<!tpu.dma_semaphore, #tpu.memory_space<semaphore_mem>>)
        %dma_start3A_250 = arith.constant 0 : i32
        %dma_start3A_251 = arith.constant 0 : i32
        %dma_start3A_252 = tpu.memref_slice %arg8[%dma_start3A_250, %dma_start3A_251] : memref<3x80xi32, #tpu.memory_space<vmem>> -> memref<1x80xi32, #tpu.memory_space<vmem>>
        %dma_start3A_253 = tpu.memref_squeeze %dma_start3A_252 : memref<1x80xi32, #tpu.memory_space<vmem>> -> memref<80xi32, #tpu.memory_space<vmem>>
        %dma_start3A_254 = arith.constant 0 : i32
        %dma_start3A_255 = arith.constant 0 : i32
        %dma_start3A_256 = tpu.memref_slice %arg2[%dma_start3A_254, %dma_start3A_255] : memref<20000x144xf32, #tpu.memory_space<hbm>> -> memref<20000x144xf32, #tpu.memory_space<hbm>>
        tpu.enqueue_indirect_dma source(%dma_start3A_256 : memref<20000x144xf32, #tpu.memory_space<hbm>>) target(%arg12 : memref<80x144xf32, #tpu.memory_space<vmem>>) offsets(%dma_start3A_253 : memref<80xi32, #tpu.memory_space<vmem>>) semaphore(%arg15 : memref<!tpu.dma_semaphore, #tpu.memory_space<semaphore_mem>>)
      } else {
      }
      %add3A_165 = arith.constant 2 : i32
      %add3A_166 = arith.addi %add3A_157, %add3A_165 : i32
      %lt3A_167 = arith.constant 250 : i32
      %lt3A_168 = arith.cmpi slt, %add3A_166, %lt3A_167 : i32
      %convert_element_type3A_169 = arith.extui %lt3A_168 : i1 to i32
      %cond3A_170 = arith.constant 0 : i32
      %cond3A_171 = arith.cmpi ne, %convert_element_type3A_169, %cond3A_170 : i32
      scf.if %cond3A_171 {
        %add3A_223 = arith.constant 2 : i32
        %add3A_224 = arith.addi %add3A_157, %add3A_223 : i32
        %mul3A_225 = arith.constant 4000 : i32
        %mul3A_226 = arith.muli %arg0, %mul3A_225 : i32
        %add3A_227 = arith.addi %mul3A_226, %arg1 : i32
        %mul3A_228 = arith.constant 16 : i32
        %mul3A_229 = arith.muli %add3A_224, %mul3A_228 : i32
        %add3A_230 = arith.addi %add3A_227, %mul3A_229 : i32
        %dma_start3A_231 = arith.constant 0 : i32
        %dma_start3A_232 = arith.constant 0 : i32
        %dma_start3A_233 = tpu.memref_slice %arg4[%add3A_230, %dma_start3A_231, %dma_start3A_232] : memref<8000x3x80xi32, #tpu.memory_space<hbm>> -> memref<1x3x80xi32, #tpu.memory_space<hbm>>
        %dma_start3A_234 = tpu.memref_squeeze %dma_start3A_233 : memref<1x3x80xi32, #tpu.memory_space<hbm>> -> memref<3x80xi32, #tpu.memory_space<hbm>>
        %dma_start3A_235 = arith.constant 0 : i32
        %dma_start3A_236 = arith.constant 0 : i32
        %dma_start3A_237 = tpu.memref_slice %arg4[%add3A_230, %dma_start3A_235, %dma_start3A_236] : memref<8000x3x80xi32, #tpu.memory_space<hbm>> -> memref<1x3x80xi32, #tpu.memory_space<hbm>>
        %dma_start3A_238 = tpu.memref_squeeze %dma_start3A_237 : memref<1x3x80xi32, #tpu.memory_space<hbm>> -> memref<3x80xi32, #tpu.memory_space<hbm>>
        tpu.enqueue_dma source(%dma_start3A_238 : memref<3x80xi32, #tpu.memory_space<hbm>>) target(%arg9 : memref<3x80xi32, #tpu.memory_space<vmem>>) target_semaphore(%arg21 : memref<!tpu.dma_semaphore, #tpu.memory_space<semaphore_mem>>)
      } else {
      }
      %lt3A_172 = arith.constant 250 : i32
      %lt3A_173 = arith.cmpi slt, %add3A_157, %lt3A_172 : i32
      %convert_element_type3A_174 = arith.extui %lt3A_173 : i1 to i32
      %cond3A_175 = arith.constant 0 : i32
      %cond3A_176 = arith.cmpi ne, %convert_element_type3A_174, %cond3A_175 : i32
      scf.if %cond3A_176 {
        %dma_wait3A_223 = arith.constant 1 : i32
        %dma_wait3A_224 = arith.constant 0 : i32
        %dma_wait3A_225 = tpu.memref_slice %arg7[%dma_wait3A_223, %dma_wait3A_224] : memref<3x80xi32, #tpu.memory_space<vmem>> -> memref<1x80xi32, #tpu.memory_space<vmem>>
        %dma_wait3A_226 = tpu.memref_squeeze %dma_wait3A_225 : memref<1x80xi32, #tpu.memory_space<vmem>> -> memref<80xi32, #tpu.memory_space<vmem>>
        %dma_wait3A_227 = arith.constant 0 : i32
        %dma_wait3A_228 = arith.constant 0 : i32
        %dma_wait3A_229 = tpu.memref_slice %arg3[%dma_wait3A_227, %dma_wait3A_228] : memref<20000x16xf32, #tpu.memory_space<hbm>> -> memref<20000x16xf32, #tpu.memory_space<hbm>>
        tpu.wait_indirect_dma semaphore(%arg16 : memref<!tpu.dma_semaphore, #tpu.memory_space<semaphore_mem>>) src(%dma_wait3A_229 : memref<20000x16xf32, #tpu.memory_space<hbm>>) dst(%arg11 : memref<80x16xf32, #tpu.memory_space<vmem>>)
        %dma_wait3A_230 = arith.constant 0 : i32
        %dma_wait3A_231 = arith.constant 0 : i32
        %dma_wait3A_232 = tpu.memref_slice %arg7[%dma_wait3A_230, %dma_wait3A_231] : memref<3x80xi32, #tpu.memory_space<vmem>> -> memref<1x80xi32, #tpu.memory_space<vmem>>
        %dma_wait3A_233 = tpu.memref_squeeze %dma_wait3A_232 : memref<1x80xi32, #tpu.memory_space<vmem>> -> memref<80xi32, #tpu.memory_space<vmem>>
        %dma_wait3A_234 = arith.constant 0 : i32
        %dma_wait3A_235 = arith.constant 0 : i32
        %dma_wait3A_236 = tpu.memref_slice %arg2[%dma_wait3A_234, %dma_wait3A_235] : memref<20000x144xf32, #tpu.memory_space<hbm>> -> memref<20000x144xf32, #tpu.memory_space<hbm>>
        tpu.wait_indirect_dma semaphore(%arg16 : memref<!tpu.dma_semaphore, #tpu.memory_space<semaphore_mem>>) src(%dma_wait3A_236 : memref<20000x144xf32, #tpu.memory_space<hbm>>) dst(%arg13 : memref<80x144xf32, #tpu.memory_space<vmem>>)
        %parallel_loop3A = arith.constant 0 : i32
        %parallel_loop3A_237 = arith.constant 80 : i32
        %parallel_loop3A_238 = arith.constant 1 : i32
        scf.for %parallel_loop3A_246 = %parallel_loop3A to %parallel_loop3A_237 step %parallel_loop3A_238  : i32 {
          %parallel_loop3A_247 = arith.index_cast %parallel_loop3A_246 : i32 to index
          %parallel_loop3A_248 = arith.constant 128 : index
          %parallel_loop3A_249 = tpu.vector_load %arg13[%parallel_loop3A_247, %parallel_loop3A_248] {strides = array<i32>} : memref<80x144xf32, #tpu.memory_space<vmem>>, vector<1x16xf32>,
          %parallel_loop3A_250 = vector.shape_cast %parallel_loop3A_249 : vector<1x16xf32> to vector<16xf32>
          %parallel_loop3A_251 = arith.index_cast %parallel_loop3A_246 : i32 to index
          %parallel_loop3A_252 = arith.constant 0 : index
          %parallel_loop3A_253 = tpu.vector_load %arg11[%parallel_loop3A_251, %parallel_loop3A_252] {strides = array<i32>} : memref<80x16xf32, #tpu.memory_space<vmem>>, vector<1x16xf32>,
          %parallel_loop3A_254 = vector.shape_cast %parallel_loop3A_253 : vector<1x16xf32> to vector<16xf32>
          %parallel_loop3A_255 = arith.addf %parallel_loop3A_250, %parallel_loop3A_254 : vector<16xf32>
          %parallel_loop3A_256 = arith.constant 0.000000e+00 : f32
          %parallel_loop3A_257 = vector.broadcast %parallel_loop3A_256 : f32 to vector<16xf32>
          %parallel_loop3A_258 = arith.cmpf oge, %parallel_loop3A_255, %parallel_loop3A_257 : vector<16xf32>
          %parallel_loop3A_259 = arith.constant 2.000000e-01 : f32
          %parallel_loop3A_260 = vector.broadcast %parallel_loop3A_259 : f32 to vector<16xf32>
          %parallel_loop3A_261 = arith.mulf %parallel_loop3A_260, %parallel_loop3A_255 : vector<16xf32>
          %parallel_loop3A_262 = arith.select %parallel_loop3A_258, %parallel_loop3A_255, %parallel_loop3A_261 : vector<16xi1>, vector<16xf32>
          %parallel_loop3A_263 = math.exp %parallel_loop3A_262 : vector<16xf32>
          %parallel_loop3A_264 = arith.index_cast %parallel_loop3A_246 : i32 to index
          %parallel_loop3A_265 = arith.constant 128 : index
          %parallel_loop3A_266 = tpu.vector_load %arg13[%parallel_loop3A_264, %parallel_loop3A_265] {strides = array<i32>} : memref<80x144xf32, #tpu.memory_space<vmem>>, vector<1x16xf32>,
          %parallel_loop3A_267 = vector.shape_cast %parallel_loop3A_266 : vector<1x16xf32> to vector<16xf32>
          %parallel_loop3A_268 = vector.shape_cast %parallel_loop3A_263 : vector<16xf32> to vector<1x16xf32>
          tpu.vector_store %arg13[%parallel_loop3A_264, %parallel_loop3A_265], %parallel_loop3A_268 {strides = array<i32>} : memref<80x144xf32, #tpu.memory_space<vmem>>, vector<1x16xf32>,
          %parallel_loop3A_269 = arith.constant 0 : i32
          %parallel_loop3A_270 = vector.broadcast %parallel_loop3A_269 : i32 to vector<16x1xi32>
          %parallel_loop3A_271 = vector.shape_cast %parallel_loop3A_270 : vector<16x1xi32> to vector<16xi32>
          %parallel_loop3A_272 = tpu.dynamic_gather %parallel_loop3A_263[%parallel_loop3A_271] in [0] : vector<16xf32>, vector<16xi32> -> vector<16xf32>
          %parallel_loop3A_273 = arith.index_cast %parallel_loop3A_246 : i32 to index
          %parallel_loop3A_274 = arith.constant 0 : index
          %parallel_loop3A_275 = tpu.vector_load %arg13[%parallel_loop3A_273, %parallel_loop3A_274] {strides = array<i32>} : memref<80x144xf32, #tpu.memory_space<vmem>>, vector<1x16xf32>,
          %parallel_loop3A_276 = vector.shape_cast %parallel_loop3A_275 : vector<1x16xf32> to vector<16xf32>
          %parallel_loop3A_277 = arith.mulf %parallel_loop3A_276, %parallel_loop3A_272 : vector<16xf32>
          %parallel_loop3A_278 = arith.index_cast %parallel_loop3A_246 : i32 to index
          %parallel_loop3A_279 = arith.constant 0 : index
          %parallel_loop3A_280 = tpu.vector_load %arg13[%parallel_loop3A_278, %parallel_loop3A_279] {strides = array<i32>} : memref<80x144xf32, #tpu.memory_space<vmem>>, vector<1x16xf32>,
          %parallel_loop3A_281 = vector.shape_cast %parallel_loop3A_280 : vector<1x16xf32> to vector<16xf32>
          %parallel_loop3A_282 = vector.shape_cast %parallel_loop3A_277 : vector<16xf32> to vector<1x16xf32>
          tpu.vector_store %arg13[%parallel_loop3A_278, %parallel_loop3A_279], %parallel_loop3A_282 {strides = array<i32>} : memref<80x144xf32, #tpu.memory_space<vmem>>, vector<1x16xf32>,
          %parallel_loop3A_283 = arith.constant 1 : i32
          %parallel_loop3A_284 = vector.broadcast %parallel_loop3A_283 : i32 to vector<16x1xi32>
          %parallel_loop3A_285 = vector.shape_cast %parallel_loop3A_284 : vector<16x1xi32> to vector<16xi32>
          %parallel_loop3A_286 = tpu.dynamic_gather %parallel_loop3A_263[%parallel_loop3A_285] in [0] : vector<16xf32>, vector<16xi32> -> vector<16xf32>
          %parallel_loop3A_287 = arith.index_cast %parallel_loop3A_246 : i32 to index
          %parallel_loop3A_288 = arith.constant 16 : index
          %parallel_loop3A_289 = tpu.vector_load %arg13[%parallel_loop3A_287, %parallel_loop3A_288] {strides = array<i32>} : memref<80x144xf32, #tpu.memory_space<vmem>>, vector<1x16xf32>,
          %parallel_loop3A_290 = vector.shape_cast %parallel_loop3A_289 : vector<1x16xf32> to vector<16xf32>
          %parallel_loop3A_291 = arith.mulf %parallel_loop3A_290, %parallel_loop3A_286 : vector<16xf32>
          %parallel_loop3A_292 = arith.index_cast %parallel_loop3A_246 : i32 to index
          %parallel_loop3A_293 = arith.constant 16 : index
          %parallel_loop3A_294 = tpu.vector_load %arg13[%parallel_loop3A_292, %parallel_loop3A_293] {strides = array<i32>} : memref<80x144xf32, #tpu.memory_space<vmem>>, vector<1x16xf32>,
          %parallel_loop3A_295 = vector.shape_cast %parallel_loop3A_294 : vector<1x16xf32> to vector<16xf32>
          %parallel_loop3A_296 = vector.shape_cast %parallel_loop3A_291 : vector<16xf32> to vector<1x16xf32>
          tpu.vector_store %arg13[%parallel_loop3A_292, %parallel_loop3A_293], %parallel_loop3A_296 {strides = array<i32>} : memref<80x144xf32, #tpu.memory_space<vmem>>, vector<1x16xf32>,
          %parallel_loop3A_297 = arith.constant 2 : i32
          %parallel_loop3A_298 = vector.broadcast %parallel_loop3A_297 : i32 to vector<16x1xi32>
          %parallel_loop3A_299 = vector.shape_cast %parallel_loop3A_298 : vector<16x1xi32> to vector<16xi32>
          %parallel_loop3A_300 = tpu.dynamic_gather %parallel_loop3A_263[%parallel_loop3A_299] in [0] : vector<16xf32>, vector<16xi32> -> vector<16xf32>
          %parallel_loop3A_301 = arith.index_cast %parallel_loop3A_246 : i32 to index
          %parallel_loop3A_302 = arith.constant 32 : index
          %parallel_loop3A_303 = tpu.vector_load %arg13[%parallel_loop3A_301, %parallel_loop3A_302] {strides = array<i32>} : memref<80x144xf32, #tpu.memory_space<vmem>>, vector<1x16xf32>,
          %parallel_loop3A_304 = vector.shape_cast %parallel_loop3A_303 : vector<1x16xf32> to vector<16xf32>
          %parallel_loop3A_305 = arith.mulf %parallel_loop3A_304, %parallel_loop3A_300 : vector<16xf32>
          %parallel_loop3A_306 = arith.index_cast %parallel_loop3A_246 : i32 to index
          %parallel_loop3A_307 = arith.constant 32 : index
          %parallel_loop3A_308 = tpu.vector_load %arg13[%parallel_loop3A_306, %parallel_loop3A_307] {strides = array<i32>} : memref<80x144xf32, #tpu.memory_space<vmem>>, vector<1x16xf32>,
          %parallel_loop3A_309 = vector.shape_cast %parallel_loop3A_308 : vector<1x16xf32> to vector<16xf32>
          %parallel_loop3A_310 = vector.shape_cast %parallel_loop3A_305 : vector<16xf32> to vector<1x16xf32>
          tpu.vector_store %arg13[%parallel_loop3A_306, %parallel_loop3A_307], %parallel_loop3A_310 {strides = array<i32>} : memref<80x144xf32, #tpu.memory_space<vmem>>, vector<1x16xf32>,
          %parallel_loop3A_311 = arith.constant 3 : i32
          %parallel_loop3A_312 = vector.broadcast %parallel_loop3A_311 : i32 to vector<16x1xi32>
          %parallel_loop3A_313 = vector.shape_cast %parallel_loop3A_312 : vector<16x1xi32> to vector<16xi32>
          %parallel_loop3A_314 = tpu.dynamic_gather %parallel_loop3A_263[%parallel_loop3A_313] in [0] : vector<16xf32>, vector<16xi32> -> vector<16xf32>
          %parallel_loop3A_315 = arith.index_cast %parallel_loop3A_246 : i32 to index
          %parallel_loop3A_316 = arith.constant 48 : index
          %parallel_loop3A_317 = tpu.vector_load %arg13[%parallel_loop3A_315, %parallel_loop3A_316] {strides = array<i32>} : memref<80x144xf32, #tpu.memory_space<vmem>>, vector<1x16xf32>,
          %parallel_loop3A_318 = vector.shape_cast %parallel_loop3A_317 : vector<1x16xf32> to vector<16xf32>
          %parallel_loop3A_319 = arith.mulf %parallel_loop3A_318, %parallel_loop3A_314 : vector<16xf32>
          %parallel_loop3A_320 = arith.index_cast %parallel_loop3A_246 : i32 to index
          %parallel_loop3A_321 = arith.constant 48 : index
          %parallel_loop3A_322 = tpu.vector_load %arg13[%parallel_loop3A_320, %parallel_loop3A_321] {strides = array<i32>} : memref<80x144xf32, #tpu.memory_space<vmem>>, vector<1x16xf32>,
          %parallel_loop3A_323 = vector.shape_cast %parallel_loop3A_322 : vector<1x16xf32> to vector<16xf32>
          %parallel_loop3A_324 = vector.shape_cast %parallel_loop3A_319 : vector<16xf32> to vector<1x16xf32>
          tpu.vector_store %arg13[%parallel_loop3A_320, %parallel_loop3A_321], %parallel_loop3A_324 {strides = array<i32>} : memref<80x144xf32, #tpu.memory_space<vmem>>, vector<1x16xf32>,
          %parallel_loop3A_325 = arith.constant 4 : i32
          %parallel_loop3A_326 = vector.broadcast %parallel_loop3A_325 : i32 to vector<16x1xi32>
          %parallel_loop3A_327 = vector.shape_cast %parallel_loop3A_326 : vector<16x1xi32> to vector<16xi32>
          %parallel_loop3A_328 = tpu.dynamic_gather %parallel_loop3A_263[%parallel_loop3A_327] in [0] : vector<16xf32>, vector<16xi32> -> vector<16xf32>
          %parallel_loop3A_329 = arith.index_cast %parallel_loop3A_246 : i32 to index
          %parallel_loop3A_330 = arith.constant 64 : index
          %parallel_loop3A_331 = tpu.vector_load %arg13[%parallel_loop3A_329, %parallel_loop3A_330] {strides = array<i32>} : memref<80x144xf32, #tpu.memory_space<vmem>>, vector<1x16xf32>,
          %parallel_loop3A_332 = vector.shape_cast %parallel_loop3A_331 : vector<1x16xf32> to vector<16xf32>
          %parallel_loop3A_333 = arith.mulf %parallel_loop3A_332, %parallel_loop3A_328 : vector<16xf32>
          %parallel_loop3A_334 = arith.index_cast %parallel_loop3A_246 : i32 to index
          %parallel_loop3A_335 = arith.constant 64 : index
          %parallel_loop3A_336 = tpu.vector_load %arg13[%parallel_loop3A_334, %parallel_loop3A_335] {strides = array<i32>} : memref<80x144xf32, #tpu.memory_space<vmem>>, vector<1x16xf32>,
          %parallel_loop3A_337 = vector.shape_cast %parallel_loop3A_336 : vector<1x16xf32> to vector<16xf32>
          %parallel_loop3A_338 = vector.shape_cast %parallel_loop3A_333 : vector<16xf32> to vector<1x16xf32>
          tpu.vector_store %arg13[%parallel_loop3A_334, %parallel_loop3A_335], %parallel_loop3A_338 {strides = array<i32>} : memref<80x144xf32, #tpu.memory_space<vmem>>, vector<1x16xf32>,
          %parallel_loop3A_339 = arith.constant 5 : i32
          %parallel_loop3A_340 = vector.broadcast %parallel_loop3A_339 : i32 to vector<16x1xi32>
          %parallel_loop3A_341 = vector.shape_cast %parallel_loop3A_340 : vector<16x1xi32> to vector<16xi32>
          %parallel_loop3A_342 = tpu.dynamic_gather %parallel_loop3A_263[%parallel_loop3A_341] in [0] : vector<16xf32>, vector<16xi32> -> vector<16xf32>
          %parallel_loop3A_343 = arith.index_cast %parallel_loop3A_246 : i32 to index
          %parallel_loop3A_344 = arith.constant 80 : index
          %parallel_loop3A_345 = tpu.vector_load %arg13[%parallel_loop3A_343, %parallel_loop3A_344] {strides = array<i32>} : memref<80x144xf32, #tpu.memory_space<vmem>>, vector<1x16xf32>,
          %parallel_loop3A_346 = vector.shape_cast %parallel_loop3A_345 : vector<1x16xf32> to vector<16xf32>
          %parallel_loop3A_347 = arith.mulf %parallel_loop3A_346, %parallel_loop3A_342 : vector<16xf32>
          %parallel_loop3A_348 = arith.index_cast %parallel_loop3A_246 : i32 to index
          %parallel_loop3A_349 = arith.constant 80 : index
          %parallel_loop3A_350 = tpu.vector_load %arg13[%parallel_loop3A_348, %parallel_loop3A_349] {strides = array<i32>} : memref<80x144xf32, #tpu.memory_space<vmem>>, vector<1x16xf32>,
          %parallel_loop3A_351 = vector.shape_cast %parallel_loop3A_350 : vector<1x16xf32> to vector<16xf32>
          %parallel_loop3A_352 = vector.shape_cast %parallel_loop3A_347 : vector<16xf32> to vector<1x16xf32>
          tpu.vector_store %arg13[%parallel_loop3A_348, %parallel_loop3A_349], %parallel_loop3A_352 {strides = array<i32>} : memref<80x144xf32, #tpu.memory_space<vmem>>, vector<1x16xf32>,
          %parallel_loop3A_353 = arith.constant 6 : i32
          %parallel_loop3A_354 = vector.broadcast %parallel_loop3A_353 : i32 to vector<16x1xi32>
          %parallel_loop3A_355 = vector.shape_cast %parallel_loop3A_354 : vector<16x1xi32> to vector<16xi32>
          %parallel_loop3A_356 = tpu.dynamic_gather %parallel_loop3A_263[%parallel_loop3A_355] in [0] : vector<16xf32>, vector<16xi32> -> vector<16xf32>
          %parallel_loop3A_357 = arith.index_cast %parallel_loop3A_246 : i32 to index
          %parallel_loop3A_358 = arith.constant 96 : index
          %parallel_loop3A_359 = tpu.vector_load %arg13[%parallel_loop3A_357, %parallel_loop3A_358] {strides = array<i32>} : memref<80x144xf32, #tpu.memory_space<vmem>>, vector<1x16xf32>,
          %parallel_loop3A_360 = vector.shape_cast %parallel_loop3A_359 : vector<1x16xf32> to vector<16xf32>
          %parallel_loop3A_361 = arith.mulf %parallel_loop3A_360, %parallel_loop3A_356 : vector<16xf32>
          %parallel_loop3A_362 = arith.index_cast %parallel_loop3A_246 : i32 to index
          %parallel_loop3A_363 = arith.constant 96 : index
          %parallel_loop3A_364 = tpu.vector_load %arg13[%parallel_loop3A_362, %parallel_loop3A_363] {strides = array<i32>} : memref<80x144xf32, #tpu.memory_space<vmem>>, vector<1x16xf32>,
          %parallel_loop3A_365 = vector.shape_cast %parallel_loop3A_364 : vector<1x16xf32> to vector<16xf32>
          %parallel_loop3A_366 = vector.shape_cast %parallel_loop3A_361 : vector<16xf32> to vector<1x16xf32>
          tpu.vector_store %arg13[%parallel_loop3A_362, %parallel_loop3A_363], %parallel_loop3A_366 {strides = array<i32>} : memref<80x144xf32, #tpu.memory_space<vmem>>, vector<1x16xf32>,
          %parallel_loop3A_367 = arith.constant 7 : i32
          %parallel_loop3A_368 = vector.broadcast %parallel_loop3A_367 : i32 to vector<16x1xi32>
          %parallel_loop3A_369 = vector.shape_cast %parallel_loop3A_368 : vector<16x1xi32> to vector<16xi32>
          %parallel_loop3A_370 = tpu.dynamic_gather %parallel_loop3A_263[%parallel_loop3A_369] in [0] : vector<16xf32>, vector<16xi32> -> vector<16xf32>
          %parallel_loop3A_371 = arith.index_cast %parallel_loop3A_246 : i32 to index
          %parallel_loop3A_372 = arith.constant 112 : index
          %parallel_loop3A_373 = tpu.vector_load %arg13[%parallel_loop3A_371, %parallel_loop3A_372] {strides = array<i32>} : memref<80x144xf32, #tpu.memory_space<vmem>>, vector<1x16xf32>,
          %parallel_loop3A_374 = vector.shape_cast %parallel_loop3A_373 : vector<1x16xf32> to vector<16xf32>
          %parallel_loop3A_375 = arith.mulf %parallel_loop3A_374, %parallel_loop3A_370 : vector<16xf32>
          %parallel_loop3A_376 = arith.index_cast %parallel_loop3A_246 : i32 to index
          %parallel_loop3A_377 = arith.constant 112 : index
          %parallel_loop3A_378 = tpu.vector_load %arg13[%parallel_loop3A_376, %parallel_loop3A_377] {strides = array<i32>} : memref<80x144xf32, #tpu.memory_space<vmem>>, vector<1x16xf32>,
          %parallel_loop3A_379 = vector.shape_cast %parallel_loop3A_378 : vector<1x16xf32> to vector<16xf32>
          %parallel_loop3A_380 = vector.shape_cast %parallel_loop3A_375 : vector<16xf32> to vector<1x16xf32>
          tpu.vector_store %arg13[%parallel_loop3A_376, %parallel_loop3A_377], %parallel_loop3A_380 {strides = array<i32>} : memref<80x144xf32, #tpu.memory_space<vmem>>, vector<1x16xf32>,
        } {sc.loop_unroll_factor = 4 : i64, sc.parallel_access}
        %dma_start3A_239 = arith.constant 2 : i32
        %dma_start3A_240 = arith.constant 0 : i32
        %dma_start3A_241 = tpu.memref_slice %arg7[%dma_start3A_239, %dma_start3A_240] : memref<3x80xi32, #tpu.memory_space<vmem>> -> memref<1x80xi32, #tpu.memory_space<vmem>>
        %dma_start3A_242 = tpu.memref_squeeze %dma_start3A_241 : memref<1x80xi32, #tpu.memory_space<vmem>> -> memref<80xi32, #tpu.memory_space<vmem>>
        %dma_start3A_243 = arith.constant 0 : i32
        %dma_start3A_244 = arith.constant 0 : i32
        %dma_start3A_245 = tpu.memref_slice %arg14[%dma_start3A_243, %dma_start3A_244] : memref<10000x144xf32, #tpu.memory_space<vmem_shared>> -> memref<10000x144xf32, #tpu.memory_space<vmem_shared>>
        tpu.enqueue_indirect_dma source(%arg13 : memref<80x144xf32, #tpu.memory_space<vmem>>) target(%dma_start3A_245 : memref<10000x144xf32, #tpu.memory_space<vmem_shared>>) offsets(%dma_start3A_242 : memref<80xi32, #tpu.memory_space<vmem>>) semaphore(%arg18 : memref<!tpu.dma_semaphore, #tpu.memory_space<semaphore_mem>>) {add = true}
      } else {
      }
      %mul3A_177 = arith.constant 6 : i32
      %mul3A_178 = arith.muli %mul3A_177, %scan3A_85 : i32
      %add3A_179 = arith.constant 4 : i32
      %add3A_180 = arith.addi %mul3A_178, %add3A_179 : i32
      %add3A_181 = arith.constant 1 : i32
      %add3A_182 = arith.addi %add3A_180, %add3A_181 : i32
      %lt3A_183 = arith.constant 250 : i32
      %lt3A_184 = arith.cmpi slt, %add3A_182, %lt3A_183 : i32
      %convert_element_type3A_185 = arith.extui %lt3A_184 : i1 to i32
      %cond3A_186 = arith.constant 0 : i32
      %cond3A_187 = arith.cmpi ne, %convert_element_type3A_185, %cond3A_186 : i32
      scf.if %cond3A_187 {
        %add3A_223 = arith.constant 1 : i32
        %add3A_224 = arith.addi %add3A_180, %add3A_223 : i32
        %ge3A = arith.constant 2 : i32
        %ge3A_225 = arith.cmpi sge, %add3A_224, %ge3A : i32
        %convert_element_type3A_226 = arith.extui %ge3A_225 : i1 to i32
        %cond3A_227 = arith.constant 0 : i32
        %cond3A_228 = arith.cmpi ne, %convert_element_type3A_226, %cond3A_227 : i32
        scf.if %cond3A_228 {
          %dma_wait3A_257 = arith.constant 2 : i32
          %dma_wait3A_258 = arith.constant 0 : i32
          %dma_wait3A_259 = tpu.memref_slice %arg7[%dma_wait3A_257, %dma_wait3A_258] : memref<3x80xi32, #tpu.memory_space<vmem>> -> memref<1x80xi32, #tpu.memory_space<vmem>>
          %dma_wait3A_260 = tpu.memref_squeeze %dma_wait3A_259 : memref<1x80xi32, #tpu.memory_space<vmem>> -> memref<80xi32, #tpu.memory_space<vmem>>
          %dma_wait3A_261 = arith.constant 0 : i32
          %dma_wait3A_262 = arith.constant 0 : i32
          %dma_wait3A_263 = tpu.memref_slice %arg14[%dma_wait3A_261, %dma_wait3A_262] : memref<10000x144xf32, #tpu.memory_space<vmem_shared>> -> memref<10000x144xf32, #tpu.memory_space<vmem_shared>>
          tpu.wait_indirect_dma semaphore(%arg18 : memref<!tpu.dma_semaphore, #tpu.memory_space<semaphore_mem>>) src(%arg13 : memref<80x144xf32, #tpu.memory_space<vmem>>) dst(%dma_wait3A_263 : memref<10000x144xf32, #tpu.memory_space<vmem_shared>>)
        } else {
        }
        %mul3A_229 = arith.constant 4000 : i32
        %mul3A_230 = arith.muli %arg0, %mul3A_229 : i32
        %add3A_231 = arith.addi %mul3A_230, %arg1 : i32
        %mul3A_232 = arith.constant 16 : i32
        %mul3A_233 = arith.muli %add3A_224, %mul3A_232 : i32
        %add3A_234 = arith.addi %add3A_231, %mul3A_233 : i32
        %dma_wait3A_235 = arith.constant 0 : i32
        %dma_wait3A_236 = arith.constant 0 : i32
        %dma_wait3A_237 = tpu.memref_slice %arg4[%add3A_234, %dma_wait3A_235, %dma_wait3A_236] : memref<8000x3x80xi32, #tpu.memory_space<hbm>> -> memref<1x3x80xi32, #tpu.memory_space<hbm>>
        %dma_wait3A_238 = tpu.memref_squeeze %dma_wait3A_237 : memref<1x3x80xi32, #tpu.memory_space<hbm>> -> memref<3x80xi32, #tpu.memory_space<hbm>>
        %dma_wait3A_239 = arith.constant 0 : i32
        %dma_wait3A_240 = arith.constant 0 : i32
        %dma_wait3A_241 = tpu.memref_slice %arg4[%add3A_234, %dma_wait3A_239, %dma_wait3A_240] : memref<8000x3x80xi32, #tpu.memory_space<hbm>> -> memref<1x3x80xi32, #tpu.memory_space<hbm>>
        %dma_wait3A_242 = tpu.memref_squeeze %dma_wait3A_241 : memref<1x3x80xi32, #tpu.memory_space<hbm>> -> memref<3x80xi32, #tpu.memory_space<hbm>>
        tpu.wait_dma2 semaphore(%arg21 : memref<!tpu.dma_semaphore, #tpu.memory_space<semaphore_mem>>) src(%dma_wait3A_242 : memref<3x80xi32, #tpu.memory_space<hbm>>) dst(%arg9 : memref<3x80xi32, #tpu.memory_space<vmem>>)
        %dma_start3A_243 = arith.constant 1 : i32
        %dma_start3A_244 = arith.constant 0 : i32
        %dma_start3A_245 = tpu.memref_slice %arg9[%dma_start3A_243, %dma_start3A_244] : memref<3x80xi32, #tpu.memory_space<vmem>> -> memref<1x80xi32, #tpu.memory_space<vmem>>
        %dma_start3A_246 = tpu.memref_squeeze %dma_start3A_245 : memref<1x80xi32, #tpu.memory_space<vmem>> -> memref<80xi32, #tpu.memory_space<vmem>>
        %dma_start3A_247 = arith.constant 0 : i32
        %dma_start3A_248 = arith.constant 0 : i32
        %dma_start3A_249 = tpu.memref_slice %arg3[%dma_start3A_247, %dma_start3A_248] : memref<20000x16xf32, #tpu.memory_space<hbm>> -> memref<20000x16xf32, #tpu.memory_space<hbm>>
        tpu.enqueue_indirect_dma source(%dma_start3A_249 : memref<20000x16xf32, #tpu.memory_space<hbm>>) target(%arg11 : memref<80x16xf32, #tpu.memory_space<vmem>>) offsets(%dma_start3A_246 : memref<80xi32, #tpu.memory_space<vmem>>) semaphore(%arg16 : memref<!tpu.dma_semaphore, #tpu.memory_space<semaphore_mem>>)
        %dma_start3A_250 = arith.constant 0 : i32
        %dma_start3A_251 = arith.constant 0 : i32
        %dma_start3A_252 = tpu.memref_slice %arg9[%dma_start3A_250, %dma_start3A_251] : memref<3x80xi32, #tpu.memory_space<vmem>> -> memref<1x80xi32, #tpu.memory_space<vmem>>
        %dma_start3A_253 = tpu.memref_squeeze %dma_start3A_252 : memref<1x80xi32, #tpu.memory_space<vmem>> -> memref<80xi32, #tpu.memory_space<vmem>>
        %dma_start3A_254 = arith.constant 0 : i32
        %dma_start3A_255 = arith.constant 0 : i32
        %dma_start3A_256 = tpu.memref_slice %arg2[%dma_start3A_254, %dma_start3A_255] : memref<20000x144xf32, #tpu.memory_space<hbm>> -> memref<20000x144xf32, #tpu.memory_space<hbm>>
        tpu.enqueue_indirect_dma source(%dma_start3A_256 : memref<20000x144xf32, #tpu.memory_space<hbm>>) target(%arg13 : memref<80x144xf32, #tpu.memory_space<vmem>>) offsets(%dma_start3A_253 : memref<80xi32, #tpu.memory_space<vmem>>) semaphore(%arg16 : memref<!tpu.dma_semaphore, #tpu.memory_space<semaphore_mem>>)
      } else {
      }
      %add3A_188 = arith.constant 2 : i32
      %add3A_189 = arith.addi %add3A_180, %add3A_188 : i32
      %lt3A_190 = arith.constant 250 : i32
      %lt3A_191 = arith.cmpi slt, %add3A_189, %lt3A_190 : i32
      %convert_element_type3A_192 = arith.extui %lt3A_191 : i1 to i32
      %cond3A_193 = arith.constant 0 : i32
      %cond3A_194 = arith.cmpi ne, %convert_element_type3A_192, %cond3A_193 : i32
      scf.if %cond3A_194 {
        %add3A_223 = arith.constant 2 : i32
        %add3A_224 = arith.addi %add3A_180, %add3A_223 : i32
        %mul3A_225 = arith.constant 4000 : i32
        %mul3A_226 = arith.muli %arg0, %mul3A_225 : i32
        %add3A_227 = arith.addi %mul3A_226, %arg1 : i32
        %mul3A_228 = arith.constant 16 : i32
        %mul3A_229 = arith.muli %add3A_224, %mul3A_228 : i32
        %add3A_230 = arith.addi %add3A_227, %mul3A_229 : i32
        %dma_start3A_231 = arith.constant 0 : i32
        %dma_start3A_232 = arith.constant 0 : i32
        %dma_start3A_233 = tpu.memref_slice %arg4[%add3A_230, %dma_start3A_231, %dma_start3A_232] : memref<8000x3x80xi32, #tpu.memory_space<hbm>> -> memref<1x3x80xi32, #tpu.memory_space<hbm>>
        %dma_start3A_234 = tpu.memref_squeeze %dma_start3A_233 : memref<1x3x80xi32, #tpu.memory_space<hbm>> -> memref<3x80xi32, #tpu.memory_space<hbm>>
        %dma_start3A_235 = arith.constant 0 : i32
        %dma_start3A_236 = arith.constant 0 : i32
        %dma_start3A_237 = tpu.memref_slice %arg4[%add3A_230, %dma_start3A_235, %dma_start3A_236] : memref<8000x3x80xi32, #tpu.memory_space<hbm>> -> memref<1x3x80xi32, #tpu.memory_space<hbm>>
        %dma_start3A_238 = tpu.memref_squeeze %dma_start3A_237 : memref<1x3x80xi32, #tpu.memory_space<hbm>> -> memref<3x80xi32, #tpu.memory_space<hbm>>
        tpu.enqueue_dma source(%dma_start3A_238 : memref<3x80xi32, #tpu.memory_space<hbm>>) target(%arg7 : memref<3x80xi32, #tpu.memory_space<vmem>>) target_semaphore(%arg19 : memref<!tpu.dma_semaphore, #tpu.memory_space<semaphore_mem>>)
      } else {
      }
      %lt3A_195 = arith.constant 250 : i32
      %lt3A_196 = arith.cmpi slt, %add3A_180, %lt3A_195 : i32
      %convert_element_type3A_197 = arith.extui %lt3A_196 : i1 to i32
      %cond3A_198 = arith.constant 0 : i32
      %cond3A_199 = arith.cmpi ne, %convert_element_type3A_197, %cond3A_198 : i32
      scf.if %cond3A_199 {
        %dma_wait3A_223 = arith.constant 1 : i32
        %dma_wait3A_224 = arith.constant 0 : i32
        %dma_wait3A_225 = tpu.memref_slice %arg8[%dma_wait3A_223, %dma_wait3A_224] : memref<3x80xi32, #tpu.memory_space<vmem>> -> memref<1x80xi32, #tpu.memory_space<vmem>>
        %dma_wait3A_226 = tpu.memref_squeeze %dma_wait3A_225 : memref<1x80xi32, #tpu.memory_space<vmem>> -> memref<80xi32, #tpu.memory_space<vmem>>
        %dma_wait3A_227 = arith.constant 0 : i32
        %dma_wait3A_228 = arith.constant 0 : i32
        %dma_wait3A_229 = tpu.memref_slice %arg3[%dma_wait3A_227, %dma_wait3A_228] : memref<20000x16xf32, #tpu.memory_space<hbm>> -> memref<20000x16xf32, #tpu.memory_space<hbm>>
        tpu.wait_indirect_dma semaphore(%arg15 : memref<!tpu.dma_semaphore, #tpu.memory_space<semaphore_mem>>) src(%dma_wait3A_229 : memref<20000x16xf32, #tpu.memory_space<hbm>>) dst(%arg10 : memref<80x16xf32, #tpu.memory_space<vmem>>)
        %dma_wait3A_230 = arith.constant 0 : i32
        %dma_wait3A_231 = arith.constant 0 : i32
        %dma_wait3A_232 = tpu.memref_slice %arg8[%dma_wait3A_230, %dma_wait3A_231] : memref<3x80xi32, #tpu.memory_space<vmem>> -> memref<1x80xi32, #tpu.memory_space<vmem>>
        %dma_wait3A_233 = tpu.memref_squeeze %dma_wait3A_232 : memref<1x80xi32, #tpu.memory_space<vmem>> -> memref<80xi32, #tpu.memory_space<vmem>>
        %dma_wait3A_234 = arith.constant 0 : i32
        %dma_wait3A_235 = arith.constant 0 : i32
        %dma_wait3A_236 = tpu.memref_slice %arg2[%dma_wait3A_234, %dma_wait3A_235] : memref<20000x144xf32, #tpu.memory_space<hbm>> -> memref<20000x144xf32, #tpu.memory_space<hbm>>
        tpu.wait_indirect_dma semaphore(%arg15 : memref<!tpu.dma_semaphore, #tpu.memory_space<semaphore_mem>>) src(%dma_wait3A_236 : memref<20000x144xf32, #tpu.memory_space<hbm>>) dst(%arg12 : memref<80x144xf32, #tpu.memory_space<vmem>>)
        %parallel_loop3A = arith.constant 0 : i32
        %parallel_loop3A_237 = arith.constant 80 : i32
        %parallel_loop3A_238 = arith.constant 1 : i32
        scf.for %parallel_loop3A_246 = %parallel_loop3A to %parallel_loop3A_237 step %parallel_loop3A_238  : i32 {
          %parallel_loop3A_247 = arith.index_cast %parallel_loop3A_246 : i32 to index
          %parallel_loop3A_248 = arith.constant 128 : index
          %parallel_loop3A_249 = tpu.vector_load %arg12[%parallel_loop3A_247, %parallel_loop3A_248] {strides = array<i32>} : memref<80x144xf32, #tpu.memory_space<vmem>>, vector<1x16xf32>,
          %parallel_loop3A_250 = vector.shape_cast %parallel_loop3A_249 : vector<1x16xf32> to vector<16xf32>
          %parallel_loop3A_251 = arith.index_cast %parallel_loop3A_246 : i32 to index
          %parallel_loop3A_252 = arith.constant 0 : index
          %parallel_loop3A_253 = tpu.vector_load %arg10[%parallel_loop3A_251, %parallel_loop3A_252] {strides = array<i32>} : memref<80x16xf32, #tpu.memory_space<vmem>>, vector<1x16xf32>,
          %parallel_loop3A_254 = vector.shape_cast %parallel_loop3A_253 : vector<1x16xf32> to vector<16xf32>
          %parallel_loop3A_255 = arith.addf %parallel_loop3A_250, %parallel_loop3A_254 : vector<16xf32>
          %parallel_loop3A_256 = arith.constant 0.000000e+00 : f32
          %parallel_loop3A_257 = vector.broadcast %parallel_loop3A_256 : f32 to vector<16xf32>
          %parallel_loop3A_258 = arith.cmpf oge, %parallel_loop3A_255, %parallel_loop3A_257 : vector<16xf32>
          %parallel_loop3A_259 = arith.constant 2.000000e-01 : f32
          %parallel_loop3A_260 = vector.broadcast %parallel_loop3A_259 : f32 to vector<16xf32>
          %parallel_loop3A_261 = arith.mulf %parallel_loop3A_260, %parallel_loop3A_255 : vector<16xf32>
          %parallel_loop3A_262 = arith.select %parallel_loop3A_258, %parallel_loop3A_255, %parallel_loop3A_261 : vector<16xi1>, vector<16xf32>
          %parallel_loop3A_263 = math.exp %parallel_loop3A_262 : vector<16xf32>
          %parallel_loop3A_264 = arith.index_cast %parallel_loop3A_246 : i32 to index
          %parallel_loop3A_265 = arith.constant 128 : index
          %parallel_loop3A_266 = tpu.vector_load %arg12[%parallel_loop3A_264, %parallel_loop3A_265] {strides = array<i32>} : memref<80x144xf32, #tpu.memory_space<vmem>>, vector<1x16xf32>,
          %parallel_loop3A_267 = vector.shape_cast %parallel_loop3A_266 : vector<1x16xf32> to vector<16xf32>
          %parallel_loop3A_268 = vector.shape_cast %parallel_loop3A_263 : vector<16xf32> to vector<1x16xf32>
          tpu.vector_store %arg12[%parallel_loop3A_264, %parallel_loop3A_265], %parallel_loop3A_268 {strides = array<i32>} : memref<80x144xf32, #tpu.memory_space<vmem>>, vector<1x16xf32>,
          %parallel_loop3A_269 = arith.constant 0 : i32
          %parallel_loop3A_270 = vector.broadcast %parallel_loop3A_269 : i32 to vector<16x1xi32>
          %parallel_loop3A_271 = vector.shape_cast %parallel_loop3A_270 : vector<16x1xi32> to vector<16xi32>
          %parallel_loop3A_272 = tpu.dynamic_gather %parallel_loop3A_263[%parallel_loop3A_271] in [0] : vector<16xf32>, vector<16xi32> -> vector<16xf32>
          %parallel_loop3A_273 = arith.index_cast %parallel_loop3A_246 : i32 to index
          %parallel_loop3A_274 = arith.constant 0 : index
          %parallel_loop3A_275 = tpu.vector_load %arg12[%parallel_loop3A_273, %parallel_loop3A_274] {strides = array<i32>} : memref<80x144xf32, #tpu.memory_space<vmem>>, vector<1x16xf32>,
          %parallel_loop3A_276 = vector.shape_cast %parallel_loop3A_275 : vector<1x16xf32> to vector<16xf32>
          %parallel_loop3A_277 = arith.mulf %parallel_loop3A_276, %parallel_loop3A_272 : vector<16xf32>
          %parallel_loop3A_278 = arith.index_cast %parallel_loop3A_246 : i32 to index
          %parallel_loop3A_279 = arith.constant 0 : index
          %parallel_loop3A_280 = tpu.vector_load %arg12[%parallel_loop3A_278, %parallel_loop3A_279] {strides = array<i32>} : memref<80x144xf32, #tpu.memory_space<vmem>>, vector<1x16xf32>,
          %parallel_loop3A_281 = vector.shape_cast %parallel_loop3A_280 : vector<1x16xf32> to vector<16xf32>
          %parallel_loop3A_282 = vector.shape_cast %parallel_loop3A_277 : vector<16xf32> to vector<1x16xf32>
          tpu.vector_store %arg12[%parallel_loop3A_278, %parallel_loop3A_279], %parallel_loop3A_282 {strides = array<i32>} : memref<80x144xf32, #tpu.memory_space<vmem>>, vector<1x16xf32>,
          %parallel_loop3A_283 = arith.constant 1 : i32
          %parallel_loop3A_284 = vector.broadcast %parallel_loop3A_283 : i32 to vector<16x1xi32>
          %parallel_loop3A_285 = vector.shape_cast %parallel_loop3A_284 : vector<16x1xi32> to vector<16xi32>
          %parallel_loop3A_286 = tpu.dynamic_gather %parallel_loop3A_263[%parallel_loop3A_285] in [0] : vector<16xf32>, vector<16xi32> -> vector<16xf32>
          %parallel_loop3A_287 = arith.index_cast %parallel_loop3A_246 : i32 to index
          %parallel_loop3A_288 = arith.constant 16 : index
          %parallel_loop3A_289 = tpu.vector_load %arg12[%parallel_loop3A_287, %parallel_loop3A_288] {strides = array<i32>} : memref<80x144xf32, #tpu.memory_space<vmem>>, vector<1x16xf32>,
          %parallel_loop3A_290 = vector.shape_cast %parallel_loop3A_289 : vector<1x16xf32> to vector<16xf32>
          %parallel_loop3A_291 = arith.mulf %parallel_loop3A_290, %parallel_loop3A_286 : vector<16xf32>
          %parallel_loop3A_292 = arith.index_cast %parallel_loop3A_246 : i32 to index
          %parallel_loop3A_293 = arith.constant 16 : index
          %parallel_loop3A_294 = tpu.vector_load %arg12[%parallel_loop3A_292, %parallel_loop3A_293] {strides = array<i32>} : memref<80x144xf32, #tpu.memory_space<vmem>>, vector<1x16xf32>,
          %parallel_loop3A_295 = vector.shape_cast %parallel_loop3A_294 : vector<1x16xf32> to vector<16xf32>
          %parallel_loop3A_296 = vector.shape_cast %parallel_loop3A_291 : vector<16xf32> to vector<1x16xf32>
          tpu.vector_store %arg12[%parallel_loop3A_292, %parallel_loop3A_293], %parallel_loop3A_296 {strides = array<i32>} : memref<80x144xf32, #tpu.memory_space<vmem>>, vector<1x16xf32>,
          %parallel_loop3A_297 = arith.constant 2 : i32
          %parallel_loop3A_298 = vector.broadcast %parallel_loop3A_297 : i32 to vector<16x1xi32>
          %parallel_loop3A_299 = vector.shape_cast %parallel_loop3A_298 : vector<16x1xi32> to vector<16xi32>
          %parallel_loop3A_300 = tpu.dynamic_gather %parallel_loop3A_263[%parallel_loop3A_299] in [0] : vector<16xf32>, vector<16xi32> -> vector<16xf32>
          %parallel_loop3A_301 = arith.index_cast %parallel_loop3A_246 : i32 to index
          %parallel_loop3A_302 = arith.constant 32 : index
          %parallel_loop3A_303 = tpu.vector_load %arg12[%parallel_loop3A_301, %parallel_loop3A_302] {strides = array<i32>} : memref<80x144xf32, #tpu.memory_space<vmem>>, vector<1x16xf32>,
          %parallel_loop3A_304 = vector.shape_cast %parallel_loop3A_303 : vector<1x16xf32> to vector<16xf32>
          %parallel_loop3A_305 = arith.mulf %parallel_loop3A_304, %parallel_loop3A_300 : vector<16xf32>
          %parallel_loop3A_306 = arith.index_cast %parallel_loop3A_246 : i32 to index
          %parallel_loop3A_307 = arith.constant 32 : index
          %parallel_loop3A_308 = tpu.vector_load %arg12[%parallel_loop3A_306, %parallel_loop3A_307] {strides = array<i32>} : memref<80x144xf32, #tpu.memory_space<vmem>>, vector<1x16xf32>,
          %parallel_loop3A_309 = vector.shape_cast %parallel_loop3A_308 : vector<1x16xf32> to vector<16xf32>
          %parallel_loop3A_310 = vector.shape_cast %parallel_loop3A_305 : vector<16xf32> to vector<1x16xf32>
          tpu.vector_store %arg12[%parallel_loop3A_306, %parallel_loop3A_307], %parallel_loop3A_310 {strides = array<i32>} : memref<80x144xf32, #tpu.memory_space<vmem>>, vector<1x16xf32>,
          %parallel_loop3A_311 = arith.constant 3 : i32
          %parallel_loop3A_312 = vector.broadcast %parallel_loop3A_311 : i32 to vector<16x1xi32>
          %parallel_loop3A_313 = vector.shape_cast %parallel_loop3A_312 : vector<16x1xi32> to vector<16xi32>
          %parallel_loop3A_314 = tpu.dynamic_gather %parallel_loop3A_263[%parallel_loop3A_313] in [0] : vector<16xf32>, vector<16xi32> -> vector<16xf32>
          %parallel_loop3A_315 = arith.index_cast %parallel_loop3A_246 : i32 to index
          %parallel_loop3A_316 = arith.constant 48 : index
          %parallel_loop3A_317 = tpu.vector_load %arg12[%parallel_loop3A_315, %parallel_loop3A_316] {strides = array<i32>} : memref<80x144xf32, #tpu.memory_space<vmem>>, vector<1x16xf32>,
          %parallel_loop3A_318 = vector.shape_cast %parallel_loop3A_317 : vector<1x16xf32> to vector<16xf32>
          %parallel_loop3A_319 = arith.mulf %parallel_loop3A_318, %parallel_loop3A_314 : vector<16xf32>
          %parallel_loop3A_320 = arith.index_cast %parallel_loop3A_246 : i32 to index
          %parallel_loop3A_321 = arith.constant 48 : index
          %parallel_loop3A_322 = tpu.vector_load %arg12[%parallel_loop3A_320, %parallel_loop3A_321] {strides = array<i32>} : memref<80x144xf32, #tpu.memory_space<vmem>>, vector<1x16xf32>,
          %parallel_loop3A_323 = vector.shape_cast %parallel_loop3A_322 : vector<1x16xf32> to vector<16xf32>
          %parallel_loop3A_324 = vector.shape_cast %parallel_loop3A_319 : vector<16xf32> to vector<1x16xf32>
          tpu.vector_store %arg12[%parallel_loop3A_320, %parallel_loop3A_321], %parallel_loop3A_324 {strides = array<i32>} : memref<80x144xf32, #tpu.memory_space<vmem>>, vector<1x16xf32>,
          %parallel_loop3A_325 = arith.constant 4 : i32
          %parallel_loop3A_326 = vector.broadcast %parallel_loop3A_325 : i32 to vector<16x1xi32>
          %parallel_loop3A_327 = vector.shape_cast %parallel_loop3A_326 : vector<16x1xi32> to vector<16xi32>
          %parallel_loop3A_328 = tpu.dynamic_gather %parallel_loop3A_263[%parallel_loop3A_327] in [0] : vector<16xf32>, vector<16xi32> -> vector<16xf32>
          %parallel_loop3A_329 = arith.index_cast %parallel_loop3A_246 : i32 to index
          %parallel_loop3A_330 = arith.constant 64 : index
          %parallel_loop3A_331 = tpu.vector_load %arg12[%parallel_loop3A_329, %parallel_loop3A_330] {strides = array<i32>} : memref<80x144xf32, #tpu.memory_space<vmem>>, vector<1x16xf32>,
          %parallel_loop3A_332 = vector.shape_cast %parallel_loop3A_331 : vector<1x16xf32> to vector<16xf32>
          %parallel_loop3A_333 = arith.mulf %parallel_loop3A_332, %parallel_loop3A_328 : vector<16xf32>
          %parallel_loop3A_334 = arith.index_cast %parallel_loop3A_246 : i32 to index
          %parallel_loop3A_335 = arith.constant 64 : index
          %parallel_loop3A_336 = tpu.vector_load %arg12[%parallel_loop3A_334, %parallel_loop3A_335] {strides = array<i32>} : memref<80x144xf32, #tpu.memory_space<vmem>>, vector<1x16xf32>,
          %parallel_loop3A_337 = vector.shape_cast %parallel_loop3A_336 : vector<1x16xf32> to vector<16xf32>
          %parallel_loop3A_338 = vector.shape_cast %parallel_loop3A_333 : vector<16xf32> to vector<1x16xf32>
          tpu.vector_store %arg12[%parallel_loop3A_334, %parallel_loop3A_335], %parallel_loop3A_338 {strides = array<i32>} : memref<80x144xf32, #tpu.memory_space<vmem>>, vector<1x16xf32>,
          %parallel_loop3A_339 = arith.constant 5 : i32
          %parallel_loop3A_340 = vector.broadcast %parallel_loop3A_339 : i32 to vector<16x1xi32>
          %parallel_loop3A_341 = vector.shape_cast %parallel_loop3A_340 : vector<16x1xi32> to vector<16xi32>
          %parallel_loop3A_342 = tpu.dynamic_gather %parallel_loop3A_263[%parallel_loop3A_341] in [0] : vector<16xf32>, vector<16xi32> -> vector<16xf32>
          %parallel_loop3A_343 = arith.index_cast %parallel_loop3A_246 : i32 to index
          %parallel_loop3A_344 = arith.constant 80 : index
          %parallel_loop3A_345 = tpu.vector_load %arg12[%parallel_loop3A_343, %parallel_loop3A_344] {strides = array<i32>} : memref<80x144xf32, #tpu.memory_space<vmem>>, vector<1x16xf32>,
          %parallel_loop3A_346 = vector.shape_cast %parallel_loop3A_345 : vector<1x16xf32> to vector<16xf32>
          %parallel_loop3A_347 = arith.mulf %parallel_loop3A_346, %parallel_loop3A_342 : vector<16xf32>
          %parallel_loop3A_348 = arith.index_cast %parallel_loop3A_246 : i32 to index
          %parallel_loop3A_349 = arith.constant 80 : index
          %parallel_loop3A_350 = tpu.vector_load %arg12[%parallel_loop3A_348, %parallel_loop3A_349] {strides = array<i32>} : memref<80x144xf32, #tpu.memory_space<vmem>>, vector<1x16xf32>,
          %parallel_loop3A_351 = vector.shape_cast %parallel_loop3A_350 : vector<1x16xf32> to vector<16xf32>
          %parallel_loop3A_352 = vector.shape_cast %parallel_loop3A_347 : vector<16xf32> to vector<1x16xf32>
          tpu.vector_store %arg12[%parallel_loop3A_348, %parallel_loop3A_349], %parallel_loop3A_352 {strides = array<i32>} : memref<80x144xf32, #tpu.memory_space<vmem>>, vector<1x16xf32>,
          %parallel_loop3A_353 = arith.constant 6 : i32
          %parallel_loop3A_354 = vector.broadcast %parallel_loop3A_353 : i32 to vector<16x1xi32>
          %parallel_loop3A_355 = vector.shape_cast %parallel_loop3A_354 : vector<16x1xi32> to vector<16xi32>
          %parallel_loop3A_356 = tpu.dynamic_gather %parallel_loop3A_263[%parallel_loop3A_355] in [0] : vector<16xf32>, vector<16xi32> -> vector<16xf32>
          %parallel_loop3A_357 = arith.index_cast %parallel_loop3A_246 : i32 to index
          %parallel_loop3A_358 = arith.constant 96 : index
          %parallel_loop3A_359 = tpu.vector_load %arg12[%parallel_loop3A_357, %parallel_loop3A_358] {strides = array<i32>} : memref<80x144xf32, #tpu.memory_space<vmem>>, vector<1x16xf32>,
          %parallel_loop3A_360 = vector.shape_cast %parallel_loop3A_359 : vector<1x16xf32> to vector<16xf32>
          %parallel_loop3A_361 = arith.mulf %parallel_loop3A_360, %parallel_loop3A_356 : vector<16xf32>
          %parallel_loop3A_362 = arith.index_cast %parallel_loop3A_246 : i32 to index
          %parallel_loop3A_363 = arith.constant 96 : index
          %parallel_loop3A_364 = tpu.vector_load %arg12[%parallel_loop3A_362, %parallel_loop3A_363] {strides = array<i32>} : memref<80x144xf32, #tpu.memory_space<vmem>>, vector<1x16xf32>,
          %parallel_loop3A_365 = vector.shape_cast %parallel_loop3A_364 : vector<1x16xf32> to vector<16xf32>
          %parallel_loop3A_366 = vector.shape_cast %parallel_loop3A_361 : vector<16xf32> to vector<1x16xf32>
          tpu.vector_store %arg12[%parallel_loop3A_362, %parallel_loop3A_363], %parallel_loop3A_366 {strides = array<i32>} : memref<80x144xf32, #tpu.memory_space<vmem>>, vector<1x16xf32>,
          %parallel_loop3A_367 = arith.constant 7 : i32
          %parallel_loop3A_368 = vector.broadcast %parallel_loop3A_367 : i32 to vector<16x1xi32>
          %parallel_loop3A_369 = vector.shape_cast %parallel_loop3A_368 : vector<16x1xi32> to vector<16xi32>
          %parallel_loop3A_370 = tpu.dynamic_gather %parallel_loop3A_263[%parallel_loop3A_369] in [0] : vector<16xf32>, vector<16xi32> -> vector<16xf32>
          %parallel_loop3A_371 = arith.index_cast %parallel_loop3A_246 : i32 to index
          %parallel_loop3A_372 = arith.constant 112 : index
          %parallel_loop3A_373 = tpu.vector_load %arg12[%parallel_loop3A_371, %parallel_loop3A_372] {strides = array<i32>} : memref<80x144xf32, #tpu.memory_space<vmem>>, vector<1x16xf32>,
          %parallel_loop3A_374 = vector.shape_cast %parallel_loop3A_373 : vector<1x16xf32> to vector<16xf32>
          %parallel_loop3A_375 = arith.mulf %parallel_loop3A_374, %parallel_loop3A_370 : vector<16xf32>
          %parallel_loop3A_376 = arith.index_cast %parallel_loop3A_246 : i32 to index
          %parallel_loop3A_377 = arith.constant 112 : index
          %parallel_loop3A_378 = tpu.vector_load %arg12[%parallel_loop3A_376, %parallel_loop3A_377] {strides = array<i32>} : memref<80x144xf32, #tpu.memory_space<vmem>>, vector<1x16xf32>,
          %parallel_loop3A_379 = vector.shape_cast %parallel_loop3A_378 : vector<1x16xf32> to vector<16xf32>
          %parallel_loop3A_380 = vector.shape_cast %parallel_loop3A_375 : vector<16xf32> to vector<1x16xf32>
          tpu.vector_store %arg12[%parallel_loop3A_376, %parallel_loop3A_377], %parallel_loop3A_380 {strides = array<i32>} : memref<80x144xf32, #tpu.memory_space<vmem>>, vector<1x16xf32>,
        } {sc.loop_unroll_factor = 4 : i64, sc.parallel_access}
        %dma_start3A_239 = arith.constant 2 : i32
        %dma_start3A_240 = arith.constant 0 : i32
        %dma_start3A_241 = tpu.memref_slice %arg8[%dma_start3A_239, %dma_start3A_240] : memref<3x80xi32, #tpu.memory_space<vmem>> -> memref<1x80xi32, #tpu.memory_space<vmem>>
        %dma_start3A_242 = tpu.memref_squeeze %dma_start3A_241 : memref<1x80xi32, #tpu.memory_space<vmem>> -> memref<80xi32, #tpu.memory_space<vmem>>
        %dma_start3A_243 = arith.constant 0 : i32
        %dma_start3A_244 = arith.constant 0 : i32
        %dma_start3A_245 = tpu.memref_slice %arg14[%dma_start3A_243, %dma_start3A_244] : memref<10000x144xf32, #tpu.memory_space<vmem_shared>> -> memref<10000x144xf32, #tpu.memory_space<vmem_shared>>
        tpu.enqueue_indirect_dma source(%arg12 : memref<80x144xf32, #tpu.memory_space<vmem>>) target(%dma_start3A_245 : memref<10000x144xf32, #tpu.memory_space<vmem_shared>>) offsets(%dma_start3A_242 : memref<80xi32, #tpu.memory_space<vmem>>) semaphore(%arg17 : memref<!tpu.dma_semaphore, #tpu.memory_space<semaphore_mem>>) {add = true}
      } else {
      }
      %mul3A_200 = arith.constant 6 : i32
      %mul3A_201 = arith.muli %mul3A_200, %scan3A_85 : i32
      %add3A_202 = arith.constant 5 : i32
      %add3A_203 = arith.addi %mul3A_201, %add3A_202 : i32
      %add3A_204 = arith.constant 1 : i32
      %add3A_205 = arith.addi %add3A_203, %add3A_204 : i32
      %lt3A_206 = arith.constant 250 : i32
      %lt3A_207 = arith.cmpi slt, %add3A_205, %lt3A_206 : i32
      %convert_element_type3A_208 = arith.extui %lt3A_207 : i1 to i32
      %cond3A_209 = arith.constant 0 : i32
      %cond3A_210 = arith.cmpi ne, %convert_element_type3A_208, %cond3A_209 : i32
      scf.if %cond3A_210 {
        %add3A_223 = arith.constant 1 : i32
        %add3A_224 = arith.addi %add3A_203, %add3A_223 : i32
        %ge3A = arith.constant 2 : i32
        %ge3A_225 = arith.cmpi sge, %add3A_224, %ge3A : i32
        %convert_element_type3A_226 = arith.extui %ge3A_225 : i1 to i32
        %cond3A_227 = arith.constant 0 : i32
        %cond3A_228 = arith.cmpi ne, %convert_element_type3A_226, %cond3A_227 : i32
        scf.if %cond3A_228 {
          %dma_wait3A_257 = arith.constant 2 : i32
          %dma_wait3A_258 = arith.constant 0 : i32
          %dma_wait3A_259 = tpu.memref_slice %arg8[%dma_wait3A_257, %dma_wait3A_258] : memref<3x80xi32, #tpu.memory_space<vmem>> -> memref<1x80xi32, #tpu.memory_space<vmem>>
          %dma_wait3A_260 = tpu.memref_squeeze %dma_wait3A_259 : memref<1x80xi32, #tpu.memory_space<vmem>> -> memref<80xi32, #tpu.memory_space<vmem>>
          %dma_wait3A_261 = arith.constant 0 : i32
          %dma_wait3A_262 = arith.constant 0 : i32
          %dma_wait3A_263 = tpu.memref_slice %arg14[%dma_wait3A_261, %dma_wait3A_262] : memref<10000x144xf32, #tpu.memory_space<vmem_shared>> -> memref<10000x144xf32, #tpu.memory_space<vmem_shared>>
          tpu.wait_indirect_dma semaphore(%arg17 : memref<!tpu.dma_semaphore, #tpu.memory_space<semaphore_mem>>) src(%arg12 : memref<80x144xf32, #tpu.memory_space<vmem>>) dst(%dma_wait3A_263 : memref<10000x144xf32, #tpu.memory_space<vmem_shared>>)
        } else {
        }
        %mul3A_229 = arith.constant 4000 : i32
        %mul3A_230 = arith.muli %arg0, %mul3A_229 : i32
        %add3A_231 = arith.addi %mul3A_230, %arg1 : i32
        %mul3A_232 = arith.constant 16 : i32
        %mul3A_233 = arith.muli %add3A_224, %mul3A_232 : i32
        %add3A_234 = arith.addi %add3A_231, %mul3A_233 : i32
        %dma_wait3A_235 = arith.constant 0 : i32
        %dma_wait3A_236 = arith.constant 0 : i32
        %dma_wait3A_237 = tpu.memref_slice %arg4[%add3A_234, %dma_wait3A_235, %dma_wait3A_236] : memref<8000x3x80xi32, #tpu.memory_space<hbm>> -> memref<1x3x80xi32, #tpu.memory_space<hbm>>
        %dma_wait3A_238 = tpu.memref_squeeze %dma_wait3A_237 : memref<1x3x80xi32, #tpu.memory_space<hbm>> -> memref<3x80xi32, #tpu.memory_space<hbm>>
        %dma_wait3A_239 = arith.constant 0 : i32
        %dma_wait3A_240 = arith.constant 0 : i32
        %dma_wait3A_241 = tpu.memref_slice %arg4[%add3A_234, %dma_wait3A_239, %dma_wait3A_240] : memref<8000x3x80xi32, #tpu.memory_space<hbm>> -> memref<1x3x80xi32, #tpu.memory_space<hbm>>
        %dma_wait3A_242 = tpu.memref_squeeze %dma_wait3A_241 : memref<1x3x80xi32, #tpu.memory_space<hbm>> -> memref<3x80xi32, #tpu.memory_space<hbm>>
        tpu.wait_dma2 semaphore(%arg19 : memref<!tpu.dma_semaphore, #tpu.memory_space<semaphore_mem>>) src(%dma_wait3A_242 : memref<3x80xi32, #tpu.memory_space<hbm>>) dst(%arg7 : memref<3x80xi32, #tpu.memory_space<vmem>>)
        %dma_start3A_243 = arith.constant 1 : i32
        %dma_start3A_244 = arith.constant 0 : i32
        %dma_start3A_245 = tpu.memref_slice %arg7[%dma_start3A_243, %dma_start3A_244] : memref<3x80xi32, #tpu.memory_space<vmem>> -> memref<1x80xi32, #tpu.memory_space<vmem>>
        %dma_start3A_246 = tpu.memref_squeeze %dma_start3A_245 : memref<1x80xi32, #tpu.memory_space<vmem>> -> memref<80xi32, #tpu.memory_space<vmem>>
        %dma_start3A_247 = arith.constant 0 : i32
        %dma_start3A_248 = arith.constant 0 : i32
        %dma_start3A_249 = tpu.memref_slice %arg3[%dma_start3A_247, %dma_start3A_248] : memref<20000x16xf32, #tpu.memory_space<hbm>> -> memref<20000x16xf32, #tpu.memory_space<hbm>>
        tpu.enqueue_indirect_dma source(%dma_start3A_249 : memref<20000x16xf32, #tpu.memory_space<hbm>>) target(%arg10 : memref<80x16xf32, #tpu.memory_space<vmem>>) offsets(%dma_start3A_246 : memref<80xi32, #tpu.memory_space<vmem>>) semaphore(%arg15 : memref<!tpu.dma_semaphore, #tpu.memory_space<semaphore_mem>>)
        %dma_start3A_250 = arith.constant 0 : i32
        %dma_start3A_251 = arith.constant 0 : i32
        %dma_start3A_252 = tpu.memref_slice %arg7[%dma_start3A_250, %dma_start3A_251] : memref<3x80xi32, #tpu.memory_space<vmem>> -> memref<1x80xi32, #tpu.memory_space<vmem>>
        %dma_start3A_253 = tpu.memref_squeeze %dma_start3A_252 : memref<1x80xi32, #tpu.memory_space<vmem>> -> memref<80xi32, #tpu.memory_space<vmem>>
        %dma_start3A_254 = arith.constant 0 : i32
        %dma_start3A_255 = arith.constant 0 : i32
        %dma_start3A_256 = tpu.memref_slice %arg2[%dma_start3A_254, %dma_start3A_255] : memref<20000x144xf32, #tpu.memory_space<hbm>> -> memref<20000x144xf32, #tpu.memory_space<hbm>>
        tpu.enqueue_indirect_dma source(%dma_start3A_256 : memref<20000x144xf32, #tpu.memory_space<hbm>>) target(%arg12 : memref<80x144xf32, #tpu.memory_space<vmem>>) offsets(%dma_start3A_253 : memref<80xi32, #tpu.memory_space<vmem>>) semaphore(%arg15 : memref<!tpu.dma_semaphore, #tpu.memory_space<semaphore_mem>>)
      } else {
      }
      %add3A_211 = arith.constant 2 : i32
      %add3A_212 = arith.addi %add3A_203, %add3A_211 : i32
      %lt3A_213 = arith.constant 250 : i32
      %lt3A_214 = arith.cmpi slt, %add3A_212, %lt3A_213 : i32
      %convert_element_type3A_215 = arith.extui %lt3A_214 : i1 to i32
      %cond3A_216 = arith.constant 0 : i32
      %cond3A_217 = arith.cmpi ne, %convert_element_type3A_215, %cond3A_216 : i32
      scf.if %cond3A_217 {
        %add3A_223 = arith.constant 2 : i32
        %add3A_224 = arith.addi %add3A_203, %add3A_223 : i32
        %mul3A_225 = arith.constant 4000 : i32
        %mul3A_226 = arith.muli %arg0, %mul3A_225 : i32
        %add3A_227 = arith.addi %mul3A_226, %arg1 : i32
        %mul3A_228 = arith.constant 16 : i32
        %mul3A_229 = arith.muli %add3A_224, %mul3A_228 : i32
        %add3A_230 = arith.addi %add3A_227, %mul3A_229 : i32
        %dma_start3A_231 = arith.constant 0 : i32
        %dma_start3A_232 = arith.constant 0 : i32
        %dma_start3A_233 = tpu.memref_slice %arg4[%add3A_230, %dma_start3A_231, %dma_start3A_232] : memref<8000x3x80xi32, #tpu.memory_space<hbm>> -> memref<1x3x80xi32, #tpu.memory_space<hbm>>
        %dma_start3A_234 = tpu.memref_squeeze %dma_start3A_233 : memref<1x3x80xi32, #tpu.memory_space<hbm>> -> memref<3x80xi32, #tpu.memory_space<hbm>>
        %dma_start3A_235 = arith.constant 0 : i32
        %dma_start3A_236 = arith.constant 0 : i32
        %dma_start3A_237 = tpu.memref_slice %arg4[%add3A_230, %dma_start3A_235, %dma_start3A_236] : memref<8000x3x80xi32, #tpu.memory_space<hbm>> -> memref<1x3x80xi32, #tpu.memory_space<hbm>>
        %dma_start3A_238 = tpu.memref_squeeze %dma_start3A_237 : memref<1x3x80xi32, #tpu.memory_space<hbm>> -> memref<3x80xi32, #tpu.memory_space<hbm>>
        tpu.enqueue_dma source(%dma_start3A_238 : memref<3x80xi32, #tpu.memory_space<hbm>>) target(%arg8 : memref<3x80xi32, #tpu.memory_space<vmem>>) target_semaphore(%arg20 : memref<!tpu.dma_semaphore, #tpu.memory_space<semaphore_mem>>)
      } else {
      }
      %lt3A_218 = arith.constant 250 : i32
      %lt3A_219 = arith.cmpi slt, %add3A_203, %lt3A_218 : i32
      %convert_element_type3A_220 = arith.extui %lt3A_219 : i1 to i32
      %cond3A_221 = arith.constant 0 : i32
      %cond3A_222 = arith.cmpi ne, %convert_element_type3A_220, %cond3A_221 : i32
      scf.if %cond3A_222 {
        %dma_wait3A_223 = arith.constant 1 : i32
        %dma_wait3A_224 = arith.constant 0 : i32
        %dma_wait3A_225 = tpu.memref_slice %arg9[%dma_wait3A_223, %dma_wait3A_224] : memref<3x80xi32, #tpu.memory_space<vmem>> -> memref<1x80xi32, #tpu.memory_space<vmem>>
        %dma_wait3A_226 = tpu.memref_squeeze %dma_wait3A_225 : memref<1x80xi32, #tpu.memory_space<vmem>> -> memref<80xi32, #tpu.memory_space<vmem>>
        %dma_wait3A_227 = arith.constant 0 : i32
        %dma_wait3A_228 = arith.constant 0 : i32
        %dma_wait3A_229 = tpu.memref_slice %arg3[%dma_wait3A_227, %dma_wait3A_228] : memref<20000x16xf32, #tpu.memory_space<hbm>> -> memref<20000x16xf32, #tpu.memory_space<hbm>>
        tpu.wait_indirect_dma semaphore(%arg16 : memref<!tpu.dma_semaphore, #tpu.memory_space<semaphore_mem>>) src(%dma_wait3A_229 : memref<20000x16xf32, #tpu.memory_space<hbm>>) dst(%arg11 : memref<80x16xf32, #tpu.memory_space<vmem>>)
        %dma_wait3A_230 = arith.constant 0 : i32
        %dma_wait3A_231 = arith.constant 0 : i32
        %dma_wait3A_232 = tpu.memref_slice %arg9[%dma_wait3A_230, %dma_wait3A_231] : memref<3x80xi32, #tpu.memory_space<vmem>> -> memref<1x80xi32, #tpu.memory_space<vmem>>
        %dma_wait3A_233 = tpu.memref_squeeze %dma_wait3A_232 : memref<1x80xi32, #tpu.memory_space<vmem>> -> memref<80xi32, #tpu.memory_space<vmem>>
        %dma_wait3A_234 = arith.constant 0 : i32
        %dma_wait3A_235 = arith.constant 0 : i32
        %dma_wait3A_236 = tpu.memref_slice %arg2[%dma_wait3A_234, %dma_wait3A_235] : memref<20000x144xf32, #tpu.memory_space<hbm>> -> memref<20000x144xf32, #tpu.memory_space<hbm>>
        tpu.wait_indirect_dma semaphore(%arg16 : memref<!tpu.dma_semaphore, #tpu.memory_space<semaphore_mem>>) src(%dma_wait3A_236 : memref<20000x144xf32, #tpu.memory_space<hbm>>) dst(%arg13 : memref<80x144xf32, #tpu.memory_space<vmem>>)
        %parallel_loop3A = arith.constant 0 : i32
        %parallel_loop3A_237 = arith.constant 80 : i32
        %parallel_loop3A_238 = arith.constant 1 : i32
        scf.for %parallel_loop3A_246 = %parallel_loop3A to %parallel_loop3A_237 step %parallel_loop3A_238  : i32 {
          %parallel_loop3A_247 = arith.index_cast %parallel_loop3A_246 : i32 to index
          %parallel_loop3A_248 = arith.constant 128 : index
          %parallel_loop3A_249 = tpu.vector_load %arg13[%parallel_loop3A_247, %parallel_loop3A_248] {strides = array<i32>} : memref<80x144xf32, #tpu.memory_space<vmem>>, vector<1x16xf32>,
          %parallel_loop3A_250 = vector.shape_cast %parallel_loop3A_249 : vector<1x16xf32> to vector<16xf32>
          %parallel_loop3A_251 = arith.index_cast %parallel_loop3A_246 : i32 to index
          %parallel_loop3A_252 = arith.constant 0 : index
          %parallel_loop3A_253 = tpu.vector_load %arg11[%parallel_loop3A_251, %parallel_loop3A_252] {strides = array<i32>} : memref<80x16xf32, #tpu.memory_space<vmem>>, vector<1x16xf32>,
          %parallel_loop3A_254 = vector.shape_cast %parallel_loop3A_253 : vector<1x16xf32> to vector<16xf32>
          %parallel_loop3A_255 = arith.addf %parallel_loop3A_250, %parallel_loop3A_254 : vector<16xf32>
          %parallel_loop3A_256 = arith.constant 0.000000e+00 : f32
          %parallel_loop3A_257 = vector.broadcast %parallel_loop3A_256 : f32 to vector<16xf32>
          %parallel_loop3A_258 = arith.cmpf oge, %parallel_loop3A_255, %parallel_loop3A_257 : vector<16xf32>
          %parallel_loop3A_259 = arith.constant 2.000000e-01 : f32
          %parallel_loop3A_260 = vector.broadcast %parallel_loop3A_259 : f32 to vector<16xf32>
          %parallel_loop3A_261 = arith.mulf %parallel_loop3A_260, %parallel_loop3A_255 : vector<16xf32>
          %parallel_loop3A_262 = arith.select %parallel_loop3A_258, %parallel_loop3A_255, %parallel_loop3A_261 : vector<16xi1>, vector<16xf32>
          %parallel_loop3A_263 = math.exp %parallel_loop3A_262 : vector<16xf32>
          %parallel_loop3A_264 = arith.index_cast %parallel_loop3A_246 : i32 to index
          %parallel_loop3A_265 = arith.constant 128 : index
          %parallel_loop3A_266 = tpu.vector_load %arg13[%parallel_loop3A_264, %parallel_loop3A_265] {strides = array<i32>} : memref<80x144xf32, #tpu.memory_space<vmem>>, vector<1x16xf32>,
          %parallel_loop3A_267 = vector.shape_cast %parallel_loop3A_266 : vector<1x16xf32> to vector<16xf32>
          %parallel_loop3A_268 = vector.shape_cast %parallel_loop3A_263 : vector<16xf32> to vector<1x16xf32>
          tpu.vector_store %arg13[%parallel_loop3A_264, %parallel_loop3A_265], %parallel_loop3A_268 {strides = array<i32>} : memref<80x144xf32, #tpu.memory_space<vmem>>, vector<1x16xf32>,
          %parallel_loop3A_269 = arith.constant 0 : i32
          %parallel_loop3A_270 = vector.broadcast %parallel_loop3A_269 : i32 to vector<16x1xi32>
          %parallel_loop3A_271 = vector.shape_cast %parallel_loop3A_270 : vector<16x1xi32> to vector<16xi32>
          %parallel_loop3A_272 = tpu.dynamic_gather %parallel_loop3A_263[%parallel_loop3A_271] in [0] : vector<16xf32>, vector<16xi32> -> vector<16xf32>
          %parallel_loop3A_273 = arith.index_cast %parallel_loop3A_246 : i32 to index
          %parallel_loop3A_274 = arith.constant 0 : index
          %parallel_loop3A_275 = tpu.vector_load %arg13[%parallel_loop3A_273, %parallel_loop3A_274] {strides = array<i32>} : memref<80x144xf32, #tpu.memory_space<vmem>>, vector<1x16xf32>,
          %parallel_loop3A_276 = vector.shape_cast %parallel_loop3A_275 : vector<1x16xf32> to vector<16xf32>
          %parallel_loop3A_277 = arith.mulf %parallel_loop3A_276, %parallel_loop3A_272 : vector<16xf32>
          %parallel_loop3A_278 = arith.index_cast %parallel_loop3A_246 : i32 to index
          %parallel_loop3A_279 = arith.constant 0 : index
          %parallel_loop3A_280 = tpu.vector_load %arg13[%parallel_loop3A_278, %parallel_loop3A_279] {strides = array<i32>} : memref<80x144xf32, #tpu.memory_space<vmem>>, vector<1x16xf32>,
          %parallel_loop3A_281 = vector.shape_cast %parallel_loop3A_280 : vector<1x16xf32> to vector<16xf32>
          %parallel_loop3A_282 = vector.shape_cast %parallel_loop3A_277 : vector<16xf32> to vector<1x16xf32>
          tpu.vector_store %arg13[%parallel_loop3A_278, %parallel_loop3A_279], %parallel_loop3A_282 {strides = array<i32>} : memref<80x144xf32, #tpu.memory_space<vmem>>, vector<1x16xf32>,
          %parallel_loop3A_283 = arith.constant 1 : i32
          %parallel_loop3A_284 = vector.broadcast %parallel_loop3A_283 : i32 to vector<16x1xi32>
          %parallel_loop3A_285 = vector.shape_cast %parallel_loop3A_284 : vector<16x1xi32> to vector<16xi32>
          %parallel_loop3A_286 = tpu.dynamic_gather %parallel_loop3A_263[%parallel_loop3A_285] in [0] : vector<16xf32>, vector<16xi32> -> vector<16xf32>
          %parallel_loop3A_287 = arith.index_cast %parallel_loop3A_246 : i32 to index
          %parallel_loop3A_288 = arith.constant 16 : index
          %parallel_loop3A_289 = tpu.vector_load %arg13[%parallel_loop3A_287, %parallel_loop3A_288] {strides = array<i32>} : memref<80x144xf32, #tpu.memory_space<vmem>>, vector<1x16xf32>,
          %parallel_loop3A_290 = vector.shape_cast %parallel_loop3A_289 : vector<1x16xf32> to vector<16xf32>
          %parallel_loop3A_291 = arith.mulf %parallel_loop3A_290, %parallel_loop3A_286 : vector<16xf32>
          %parallel_loop3A_292 = arith.index_cast %parallel_loop3A_246 : i32 to index
          %parallel_loop3A_293 = arith.constant 16 : index
          %parallel_loop3A_294 = tpu.vector_load %arg13[%parallel_loop3A_292, %parallel_loop3A_293] {strides = array<i32>} : memref<80x144xf32, #tpu.memory_space<vmem>>, vector<1x16xf32>,
          %parallel_loop3A_295 = vector.shape_cast %parallel_loop3A_294 : vector<1x16xf32> to vector<16xf32>
          %parallel_loop3A_296 = vector.shape_cast %parallel_loop3A_291 : vector<16xf32> to vector<1x16xf32>
          tpu.vector_store %arg13[%parallel_loop3A_292, %parallel_loop3A_293], %parallel_loop3A_296 {strides = array<i32>} : memref<80x144xf32, #tpu.memory_space<vmem>>, vector<1x16xf32>,
          %parallel_loop3A_297 = arith.constant 2 : i32
          %parallel_loop3A_298 = vector.broadcast %parallel_loop3A_297 : i32 to vector<16x1xi32>
          %parallel_loop3A_299 = vector.shape_cast %parallel_loop3A_298 : vector<16x1xi32> to vector<16xi32>
          %parallel_loop3A_300 = tpu.dynamic_gather %parallel_loop3A_263[%parallel_loop3A_299] in [0] : vector<16xf32>, vector<16xi32> -> vector<16xf32>
          %parallel_loop3A_301 = arith.index_cast %parallel_loop3A_246 : i32 to index
          %parallel_loop3A_302 = arith.constant 32 : index
          %parallel_loop3A_303 = tpu.vector_load %arg13[%parallel_loop3A_301, %parallel_loop3A_302] {strides = array<i32>} : memref<80x144xf32, #tpu.memory_space<vmem>>, vector<1x16xf32>,
          %parallel_loop3A_304 = vector.shape_cast %parallel_loop3A_303 : vector<1x16xf32> to vector<16xf32>
          %parallel_loop3A_305 = arith.mulf %parallel_loop3A_304, %parallel_loop3A_300 : vector<16xf32>
          %parallel_loop3A_306 = arith.index_cast %parallel_loop3A_246 : i32 to index
          %parallel_loop3A_307 = arith.constant 32 : index
          %parallel_loop3A_308 = tpu.vector_load %arg13[%parallel_loop3A_306, %parallel_loop3A_307] {strides = array<i32>} : memref<80x144xf32, #tpu.memory_space<vmem>>, vector<1x16xf32>,
          %parallel_loop3A_309 = vector.shape_cast %parallel_loop3A_308 : vector<1x16xf32> to vector<16xf32>
          %parallel_loop3A_310 = vector.shape_cast %parallel_loop3A_305 : vector<16xf32> to vector<1x16xf32>
          tpu.vector_store %arg13[%parallel_loop3A_306, %parallel_loop3A_307], %parallel_loop3A_310 {strides = array<i32>} : memref<80x144xf32, #tpu.memory_space<vmem>>, vector<1x16xf32>,
          %parallel_loop3A_311 = arith.constant 3 : i32
          %parallel_loop3A_312 = vector.broadcast %parallel_loop3A_311 : i32 to vector<16x1xi32>
          %parallel_loop3A_313 = vector.shape_cast %parallel_loop3A_312 : vector<16x1xi32> to vector<16xi32>
          %parallel_loop3A_314 = tpu.dynamic_gather %parallel_loop3A_263[%parallel_loop3A_313] in [0] : vector<16xf32>, vector<16xi32> -> vector<16xf32>
          %parallel_loop3A_315 = arith.index_cast %parallel_loop3A_246 : i32 to index
          %parallel_loop3A_316 = arith.constant 48 : index
          %parallel_loop3A_317 = tpu.vector_load %arg13[%parallel_loop3A_315, %parallel_loop3A_316] {strides = array<i32>} : memref<80x144xf32, #tpu.memory_space<vmem>>, vector<1x16xf32>,
          %parallel_loop3A_318 = vector.shape_cast %parallel_loop3A_317 : vector<1x16xf32> to vector<16xf32>
          %parallel_loop3A_319 = arith.mulf %parallel_loop3A_318, %parallel_loop3A_314 : vector<16xf32>
          %parallel_loop3A_320 = arith.index_cast %parallel_loop3A_246 : i32 to index
          %parallel_loop3A_321 = arith.constant 48 : index
          %parallel_loop3A_322 = tpu.vector_load %arg13[%parallel_loop3A_320, %parallel_loop3A_321] {strides = array<i32>} : memref<80x144xf32, #tpu.memory_space<vmem>>, vector<1x16xf32>,
          %parallel_loop3A_323 = vector.shape_cast %parallel_loop3A_322 : vector<1x16xf32> to vector<16xf32>
          %parallel_loop3A_324 = vector.shape_cast %parallel_loop3A_319 : vector<16xf32> to vector<1x16xf32>
          tpu.vector_store %arg13[%parallel_loop3A_320, %parallel_loop3A_321], %parallel_loop3A_324 {strides = array<i32>} : memref<80x144xf32, #tpu.memory_space<vmem>>, vector<1x16xf32>,
          %parallel_loop3A_325 = arith.constant 4 : i32
          %parallel_loop3A_326 = vector.broadcast %parallel_loop3A_325 : i32 to vector<16x1xi32>
          %parallel_loop3A_327 = vector.shape_cast %parallel_loop3A_326 : vector<16x1xi32> to vector<16xi32>
          %parallel_loop3A_328 = tpu.dynamic_gather %parallel_loop3A_263[%parallel_loop3A_327] in [0] : vector<16xf32>, vector<16xi32> -> vector<16xf32>
          %parallel_loop3A_329 = arith.index_cast %parallel_loop3A_246 : i32 to index
          %parallel_loop3A_330 = arith.constant 64 : index
          %parallel_loop3A_331 = tpu.vector_load %arg13[%parallel_loop3A_329, %parallel_loop3A_330] {strides = array<i32>} : memref<80x144xf32, #tpu.memory_space<vmem>>, vector<1x16xf32>,
          %parallel_loop3A_332 = vector.shape_cast %parallel_loop3A_331 : vector<1x16xf32> to vector<16xf32>
          %parallel_loop3A_333 = arith.mulf %parallel_loop3A_332, %parallel_loop3A_328 : vector<16xf32>
          %parallel_loop3A_334 = arith.index_cast %parallel_loop3A_246 : i32 to index
          %parallel_loop3A_335 = arith.constant 64 : index
          %parallel_loop3A_336 = tpu.vector_load %arg13[%parallel_loop3A_334, %parallel_loop3A_335] {strides = array<i32>} : memref<80x144xf32, #tpu.memory_space<vmem>>, vector<1x16xf32>,
          %parallel_loop3A_337 = vector.shape_cast %parallel_loop3A_336 : vector<1x16xf32> to vector<16xf32>
          %parallel_loop3A_338 = vector.shape_cast %parallel_loop3A_333 : vector<16xf32> to vector<1x16xf32>
          tpu.vector_store %arg13[%parallel_loop3A_334, %parallel_loop3A_335], %parallel_loop3A_338 {strides = array<i32>} : memref<80x144xf32, #tpu.memory_space<vmem>>, vector<1x16xf32>,
          %parallel_loop3A_339 = arith.constant 5 : i32
          %parallel_loop3A_340 = vector.broadcast %parallel_loop3A_339 : i32 to vector<16x1xi32>
          %parallel_loop3A_341 = vector.shape_cast %parallel_loop3A_340 : vector<16x1xi32> to vector<16xi32>
          %parallel_loop3A_342 = tpu.dynamic_gather %parallel_loop3A_263[%parallel_loop3A_341] in [0] : vector<16xf32>, vector<16xi32> -> vector<16xf32>
          %parallel_loop3A_343 = arith.index_cast %parallel_loop3A_246 : i32 to index
          %parallel_loop3A_344 = arith.constant 80 : index
          %parallel_loop3A_345 = tpu.vector_load %arg13[%parallel_loop3A_343, %parallel_loop3A_344] {strides = array<i32>} : memref<80x144xf32, #tpu.memory_space<vmem>>, vector<1x16xf32>,
          %parallel_loop3A_346 = vector.shape_cast %parallel_loop3A_345 : vector<1x16xf32> to vector<16xf32>
          %parallel_loop3A_347 = arith.mulf %parallel_loop3A_346, %parallel_loop3A_342 : vector<16xf32>
          %parallel_loop3A_348 = arith.index_cast %parallel_loop3A_246 : i32 to index
          %parallel_loop3A_349 = arith.constant 80 : index
          %parallel_loop3A_350 = tpu.vector_load %arg13[%parallel_loop3A_348, %parallel_loop3A_349] {strides = array<i32>} : memref<80x144xf32, #tpu.memory_space<vmem>>, vector<1x16xf32>,
          %parallel_loop3A_351 = vector.shape_cast %parallel_loop3A_350 : vector<1x16xf32> to vector<16xf32>
          %parallel_loop3A_352 = vector.shape_cast %parallel_loop3A_347 : vector<16xf32> to vector<1x16xf32>
          tpu.vector_store %arg13[%parallel_loop3A_348, %parallel_loop3A_349], %parallel_loop3A_352 {strides = array<i32>} : memref<80x144xf32, #tpu.memory_space<vmem>>, vector<1x16xf32>,
          %parallel_loop3A_353 = arith.constant 6 : i32
          %parallel_loop3A_354 = vector.broadcast %parallel_loop3A_353 : i32 to vector<16x1xi32>
          %parallel_loop3A_355 = vector.shape_cast %parallel_loop3A_354 : vector<16x1xi32> to vector<16xi32>
          %parallel_loop3A_356 = tpu.dynamic_gather %parallel_loop3A_263[%parallel_loop3A_355] in [0] : vector<16xf32>, vector<16xi32> -> vector<16xf32>
          %parallel_loop3A_357 = arith.index_cast %parallel_loop3A_246 : i32 to index
          %parallel_loop3A_358 = arith.constant 96 : index
          %parallel_loop3A_359 = tpu.vector_load %arg13[%parallel_loop3A_357, %parallel_loop3A_358] {strides = array<i32>} : memref<80x144xf32, #tpu.memory_space<vmem>>, vector<1x16xf32>,
          %parallel_loop3A_360 = vector.shape_cast %parallel_loop3A_359 : vector<1x16xf32> to vector<16xf32>
          %parallel_loop3A_361 = arith.mulf %parallel_loop3A_360, %parallel_loop3A_356 : vector<16xf32>
          %parallel_loop3A_362 = arith.index_cast %parallel_loop3A_246 : i32 to index
          %parallel_loop3A_363 = arith.constant 96 : index
          %parallel_loop3A_364 = tpu.vector_load %arg13[%parallel_loop3A_362, %parallel_loop3A_363] {strides = array<i32>} : memref<80x144xf32, #tpu.memory_space<vmem>>, vector<1x16xf32>,
          %parallel_loop3A_365 = vector.shape_cast %parallel_loop3A_364 : vector<1x16xf32> to vector<16xf32>
          %parallel_loop3A_366 = vector.shape_cast %parallel_loop3A_361 : vector<16xf32> to vector<1x16xf32>
          tpu.vector_store %arg13[%parallel_loop3A_362, %parallel_loop3A_363], %parallel_loop3A_366 {strides = array<i32>} : memref<80x144xf32, #tpu.memory_space<vmem>>, vector<1x16xf32>,
          %parallel_loop3A_367 = arith.constant 7 : i32
          %parallel_loop3A_368 = vector.broadcast %parallel_loop3A_367 : i32 to vector<16x1xi32>
          %parallel_loop3A_369 = vector.shape_cast %parallel_loop3A_368 : vector<16x1xi32> to vector<16xi32>
          %parallel_loop3A_370 = tpu.dynamic_gather %parallel_loop3A_263[%parallel_loop3A_369] in [0] : vector<16xf32>, vector<16xi32> -> vector<16xf32>
          %parallel_loop3A_371 = arith.index_cast %parallel_loop3A_246 : i32 to index
          %parallel_loop3A_372 = arith.constant 112 : index
          %parallel_loop3A_373 = tpu.vector_load %arg13[%parallel_loop3A_371, %parallel_loop3A_372] {strides = array<i32>} : memref<80x144xf32, #tpu.memory_space<vmem>>, vector<1x16xf32>,
          %parallel_loop3A_374 = vector.shape_cast %parallel_loop3A_373 : vector<1x16xf32> to vector<16xf32>
          %parallel_loop3A_375 = arith.mulf %parallel_loop3A_374, %parallel_loop3A_370 : vector<16xf32>
          %parallel_loop3A_376 = arith.index_cast %parallel_loop3A_246 : i32 to index
          %parallel_loop3A_377 = arith.constant 112 : index
          %parallel_loop3A_378 = tpu.vector_load %arg13[%parallel_loop3A_376, %parallel_loop3A_377] {strides = array<i32>} : memref<80x144xf32, #tpu.memory_space<vmem>>, vector<1x16xf32>,
          %parallel_loop3A_379 = vector.shape_cast %parallel_loop3A_378 : vector<1x16xf32> to vector<16xf32>
          %parallel_loop3A_380 = vector.shape_cast %parallel_loop3A_375 : vector<16xf32> to vector<1x16xf32>
          tpu.vector_store %arg13[%parallel_loop3A_376, %parallel_loop3A_377], %parallel_loop3A_380 {strides = array<i32>} : memref<80x144xf32, #tpu.memory_space<vmem>>, vector<1x16xf32>,
        } {sc.loop_unroll_factor = 4 : i64, sc.parallel_access}
        %dma_start3A_239 = arith.constant 2 : i32
        %dma_start3A_240 = arith.constant 0 : i32
        %dma_start3A_241 = tpu.memref_slice %arg9[%dma_start3A_239, %dma_start3A_240] : memref<3x80xi32, #tpu.memory_space<vmem>> -> memref<1x80xi32, #tpu.memory_space<vmem>>
        %dma_start3A_242 = tpu.memref_squeeze %dma_start3A_241 : memref<1x80xi32, #tpu.memory_space<vmem>> -> memref<80xi32, #tpu.memory_space<vmem>>
        %dma_start3A_243 = arith.constant 0 : i32
        %dma_start3A_244 = arith.constant 0 : i32
        %dma_start3A_245 = tpu.memref_slice %arg14[%dma_start3A_243, %dma_start3A_244] : memref<10000x144xf32, #tpu.memory_space<vmem_shared>> -> memref<10000x144xf32, #tpu.memory_space<vmem_shared>>
        tpu.enqueue_indirect_dma source(%arg13 : memref<80x144xf32, #tpu.memory_space<vmem>>) target(%dma_start3A_245 : memref<10000x144xf32, #tpu.memory_space<vmem_shared>>) offsets(%dma_start3A_242 : memref<80xi32, #tpu.memory_space<vmem>>) semaphore(%arg18 : memref<!tpu.dma_semaphore, #tpu.memory_space<semaphore_mem>>) {add = true}
      } else {
      }
    }
    %scan3A_61 = arith.constant 42 : i32
    %dma_wait3A_62 = arith.constant 2 : i32
    %dma_wait3A_63 = arith.constant 0 : i32
    %dma_wait3A_64 = tpu.memref_slice %arg9[%dma_wait3A_62, %dma_wait3A_63] : memref<3x80xi32, #tpu.memory_space<vmem>> -> memref<1x80xi32, #tpu.memory_space<vmem>>
    %dma_wait3A_65 = tpu.memref_squeeze %dma_wait3A_64 : memref<1x80xi32, #tpu.memory_space<vmem>> -> memref<80xi32, #tpu.memory_space<vmem>>
    %dma_wait3A_66 = arith.constant 0 : i32
    %dma_wait3A_67 = arith.constant 0 : i32
    %dma_wait3A_68 = tpu.memref_slice %arg14[%dma_wait3A_66, %dma_wait3A_67] : memref<10000x144xf32, #tpu.memory_space<vmem_shared>> -> memref<10000x144xf32, #tpu.memory_space<vmem_shared>>
    tpu.wait_indirect_dma semaphore(%arg17 : memref<!tpu.dma_semaphore, #tpu.memory_space<semaphore_mem>>) src(%arg12 : memref<80x144xf32, #tpu.memory_space<vmem>>) dst(%dma_wait3A_68 : memref<10000x144xf32, #tpu.memory_space<vmem_shared>>)
    %dma_wait3A_69 = arith.constant 2 : i32
    %dma_wait3A_70 = arith.constant 0 : i32
    %dma_wait3A_71 = tpu.memref_slice %arg7[%dma_wait3A_69, %dma_wait3A_70] : memref<3x80xi32, #tpu.memory_space<vmem>> -> memref<1x80xi32, #tpu.memory_space<vmem>>
    %dma_wait3A_72 = tpu.memref_squeeze %dma_wait3A_71 : memref<1x80xi32, #tpu.memory_space<vmem>> -> memref<80xi32, #tpu.memory_space<vmem>>
    %dma_wait3A_73 = arith.constant 0 : i32
    %dma_wait3A_74 = arith.constant 0 : i32
    %dma_wait3A_75 = tpu.memref_slice %arg14[%dma_wait3A_73, %dma_wait3A_74] : memref<10000x144xf32, #tpu.memory_space<vmem_shared>> -> memref<10000x144xf32, #tpu.memory_space<vmem_shared>>
    tpu.wait_indirect_dma semaphore(%arg18 : memref<!tpu.dma_semaphore, #tpu.memory_space<semaphore_mem>>) src(%arg13 : memref<80x144xf32, #tpu.memory_space<vmem>>) dst(%dma_wait3A_75 : memref<10000x144xf32, #tpu.memory_space<vmem_shared>>)
    %barrier3A_76 = arith.constant 0 : index
    tpu.barrier barrier_id(%barrier3A_76)
    %mul3A_77 = arith.constant 10000 : i32
    %mul3A_78 = arith.muli %arg0, %mul3A_77 : i32
    %add3A_79 = arith.addi %mul3A_78, %mul3A_0 : i32
    "tpu.region"() ({
      %run_scoped3A = tpu.sem_alloc : memref<!tpu.dma_semaphore, #tpu.memory_space<semaphore_mem>>
      %dma_start3A_85 = arith.constant 0 : i32
      %dma_start3A_86 = tpu.memref_slice %arg6[%add3A_79, %dma_start3A_85] : memref<20000x144xf32, #tpu.memory_space<hbm>> -> memref<624x144xf32, #tpu.memory_space<hbm>>
      %dma_start3A_87 = arith.constant 0 : i32
      %dma_start3A_88 = tpu.memref_slice %arg14[%mul3A_0, %dma_start3A_87] : memref<10000x144xf32, #tpu.memory_space<vmem_shared>> -> memref<624x144xf32, #tpu.memory_space<vmem_shared>>
      tpu.enqueue_dma source(%dma_start3A_88 : memref<624x144xf32, #tpu.memory_space<vmem_shared>>) target(%dma_start3A_86 : memref<624x144xf32, #tpu.memory_space<hbm>>) target_semaphore(%run_scoped3A : memref<!tpu.dma_semaphore, #tpu.memory_space<semaphore_mem>>)
      %dma_wait3A_89 = arith.constant 0 : i32
      %dma_wait3A_90 = tpu.memref_slice %arg6[%add3A_79, %dma_wait3A_89] : memref<20000x144xf32, #tpu.memory_space<hbm>> -> memref<624x144xf32, #tpu.memory_space<hbm>>
      %dma_wait3A_91 = arith.constant 0 : i32
      %dma_wait3A_92 = tpu.memref_slice %arg14[%mul3A_0, %dma_wait3A_91] : memref<10000x144xf32, #tpu.memory_space<vmem_shared>> -> memref<624x144xf32, #tpu.memory_space<vmem_shared>>
      tpu.wait_dma2 semaphore(%run_scoped3A : memref<!tpu.dma_semaphore, #tpu.memory_space<semaphore_mem>>) src(%dma_wait3A_92 : memref<624x144xf32, #tpu.memory_space<vmem_shared>>) dst(%dma_wait3A_90 : memref<624x144xf32, #tpu.memory_space<hbm>>)
      tpu.yield
    }) : () -> ()
    %eq3A_80 = arith.constant 15 : i32
    %eq3A_81 = arith.cmpi eq, %arg1, %eq3A_80 : i32
    %convert_element_type3A_82 = arith.extui %eq3A_81 : i1 to i32
    %cond3A_83 = arith.constant 0 : i32
    %cond3A_84 = arith.cmpi ne, %convert_element_type3A_82, %cond3A_83 : i32
    scf.if %cond3A_84 {
      %mul3A_85 = arith.constant 10000 : i32
      %mul3A_86 = arith.muli %arg0, %mul3A_85 : i32
      %add3A_87 = arith.constant 9984 : i32
      %add3A_88 = arith.addi %mul3A_86, %add3A_87 : i32
      "tpu.region"() ({
        %run_scoped3A = tpu.sem_alloc : memref<!tpu.dma_semaphore, #tpu.memory_space<semaphore_mem>>
        %dma_start3A_89 = arith.constant 0 : i32
        %dma_start3A_90 = tpu.memref_slice %arg6[%add3A_88, %dma_start3A_89] : memref<20000x144xf32, #tpu.memory_space<hbm>> -> memref<16x144xf32, #tpu.memory_space<hbm>>
        %dma_start3A_91 = arith.constant 9984 : i32
        %dma_start3A_92 = arith.constant 0 : i32
        %dma_start3A_93 = tpu.memref_slice %arg14[%dma_start3A_91, %dma_start3A_92] : memref<10000x144xf32, #tpu.memory_space<vmem_shared>> -> memref<16x144xf32, #tpu.memory_space<vmem_shared>>
        tpu.enqueue_dma source(%dma_start3A_93 : memref<16x144xf32, #tpu.memory_space<vmem_shared>>) target(%dma_start3A_90 : memref<16x144xf32, #tpu.memory_space<hbm>>) target_semaphore(%run_scoped3A : memref<!tpu.dma_semaphore, #tpu.memory_space<semaphore_mem>>)
        %dma_wait3A_94 = arith.constant 0 : i32
        %dma_wait3A_95 = tpu.memref_slice %arg6[%add3A_88, %dma_wait3A_94] : memref<20000x144xf32, #tpu.memory_space<hbm>> -> memref<16x144xf32, #tpu.memory_space<hbm>>
        %dma_wait3A_96 = arith.constant 9984 : i32
        %dma_wait3A_97 = arith.constant 0 : i32
        %dma_wait3A_98 = tpu.memref_slice %arg14[%dma_wait3A_96, %dma_wait3A_97] : memref<10000x144xf32, #tpu.memory_space<vmem_shared>> -> memref<16x144xf32, #tpu.memory_space<vmem_shared>>
        tpu.wait_dma2 semaphore(%run_scoped3A : memref<!tpu.dma_semaphore, #tpu.memory_space<semaphore_mem>>) src(%dma_wait3A_98 : memref<16x144xf32, #tpu.memory_space<vmem_shared>>) dst(%dma_wait3A_95 : memref<16x144xf32, #tpu.memory_space<hbm>>)
        tpu.yield
      }) : () -> ()
    } else {
    }
    return
  }
}

module attributes {stable_mosaic.version = 14 : i64} {
  func.func @_pre_body(%arg0: i32, %arg1: i32, %arg2: memref<1000x128xf32, #tpu.memory_space<vmem>>, %arg3: memref<1x128x128xf32, #tpu.memory_space<vmem>>, %arg4: memref<1x128x16xf32, #tpu.memory_space<vmem>>, %arg5: memref<1x128x16xf32, #tpu.memory_space<vmem>>, %arg6: memref<1x1000x144xf32, #tpu.memory_space<vmem>>, %arg7: memref<1x1000x16xf32, #tpu.memory_space<vmem>>) attributes {dimension_semantics = [#tpu.dimension_semantics<arbitrary>, #tpu.dimension_semantics<arbitrary>], iteration_bounds = array<i64: 2, 10>, scalar_prefetch = 0 : i64, scratch_operands = 0 : i64, tpu.core_type = #tpu.core_type<tc>, window_params = [{transform_indices = @transform_0, window_bounds = array<i64: 1000, 128>}, {transform_indices = @transform_1, window_bounds = array<i64: 1, 128, 128>}, {transform_indices = @transform_2, window_bounds = array<i64: 1, 128, 16>}, {transform_indices = @transform_3, window_bounds = array<i64: 1, 128, 16>}, {transform_indices = @transform_4, window_bounds = array<i64: 1, 1000, 144>}, {transform_indices = @transform_5, window_bounds = array<i64: 1, 1000, 16>}]} {
    %get3A = arith.constant 0 : index
    %get3A_0 = arith.constant 0 : index
    %get3A_1 = vector.load %arg2[%get3A, %get3A_0] : memref<1000x128xf32, #tpu.memory_space<vmem>>, vector<1000x128xf32>
    %get3A_2 = arith.constant 0 : index
    %get3A_3 = arith.constant 0 : index
    %get3A_4 = arith.constant 0 : index
    %get3A_5 = vector.load %arg3[%get3A_2, %get3A_3, %get3A_4] : memref<1x128x128xf32, #tpu.memory_space<vmem>>, vector<1x128x128xf32>
    %get3A_6 = vector.shape_cast %get3A_5 : vector<1x128x128xf32> to vector<128x128xf32>
    %dot_general3A = arith.constant dense<0.000000e+00> : vector<1000x128xf32>
    %dot_general3A_7 = tpu.matmul %get3A_1, %get3A_6, %dot_general3A {dimension_numbers = #tpu.dot_dimension_numbers<[1], [0], [0], [1], [0, 0, 1, 1], [], []>, transpose_lhs_hint = false} : vector<1000x128xf32>, vector<128x128xf32>, vector<1000x128xf32> -> vector<1000x128xf32>
    %get3A_8 = arith.constant 0 : index
    %get3A_9 = arith.constant 0 : index
    %get3A_10 = arith.constant 0 : index
    %get3A_11 = vector.load %arg4[%get3A_8, %get3A_9, %get3A_10] : memref<1x128x16xf32, #tpu.memory_space<vmem>>, vector<1x128x16xf32>
    %get3A_12 = vector.shape_cast %get3A_11 : vector<1x128x16xf32> to vector<128x16xf32>
    %dot_general3A_13 = arith.constant dense<0.000000e+00> : vector<1000x16xf32>
    %dot_general3A_14 = tpu.matmul %dot_general3A_7, %get3A_12, %dot_general3A_13 {dimension_numbers = #tpu.dot_dimension_numbers<[1], [0], [0], [1], [0, 0, 1, 1], [], []>, transpose_lhs_hint = false} : vector<1000x128xf32>, vector<128x16xf32>, vector<1000x16xf32> -> vector<1000x16xf32>
    %concatenate3A = tpu.concatenate %dot_general3A_7, %dot_general3A_14 in 1 : vector<1000x128xf32>, vector<1000x16xf32> -> vector<1000x144xf32>
    %swap3A = arith.constant 0 : index
    %swap3A_15 = arith.constant 0 : index
    %swap3A_16 = arith.constant 0 : index
    %swap3A_17 = vector.load %arg6[%swap3A, %swap3A_15, %swap3A_16] : memref<1x1000x144xf32, #tpu.memory_space<vmem>>, vector<1x1000x144xf32>
    %swap3A_18 = vector.shape_cast %swap3A_17 : vector<1x1000x144xf32> to vector<1000x144xf32>
    %swap3A_19 = vector.shape_cast %concatenate3A : vector<1000x144xf32> to vector<1x1000x144xf32>
    tpu.vector_store %arg6[%swap3A, %swap3A_15, %swap3A_16], %swap3A_19 {strides = array<i32>} : memref<1x1000x144xf32, #tpu.memory_space<vmem>>, vector<1x1000x144xf32>,
    %get3A_20 = arith.constant 0 : index
    %get3A_21 = arith.constant 0 : index
    %get3A_22 = arith.constant 0 : index
    %get3A_23 = vector.load %arg5[%get3A_20, %get3A_21, %get3A_22] : memref<1x128x16xf32, #tpu.memory_space<vmem>>, vector<1x128x16xf32>
    %get3A_24 = vector.shape_cast %get3A_23 : vector<1x128x16xf32> to vector<128x16xf32>
    %dot_general3A_25 = arith.constant dense<0.000000e+00> : vector<1000x16xf32>
    %dot_general3A_26 = tpu.matmul %dot_general3A_7, %get3A_24, %dot_general3A_25 {dimension_numbers = #tpu.dot_dimension_numbers<[1], [0], [0], [1], [0, 0, 1, 1], [], []>, transpose_lhs_hint = false} : vector<1000x128xf32>, vector<128x16xf32>, vector<1000x16xf32> -> vector<1000x16xf32>
    %swap3A_27 = arith.constant 0 : index
    %swap3A_28 = arith.constant 0 : index
    %swap3A_29 = arith.constant 0 : index
    %swap3A_30 = vector.load %arg7[%swap3A_27, %swap3A_28, %swap3A_29] : memref<1x1000x16xf32, #tpu.memory_space<vmem>>, vector<1x1000x16xf32>
    %swap3A_31 = vector.shape_cast %swap3A_30 : vector<1x1000x16xf32> to vector<1000x16xf32>
    %swap3A_32 = vector.shape_cast %dot_general3A_26 : vector<1000x16xf32> to vector<1x1000x16xf32>
    tpu.vector_store %arg7[%swap3A_27, %swap3A_28, %swap3A_29], %swap3A_32 {strides = array<i32>} : memref<1x1000x16xf32, #tpu.memory_space<vmem>>, vector<1x1000x16xf32>,
    return
  }
  func.func @transform_0(%arg0: i32, %arg1: i32) -> (i32, i32) {
    %c0_i32 = arith.constant 0 : i32
    %c0_i32_0 = arith.constant 0 : i32
    return %arg1, %c0_i32 : i32, i32
  }
  func.func @transform_1(%arg0: i32, %arg1: i32) -> (i32, i32, i32) {
    %c0_i32 = arith.constant 0 : i32
    %c0_i32_0 = arith.constant 0 : i32
    %c0_i32_1 = arith.constant 0 : i32
    return %arg0, %c0_i32, %c0_i32_0 : i32, i32, i32
  }
  func.func @transform_2(%arg0: i32, %arg1: i32) -> (i32, i32, i32) {
    %c0_i32 = arith.constant 0 : i32
    %c0_i32_0 = arith.constant 0 : i32
    %c0_i32_1 = arith.constant 0 : i32
    return %arg0, %c0_i32, %c0_i32_0 : i32, i32, i32
  }
  func.func @transform_3(%arg0: i32, %arg1: i32) -> (i32, i32, i32) {
    %c0_i32 = arith.constant 0 : i32
    %c0_i32_0 = arith.constant 0 : i32
    %c0_i32_1 = arith.constant 0 : i32
    return %arg0, %c0_i32, %c0_i32_0 : i32, i32, i32
  }
  func.func @transform_4(%arg0: i32, %arg1: i32) -> (i32, i32, i32) {
    %c0_i32 = arith.constant 0 : i32
    %c0_i32_0 = arith.constant 0 : i32
    return %arg0, %arg1, %c0_i32 : i32, i32, i32
  }
  func.func @transform_5(%arg0: i32, %arg1: i32) -> (i32, i32, i32) {
    %c0_i32 = arith.constant 0 : i32
    %c0_i32_0 = arith.constant 0 : i32
    return %arg0, %arg1, %c0_i32 : i32, i32, i32
  }
}

module attributes {stable_mosaic.version = 14 : i64} {
  func.func @_post_body(%arg0: i32, %arg1: memref<2x1000x144xf32, #tpu.memory_space<vmem>>, %arg2: memref<16x128xf32, #tpu.memory_space<vmem>>, %arg3: memref<128x128xf32, #tpu.memory_space<vmem>>, %arg4: memref<1x128xf32, #tpu.memory_space<vmem>>, %arg5: memref<1x128xf32, #tpu.memory_space<vmem>>, %arg6: memref<128x64xf32, #tpu.memory_space<vmem>>, %arg7: memref<1x64xf32, #tpu.memory_space<vmem>>, %arg8: memref<1000x64xf32, #tpu.memory_space<vmem>>) attributes {dimension_semantics = [#tpu.dimension_semantics<arbitrary>], iteration_bounds = array<i64: 10>, scalar_prefetch = 0 : i64, scratch_operands = 0 : i64, tpu.core_type = #tpu.core_type<tc>, window_params = [{transform_indices = @transform_0, window_bounds = array<i64: 2, 1000, 144>}, {pipeline_mode = #tpu.pipeline_mode<synchronous>, transform_indices = @transform_1, window_bounds = array<i64: 16, 128>}, {pipeline_mode = #tpu.pipeline_mode<synchronous>, transform_indices = @transform_2, window_bounds = array<i64: 128, 128>}, {pipeline_mode = #tpu.pipeline_mode<synchronous>, transform_indices = @transform_3, window_bounds = array<i64: 1, 128>}, {pipeline_mode = #tpu.pipeline_mode<synchronous>, transform_indices = @transform_4, window_bounds = array<i64: 1, 128>}, {pipeline_mode = #tpu.pipeline_mode<synchronous>, transform_indices = @transform_5, window_bounds = array<i64: 128, 64>}, {pipeline_mode = #tpu.pipeline_mode<synchronous>, transform_indices = @transform_6, window_bounds = array<i64: 1, 64>}, {transform_indices = @transform_7, window_bounds = array<i64: 1000, 64>}]} {
    %get3A = arith.constant 0 : index
    %get3A_0 = arith.constant 0 : index
    %get3A_1 = vector.load %arg2[%get3A, %get3A_0] : memref<16x128xf32, #tpu.memory_space<vmem>>, vector<16x128xf32>
    %get3A_2 = arith.constant 0 : index
    %get3A_3 = arith.constant 0 : index
    %get3A_4 = vector.load %arg3[%get3A_2, %get3A_3] : memref<128x128xf32, #tpu.memory_space<vmem>>, vector<128x128xf32>
    %get3A_5 = arith.constant 0 : index
    %get3A_6 = arith.constant 0 : index
    %get3A_7 = vector.load %arg4[%get3A_5, %get3A_6] : memref<1x128xf32, #tpu.memory_space<vmem>>, vector<1x128xf32>
    %get3A_8 = arith.constant 0 : index
    %get3A_9 = arith.constant 0 : index
    %get3A_10 = vector.load %arg5[%get3A_8, %get3A_9] : memref<1x128xf32, #tpu.memory_space<vmem>>, vector<1x128xf32>
    %get3A_11 = arith.constant 0 : index
    %get3A_12 = arith.constant 0 : index
    %get3A_13 = arith.constant 0 : index
    %get3A_14 = vector.load %arg1[%get3A_11, %get3A_12, %get3A_13] : memref<2x1000x144xf32, #tpu.memory_space<vmem>>, vector<1x1000x144xf32>
    %get3A_15 = vector.shape_cast %get3A_14 : vector<1x1000x144xf32> to vector<1000x144xf32>
    %slice3A = vector.extract_strided_slice %get3A_15 {offsets = [0, 128], sizes = [1000, 16], strides = [1, 1]} : vector<1000x144xf32> to vector<1000x16xf32>
    %dot_general3A = arith.constant dense<0.000000e+00> : vector<1000x128xf32>
    %dot_general3A_16 = tpu.matmul %slice3A, %get3A_1, %dot_general3A {dimension_numbers = #tpu.dot_dimension_numbers<[1], [0], [0], [1], [0, 0, 1, 1], [], []>, transpose_lhs_hint = false} : vector<1000x16xf32>, vector<16x128xf32>, vector<1000x128xf32> -> vector<1000x128xf32>
    %slice3A_17 = vector.extract_strided_slice %get3A_15 {offsets = [0, 0], sizes = [1000, 128], strides = [1, 1]} : vector<1000x144xf32> to vector<1000x128xf32>
    %add3A = arith.constant 9.99999971E-10 : f32
    %add3A_18 = vector.broadcast %add3A : f32 to vector<1000x128xf32>
    %add3A_19 = arith.addf %dot_general3A_16, %add3A_18 : vector<1000x128xf32>
    %div3A = arith.divf %slice3A_17, %add3A_19 : vector<1000x128xf32>
    %gt3A = arith.constant 0.000000e+00 : f32
    %gt3A_20 = vector.broadcast %gt3A : f32 to vector<1000x128xf32>
    %gt3A_21 = arith.cmpf ogt, %div3A, %gt3A_20 : vector<1000x128xf32>
    %exp3A = math.exp %div3A : vector<1000x128xf32>
    %sub3A = arith.constant 1.000000e+00 : f32
    %sub3A_22 = vector.broadcast %sub3A : f32 to vector<1000x128xf32>
    %sub3A_23 = arith.subf %exp3A, %sub3A_22 : vector<1000x128xf32>
    %select_n3A = arith.select %gt3A_21, %div3A, %sub3A_23 : vector<1000x128xi1>, vector<1000x128xf32>
    %get3A_24 = arith.constant 1 : index
    %get3A_25 = arith.constant 0 : index
    %get3A_26 = arith.constant 0 : index
    %get3A_27 = vector.load %arg1[%get3A_24, %get3A_25, %get3A_26] : memref<2x1000x144xf32, #tpu.memory_space<vmem>>, vector<1x1000x144xf32>
    %get3A_28 = vector.shape_cast %get3A_27 : vector<1x1000x144xf32> to vector<1000x144xf32>
    %slice3A_29 = vector.extract_strided_slice %get3A_28 {offsets = [0, 128], sizes = [1000, 16], strides = [1, 1]} : vector<1000x144xf32> to vector<1000x16xf32>
    %dot_general3A_30 = arith.constant dense<0.000000e+00> : vector<1000x128xf32>
    %dot_general3A_31 = tpu.matmul %slice3A_29, %get3A_1, %dot_general3A_30 {dimension_numbers = #tpu.dot_dimension_numbers<[1], [0], [0], [1], [0, 0, 1, 1], [], []>, transpose_lhs_hint = false} : vector<1000x16xf32>, vector<16x128xf32>, vector<1000x128xf32> -> vector<1000x128xf32>
    %slice3A_32 = vector.extract_strided_slice %get3A_28 {offsets = [0, 0], sizes = [1000, 128], strides = [1, 1]} : vector<1000x144xf32> to vector<1000x128xf32>
    %add3A_33 = arith.constant 9.99999971E-10 : f32
    %add3A_34 = vector.broadcast %add3A_33 : f32 to vector<1000x128xf32>
    %add3A_35 = arith.addf %dot_general3A_31, %add3A_34 : vector<1000x128xf32>
    %div3A_36 = arith.divf %slice3A_32, %add3A_35 : vector<1000x128xf32>
    %gt3A_37 = arith.constant 0.000000e+00 : f32
    %gt3A_38 = vector.broadcast %gt3A_37 : f32 to vector<1000x128xf32>
    %gt3A_39 = arith.cmpf ogt, %div3A_36, %gt3A_38 : vector<1000x128xf32>
    %exp3A_40 = math.exp %div3A_36 : vector<1000x128xf32>
    %sub3A_41 = arith.constant 1.000000e+00 : f32
    %sub3A_42 = vector.broadcast %sub3A_41 : f32 to vector<1000x128xf32>
    %sub3A_43 = arith.subf %exp3A_40, %sub3A_42 : vector<1000x128xf32>
    %select_n3A_44 = arith.select %gt3A_39, %div3A_36, %sub3A_43 : vector<1000x128xi1>, vector<1000x128xf32>
    %dot_general3A_45 = arith.constant dense<0.000000e+00> : vector<1000x128xf32>
    %dot_general3A_46 = tpu.matmul %select_n3A, %get3A_4, %dot_general3A_45 {dimension_numbers = #tpu.dot_dimension_numbers<[1], [0], [0], [1], [0, 0, 1, 1], [], []>, transpose_lhs_hint = false} : vector<1000x128xf32>, vector<128x128xf32>, vector<1000x128xf32> -> vector<1000x128xf32>
    %add3A_47 = vector.broadcast %get3A_7 : vector<1x128xf32> to vector<1000x128xf32>
    %add3A_48 = arith.addf %dot_general3A_46, %add3A_47 : vector<1000x128xf32>
    %tanh3A = math.tanh %add3A_48 : vector<1000x128xf32>
    %mul3A = vector.broadcast %get3A_10 : vector<1x128xf32> to vector<1000x128xf32>
    %mul3A_49 = arith.mulf %tanh3A, %mul3A : vector<1000x128xf32>
    %reduce_sum3A = arith.constant dense<0.000000e+00> : vector<1000xf32>
    %reduce_sum3A_50 = vector.multi_reduction <add>, %mul3A_49, %reduce_sum3A [1] : vector<1000x128xf32> to vector<1000xf32>
    %broadcast_in_dim3A = vector.shape_cast %reduce_sum3A_50 : vector<1000xf32> to vector<1000x1xf32>
    %dot_general3A_51 = arith.constant dense<0.000000e+00> : vector<1000x128xf32>
    %dot_general3A_52 = tpu.matmul %select_n3A_44, %get3A_4, %dot_general3A_51 {dimension_numbers = #tpu.dot_dimension_numbers<[1], [0], [0], [1], [0, 0, 1, 1], [], []>, transpose_lhs_hint = false} : vector<1000x128xf32>, vector<128x128xf32>, vector<1000x128xf32> -> vector<1000x128xf32>
    %add3A_53 = vector.broadcast %get3A_7 : vector<1x128xf32> to vector<1000x128xf32>
    %add3A_54 = arith.addf %dot_general3A_52, %add3A_53 : vector<1000x128xf32>
    %tanh3A_55 = math.tanh %add3A_54 : vector<1000x128xf32>
    %mul3A_56 = vector.broadcast %get3A_10 : vector<1x128xf32> to vector<1000x128xf32>
    %mul3A_57 = arith.mulf %tanh3A_55, %mul3A_56 : vector<1000x128xf32>
    %reduce_sum3A_58 = arith.constant dense<0.000000e+00> : vector<1000xf32>
    %reduce_sum3A_59 = vector.multi_reduction <add>, %mul3A_57, %reduce_sum3A_58 [1] : vector<1000x128xf32> to vector<1000xf32>
    %broadcast_in_dim3A_60 = vector.shape_cast %reduce_sum3A_59 : vector<1000xf32> to vector<1000x1xf32>
    %max3A = arith.maximumf %broadcast_in_dim3A, %broadcast_in_dim3A_60 : vector<1000x1xf32>
    %sub3A_61 = arith.subf %broadcast_in_dim3A, %max3A : vector<1000x1xf32>
    %exp3A_62 = math.exp %sub3A_61 : vector<1000x1xf32>
    %sub3A_63 = arith.subf %broadcast_in_dim3A_60, %max3A : vector<1000x1xf32>
    %exp3A_64 = math.exp %sub3A_63 : vector<1000x1xf32>
    %add3A_65 = arith.addf %exp3A_62, %exp3A_64 : vector<1000x1xf32>
    %div3A_66 = arith.divf %exp3A_62, %add3A_65 : vector<1000x1xf32>
    %mul3A_67 = vector.broadcast %div3A_66 : vector<1000x1xf32> to vector<1000x128xf32>
    %mul3A_68 = arith.mulf %mul3A_67, %select_n3A : vector<1000x128xf32>
    %sub3A_69 = arith.constant 1.000000e+00 : f32
    %sub3A_70 = vector.broadcast %sub3A_69 : f32 to vector<1000x1xf32>
    %sub3A_71 = arith.subf %sub3A_70, %div3A_66 : vector<1000x1xf32>
    %mul3A_72 = vector.broadcast %sub3A_71 : vector<1000x1xf32> to vector<1000x128xf32>
    %mul3A_73 = arith.mulf %mul3A_72, %select_n3A_44 : vector<1000x128xf32>
    %add3A_74 = arith.addf %mul3A_68, %mul3A_73 : vector<1000x128xf32>
    %get3A_75 = arith.constant 0 : index
    %get3A_76 = arith.constant 0 : index
    %get3A_77 = vector.load %arg6[%get3A_75, %get3A_76] : memref<128x64xf32, #tpu.memory_space<vmem>>, vector<128x64xf32>
    %dot_general3A_78 = arith.constant dense<0.000000e+00> : vector<1000x64xf32>
    %dot_general3A_79 = tpu.matmul %add3A_74, %get3A_77, %dot_general3A_78 {dimension_numbers = #tpu.dot_dimension_numbers<[1], [0], [0], [1], [0, 0, 1, 1], [], []>, transpose_lhs_hint = false} : vector<1000x128xf32>, vector<128x64xf32>, vector<1000x64xf32> -> vector<1000x64xf32>
    %get3A_80 = arith.constant 0 : index
    %get3A_81 = arith.constant 0 : index
    %get3A_82 = vector.load %arg7[%get3A_80, %get3A_81] : memref<1x64xf32, #tpu.memory_space<vmem>>, vector<1x64xf32>
    %add3A_83 = vector.broadcast %get3A_82 : vector<1x64xf32> to vector<1000x64xf32>
    %add3A_84 = arith.addf %dot_general3A_79, %add3A_83 : vector<1000x64xf32>
    %reduce_max3A = arith.constant dense<0xFF800000> : vector<1000xf32>
    %reduce_max3A_85 = vector.multi_reduction <maximumf>, %add3A_84, %reduce_max3A [1] : vector<1000x64xf32> to vector<1000xf32>
    %broadcast_in_dim3A_86 = vector.shape_cast %reduce_max3A_85 : vector<1000xf32> to vector<1000x1xf32>
    %sub3A_87 = vector.broadcast %broadcast_in_dim3A_86 : vector<1000x1xf32> to vector<1000x64xf32>
    %sub3A_88 = arith.subf %add3A_84, %sub3A_87 : vector<1000x64xf32>
    %exp3A_89 = math.exp %sub3A_88 : vector<1000x64xf32>
    %reduce_sum3A_90 = arith.constant dense<0.000000e+00> : vector<1000xf32>
    %reduce_sum3A_91 = vector.multi_reduction <add>, %exp3A_89, %reduce_sum3A_90 [1] : vector<1000x64xf32> to vector<1000xf32>
    %broadcast_in_dim3A_92 = vector.shape_cast %reduce_sum3A_91 : vector<1000xf32> to vector<1000x1xf32>
    %log3A = math.log %broadcast_in_dim3A_92 : vector<1000x1xf32>
    %add3A_93 = arith.addf %log3A, %broadcast_in_dim3A_86 : vector<1000x1xf32>
    %sub3A_94 = vector.broadcast %add3A_93 : vector<1000x1xf32> to vector<1000x64xf32>
    %sub3A_95 = arith.subf %add3A_84, %sub3A_94 : vector<1000x64xf32>
    %swap3A = arith.constant 0 : index
    %swap3A_96 = arith.constant 0 : index
    %swap3A_97 = vector.load %arg8[%swap3A, %swap3A_96] : memref<1000x64xf32, #tpu.memory_space<vmem>>, vector<1000x64xf32>
    tpu.vector_store %arg8[%swap3A, %swap3A_96], %sub3A_95 {strides = array<i32>} : memref<1000x64xf32, #tpu.memory_space<vmem>>, vector<1000x64xf32>,
    return
  }
  func.func @transform_0(%arg0: i32) -> (i32, i32, i32) {
    %c0_i32 = arith.constant 0 : i32
    %c0_i32_0 = arith.constant 0 : i32
    %c0_i32_1 = arith.constant 0 : i32
    return %c0_i32, %arg0, %c0_i32_0 : i32, i32, i32
  }
  func.func @transform_1(%arg0: i32) -> (i32, i32) {
    %c0_i32 = arith.constant 0 : i32
    %c0_i32_0 = arith.constant 0 : i32
    %c0_i32_1 = arith.constant 0 : i32
    return %c0_i32, %c0_i32_0 : i32, i32
  }
  func.func @transform_2(%arg0: i32) -> (i32, i32) {
    %c0_i32 = arith.constant 0 : i32
    %c0_i32_0 = arith.constant 0 : i32
    %c0_i32_1 = arith.constant 0 : i32
    return %c0_i32, %c0_i32_0 : i32, i32
  }
  func.func @transform_3(%arg0: i32) -> (i32, i32) {
    %c0_i32 = arith.constant 0 : i32
    %c0_i32_0 = arith.constant 0 : i32
    %c0_i32_1 = arith.constant 0 : i32
    return %c0_i32, %c0_i32_0 : i32, i32
  }
  func.func @transform_4(%arg0: i32) -> (i32, i32) {
    %c0_i32 = arith.constant 0 : i32
    %c0_i32_0 = arith.constant 0 : i32
    %c0_i32_1 = arith.constant 0 : i32
    return %c0_i32, %c0_i32_0 : i32, i32
  }
  func.func @transform_5(%arg0: i32) -> (i32, i32) {
    %c0_i32 = arith.constant 0 : i32
    %c0_i32_0 = arith.constant 0 : i32
    %c0_i32_1 = arith.constant 0 : i32
    return %c0_i32, %c0_i32_0 : i32, i32
  }
  func.func @transform_6(%arg0: i32) -> (i32, i32) {
    %c0_i32 = arith.constant 0 : i32
    %c0_i32_0 = arith.constant 0 : i32
    %c0_i32_1 = arith.constant 0 : i32
    return %c0_i32, %c0_i32_0 : i32, i32
  }
  func.func @transform_7(%arg0: i32) -> (i32, i32) {
    %c0_i32 = arith.constant 0 : i32
    %c0_i32_0 = arith.constant 0 : i32
    return %arg0, %c0_i32 : i32, i32
  }
}

</mosaic_0001>

<sc_bundles>
// kernel: kernel.5.cloned.1.call-start
scs
__scs_entry_jumppad:
0x0: {  	(pc) =	sbr.rel $0x88, $3  }
0x1: {  	(tag) =	ssettag $0x0;
	lr =	simm.s32 $0x1  }
0x2: {  	[smem:$0x3F93] =	sst lr;
	_ =	strace $0xD0000000  }
0x3: {  	_ = 	snop  }
0x4: {  	_ = 	snop  }
0x5: {  	_ = 	snop  }
0x6: {  	_ = 	snop  }
0x7: {  	_ = 	snop  }
__scs_overlays_trampoline_lowered:
0x8: {  	[smem:$0x3FA2] =	sst s0  }
0x9: {  	[smem:$0x3FA3] =	sst s1  }
0xa: {  	[smem:$0x3FA4] =	sst s2  }
0xb: {  	[smem:$0x3FA5] =	sst s3  }
0xc: {  	[smem:$0x3FA6] =	sst s4  }
0xd: {  	[smem:$0x3FA7] =	sst s5  }
0xe: {  	[smem:$0x3FA8] =	sst s6  }
0xf: {  	[smem:$0x3FA9] =	sst s7  }
0x10: {  	[smem:$0x3FAA] =	sst s8  }
0x11: {  	[smem:$0x3FAB] =	sst s9;
	s0 =	simm.s32 @!p0 $0x0  }
0x12: {  	s1 =	sld [smem:$0x3F91];
	s0 =	simm.s32 @p0 $0x1  }
0x13: {  	[smem:$0x3FAC] =	sst s0;
	s0 =	simm.s32 @!p1 $0x0  }
0x14: {  	s2 =	sld [smem:$0x3F90];
	s0 =	simm.s32 @p1 $0x1  }
0x15: {  	[smem:$0x3FAD] =	sst s0;
	s0 =	simm.s32 @!p2 $0x0  }
0x16: {  	s3 =	sld [smem:$0x3FDB];
	s0 =	simm.s32 @p2 $0x1  }
0x17: {  	s4 =	simm.s32 $0x1BF5;
	[smem:$0x3FAF] =	sst s0  }
0x18: {  	s0 =	sld [smem:$0x3F92];
	_ =	swait.ge [sflag:s4], $0x0  }
0x19: {  	s7 =	sld [smem:$0x3F93]  }
0x1a: {  	s8 =	sadd.s32 $0xFFFFE003, lr  }
0x1b: {  	s9 =	sadd.s32 $0xFFFFFEF7, lr;
	s5 =	simm.s32 $0xFFFFFFFF;
	p2 =	slt.u32 s8, $0xFFFFF086  }
0x1c: {  	p1 =	slt.u32 s9, $0xF7A;
	s5 =	simm.s32 @!p2 $0x0  }
0x1d: {  	s5 =	simm.s32 @p1 $0x1;
	p0 =	seq.s32 s7, s2  }
0x1e: {  	s7 =	smul.u32 @!p0 $0xF7A, s2;
	p2 =	seq.s32 @!p0 s5, $0x0  }
0x1f: {  	s9 =	smul.u32 $0xF7A, s1;
	s8 =	simm.s32 @!p0 $0x1BF5;
	p2 =	por !p2, p0  }
0x20: {  	[sflag:s8] =	ssyncset.s32 @!p0 $0xFFFFF086;
	s6 =	sadd.s32 @!p0 s3, s7;
	s7 =	simm.s32 @!p0 $0x108  }
0x21: {  	s3 =	sadd.s32 s3, s9;
	s6 =	sadd.s32 @!p0 $0x88, s6;
	s7 =	simm.s32 @p2 $0x1082  }
0x22: {  	[simem:s7], [sflag:s8] =	dma.local @!p0 [hbm:s6], $0xF7A  }
0x23: {  	s9 =	sor.u32 $0xD0000000, s2;
	s6 =	simm.s32 $0x108;
	_ =	swait.ge @!p0 [sflag:s8], $0x0  }
0x24: {  	s3 =	sadd.s32 $0x88, s3;
	s6 =	simm.s32 @!p1 $0x1082;
	[sflag:s4] =	ssyncset.s32 $0xFFFFF086  }
0x25: {  	[simem:s6], [sflag:s4] =	dma.local [hbm:s3], $0xF7A  }
0x26: {  	[smem:$0x3F93] =	sst s1;
	(tag) =	ssettag s2;
	_ =	strace s9  }
0x27: {  	s1 =	sld [smem:$0x3FA3]  }
0x28: {  	s2 =	sld [smem:$0x3FA4]  }
0x29: {  	s4 =	sld [smem:$0x3FA6]  }
0x2a: {  	p0 =	seq.s32 s5, $0x0;
	s5 =	sld [smem:$0x3FA7]  }
0x2b: {  	s6 =	sld [smem:$0x3FA8]  }
0x2c: {  	s7 =	sld [smem:$0x3FA9]  }
0x2d: {  	s3 =	simm.s32 $0x108;
	s8 =	sld [smem:$0x3FAA]  }
0x2e: {  	s3 =	simm.s32 @!p0 $0x1082;
	s9 =	sld [smem:$0x3FAB]  }
0x2f: {  	lr =	sadd.s32 s0, s3;
	s0 =	sld [smem:$0x3FA2]  }
0x30: {  	s3 =	sld [smem:$0x3FA5]  }
0x31: {  	[smem:$0x3FAE] =	sst s10  }
0x32: {  	s10 =	sld [smem:$0x3FAC];
	_ =	sdelay $0x3  }
0x33: {  	p0 =	seq.s32 s10, $0x1;
	s10 =	sld [smem:$0x3FAE];
	_ =	sdelay $0x3  }
0x34: {  	[smem:$0x3FAE] =	sst s10  }
0x35: {  	s10 =	sld [smem:$0x3FAD];
	_ =	sdelay $0x3  }
0x36: {  	p1 =	seq.s32 s10, $0x1;
	s10 =	sld [smem:$0x3FAE];
	_ =	sdelay $0x3  }
0x37: {  	[smem:$0x3FAE] =	sst s10  }
0x38: {  	s10 =	sld [smem:$0x3FAF]  }
0x39: {  	_ = 	snop;
	(pc) =	sbr.ind lr, $3  }
0x3a: {  	_ = 	snop  }
0x3b: {  	_ = 	snop  }
0x3c: {  	p2 =	seq.s32 s10, $0x1;
	s10 =	sld [smem:$0x3FAE]  }
0x3d: {  	_ =	shalt  }
0x3e: {  	_ =	shalt  }
0x3f: {  	_ =	shalt  }
0x40: {  	_ =	shalt  }
0x41: {  	_ =	shalt  }
0x42: {  	_ =	shalt  }
0x43: {  	_ =	shalt  }
0x44: {  	_ =	shalt  }
0x45: {  	_ =	shalt  }
0x46: {  	_ =	shalt  }
0x47: {  	_ =	shalt  }
0x48: {  	_ =	shalt  }
0x49: {  	_ =	shalt  }
0x4a: {  	_ =	shalt  }
0x4b: {  	_ =	shalt  }
0x4c: {  	_ =	shalt  }
0x4d: {  	_ =	shalt  }
0x4e: {  	_ =	shalt  }
0x4f: {  	_ =	shalt  }
0x50: {  	_ =	shalt  }
0x51: {  	_ =	shalt  }
0x52: {  	_ =	shalt  }
0x53: {  	_ =	shalt  }
0x54: {  	_ =	shalt  }
0x55: {  	_ =	shalt  }
0x56: {  	_ =	shalt  }
0x57: {  	_ =	shalt  }
0x58: {  	_ =	shalt  }
0x59: {  	_ =	shalt  }
0x5a: {  	_ =	shalt  }
0x5b: {  	_ =	shalt  }
0x5c: {  	_ =	shalt  }
0x5d: {  	_ =	shalt  }
0x5e: {  	_ =	shalt  }
0x5f: {  	_ =	shalt  }
0x60: {  	_ =	shalt  }
0x61: {  	_ =	shalt  }
0x62: {  	_ =	shalt  }
0x63: {  	_ =	shalt  }
0x64: {  	_ =	shalt  }
0x65: {  	_ =	shalt  }
0x66: {  	_ =	shalt  }
0x67: {  	_ =	shalt  }
0x68: {  	_ =	shalt  }
0x69: {  	_ =	shalt  }
0x6a: {  	_ =	shalt  }
0x6b: {  	_ =	shalt  }
0x6c: {  	_ =	shalt  }
0x6d: {  	_ =	shalt  }
0x6e: {  	_ =	shalt  }
0x6f: {  	_ =	shalt  }
0x70: {  	_ =	shalt  }
0x71: {  	_ =	shalt  }
0x72: {  	_ =	shalt  }
0x73: {  	_ =	shalt  }
0x74: {  	_ =	shalt  }
0x75: {  	_ =	shalt  }
0x76: {  	_ =	shalt  }
0x77: {  	_ =	shalt  }
0x78: {  	_ =	shalt  }
0x79: {  	_ =	shalt  }
0x7a: {  	_ =	shalt  }
0x7b: {  	_ =	shalt  }
0x7c: {  	_ =	shalt  }
0x7d: {  	_ =	shalt  }
0x7e: {  	_ =	shalt  }
0x7f: {  	_ =	shalt  }
0x80: {  	_ =	shalt  }
0x81: {  	_ =	shalt  }
0x82: {  	_ =	shalt  }
0x83: {  	_ =	shalt  }
0x84: {  	_ =	shalt  }
0x85: {  	_ =	shalt  }
0x86: {  	_ =	shalt  }
0x87: {  	_ =	shalt  }
.Lfunc_end0:
.L_simem_size_0:
called_computation_lowered:
.L_overlay_start_0:
0x88: {  	s2 =	sld [smem:$0x3FD9]  }
0x89: {  	s3 =	sld [smem:$0x3FFE];
	_ =	sdelay $0x1  }
0x8a: {  	s1 =	srdreg.scid  }
0x8b: {  	s0 =	sand.u32 $0x1, s1  }
0x8c: {  	s17 =	sshll.u32 s0, $0xA;
	s2 =	sadd.s32 s3, s2  }
0x8d: {  	s2 =	sadd.s32 s2, s17  }
0x8e: {  	[smem:$0x3FBA] =	sst s2  }
0x8f: {  	_ = 	snop  }
0x90: {  	s2 =	sld [smem:$0x3FD0];
	(tm) =	ssettm $0x1  }
0x91: {  	s18 =	sld [smem:$0x3FFB];
	_ =	sdelay $0x3  }
0x92: {  	_ =	strace s18  }
0x93: {  	s3 =	sld [smem:$0x3FFC];
	_ =	sdelay $0x3  }
0x94: {  	_ =	strace s3  }
0x95: {  	s3 =	sld [smem:$0x3FFD];
	_ =	sdelay $0x3  }
0x96: {  	_ =	strace s3  }
0x97: {  	_ =	strace $0x8FFFFFFF  }
0x98: {  	s19 =	sld [smem:$0x3FDB];
	_ =	sdelay $0x1  }
0x99: {  	s4 =	simm.s32 $_scs_section_size  }
0x9a: {  	s5 =	simm.s32 $_size__tile_overlayer_lowered;
	s6 =	simm.s32 $_tile_overlayer_lowered  }
0x9b: {  	s22 =	simm.s32 $0x1BFF;
	s21 =	sshll.u32 s6, $0x1;
	s3 =	sadd.s32 s4, s19  }
0x9c: {  	s7 =	simm.s32 $0x0;
	s20 =	sshll.u32 s5, $0x1;
	s5 =	sadd.s32 s21, s3  }
0x9d: {  	[timem:s7], [sflag:s22] =	dma.local [hbm:s5], s20  }
0x9e: {  	_ =	swait.ge [sflag:s22], s20  }
0x9f: {  	s4 =	ssub.s32 $0x0, s20;
	[sflag:s22] =	ssyncset.done $0x0  }
0xa0: {  	[sflag:s22] =	ssyncadd.s32 s4;
	_ =	sdelay $0x1  }
0xa1: {  	s23 =	simm.s32 $0x1B8B  }
0xa2: {  	_ =	swait.ge [sflag:s23], $0x1  }
0xa3: {  	[sflag:s23] =	ssyncset.done $0x0  }
0xa4: {  	s25 =	simm.s32 $0x1B8E;
	s24 =	sld [smem:$0x3FFE];
	[sflag:s23] =	ssyncadd.s32 $0xFFFFFFFF  }
0xa5: {  	s26 =	simm.s32 $execute0_lowered;
	[smem:$0x3FD2] =	sst s25  }
0xa6: {  	s5 =	sshll.u32 s26, $0x1;
	_ =	strace $0x80000046;
	[dreg:$0x1] =	wrdreg $0xFFFFFFFF  }
0xa7: {  	s28 =	simm.s32 $_size_execute0_lowered;
	s3 =	sadd.s32 s3, s5;
	[dreg:$0x0] =	wrdreg $0x0  }
0xa8: {  	s5 =	sshll.u32 s28, $0x1;
	[dreg:$0x2] =	wrdreg s3  }
0xa9: {  	[dreg:$0x3] =	wrdreg s5  }
0xaa: {  	[dreg:$0x4] =	wrdreg $0xC0  }
0xab: {  	_ =	task [dreg:s7], $0x5FFFF  }
0xac: {  	[dreg:$0x1] =	wrdreg $0xFFFFFFFF  }
0xad: {  	[dreg:$0x0] =	wrdreg $0x60  }
0xae: {  	[dreg:$0x2] =	wrdreg s24  }
0xaf: {  	[dreg:$0x3] =	wrdreg s2  }
0xb0: {  	[dreg:$0x4] =	wrdreg $0x66D00  }
0xb1: {  	[dreg:$0x5] =	wrdreg $0x9  }
0xb2: {  	_ =	task.clear_ibuf [dreg:s7], $0x6FFFF;
	_ =	strace $0x90000046  }
0xb3: {  	s29 =	simm.s32 $0x9;
	_ =	strace $0x80000048  }
0xb4: {  	_ =	swait.ge [sflag:s29], $0x1  }
0xb5: {  	[sflag:s29] =	ssyncadd.s32 $0xFFFFFFFF  }
0xb6: {  	_ =	strace $0x90000048  }
0xb7: {  	_ =	sfence  }
0xb8: {  	s30 =	sld [smem:$0x0];
	_ =	sdelay $0x2  }
0xb9: {  	s31 =	sshll.u32 s1, $0xD;
	s1 =	sshrl.u32 s1, $0x2  }
0xba: {  	s3 =	sand.u32 $0x4000, s31;
	s1 =	sadd.s32 s1, s30  }
0xbb: {  	s0 =	sor.u32 s3, s0;
	s1 =	sshll.u32 s1, $0x11  }
0xbc: {  	s0 =	sor.u32 s1, s0  }
0xbd: {  	s0 =	sadd.s32 $0x8F2B, s0  }
0xbe: {  	[sflag:s0] =	ssyncadd.remote.s32 $0x1  }
0xbf: {  	_ =	sfence.sel $0xFFFF  }
0xc0: {  	[dreg:$0x0] =	wrdreg $0xFFFFFFFF;
	(pc) =	sbr.abs _section_cstart, $3  }
0xc1: {  	[dreg:$0x1] =	wrdreg $0xFFFFFFFF  }
0xc2: {  	_ =	task.clear_ibuf [dreg:s7], $0x2FFFF;
	_ =	strace $0x9FFFFFFF  }
0xc3: {  	(tm) =	ssettm $0x7FFFFFFF  }
tec
execute0_lowered:
.L_overlay_start_1:
0x0: {  	(tag) =	ssettag $0x1  }
0x1: {  	s0 =	rddreg [dreg:$0x0]  }
0x2: {  	s1 =	rddreg [dreg:$0x1]  }
0x3: {  	s2 =	rddreg [dreg:$0x2];
	s3 =	simm.s32 $0x0  }
0x4: {  	s5 =	srdreg.scid;
	s18 =	stileid.u32;
	s31 =	simm.s32 $0x8  }
0x5: {  	s28 =	simm.s32 $0x2D0;
	s29 =	simm.s32 $0xCD0;
	s30 =	simm.s32 $0x6  }
0x6: {  	s20 =	simm.s32 $0x2;
	s21 =	simm.s32 $0x280;
	[smem:$0x7FF] =	sst s3  }
0x7: {  	s4 =	sadd.s32 $0x9CE00, s0;
	s6 =	sadd.s32 $0xA00, s0;
	s7 =	sadd.s32 $0x3B400, s0  }
0x8: {  	s5 =	sand.u32 $0x1, s5;
	s0 =	sadd.s32 $0x3CA00, s0;
	s10 =	smul.u32 $0x57C00, s18  }
0x9: {  	s23 =	smul.u32 $0x2BE0, s18;
	s11 =	sshll.u32 s18, $0x6;
	s16 =	sadd.s32 $0x15F000, s2  }
0xa: {  	p0 =	sne.s32 s18, $0xF;
	_ =	strace $0x80000047;
	s8 =	smul.u32 $0xFA0, s5  }
0xb: {  	[dreg:$0x4] =	wrdreg s7;
	s22 =	ssub.s32 $0x2, s5;
	s17 =	smul.u32 $0x2BF20, s5  }
0xc: {  	s5 =	smul.u32 $0x15F900, s5;
	s16 =	sshrl.u32 @!p0 s16, $0x3;
	s9 =	sshrl.u32 s22, $0x1  }
0xd: {  	s10 =	sshrl.u32 s10, $0x2;
	[dreg:$0xf] =	wrdreg s16;
	s7 =	ssub.s32 s22, s9  }
0xe: {  	s8 =	sor.u32 s18, s8;
	s10 =	sadd.s32 s10, s2;
	s22 =	sor.u32 $0x1C08, s11  }
0xf: {  	s9 =	sadd.s32 s23, s17;
	s5 =	sshrl.u32 s5, $0x3;
	s12 =	smul.u32 $0xF0, s8  }
0x10: {  	s17 =	simm.s32 $0xA0;
	s18 =	simm.s32 $0x3;
	s24 =	smul.u32 $0x1E, s8  }
0x11: {  	s15 =	sadd.s32 $0xAF80, s10;
	s13 =	sadd.s32 $0x40, s8;
	s14 =	sadd.s32 $0x50, s8  }
0x12: {  	s19 =	sadd.s32 $0x60, s8;
	s26 =	sadd.s32 s0, s9;
	[dreg:$0x5] =	wrdreg s22  }
0x13: {  	s0 =	sadd.s32 s0, s5;
	s9 =	smax.u32 s7, $0x1;
	[dreg:$0x8] =	wrdreg s19  }
0x14: {  	s23 =	sshrl.u32 s10, $0x3;
	s5 =	simm.s32 $0x39D0;
	[dreg:$0xa] =	wrdreg s26  }
0x15: {  	s7 =	simm.s32 $0x4;
	s0 =	sadd.s32 $0x2BE00, s0;
	[dreg:$0xc] =	wrdreg s9  }
0x16: {  	s10 =	sshrl.u32 s15, $0x3;
	s26 =	simm.s32 $0x50;
	s9 =	simm.s32 $0x1E0  }
0x17: {  	s19 =	simm.s32 $0x7;
	s15 =	simm.s32 $0x0;
	[dreg:$0xd] =	wrdreg s23  }
0x18: {  	s12 =	sshrl.u32 s12, $0x3;
	s11 =	sadd.s32 s6, s24;
	[dreg:$0xb] =	wrdreg s0  }
.Ltmp0:
0x19: {  	[dreg:$0xe] =	wrdreg s10;
	s24 =	simm.s32 $0xF0;
	(pc) =	sbr.rel .LBB2_1-.Ltmp0, $4  }
0x1a: {  	s0 =	simm.s32 $0x7D0;
	[dreg:$0x10] =	wrdreg s15;
	s25 =	sadd.s32 s6, s12  }
0x1b: {  	v52 =	vimm.s32 $0x0;
	[dreg:$0x6] =	wrdreg s11;
	s12 =	sadd.s32 $0x30, s8;
	s11 =	sadd.s32 $0x1E0, s25  }
0x1c: {  	v6 =	vimm.s32 $0x1;
	v7 =	vimm.s32 $0x2;
	v37 =	vimm.s32 $0x3;
	[dreg:$0x7] =	wrdreg s11;
	s11 =	sadd.s32 $0x20, s8;
	s8 =	sadd.s32 $0x70, s8  }
0x1d: {  	v46 =	vimm.s32 $0x4;
	v50 =	vimm.s32 $0x5;
	v11 =	vimm.s32 $0x7;
	s10 =	simm.s32 $0x1;
	s25 =	simm.s32 $0x5;
	[dreg:$0x9] =	wrdreg s8  }
.LBB2_16:
0x1e: {  	_ =	swait.ge [sflag:s18], $0x2D00  }
0x1f: {  	[sflag:s18] =	ssyncset.done $0x0  }
0x20: {  	[sflag:s18] =	ssyncadd.s32 $0xFFFFD300  }
0x21: {  	_ =	swait.ge [sflag:s7], $0x2D00  }
0x22: {  	[sflag:s7] =	ssyncset.done $0x0  }
0x23: {  	[sflag:s7] =	ssyncadd.s32 $0xFFFFD300  }
0x24: {  	[bflag:$0x0] =	sbarrier.arrive $0xFFFF  }
0x25: {  	s22 =	rddreg [dreg:$0x5]  }
0x26: {  	s8 =	rddreg [dreg:$0xa]  }
0x27: {  	s31 =	simm.s32 $0x8;
	s23 =	rddreg [dreg:$0xd]  }
0x28: {  	[hbm:s8], [sflag:s22] =	dma.local [spmem:s23], $0x2BE0  }
0x29: {  	_ =	swait.ge [sflag:s31], $0x2BE0  }
0x2a: {  	[sflag:s31] =	ssyncset.done $0x0;
	s8 =	rddreg [dreg:$0xb]  }
0x2b: {  	s16 =	rddreg [dreg:$0xf];
	[sflag:s31] =	ssyncadd.s32 $0xFFFFD420  }
0x2c: {  	[hbm:s8], [sflag:s22] =	dma.local @!p0 [spmem:s16], $0x120  }
0x2d: {  	s8 =	simm.s32 @!p0 $0x8  }
0x2e: {  	_ =	swait.ge @!p0 [sflag:s8], $0x120  }
0x2f: {  	s21 =	smov.u32 s12;
	s15 =	rddreg [dreg:$0x10]  }
0x30: {  	s12 =	smov.u32 s11;
	s11 =	sadd.s32 $0x1, s15;
	s15 =	rddreg [dreg:$0xc]  }
0x31: {  	p1 =	sne.s32 s11, s15  }
.Ltmp1:
0x32: {  	_ = 	snop;
	(pc) =	sbr.rel @!p1 .LBB2_17-.Ltmp1, $4  }
0x33: {  	_ = 	snop  }
0x34: {  	v52 =	vimm.s32 $0x0;
	[sflag:s8] =	ssyncset.done @!p0 $0x0  }
0x35: {  	v6 =	vimm.s32 $0x1;
	v7 =	vimm.s32 $0x2;
	v37 =	vimm.s32 $0x3;
	[sflag:s8] =	ssyncadd.s32 @!p0 $0xFFFFFEE0;
	[dreg:$0x10] =	wrdreg s11  }
0x36: {  	v46 =	vimm.s32 $0x4;
	v50 =	vimm.s32 $0x5;
	v11 =	vimm.s32 $0x7;
	s11 =	smov.u32 s12;
	s12 =	smov.u32 s21;
	s21 =	simm.s32 $0x280  }
.LBB2_1:
0x37: {  	s8 =	rddreg [dreg:$0x4]  }
0x38: {  	[spmem:s23], [sflag:s22] =	dma.local [hbm:s8], $0x15F0  }
0x39: {  	_ =	swait.ge [sflag:s31], $0x15F0  }
0x3a: {  	[sflag:s31] =	ssyncset.done $0x0  }
0x3b: {  	s15 =	rddreg [dreg:$0xe];
	[sflag:s31] =	ssyncadd.s32 $0xFFFFEA10  }
0x3c: {  	[spmem:s15], [sflag:s22] =	dma.local [hbm:s8], $0x15F0  }
0x3d: {  	_ =	swait.ge [sflag:s31], $0x15F0  }
0x3e: {  	[sflag:s31] =	ssyncset.done $0x0  }
0x3f: {  	[sflag:s31] =	ssyncadd.s32 $0xFFFFEA10  }
0x40: {  	[spmem:s16], [sflag:s22] =	dma.local @!p0 [hbm:s8], $0x120  }
0x41: {  	s8 =	simm.s32 @!p0 $0x8  }
0x42: {  	_ =	swait.ge @!p0 [sflag:s8], $0x120  }
0x43: {  	[sflag:s8] =	ssyncset.done @!p0 $0x0  }
0x44: {  	[sflag:s8] =	ssyncadd.s32 @!p0 $0xFFFFFEE0  }
0x45: {  	[bflag:$0x0] =	sbarrier.arrive $0xFFFF  }
0x46: {  	s23 =	rddreg [dreg:$0x6]  }
0x47: {  	[tilespmem:s3], [sflag:$0x5] =	stream.linear.gather [hbm4b:s23+s3], $0xF0, $0x38;
	[tilespmem:$0x1C660] =	vst v63  }
0x48: {  	s31 =	rddreg [dreg:$0x7]  }
0x49: {  	[tilespmem:s24], [sflag:$0x6] =	stream.linear.gather [hbm4b:s31+s3], $0xF0, $0x38;
	[tilespmem:$0x1C660] =	vst v63  }
0x4a: {  	_ =	swait.ge [sflag:s25], $0xF0  }
0x4b: {  	[sflag:s25] =	ssyncset.done $0x0  }
0x4c: {  	[sflag:s25] =	ssyncadd.s32 $0xFFFFFF10  }
0x4d: {  	[tilespmem:s28], [sflag:$0x1] =	stream.indirect.gather [hbm4b:s1+s26], $0x10, s26, s26, $0xb8;
	[tilespmem:$0x1C660] =	vst v63  }
0x4e: {  	s8 =	simm.s32 $0x0  }
0x4f: {  	[tilespmem:s29], [sflag:$0x1] =	stream.indirect.gather [hbm4b:s4+s26], $0x90, s3, s26, $0xb8;
	[tilespmem:$0x1C660] =	vst v63  }
.LBB2_2:
0x50: {  	p1 =	seq.s32 s8, $0x0  }
0x51: {  	s15 =	simm.s32 @!p1 $0x4  }
0x52: {  	_ =	swait.ge @!p1 [sflag:s15], $0x2D00  }
0x53: {  	[sflag:s15] =	ssyncset.done @!p1 $0x0  }
0x54: {  	[sflag:s15] =	ssyncadd.s32 @!p1 $0xFFFFD300  }
0x55: {  	s31 =	smul.u32 $0x60, s8;
	_ =	swait.ge [sflag:s30], $0xF0  }
0x56: {  	[sflag:s30] =	ssyncset.done $0x0  }
0x57: {  	s22 =	simm.s32 $0x140;
	s23 =	sadd.s32 s31, s11;
	[sflag:s30] =	ssyncadd.s32 $0xFFFFFF10  }
0x58: {  	[tilespmem:s0], [sflag:$0x2] =	stream.indirect.gather [hbm4b:s1+s26], $0x10, s22, s26, $0xb8;
	[tilespmem:$0x1C660] =	vst v63  }
0x59: {  	s15 =	smul.u32 $0x1E, s23  }
0x5a: {  	[tilespmem:s5], [sflag:$0x2] =	stream.indirect.gather [hbm4b:s4+s26], $0x90, s24, s26, $0xb8;
	[tilespmem:$0x1C660] =	vst v63  }
0x5b: {  	s15 =	sadd.s32 s6, s15  }
0x5c: {  	[tilespmem:s9], [sflag:$0x7] =	stream.linear.gather [hbm4b:s15+s3], $0xF0, $0x38;
	[tilespmem:$0x1C660] =	vst v63  }
0x5d: {  	_ =	swait.ge [sflag:s10], $0x500  }
0x5e: {  	[sflag:s10] =	ssyncset.done $0x0  }
0x5f: {  	[sflag:s10] =	ssyncadd.s32 $0xFFFFFB00  }
0x60: {  	_ =	swait.ge [sflag:s10], $0x2D00  }
0x61: {  	[sflag:s10] =	ssyncset.done $0x0  }
0x62: {  	s15 =	simm.s32 $0xDF0;
	[sflag:s10] =	ssyncadd.s32 $0xFFFFD300  }
0x63: {  	s16 =	simm.s32 $0x2F0;
	v0 =	vld [tilespmem:s15+$0x110]  }
0x64: {  	v1 =	vld [tilespmem:s16+$0x10]  }
0x65: {  	v2 =	vld [tilespmem:s16+$0xFFFFFFE0]  }
0x66: {  	v5 =	vld [tilespmem:s15+$0xFFFFFEE0]  }
0x67: {  	v3 =	vld [tilespmem:s15+$0xFFFFFFF0]  }
0x68: {  	v4 =	vld [tilespmem:s16+$0xFFFFFFF0]  }
0x69: {  	v8 =	vld [tilespmem:s15+$0x80]  }
0x6a: {  	v9 =	vld [tilespmem:s16+$0x0];
	v0 =	vadd.f32 v1, v0  }
0x6b: {  	v1 =	vld [tilespmem:s15+$0xFFFFFF60];
	[tilespmem:$0x1FFF0] =	vst v5  }
0x6c: {  	v14 =	vld [tilespmem:s15+$0xFFFFFEF0];
	v10 =	vmul.f32 $2.000000030e-01, v0  }
0x6d: {  	v3 =	vadd.f32 v4, v3;
	v15 =	vld [tilespmem:s15+$0xFFFFFF00];
	vm0 =	vge.f32 v0, $0.0e+00  }
0x6e: {  	v16 =	vld [tilespmem:s15+$0xFFFFFF10];
	v0 =	vsel vm0, v0, v10  }
0x6f: {  	v4 =	vadd.f32 v9, v8;
	v17 =	vld [tilespmem:s15+$0xFFFFFF20];
	v8 =	vmul.f32 $2.000000030e-01, v3;
	v0 =	vmul.f32 $1.442695020e+00, v0  }
0x70: {  	v18 =	vld [tilespmem:s15+$0xFFFFFF30];
	vm14 =	vge.f32 v3, $0.0e+00  }
0x71: {  	v19 =	vld [tilespmem:s15+$0xFFFFFF40];
	v3 =	vsel vm14, v3, v8;
	(erf) = vpow2.f32 v0  }
0x72: {  	v20 =	vld [tilespmem:s15+$0xFFFFFF50];
	v3 =	vmul.f32 $1.442695020e+00, v3  }
0x73: {  	v21 =	vld [tilespmem:s15+$0xFFFFFF70];
	v1 =	vadd.f32 v2, v1  }
0x74: {  	v22 =	vld [tilespmem:s15+$0xFFFFFF80];
	v2 =	vmul.f32 $2.000000030e-01, v4;
	(erf) = vpow2.f32 v3  }
0x75: {  	v23 =	vld [tilespmem:s15+$0xFFFFFF90];
	vm1 =	vge.f32 v4, $0.0e+00;
	v0 =	vmul.f32 $2.000000030e-01, v1  }
0x76: {  	v24 =	vld [tilespmem:s15+$0xFFFFFFA0];
	vm15 =	vge.f32 v1, $0.0e+00;
	v2 =	vsel vm1, v4, v2  }
0x77: {  	v26 =	vld [tilespmem:s15+$0xFFFFFFB0];
	v0 =	vsel vm15, v1, v0;
	v1 =	vmul.f32 $1.442695020e+00, v2  }
0x78: {  	v25 =	vld [tilespmem:s15+$0xFFFFFFC0];
	v0 =	vmul.f32 $1.442695020e+00, v0  }
0x79: {  	v27 =	vld [tilespmem:s15+$0xFFFFFFD0];
	(erf) = vpow2.f32 v1  }
0x7a: {  	v28 =	vld [tilespmem:s15+$0xFFFFFFE0];
	(erf) = vpow2.f32 v0;
	v43 =	vpop (erf)  }
0x7b: {  	v32 =	vld [tilespmem:s15+$0x0];
	v9 =	vperm.xlane v43, v52;
	v1 =	vperm.xlane v43, v11  }
0x7c: {  	v0 =	vld [tilespmem:s15+$0x100];
	v11 =	vperm.xlane v43, v6;
	v8 =	vperm.xlane v43, v7  }
0x7d: {  	v34 =	vld [tilespmem:s15+$0x10];
	v10 =	vperm.xlane v43, v37;
	v13 =	vperm.xlane v43, v46;
	v41 =	vpop (erf)  }
0x7e: {  	v35 =	vld [tilespmem:s15+$0x20];
	v12 =	vperm.xlane v43, v50;
	v49 =	vperm.xlane v41, v52  }
0x7f: {  	v39 =	vld [tilespmem:s15+$0x30];
	v47 =	vperm.xlane v41, v6;
	v51 =	vperm.xlane v41, v7  }
0x80: {  	v31 =	vimm.s32 $0x6;
	v44 =	vld [tilespmem:s15+$0x40];
	v48 =	vperm.xlane v41, v37;
	v61 =	vperm.xlane v41, v46  }
0x81: {  	v5 =	vimm.s32 $0x7;
	v40 =	vld [tilespmem:s15+$0x50];
	[tilespmem:s15+$0x110] =	vst v43;
	v58 =	vperm.xlane v41, v50;
	v2 =	vmul.f32 v0, v1  }
0x82: {  	v33 =	vld [tilespmem:s15+$0x60];
	v59 =	vperm.xlane v41, v31;
	v57 =	vperm.xlane v41, v5;
	[tilespmem:s15+$0xFFFFFFF0] =	vst v41;
	v45 =	vpop (erf)  }
0x83: {  	v29 =	vld [tilespmem:s15+$0x90];
	[tilespmem:s15+$0x100] =	vst v2;
	v60 =	vperm.xlane v45, v52;
	v56 =	vperm.xlane v45, v6  }
0x84: {  	v30 =	vld [tilespmem:s15+$0xA0];
	v38 =	vpop (erf);
	v55 =	vperm.xlane v45, v7;
	v53 =	vperm.xlane v45, v37;
	[tilespmem:s15+$0x80] =	vst v45  }
0x85: {  	v36 =	vld [tilespmem:s15+$0x70];
	v54 =	vperm.xlane v45, v46;
	v3 =	vperm.xlane v38, v46;
	[tilespmem:s15+$0xFFFFFF60] =	vst v38  }
0x86: {  	v62 =	vperm.xlane v38, v5;
	v46 =	vperm.xlane v45, v5;
	v5 =	vld [tilespmem:$0x1FFF0]  }
0x87: {  	v41 =	vld [tilespmem:s15+$0xE0];
	v42 =	vperm.xlane v38, v52;
	v1 =	vperm.xlane v38, v6  }
0x88: {  	v4 =	vperm.xlane v38, v7;
	v2 =	vperm.xlane v38, v31;
	v31 =	vld [tilespmem:s15+$0xB0]  }
0x89: {  	v0 =	vperm.xlane v38, v37;
	v63 =	vperm.xlane v38, v50;
	v7 =	vimm.s32 $0x6;
	v37 =	vld [tilespmem:s15+$0xC0]  }
0x8a: {  	v52 =	vperm.xlane v45, v50;
	v38 =	vld [tilespmem:s15+$0xD0];
	v50 =	vperm.xlane v45, v7  }
0x8b: {  	s23 =	simm.s32 $0x1030;
	s22 =	simm.s32 $0x0;
	v45 =	vmul.f32 v5, v42;
	v42 =	vperm.xlane v43, v7;
	v43 =	vld [tilespmem:s15+$0xF0]  }
.LBB2_3:
0x8c: {  	v5 =	vld [tilespmem:s23+$0x110];
	v1 =	vmul.f32 v14, v1;
	v4 =	vmul.f32 v15, v4;
	s16 =	sadd.s32 $0x40, s16  }
0x8d: {  	s22 =	sadd.s32 $0x4, s22;
	v0 =	vmul.f32 v16, v0;
	v3 =	vmul.f32 v17, v3;
	v14 =	vld [tilespmem:s16+$0x10];
	[tilespmem:s15+$0xFFFFFEE0] =	vst v45  }
0x8e: {  	v2 =	vmul.f32 v19, v2;
	p1 =	slt.u32 s22, $0x4C;
	v17 =	vld [tilespmem:s16+$0xFFFFFFE0];
	[tilespmem:s15+$0xFFFFFEF0] =	vst v1;
	v1 =	vmul.f32 v18, v63  }
0x8f: {  	v16 =	vmul.f32 v21, v49;
	v15 =	vld [tilespmem:s23+$0xFFFFFFF0];
	[tilespmem:s15+$0xFFFFFF00] =	vst v4;
	v4 =	vmul.f32 v20, v62  }
0x90: {  	v19 =	vmul.f32 v23, v51;
	v18 =	vld [tilespmem:s16+$0xFFFFFFF0];
	[tilespmem:s15+$0xFFFFFF10] =	vst v0;
	v0 =	vmul.f32 v22, v47  }
0x91: {  	v21 =	vmul.f32 v26, v61;
	v20 =	vld [tilespmem:s23+$0x80];
	[tilespmem:s15+$0xFFFFFF20] =	vst v3;
	v3 =	vmul.f32 v24, v48  }
0x92: {  	v23 =	vmul.f32 v27, v59;
	v22 =	vld [tilespmem:s16+$0x0];
	v5 =	vadd.f32 v14, v5;
	[tilespmem:s15+$0xFFFFFF30] =	vst v1;
	v1 =	vmul.f32 v25, v58  }
0x93: {  	v25 =	vmul.f32 v32, v60;
	v24 =	vld [tilespmem:s23+$0xFFFFFF60];
	[tilespmem:s15+$0xFFFFFF40] =	vst v2;
	v2 =	vmul.f32 v28, v57  }
0x94: {  	v45 =	vld [tilespmem:s23+$0xFFFFFEE0];
	v26 =	vmul.f32 $2.000000030e-01, v5;
	[tilespmem:s15+$0xFFFFFF50] =	vst v4;
	v4 =	vmul.f32 v34, v56  }
0x95: {  	v28 =	vmul.f32 v35, v55;
	vm0 =	vge.f32 v5, $0.0e+00;
	v14 =	vld [tilespmem:s23+$0xFFFFFEF0];
	v27 =	vadd.f32 v18, v15;
	[tilespmem:s15+$0xFFFFFF70] =	vst v16  }
0x96: {  	v32 =	vmul.f32 v44, v54;
	v15 =	vld [tilespmem:s23+$0xFFFFFF00];
	v5 =	vsel vm0, v5, v26;
	[tilespmem:s15+$0xFFFFFF80] =	vst v0;
	v0 =	vmul.f32 v39, v53  }
0x97: {  	v16 =	vld [tilespmem:s23+$0xFFFFFF10];
	v26 =	vmul.f32 $2.000000030e-01, v27;
	v22 =	vadd.f32 v22, v20;
	v5 =	vmul.f32 $1.442695020e+00, v5;
	[tilespmem:s15+$0xFFFFFF90] =	vst v19  }
0x98: {  	vm0 =	vge.f32 v27, $0.0e+00;
	v24 =	vadd.f32 v17, v24;
	v17 =	vld [tilespmem:s23+$0xFFFFFF20];
	[tilespmem:s15+$0xFFFFFFA0] =	vst v3;
	v3 =	vmul.f32 v40, v52  }
0x99: {  	v18 =	vld [tilespmem:s23+$0xFFFFFF30];
	vm1 =	vge.f32 v22, $0.0e+00;
	v34 =	vmul.f32 $2.000000030e-01, v22;
	(erf) = vpow2.f32 v5;
	[tilespmem:s15+$0xFFFFFFB0] =	vst v21  }
0x9a: {  	v21 =	vsel vm0, v27, v26;
	vm2 =	vge.f32 v24, $0.0e+00;
	v5 =	vmul.f32 $2.000000030e-01, v24;
	v19 =	vld [tilespmem:s23+$0xFFFFFF40];
	[tilespmem:s15+$0xFFFFFFC0] =	vst v1  }
0x9b: {  	v33 =	vmul.f32 v33, v50;
	v1 =	vmul.f32 $1.442695020e+00, v21;
	v20 =	vld [tilespmem:s23+$0xFFFFFF50];
	v22 =	vsel vm1, v22, v34;
	[tilespmem:s15+$0xFFFFFFD0] =	vst v23  }
0x9c: {  	v5 =	vsel vm2, v24, v5;
	v21 =	vld [tilespmem:s23+$0xFFFFFF70];
	v24 =	vmul.f32 $1.442695020e+00, v22;
	[tilespmem:s15+$0xFFFFFFE0] =	vst v2;
	v2 =	vmul.f32 v36, v46  }
0x9d: {  	v5 =	vmul.f32 $1.442695020e+00, v5;
	v22 =	vld [tilespmem:s23+$0xFFFFFF80];
	(erf) = vpow2.f32 v1;
	[tilespmem:s15+$0x0] =	vst v25  }
0x9e: {  	v1 =	vmul.f32 v29, v9;
	v23 =	vld [tilespmem:s23+$0xFFFFFF90];
	(erf) = vpow2.f32 v24;
	[tilespmem:s15+$0x10] =	vst v4  }
0x9f: {  	v4 =	vmul.f32 v30, v11;
	v24 =	vld [tilespmem:s23+$0xFFFFFFA0];
	(erf) = vpow2.f32 v5;
	[tilespmem:s15+$0x20] =	vst v28  }
0xa0: {  	v50 =	vimm.s32 $0x3;
	v29 =	vmul.f32 v37, v10;
	v5 =	vld [tilespmem:s23+$0x100];
	[tilespmem:s15+$0x30] =	vst v0;
	v0 =	vmul.f32 v31, v8  }
0xa1: {  	v55 =	vimm.s32 $0x1;
	v30 =	vmul.f32 v38, v13;
	v31 =	vmul.f32 v41, v12;
	v26 =	vld [tilespmem:s23+$0xFFFFFFB0];
	[tilespmem:s15+$0x40] =	vst v32  }
0xa2: {  	v53 =	vimm.s32 $0x0;
	v37 =	vmul.f32 v43, v42;
	v43 =	vimm.s32 $0x7;
	v25 =	vld [tilespmem:s23+$0xFFFFFFC0];
	v6 =	vpop (erf);
	[tilespmem:s15+$0x50] =	vst v3  }
0xa3: {  	v46 =	vimm.s32 $0x2;
	v27 =	vld [tilespmem:s23+$0xFFFFFFD0];
	v9 =	vperm.xlane v6, v53;
	v3 =	vperm.xlane v6, v43;
	[tilespmem:s15+$0x60] =	vst v33  }
0xa4: {  	v54 =	vimm.s32 $0x4;
	v11 =	vperm.xlane v6, v55;
	v8 =	vperm.xlane v6, v46;
	v28 =	vld [tilespmem:s23+$0xFFFFFFE0];
	[tilespmem:s15+$0x70] =	vst v2  }
0xa5: {  	v52 =	vimm.s32 $0x5;
	v10 =	vperm.xlane v6, v50;
	v32 =	vld [tilespmem:s23+$0x0];
	v2 =	vmul.f32 v5, v3;
	[tilespmem:s15+$0x90] =	vst v1  }
0xa6: {  	v13 =	vperm.xlane v6, v54;
	v12 =	vperm.xlane v6, v52;
	v34 =	vld [tilespmem:s23+$0x10];
	v5 =	vpop (erf);
	[tilespmem:s15+$0xA0] =	vst v4  }
0xa7: {  	v49 =	vperm.xlane v5, v53;
	v47 =	vperm.xlane v5, v55;
	v35 =	vld [tilespmem:s23+$0x20];
	[tilespmem:s23+$0x100] =	vst v2;
	v41 =	vpop (erf)  }
0xa8: {  	v51 =	vperm.xlane v5, v46;
	v48 =	vperm.xlane v5, v50;
	v39 =	vld [tilespmem:s23+$0x30];
	v38 =	vpop (erf);
	[tilespmem:s15+$0xB0] =	vst v0  }
0xa9: {  	v42 =	vperm.xlane v38, v53;
	v1 =	vperm.xlane v38, v55;
	v44 =	vld [tilespmem:s23+$0x40];
	[tilespmem:s15+$0xC0] =	vst v29  }
0xaa: {  	v4 =	vperm.xlane v38, v46;
	v0 =	vperm.xlane v38, v50;
	v40 =	vld [tilespmem:s23+$0x50];
	[tilespmem:s15+$0xD0] =	vst v30  }
0xab: {  	v3 =	vperm.xlane v38, v54;
	v63 =	vperm.xlane v38, v52;
	v33 =	vld [tilespmem:s23+$0x60];
	[tilespmem:s15+$0xE0] =	vst v31  }
0xac: {  	v2 =	vperm.xlane v38, v7;
	v62 =	vperm.xlane v38, v43;
	v36 =	vld [tilespmem:s23+$0x70];
	[tilespmem:s15+$0xF0] =	vst v37;
	s15 =	smov.u32 s23  }
0xad: {  	v61 =	vperm.xlane v5, v54;
	v58 =	vperm.xlane v5, v52;
	[tilespmem:s23+$0xFFFFFF60] =	vst v38;
	v29 =	vld [tilespmem:s23+$0x90]  }
0xae: {  	v59 =	vperm.xlane v5, v7;
	v57 =	vperm.xlane v5, v43;
	[tilespmem:s23+$0xFFFFFFF0] =	vst v5;
	v30 =	vld [tilespmem:s23+$0xA0]  }
.Ltmp2:
0xaf: {  	v60 =	vperm.xlane v41, v53;
	v56 =	vperm.xlane v41, v55;
	[tilespmem:s23+$0x80] =	vst v41;
	v31 =	vld [tilespmem:s23+$0xB0];
	(pc) =	sbr.rel @p1 .LBB2_3-.Ltmp2, $4  }
0xb0: {  	v55 =	vperm.xlane v41, v46;
	v53 =	vperm.xlane v41, v50;
	[tilespmem:s23+$0x110] =	vst v6;
	v37 =	vld [tilespmem:s23+$0xC0]  }
0xb1: {  	v54 =	vperm.xlane v41, v54;
	v52 =	vperm.xlane v41, v52;
	v38 =	vld [tilespmem:s23+$0xD0]  }
0xb2: {  	v50 =	vperm.xlane v41, v7;
	v46 =	vperm.xlane v41, v43;
	v41 =	vld [tilespmem:s23+$0xE0]  }
0xb3: {  	v45 =	vmul.f32 v45, v42;
	v42 =	vperm.xlane v6, v7;
	s23 =	sadd.s32 $0x240, s23;
	v43 =	vld [tilespmem:s15+$0xF0]  }
0xb4: {  	v1 =	vmul.f32 v14, v1  }
0xb5: {  	v4 =	vmul.f32 v15, v4;
	[tilespmem:s15+$0xFFFFFEE0] =	vst v45  }
0xb6: {  	v0 =	vmul.f32 v16, v0;
	[tilespmem:s15+$0xFFFFFEF0] =	vst v1  }
0xb7: {  	v1 =	vmul.f32 v17, v3;
	[tilespmem:s15+$0xFFFFFF00] =	vst v4  }
0xb8: {  	v3 =	vmul.f32 v18, v63;
	[tilespmem:s15+$0xFFFFFF10] =	vst v0  }
0xb9: {  	v0 =	vmul.f32 v19, v2;
	[tilespmem:s15+$0xFFFFFF20] =	vst v1  }
0xba: {  	v2 =	vmul.f32 v21, v49;
	[tilespmem:s15+$0xFFFFFF30] =	vst v3  }
0xbb: {  	v1 =	vmul.f32 v20, v62;
	[tilespmem:s15+$0xFFFFFF40] =	vst v0  }
0xbc: {  	v0 =	vmul.f32 v22, v47;
	[tilespmem:s15+$0xFFFFFF70] =	vst v2  }
0xbd: {  	v2 =	vmul.f32 v24, v48;
	[tilespmem:s15+$0xFFFFFF50] =	vst v1  }
0xbe: {  	v1 =	vmul.f32 v23, v51;
	[tilespmem:s15+$0xFFFFFF80] =	vst v0  }
0xbf: {  	v0 =	vmul.f32 v26, v61;
	[tilespmem:s15+$0xFFFFFFA0] =	vst v2  }
0xc0: {  	v2 =	vmul.f32 v27, v59;
	[tilespmem:s15+$0xFFFFFF90] =	vst v1  }
0xc1: {  	v1 =	vmul.f32 v25, v58;
	[tilespmem:s15+$0xFFFFFFB0] =	vst v0  }
0xc2: {  	v0 =	vmul.f32 v28, v57;
	[tilespmem:s15+$0xFFFFFFD0] =	vst v2  }
0xc3: {  	v2 =	vmul.f32 v34, v56;
	[tilespmem:s15+$0xFFFFFFC0] =	vst v1  }
0xc4: {  	v1 =	vmul.f32 v32, v60;
	[tilespmem:s15+$0xFFFFFFE0] =	vst v0  }
0xc5: {  	v0 =	vmul.f32 v35, v55;
	[tilespmem:s15+$0x10] =	vst v2  }
0xc6: {  	v2 =	vmul.f32 v44, v54;
	[tilespmem:s15+$0x0] =	vst v1  }
0xc7: {  	v1 =	vmul.f32 v39, v53;
	[tilespmem:s15+$0x20] =	vst v0  }
0xc8: {  	v0 =	vmul.f32 v40, v52;
	[tilespmem:s15+$0x40] =	vst v2  }
0xc9: {  	v2 =	vmul.f32 v36, v46;
	[tilespmem:s15+$0x30] =	vst v1  }
0xca: {  	v1 =	vmul.f32 v33, v50;
	[tilespmem:s15+$0x50] =	vst v0  }
0xcb: {  	v0 =	vmul.f32 v29, v9;
	[tilespmem:s15+$0x70] =	vst v2  }
0xcc: {  	v2 =	vmul.f32 v31, v8;
	[tilespmem:s15+$0x60] =	vst v1  }
0xcd: {  	v1 =	vmul.f32 v30, v11;
	[tilespmem:s15+$0x90] =	vst v0  }
0xce: {  	v0 =	vmul.f32 v37, v10;
	[tilespmem:s15+$0xB0] =	vst v2  }
0xcf: {  	v2 =	vmul.f32 v41, v12;
	[tilespmem:s15+$0xA0] =	vst v1  }
0xd0: {  	v1 =	vmul.f32 v38, v13;
	[tilespmem:s15+$0xC0] =	vst v0  }
0xd1: {  	v0 =	vmul.f32 v43, v42;
	[tilespmem:s15+$0xE0] =	vst v2  }
0xd2: {  	[tilespmem:s15+$0xD0] =	vst v1  }
0xd3: {  	[tilespmem:s15+$0xF0] =	vst v0  }
0xd4: {  	[spmem:s2] =	stream.indirect.scatter.add.f32 [tilespmem:s29], [sflag:$0x3], $0x90, s17, s26, $0xb8;
	[tilespmem:$0x1C660] =	vst v63  }
0xd5: {  	_ =	swait.ge [sflag:s18], $0x2D00  }
0xd6: {  	[sflag:s18] =	ssyncset.done $0x0  }
0xd7: {  	[sflag:s18] =	ssyncadd.s32 $0xFFFFD300  }
0xd8: {  	_ =	swait.ge [sflag:s19], $0xF0  }
0xd9: {  	[sflag:s19] =	ssyncset.done $0x0  }
0xda: {  	s22 =	simm.s32 $0x230;
	s23 =	sadd.s32 s31, s12;
	[sflag:s19] =	ssyncadd.s32 $0xFFFFFF10  }
0xdb: {  	[tilespmem:s28], [sflag:$0x1] =	stream.indirect.gather [hbm4b:s1+s26], $0x10, s22, s26, $0xb8;
	[tilespmem:$0x1C660] =	vst v63  }
0xdc: {  	s15 =	smul.u32 $0x1E, s23  }
0xdd: {  	[tilespmem:s29], [sflag:$0x1] =	stream.indirect.gather [hbm4b:s4+s26], $0x90, s9, s26, $0xb8;
	[tilespmem:$0x1C660] =	vst v63  }
0xde: {  	s15 =	sadd.s32 s6, s15  }
0xdf: {  	[tilespmem:s3], [sflag:$0x5] =	stream.linear.gather [hbm4b:s15+s3], $0xF0, $0x38;
	[tilespmem:$0x1C660] =	vst v63  }
0xe0: {  	_ =	swait.ge [sflag:s20], $0x500  }
0xe1: {  	[sflag:s20] =	ssyncset.done $0x0  }
0xe2: {  	[sflag:s20] =	ssyncadd.s32 $0xFFFFFB00  }
0xe3: {  	_ =	swait.ge [sflag:s20], $0x2D00  }
0xe4: {  	[sflag:s20] =	ssyncset.done $0x0  }
0xe5: {  	s15 =	simm.s32 $0x3AF0;
	[sflag:s20] =	ssyncadd.s32 $0xFFFFD300  }
0xe6: {  	s16 =	simm.s32 $0x7F0;
	v0 =	vld [tilespmem:s15+$0x110]  }
0xe7: {  	v1 =	vld [tilespmem:s16+$0x10]  }
0xe8: {  	v2 =	vld [tilespmem:s16+$0xFFFFFFE0]  }
0xe9: {  	v3 =	vld [tilespmem:s15+$0xFFFFFFF0]  }
0xea: {  	v4 =	vld [tilespmem:s16+$0xFFFFFFF0]  }
0xeb: {  	v5 =	vld [tilespmem:s15+$0x80]  }
0xec: {  	v6 =	vld [tilespmem:s16+$0x0];
	v0 =	vadd.f32 v1, v0  }
0xed: {  	v42 =	vld [tilespmem:s15+$0xFFFFFEE0]  }
0xee: {  	v14 =	vld [tilespmem:s15+$0xFFFFFEF0];
	v8 =	vmul.f32 $2.000000030e-01, v0  }
0xef: {  	v15 =	vld [tilespmem:s15+$0xFFFFFF00];
	v3 =	vadd.f32 v4, v3;
	vm0 =	vge.f32 v0, $0.0e+00  }
0xf0: {  	v1 =	vld [tilespmem:s15+$0xFFFFFF60];
	v0 =	vsel vm0, v0, v8  }
0xf1: {  	v16 =	vld [tilespmem:s15+$0xFFFFFF10];
	v4 =	vadd.f32 v6, v5;
	v5 =	vmul.f32 $2.000000030e-01, v3;
	v0 =	vmul.f32 $1.442695020e+00, v0  }
0xf2: {  	v17 =	vld [tilespmem:s15+$0xFFFFFF20];
	vm14 =	vge.f32 v3, $0.0e+00  }
0xf3: {  	v18 =	vld [tilespmem:s15+$0xFFFFFF30];
	v3 =	vsel vm14, v3, v5;
	(erf) = vpow2.f32 v0  }
0xf4: {  	v19 =	vld [tilespmem:s15+$0xFFFFFF40];
	v3 =	vmul.f32 $1.442695020e+00, v3  }
0xf5: {  	v20 =	vld [tilespmem:s15+$0xFFFFFF50];
	v1 =	vadd.f32 v2, v1  }
0xf6: {  	v21 =	vld [tilespmem:s15+$0xFFFFFF70];
	v2 =	vmul.f32 $2.000000030e-01, v4;
	(erf) = vpow2.f32 v3  }
0xf7: {  	v22 =	vld [tilespmem:s15+$0xFFFFFF80];
	vm1 =	vge.f32 v4, $0.0e+00;
	v0 =	vmul.f32 $2.000000030e-01, v1  }
0xf8: {  	v23 =	vld [tilespmem:s15+$0xFFFFFF90];
	vm15 =	vge.f32 v1, $0.0e+00;
	v2 =	vsel vm1, v4, v2  }
0xf9: {  	v24 =	vld [tilespmem:s15+$0xFFFFFFA0];
	v0 =	vsel vm15, v1, v0;
	v1 =	vmul.f32 $1.442695020e+00, v2  }
0xfa: {  	v26 =	vld [tilespmem:s15+$0xFFFFFFB0];
	v0 =	vmul.f32 $1.442695020e+00, v0  }
0xfb: {  	v54 =	vimm.s32 $0x1;
	v53 =	vimm.s32 $0x0;
	v25 =	vld [tilespmem:s15+$0xFFFFFFC0];
	(erf) = vpow2.f32 v1  }
0xfc: {  	v46 =	vimm.s32 $0x3;
	v41 =	vimm.s32 $0x7;
	v27 =	vld [tilespmem:s15+$0xFFFFFFD0];
	(erf) = vpow2.f32 v0;
	v5 =	vpop (erf)  }
0xfd: {  	v37 =	vimm.s32 $0x2;
	v28 =	vld [tilespmem:s15+$0xFFFFFFE0];
	v9 =	vperm.xlane v5, v53;
	v1 =	vperm.xlane v5, v41  }
0xfe: {  	v52 =	vimm.s32 $0x4;
	v32 =	vld [tilespmem:s15+$0x0];
	v11 =	vperm.xlane v5, v54;
	v8 =	vperm.xlane v5, v37  }
0xff: {  	v50 =	vimm.s32 $0x5;
	v0 =	vld [tilespmem:s15+$0x100];
	v10 =	vperm.xlane v5, v46;
	v13 =	vperm.xlane v5, v52;
	v6 =	vpop (erf)  }
0x100: {  	v34 =	vld [tilespmem:s15+$0x10];
	v12 =	vperm.xlane v5, v50;
	v49 =	vperm.xlane v6, v53  }
0x101: {  	v35 =	vld [tilespmem:s15+$0x20];
	v47 =	vperm.xlane v6, v54;
	v51 =	vperm.xlane v6, v37  }
0x102: {  	v39 =	vld [tilespmem:s15+$0x30];
	v48 =	vperm.xlane v6, v46;
	v61 =	vperm.xlane v6, v52  }
0x103: {  	v44 =	vld [tilespmem:s15+$0x40];
	v58 =	vperm.xlane v6, v50;
	v59 =	vperm.xlane v6, v7  }
0x104: {  	v40 =	vld [tilespmem:s15+$0x50];
	v57 =	vperm.xlane v6, v41;
	v2 =	vmul.f32 v0, v1;
	v43 =	vpop (erf)  }
0x105: {  	v33 =	vld [tilespmem:s15+$0x60];
	v38 =	vpop (erf);
	v60 =	vperm.xlane v43, v53;
	v56 =	vperm.xlane v43, v54  }
0x106: {  	v29 =	vld [tilespmem:s15+$0x90];
	v55 =	vperm.xlane v43, v37;
	v45 =	vperm.xlane v38, v53  }
0x107: {  	v30 =	vld [tilespmem:s15+$0xA0];
	v1 =	vperm.xlane v38, v54;
	v4 =	vperm.xlane v38, v37  }
0x108: {  	v31 =	vld [tilespmem:s15+$0xB0];
	v0 =	vperm.xlane v38, v46;
	v3 =	vperm.xlane v38, v52  }
0x109: {  	v36 =	vld [tilespmem:s15+$0x70];
	[tilespmem:s15+$0x100] =	vst v2;
	v63 =	vperm.xlane v38, v50;
	v2 =	vperm.xlane v38, v7  }
0x10a: {  	[tilespmem:s15+$0x110] =	vst v5;
	v62 =	vperm.xlane v38, v41;
	v53 =	vperm.xlane v43, v46;
	v37 =	vld [tilespmem:s15+$0xC0]  }
0x10b: {  	[tilespmem:s15+$0xFFFFFF60] =	vst v38;
	v54 =	vperm.xlane v43, v52;
	v52 =	vperm.xlane v43, v50;
	v38 =	vld [tilespmem:s15+$0xD0]  }
0x10c: {  	[tilespmem:s15+$0xFFFFFFF0] =	vst v6;
	v50 =	vperm.xlane v43, v7;
	v46 =	vperm.xlane v43, v41;
	v41 =	vld [tilespmem:s15+$0xE0]  }
0x10d: {  	s23 =	simm.s32 $0x3D30;
	s22 =	simm.s32 $0x0;
	[tilespmem:s15+$0x80] =	vst v43;
	v43 =	vld [tilespmem:s15+$0xF0];
	v45 =	vmul.f32 v42, v45;
	v42 =	vperm.xlane v5, v7  }
.LBB2_5:
0x10e: {  	_ =	sdelay $0x3  }
0x10f: {  	v1 =	vmul.f32 v14, v1  }
0x110: {  	s16 =	sadd.s32 $0x40, s16;
	[tilespmem:s15+$0xFFFFFEE0] =	vst v45;
	v4 =	vmul.f32 v15, v4  }
0x111: {  	v0 =	vmul.f32 v16, v0;
	v3 =	vmul.f32 v17, v3;
	v17 =	vld [tilespmem:s16+$0xFFFFFFE0];
	[tilespmem:s15+$0xFFFFFEF0] =	vst v1  }
0x112: {  	[tilespmem:s15+$0xFFFFFF00] =	vst v4  }
0x113: {  	v5 =	vld [tilespmem:s23+$0x110];
	v16 =	vmul.f32 v21, v49;
	[tilespmem:s15+$0xFFFFFF10] =	vst v0  }
0x114: {  	v6 =	vld [tilespmem:s16+$0x10];
	v2 =	vmul.f32 v19, v2;
	v19 =	vmul.f32 v23, v51;
	[tilespmem:s15+$0xFFFFFF20] =	vst v3  }
0x115: {  	v21 =	vmul.f32 v26, v61;
	v1 =	vmul.f32 v18, v63;
	v18 =	vld [tilespmem:s16+$0xFFFFFFF0];
	[tilespmem:s15+$0xFFFFFF70] =	vst v16  }
0x116: {  	[tilespmem:s15+$0xFFFFFF90] =	vst v19  }
0x117: {  	v15 =	vld [tilespmem:s23+$0xFFFFFFF0];
	v0 =	vmul.f32 v22, v47;
	[tilespmem:s15+$0xFFFFFFB0] =	vst v21  }
0x118: {  	v4 =	vmul.f32 v20, v62;
	v20 =	vld [tilespmem:s23+$0x80];
	v3 =	vmul.f32 v24, v48;
	[tilespmem:s15+$0xFFFFFF30] =	vst v1  }
0x119: {  	v22 =	vld [tilespmem:s16+$0x0];
	v5 =	vadd.f32 v6, v5;
	v6 =	vmul.f32 v27, v59;
	[tilespmem:s15+$0xFFFFFF80] =	vst v0  }
0x11a: {  	v24 =	vmul.f32 v32, v60;
	v45 =	vld [tilespmem:s23+$0xFFFFFEE0];
	[tilespmem:s15+$0xFFFFFFA0] =	vst v3  }
0x11b: {  	v27 =	vmul.f32 v35, v55;
	v7 =	vld [tilespmem:s23+$0xFFFFFEF0];
	v1 =	vmul.f32 v25, v58;
	[tilespmem:s15+$0xFFFFFFD0] =	vst v6  }
0x11c: {  	v25 =	vmul.f32 $2.000000030e-01, v5;
	v0 =	vmul.f32 v39, v53;
	v23 =	vld [tilespmem:s23+$0xFFFFFF60];
	[tilespmem:s15+$0xFFFFFF40] =	vst v2  }
0x11d: {  	vm0 =	vge.f32 v5, $0.0e+00;
	v3 =	vmul.f32 v40, v52;
	v6 =	vmul.f32 v33, v50;
	[tilespmem:s15+$0xFFFFFF50] =	vst v4;
	v16 =	vld [tilespmem:s23+$0xFFFFFF10]  }
0x11e: {  	[tilespmem:s15+$0x0] =	vst v24;
	v58 =	vmul.f32 v43, v42;
	v5 =	vsel vm0, v5, v25;
	v19 =	vld [tilespmem:s23+$0xFFFFFF40];
	v26 =	vadd.f32 v18, v15  }
0x11f: {  	[tilespmem:s15+$0x20] =	vst v27;
	v2 =	vmul.f32 v28, v57;
	v15 =	vld [tilespmem:s23+$0xFFFFFF00];
	v5 =	vmul.f32 $1.442695020e+00, v5  }
0x120: {  	v25 =	vmul.f32 v44, v54;
	[tilespmem:s15+$0xFFFFFFC0] =	vst v1;
	v18 =	vld [tilespmem:s23+$0xFFFFFF30];
	v28 =	vmul.f32 $2.000000030e-01, v26  }
0x121: {  	[tilespmem:s15+$0x30] =	vst v0;
	v22 =	vadd.f32 v22, v20;
	v20 =	vld [tilespmem:s23+$0xFFFFFF50];
	vm15 =	vge.f32 v26, $0.0e+00;
	(erf) = vpow2.f32 v5  }
0x122: {  	v4 =	vmul.f32 v34, v56;
	[tilespmem:s15+$0xFFFFFFE0] =	vst v2;
	v24 =	vld [tilespmem:s23+$0xFFFFFFA0];
	v23 =	vadd.f32 v17, v23;
	v21 =	vsel vm15, v26, v28  }
0x123: {  	[tilespmem:s15+$0x40] =	vst v25;
	v25 =	vld [tilespmem:s23+$0xFFFFFFC0];
	v57 =	vmul.f32 $2.000000030e-01, v22;
	v1 =	vmul.f32 $1.442695020e+00, v21  }
0x124: {  	v0 =	vmul.f32 v31, v8;
	[tilespmem:s15+$0x10] =	vst v4;
	v27 =	vld [tilespmem:s23+$0xFFFFFFD0];
	vm1 =	vge.f32 v22, $0.0e+00;
	v5 =	vmul.f32 $2.000000030e-01, v23  }
0x125: {  	v32 =	vld [tilespmem:s23+$0x0];
	v22 =	vsel vm1, v22, v57;
	vm2 =	vge.f32 v23, $0.0e+00;
	(erf) = vpow2.f32 v1  }
0x126: {  	v31 =	vmul.f32 v41, v12;
	[tilespmem:s15+$0x50] =	vst v3;
	v34 =	vld [tilespmem:s23+$0x10];
	v26 =	vmul.f32 $1.442695020e+00, v22;
	v5 =	vsel vm2, v23, v5  }
0x127: {  	v53 =	vimm.s32 $0x0;
	[tilespmem:s15+$0x60] =	vst v6;
	v2 =	vmul.f32 v36, v46;
	v35 =	vld [tilespmem:s23+$0x20];
	v5 =	vmul.f32 $1.442695020e+00, v5  }
0x128: {  	v43 =	vimm.s32 $0x2;
	v4 =	vmul.f32 v30, v11;
	v39 =	vld [tilespmem:s23+$0x30];
	(erf) = vpow2.f32 v26  }
0x129: {  	v52 =	vimm.s32 $0x4;
	v30 =	vmul.f32 v38, v13;
	[tilespmem:$0x1FFE0] =	vst v7;
	(erf) = vpow2.f32 v5;
	v5 =	vld [tilespmem:s23+$0x100]  }
0x12a: {  	v41 =	vimm.s32 $0x7;
	[tilespmem:s15+$0x70] =	vst v2;
	v17 =	vld [tilespmem:s23+$0xFFFFFF20];
	v1 =	vmul.f32 v29, v9;
	v29 =	vmul.f32 v37, v10;
	v7 =	vpop (erf)  }
0x12b: {  	v54 =	vimm.s32 $0x1;
	v44 =	vld [tilespmem:s23+$0x40];
	v14 =	vperm.xlane v7, v53;
	v3 =	vperm.xlane v7, v41  }
0x12c: {  	v46 =	vimm.s32 $0x3;
	v40 =	vld [tilespmem:s23+$0x50];
	v11 =	vperm.xlane v7, v54;
	v9 =	vperm.xlane v7, v43  }
0x12d: {  	v50 =	vimm.s32 $0x5;
	v33 =	vld [tilespmem:s23+$0x60];
	v10 =	vperm.xlane v7, v46;
	v13 =	vperm.xlane v7, v52  }
0x12e: {  	[tilespmem:s15+$0xB0] =	vst v0;
	v36 =	vld [tilespmem:s23+$0x70];
	v12 =	vperm.xlane v7, v50;
	v2 =	vmul.f32 v5, v3;
	v5 =	vpop (erf)  }
0x12f: {  	[tilespmem:s15+$0xA0] =	vst v4;
	v28 =	vld [tilespmem:s23+$0xFFFFFFE0];
	v49 =	vperm.xlane v5, v53;
	v47 =	vperm.xlane v5, v54  }
0x130: {  	v21 =	vld [tilespmem:s23+$0xFFFFFF70];
	[tilespmem:s15+$0x90] =	vst v1;
	v51 =	vperm.xlane v5, v43;
	v48 =	vperm.xlane v5, v46  }
0x131: {  	v22 =	vld [tilespmem:s23+$0xFFFFFF80];
	[tilespmem:s23+$0x100] =	vst v2;
	v6 =	vpop (erf);
	v61 =	vperm.xlane v5, v52;
	v57 =	vperm.xlane v5, v41  }
0x132: {  	v23 =	vld [tilespmem:s23+$0xFFFFFF90];
	[tilespmem:s15+$0xF0] =	vst v58;
	v58 =	vperm.xlane v5, v50;
	v60 =	vperm.xlane v6, v53  }
0x133: {  	v26 =	vld [tilespmem:s23+$0xFFFFFFB0];
	[tilespmem:s15+$0xC0] =	vst v29;
	v56 =	vperm.xlane v6, v54;
	v55 =	vperm.xlane v6, v43;
	v59 =	vpop (erf)  }
0x134: {  	v29 =	vld [tilespmem:s23+$0x90];
	[tilespmem:s15+$0xD0] =	vst v30;
	v42 =	vperm.xlane v59, v53;
	v1 =	vperm.xlane v59, v54  }
0x135: {  	s22 =	sadd.s32 $0x4, s22;
	[tilespmem:s15+$0xE0] =	vst v31;
	v30 =	vld [tilespmem:s23+$0xA0];
	v4 =	vperm.xlane v59, v43;
	v0 =	vperm.xlane v59, v46  }
0x136: {  	p1 =	slt.u32 s22, $0x4C;
	v8 =	vimm.s32 $0x6;
	v31 =	vld [tilespmem:s23+$0xB0];
	v3 =	vperm.xlane v59, v52;
	v63 =	vperm.xlane v59, v50  }
.Ltmp3:
0x137: {  	v37 =	vld [tilespmem:s23+$0xC0];
	v2 =	vperm.xlane v59, v8;
	v62 =	vperm.xlane v59, v41;
	(pc) =	sbr.rel @p1 .LBB2_5-.Ltmp3, $4  }
0x138: {  	v38 =	vld [tilespmem:s23+$0xD0];
	[tilespmem:s23+$0xFFFFFF60] =	vst v59;
	v59 =	vperm.xlane v5, v8;
	v53 =	vperm.xlane v6, v46  }
0x139: {  	s15 =	smov.u32 s23;
	[tilespmem:s23+$0x110] =	vst v7;
	v54 =	vperm.xlane v6, v52;
	v46 =	vperm.xlane v6, v41;
	v41 =	vld [tilespmem:s23+$0xE0]  }
0x13a: {  	[tilespmem:s23+$0xFFFFFFF0] =	vst v5;
	v52 =	vperm.xlane v6, v50;
	v50 =	vperm.xlane v6, v8;
	v43 =	vld [tilespmem:s15+$0xF0]  }
0x13b: {  	[tilespmem:s23+$0x80] =	vst v6;
	s23 =	sadd.s32 $0x240, s23;
	v45 =	vmul.f32 v45, v42;
	v42 =	vperm.xlane v7, v8;
	v8 =	vmovc v9;
	v9 =	vmov v14;
	v14 =	vld [tilespmem:$0x1FFE0]  }
0x13c: {  	v0 =	vmul.f32 v16, v0  }
0x13d: {  	v4 =	vmul.f32 v15, v4;
	[tilespmem:s15+$0xFFFFFEE0] =	vst v45  }
0x13e: {  	[tilespmem:s15+$0xFFFFFF10] =	vst v0;
	v0 =	vmul.f32 v19, v2  }
0x13f: {  	[tilespmem:s15+$0xFFFFFF00] =	vst v4;
	v2 =	vmul.f32 v21, v49  }
0x140: {  	v1 =	vmul.f32 v14, v1;
	[tilespmem:s15+$0xFFFFFF40] =	vst v0  }
0x141: {  	v0 =	vmul.f32 v22, v47;
	[tilespmem:s15+$0xFFFFFF70] =	vst v2  }
0x142: {  	v2 =	vmul.f32 v24, v48;
	[tilespmem:s15+$0xFFFFFEF0] =	vst v1  }
0x143: {  	v1 =	vmul.f32 v17, v3;
	[tilespmem:s15+$0xFFFFFF80] =	vst v0  }
0x144: {  	v3 =	vmul.f32 v18, v63;
	[tilespmem:s15+$0xFFFFFFA0] =	vst v2  }
0x145: {  	v0 =	vmul.f32 v26, v61;
	[tilespmem:s15+$0xFFFFFF20] =	vst v1  }
0x146: {  	v2 =	vmul.f32 v27, v59;
	[tilespmem:s15+$0xFFFFFF30] =	vst v3  }
0x147: {  	v1 =	vmul.f32 v20, v62;
	[tilespmem:s15+$0xFFFFFFB0] =	vst v0  }
0x148: {  	v0 =	vmul.f32 v28, v57;
	[tilespmem:s15+$0xFFFFFFD0] =	vst v2  }
0x149: {  	v2 =	vmul.f32 v34, v56;
	[tilespmem:s15+$0xFFFFFF50] =	vst v1  }
0x14a: {  	v1 =	vmul.f32 v23, v51;
	[tilespmem:s15+$0xFFFFFFE0] =	vst v0  }
0x14b: {  	v0 =	vmul.f32 v35, v55;
	[tilespmem:s15+$0x10] =	vst v2  }
0x14c: {  	v2 =	vmul.f32 v44, v54;
	[tilespmem:s15+$0xFFFFFF90] =	vst v1  }
0x14d: {  	v1 =	vmul.f32 v25, v58;
	[tilespmem:s15+$0x20] =	vst v0  }
0x14e: {  	v0 =	vmul.f32 v40, v52;
	[tilespmem:s15+$0x40] =	vst v2  }
0x14f: {  	v2 =	vmul.f32 v36, v46;
	[tilespmem:s15+$0xFFFFFFC0] =	vst v1  }
0x150: {  	v1 =	vmul.f32 v32, v60;
	[tilespmem:s15+$0x50] =	vst v0  }
0x151: {  	v0 =	vmul.f32 v29, v9;
	[tilespmem:s15+$0x70] =	vst v2  }
0x152: {  	v2 =	vmul.f32 v31, v8;
	[tilespmem:s15+$0x0] =	vst v1  }
0x153: {  	v1 =	vmul.f32 v39, v53;
	[tilespmem:s15+$0x90] =	vst v0  }
0x154: {  	v0 =	vmul.f32 v37, v10;
	[tilespmem:s15+$0xB0] =	vst v2  }
0x155: {  	[tilespmem:s15+$0x30] =	vst v1;
	v1 =	vmul.f32 v33, v50  }
0x156: {  	v2 =	vmul.f32 v41, v12;
	[tilespmem:s15+$0xC0] =	vst v0  }
0x157: {  	[tilespmem:s15+$0x60] =	vst v1;
	v1 =	vmul.f32 v30, v11  }
0x158: {  	v0 =	vmul.f32 v43, v42;
	[tilespmem:s15+$0xE0] =	vst v2  }
0x159: {  	[tilespmem:s15+$0xA0] =	vst v1;
	v1 =	vmul.f32 v38, v13  }
0x15a: {  	[tilespmem:s15+$0xF0] =	vst v0  }
0x15b: {  	s23 =	simm.s32 $0x190;
	[tilespmem:s15+$0xD0] =	vst v1  }
0x15c: {  	[spmem:s2] =	stream.indirect.scatter.add.f32 [tilespmem:s5], [sflag:$0x4], $0x90, s23, s26, $0xb8;
	[tilespmem:$0x1C660] =	vst v63  }
0x15d: {  	_ =	swait.ge [sflag:s7], $0x2D00  }
0x15e: {  	[sflag:s7] =	ssyncset.done $0x0  }
0x15f: {  	[sflag:s7] =	ssyncadd.s32 $0xFFFFD300  }
0x160: {  	_ =	swait.ge [sflag:s25], $0xF0  }
0x161: {  	p1 =	seq.s32 s8, $0x29;
	[sflag:s25] =	ssyncset.done $0x0  }
0x162: {  	s15 =	sadd.s32 @!p1 s31, s13;
	[sflag:s25] =	ssyncadd.s32 $0xFFFFFF10  }
0x163: {  	[tilespmem:s0], [sflag:$0x2] =	stream.indirect.gather [hbm4b:s1+s26], $0x10, s26, s26, $0xb8;
	[tilespmem:$0x1C660] =	vst v63  }
0x164: {  	s15 =	smul.u32 @!p1 $0x1E, s15  }
0x165: {  	[tilespmem:s5], [sflag:$0x2] =	stream.indirect.gather [hbm4b:s4+s26], $0x90, s3, s26, $0xb8;
	[tilespmem:$0x1C660] =	vst v63  }
0x166: {  	s16 =	simm.s32 @!p1 $0x0;
	s22 =	simm.s32 @!p1 $0xF0;
	s15 =	sadd.s32 @!p1 s6, s15  }
0x167: {  	[tilespmem:s22], [sflag:$0x6] =	stream.linear.gather @!p1 [hbm4b:s15+s16], $0xF0, $0x38;
	[tilespmem:$0x1C660] =	vst v63  }
0x168: {  	_ =	swait.ge [sflag:s10], $0x500  }
0x169: {  	[sflag:s10] =	ssyncset.done $0x0  }
0x16a: {  	[sflag:s10] =	ssyncadd.s32 $0xFFFFFB00  }
0x16b: {  	_ =	swait.ge [sflag:s10], $0x2D00  }
0x16c: {  	[sflag:s10] =	ssyncset.done $0x0  }
0x16d: {  	s15 =	simm.s32 $0xDF0;
	[sflag:s10] =	ssyncadd.s32 $0xFFFFD300  }
0x16e: {  	s16 =	simm.s32 $0x2F0;
	v0 =	vld [tilespmem:s15+$0x110]  }
0x16f: {  	v1 =	vld [tilespmem:s16+$0x10];
	_ =	sdelay $0x1  }
0x170: {  	v2 =	vld [tilespmem:s16+$0xFFFFFFE0]  }
0x171: {  	v7 =	vld [tilespmem:s15+$0xFFFFFEE0]  }
0x172: {  	v3 =	vld [tilespmem:s15+$0xFFFFFFF0]  }
0x173: {  	v4 =	vld [tilespmem:s16+$0xFFFFFFF0];
	v0 =	vadd.f32 v1, v0  }
0x174: {  	v5 =	vld [tilespmem:s15+$0x80]  }
0x175: {  	v6 =	vld [tilespmem:s16+$0x0];
	v8 =	vmul.f32 $2.000000030e-01, v0  }
0x176: {  	v1 =	vld [tilespmem:s15+$0xFFFFFF60];
	[tilespmem:$0x1FFD0] =	vst v7;
	vm0 =	vge.f32 v0, $0.0e+00  }
0x177: {  	v14 =	vld [tilespmem:s15+$0xFFFFFEF0];
	v0 =	vsel vm0, v0, v8  }
0x178: {  	v3 =	vadd.f32 v4, v3;
	v15 =	vld [tilespmem:s15+$0xFFFFFF00];
	v0 =	vmul.f32 $1.442695020e+00, v0  }
0x179: {  	v16 =	vld [tilespmem:s15+$0xFFFFFF10]  }
0x17a: {  	v4 =	vadd.f32 v6, v5;
	v17 =	vld [tilespmem:s15+$0xFFFFFF20];
	v5 =	vmul.f32 $2.000000030e-01, v3;
	(erf) = vpow2.f32 v0  }
0x17b: {  	v18 =	vld [tilespmem:s15+$0xFFFFFF30];
	vm14 =	vge.f32 v3, $0.0e+00  }
0x17c: {  	v19 =	vld [tilespmem:s15+$0xFFFFFF40];
	v3 =	vsel vm14, v3, v5  }
0x17d: {  	v20 =	vld [tilespmem:s15+$0xFFFFFF50];
	v3 =	vmul.f32 $1.442695020e+00, v3  }
0x17e: {  	v21 =	vld [tilespmem:s15+$0xFFFFFF70];
	v1 =	vadd.f32 v2, v1  }
0x17f: {  	v22 =	vld [tilespmem:s15+$0xFFFFFF80];
	v2 =	vmul.f32 $2.000000030e-01, v4;
	(erf) = vpow2.f32 v3  }
0x180: {  	v23 =	vld [tilespmem:s15+$0xFFFFFF90];
	vm1 =	vge.f32 v4, $0.0e+00;
	v0 =	vmul.f32 $2.000000030e-01, v1  }
0x181: {  	v24 =	vld [tilespmem:s15+$0xFFFFFFA0];
	vm15 =	vge.f32 v1, $0.0e+00;
	v2 =	vsel vm1, v4, v2  }
0x182: {  	v26 =	vld [tilespmem:s15+$0xFFFFFFB0];
	v0 =	vsel vm15, v1, v0;
	v1 =	vmul.f32 $1.442695020e+00, v2  }
0x183: {  	v37 =	vimm.s32 $0x2;
	v25 =	vld [tilespmem:s15+$0xFFFFFFC0];
	v0 =	vmul.f32 $1.442695020e+00, v0;
	v5 =	vpop (erf)  }
0x184: {  	v27 =	vld [tilespmem:s15+$0xFFFFFFD0];
	(erf) = vpow2.f32 v1;
	v2 =	vperm.xlane v5, v37  }
0x185: {  	v52 =	vimm.s32 $0x1;
	v46 =	vimm.s32 $0x4;
	v50 =	vimm.s32 $0x0;
	v28 =	vld [tilespmem:s15+$0xFFFFFFE0]  }
0x186: {  	v8 =	vimm.s32 $0x7;
	(erf) = vpow2.f32 v0;
	v0 =	vld [tilespmem:s15+$0x100];
	v9 =	vperm.xlane v5, v50;
	[tilespmem:$0x1FFC0] =	vst v2  }
0x187: {  	v41 =	vimm.s32 $0x3;
	v1 =	vperm.xlane v5, v8;
	v11 =	vperm.xlane v5, v52;
	v32 =	vld [tilespmem:s15+$0x0]  }
0x188: {  	v45 =	vimm.s32 $0x5;
	v10 =	vperm.xlane v5, v41;
	v13 =	vperm.xlane v5, v46;
	v6 =	vpop (erf);
	v34 =	vld [tilespmem:s15+$0x10]  }
0x189: {  	v12 =	vperm.xlane v5, v45;
	v49 =	vperm.xlane v6, v50;
	v35 =	vld [tilespmem:s15+$0x20]  }
0x18a: {  	v47 =	vperm.xlane v6, v52;
	v51 =	vperm.xlane v6, v37;
	v39 =	vld [tilespmem:s15+$0x30]  }
0x18b: {  	v48 =	vperm.xlane v6, v41;
	v61 =	vperm.xlane v6, v46;
	v44 =	vld [tilespmem:s15+$0x40]  }
0x18c: {  	v7 =	vimm.s32 $0x6;
	v58 =	vperm.xlane v6, v45;
	v2 =	vmul.f32 v0, v1;
	v40 =	vld [tilespmem:s15+$0x50];
	[tilespmem:s15+$0x110] =	vst v5  }
0x18d: {  	v59 =	vperm.xlane v6, v7;
	v57 =	vperm.xlane v6, v8;
	v42 =	vpop (erf);
	v33 =	vld [tilespmem:s15+$0x60];
	[tilespmem:s15+$0xFFFFFFF0] =	vst v6  }
0x18e: {  	v29 =	vld [tilespmem:s15+$0x90];
	[tilespmem:s15+$0x100] =	vst v2;
	v60 =	vperm.xlane v42, v50;
	v56 =	vperm.xlane v42, v52  }
0x18f: {  	v30 =	vld [tilespmem:s15+$0xA0];
	v38 =	vpop (erf);
	v55 =	vperm.xlane v42, v37;
	v53 =	vperm.xlane v42, v41;
	[tilespmem:s15+$0x80] =	vst v42  }
0x190: {  	v31 =	vld [tilespmem:s15+$0xB0];
	v54 =	vperm.xlane v42, v46;
	v43 =	vperm.xlane v38, v50;
	[tilespmem:s15+$0xFFFFFF60] =	vst v38  }
0x191: {  	v1 =	vperm.xlane v38, v52;
	v4 =	vperm.xlane v38, v37;
	v6 =	vld [tilespmem:$0x1FFD0]  }
0x192: {  	v36 =	vld [tilespmem:s15+$0x70];
	v0 =	vperm.xlane v38, v41;
	v3 =	vperm.xlane v38, v46  }
0x193: {  	v63 =	vperm.xlane v38, v45;
	v2 =	vperm.xlane v38, v7;
	v37 =	vld [tilespmem:s15+$0xC0]  }
0x194: {  	v62 =	vperm.xlane v38, v8;
	v52 =	vperm.xlane v42, v45;
	v38 =	vld [tilespmem:s15+$0xD0]  }
0x195: {  	v50 =	vperm.xlane v42, v7;
	v46 =	vperm.xlane v42, v8;
	v41 =	vld [tilespmem:s15+$0xE0]  }
0x196: {  	s23 =	simm.s32 $0x1030;
	s22 =	simm.s32 $0x0;
	v42 =	vperm.xlane v5, v7;
	v45 =	vmul.f32 v6, v43;
	v43 =	vld [tilespmem:s15+$0xF0]  }
.LBB2_7:
0x197: {  	v1 =	vmul.f32 v14, v1  }
0x198: {  	s16 =	sadd.s32 $0x40, s16;
	[tilespmem:s15+$0xFFFFFEE0] =	vst v45;
	v4 =	vmul.f32 v15, v4  }
0x199: {  	v7 =	vld [tilespmem:s16+$0xFFFFFFE0];
	v0 =	vmul.f32 v16, v0;
	[tilespmem:s15+$0xFFFFFEF0] =	vst v1  }
0x19a: {  	v5 =	vld [tilespmem:s23+$0x110];
	v3 =	vmul.f32 v17, v3;
	[tilespmem:s15+$0xFFFFFF00] =	vst v4  }
0x19b: {  	v6 =	vld [tilespmem:s16+$0x10];
	v16 =	vmul.f32 v21, v49;
	[tilespmem:s15+$0xFFFFFF10] =	vst v0  }
0x19c: {  	v15 =	vld [tilespmem:s23+$0xFFFFFFF0];
	v1 =	vmul.f32 v18, v63;
	[tilespmem:s15+$0xFFFFFF20] =	vst v3  }
0x19d: {  	v2 =	vmul.f32 v19, v2;
	v17 =	vld [tilespmem:s16+$0xFFFFFFF0];
	v0 =	vmul.f32 v22, v47;
	[tilespmem:s15+$0xFFFFFF70] =	vst v16  }
0x19e: {  	v19 =	vld [tilespmem:s23+$0x80];
	v4 =	vmul.f32 v20, v62;
	v18 =	vmul.f32 v23, v51;
	[tilespmem:s15+$0xFFFFFF30] =	vst v1  }
0x19f: {  	v21 =	vld [tilespmem:s16+$0x0];
	v3 =	vmul.f32 v24, v48;
	v20 =	vmul.f32 v26, v61;
	[tilespmem:s15+$0xFFFFFF80] =	vst v0  }
0x1a0: {  	v5 =	vadd.f32 v6, v5;
	v6 =	vmul.f32 v27, v59;
	v23 =	vmul.f32 v32, v60;
	v45 =	vld [tilespmem:s23+$0xFFFFFEE0];
	[tilespmem:s15+$0xFFFFFF90] =	vst v18  }
0x1a1: {  	v26 =	vmul.f32 v35, v55;
	v27 =	vmul.f32 v44, v54;
	v14 =	vld [tilespmem:s23+$0xFFFFFEF0];
	[tilespmem:s15+$0xFFFFFFA0] =	vst v3  }
0x1a2: {  	v1 =	vmul.f32 v25, v58;
	v24 =	vmul.f32 $2.000000030e-01, v5;
	[tilespmem:s15+$0xFFFFFFD0] =	vst v6;
	v22 =	vld [tilespmem:s23+$0xFFFFFF60]  }
0x1a3: {  	vm0 =	vge.f32 v5, $0.0e+00;
	v0 =	vmul.f32 v39, v53;
	[tilespmem:s15+$0xFFFFFF40] =	vst v2;
	v25 =	vadd.f32 v17, v15;
	v15 =	vld [tilespmem:s23+$0xFFFFFF00]  }
0x1a4: {  	v3 =	vmul.f32 v40, v52;
	v6 =	vmul.f32 v33, v50;
	[tilespmem:s15+$0xFFFFFF50] =	vst v4;
	v5 =	vsel vm0, v5, v24;
	v16 =	vld [tilespmem:s23+$0xFFFFFF10]  }
0x1a5: {  	[tilespmem:s15+$0xFFFFFFB0] =	vst v20;
	v2 =	vmul.f32 v28, v57;
	v17 =	vld [tilespmem:s23+$0xFFFFFF20];
	v5 =	vmul.f32 $1.442695020e+00, v5  }
0x1a6: {  	[tilespmem:s15+$0x0] =	vst v23;
	v4 =	vmul.f32 v34, v56;
	v18 =	vld [tilespmem:s23+$0xFFFFFF30];
	v24 =	vmul.f32 $2.000000030e-01, v25  }
0x1a7: {  	v21 =	vadd.f32 v21, v19;
	v19 =	vld [tilespmem:s23+$0xFFFFFF40];
	[tilespmem:s15+$0x30] =	vst v0;
	vm15 =	vge.f32 v25, $0.0e+00;
	(erf) = vpow2.f32 v5  }
0x1a8: {  	v0 =	vld [tilespmem:$0x1FFC0];
	[tilespmem:s15+$0xFFFFFFE0] =	vst v2;
	v2 =	vmul.f32 v36, v46;
	v24 =	vsel vm15, v25, v24;
	v7 =	vadd.f32 v7, v22  }
0x1a9: {  	[tilespmem:s15+$0xFFFFFFC0] =	vst v1;
	v20 =	vld [tilespmem:s23+$0xFFFFFF50];
	v22 =	vmul.f32 $2.000000030e-01, v21;
	v1 =	vmul.f32 $1.442695020e+00, v24  }
0x1aa: {  	vm1 =	vge.f32 v21, $0.0e+00;
	v23 =	vld [tilespmem:s23+$0xFFFFFF90];
	[tilespmem:s15+$0x10] =	vst v4;
	v4 =	vmul.f32 v30, v11;
	v5 =	vmul.f32 $2.000000030e-01, v7  }
0x1ab: {  	[tilespmem:s15+$0x20] =	vst v26;
	v26 =	vld [tilespmem:s23+$0xFFFFFFB0];
	vm2 =	vge.f32 v7, $0.0e+00;
	v22 =	vsel vm1, v21, v22;
	(erf) = vpow2.f32 v1  }
0x1ac: {  	[tilespmem:s15+$0x40] =	vst v27;
	v30 =	vmul.f32 v41, v12;
	v27 =	vld [tilespmem:s23+$0xFFFFFFD0];
	v5 =	vsel vm2, v7, v5;
	v7 =	vmul.f32 $1.442695020e+00, v22  }
0x1ad: {  	v52 =	vimm.s32 $0x0;
	v28 =	vld [tilespmem:s23+$0xFFFFFFE0];
	v0 =	vmul.f32 v31, v0;
	v5 =	vmul.f32 $1.442695020e+00, v5  }
0x1ae: {  	v53 =	vimm.s32 $0x1;
	v32 =	vld [tilespmem:s23+$0x0];
	v31 =	vmul.f32 v43, v42;
	(erf) = vpow2.f32 v7  }
0x1af: {  	v50 =	vimm.s32 $0x4;
	v1 =	vmul.f32 v29, v9;
	(erf) = vpow2.f32 v5;
	v5 =	vld [tilespmem:s23+$0x100]  }
0x1b0: {  	[tilespmem:s15+$0x50] =	vst v3;
	v41 =	vimm.s32 $0x7;
	v34 =	vld [tilespmem:s23+$0x10];
	v29 =	vmul.f32 v38, v13;
	v7 =	vmul.f32 v37, v10;
	v8 =	vpop (erf)  }
0x1b1: {  	[tilespmem:s15+$0x60] =	vst v6;
	v35 =	vld [tilespmem:s23+$0x20];
	v38 =	vimm.s32 $0x2;
	v9 =	vperm.xlane v8, v52;
	v3 =	vperm.xlane v8, v41  }
0x1b2: {  	v39 =	vld [tilespmem:s23+$0x30];
	v43 =	vimm.s32 $0x3;
	v11 =	vperm.xlane v8, v53;
	v58 =	vperm.xlane v8, v38  }
0x1b3: {  	v46 =	vimm.s32 $0x5;
	v25 =	vld [tilespmem:s23+$0xFFFFFFC0];
	v10 =	vperm.xlane v8, v43;
	v13 =	vperm.xlane v8, v50  }
0x1b4: {  	[tilespmem:s15+$0x70] =	vst v2;
	v24 =	vld [tilespmem:s23+$0xFFFFFFA0];
	v12 =	vperm.xlane v8, v46;
	v2 =	vmul.f32 v5, v3;
	v5 =	vpop (erf)  }
0x1b5: {  	[tilespmem:s15+$0xA0] =	vst v4;
	v44 =	vld [tilespmem:s23+$0x40];
	v49 =	vperm.xlane v5, v52;
	v47 =	vperm.xlane v5, v53  }
0x1b6: {  	v40 =	vld [tilespmem:s23+$0x50];
	[tilespmem:s15+$0xB0] =	vst v0;
	v51 =	vperm.xlane v5, v38;
	v48 =	vperm.xlane v5, v43  }
0x1b7: {  	v33 =	vld [tilespmem:s23+$0x60];
	[tilespmem:$0x1FFC0] =	vst v58;
	v61 =	vperm.xlane v5, v50;
	v58 =	vperm.xlane v5, v46;
	v6 =	vpop (erf)  }
0x1b8: {  	v36 =	vld [tilespmem:s23+$0x70];
	[tilespmem:s15+$0x90] =	vst v1;
	v57 =	vperm.xlane v5, v41;
	v60 =	vperm.xlane v6, v52  }
0x1b9: {  	v21 =	vld [tilespmem:s23+$0xFFFFFF70];
	[tilespmem:s15+$0xC0] =	vst v7;
	v59 =	vpop (erf);
	v56 =	vperm.xlane v6, v53;
	v55 =	vperm.xlane v6, v38  }
0x1ba: {  	v22 =	vld [tilespmem:s23+$0xFFFFFF80];
	[tilespmem:s23+$0x100] =	vst v2;
	v54 =	vperm.xlane v6, v50;
	v42 =	vperm.xlane v59, v52  }
0x1bb: {  	s22 =	sadd.s32 $0x4, s22;
	[tilespmem:s15+$0xD0] =	vst v29;
	v29 =	vld [tilespmem:s23+$0x90];
	v1 =	vperm.xlane v59, v53;
	v4 =	vperm.xlane v59, v38  }
0x1bc: {  	p2 =	slt.u32 s22, $0x4C;
	v7 =	vimm.s32 $0x6;
	[tilespmem:s15+$0xE0] =	vst v30;
	v30 =	vld [tilespmem:s23+$0xA0];
	v0 =	vperm.xlane v59, v43;
	v3 =	vperm.xlane v59, v50  }
.Ltmp4:
0x1bd: {  	[tilespmem:s15+$0xF0] =	vst v31;
	v31 =	vld [tilespmem:s23+$0xB0];
	v63 =	vperm.xlane v59, v46;
	v2 =	vperm.xlane v59, v7;
	(pc) =	sbr.rel @p2 .LBB2_7-.Ltmp4, $4  }
0x1be: {  	v37 =	vld [tilespmem:s23+$0xC0];
	v62 =	vperm.xlane v59, v41;
	[tilespmem:s23+$0xFFFFFF60] =	vst v59;
	v59 =	vperm.xlane v5, v7  }
0x1bf: {  	[tilespmem:s23+$0xFFFFFFF0] =	vst v5;
	v53 =	vperm.xlane v6, v43;
	v52 =	vperm.xlane v6, v46;
	v38 =	vld [tilespmem:s23+$0xD0]  }
0x1c0: {  	s15 =	smov.u32 s23;
	[tilespmem:s23+$0x110] =	vst v8;
	v50 =	vperm.xlane v6, v7;
	v46 =	vperm.xlane v6, v41;
	v41 =	vld [tilespmem:s23+$0xE0]  }
0x1c1: {  	[tilespmem:s23+$0x80] =	vst v6;
	v43 =	vld [tilespmem:s15+$0xF0];
	s23 =	sadd.s32 $0x240, s23;
	v45 =	vmul.f32 v45, v42;
	v42 =	vperm.xlane v8, v7  }
0x1c2: {  	v1 =	vmul.f32 v14, v1  }
0x1c3: {  	v4 =	vmul.f32 v15, v4;
	[tilespmem:s15+$0xFFFFFEE0] =	vst v45  }
0x1c4: {  	v0 =	vmul.f32 v16, v0;
	[tilespmem:s15+$0xFFFFFEF0] =	vst v1  }
0x1c5: {  	v1 =	vmul.f32 v17, v3;
	[tilespmem:s15+$0xFFFFFF00] =	vst v4  }
0x1c6: {  	v3 =	vmul.f32 v18, v63;
	[tilespmem:s15+$0xFFFFFF10] =	vst v0  }
0x1c7: {  	v0 =	vmul.f32 v19, v2;
	[tilespmem:s15+$0xFFFFFF20] =	vst v1  }
0x1c8: {  	v2 =	vmul.f32 v21, v49;
	[tilespmem:s15+$0xFFFFFF30] =	vst v3  }
0x1c9: {  	v1 =	vmul.f32 v20, v62;
	[tilespmem:s15+$0xFFFFFF40] =	vst v0  }
0x1ca: {  	v0 =	vmul.f32 v22, v47;
	[tilespmem:s15+$0xFFFFFF70] =	vst v2  }
0x1cb: {  	v2 =	vmul.f32 v24, v48;
	[tilespmem:s15+$0xFFFFFF50] =	vst v1  }
0x1cc: {  	v1 =	vmul.f32 v23, v51;
	[tilespmem:s15+$0xFFFFFF80] =	vst v0  }
0x1cd: {  	v0 =	vmul.f32 v26, v61;
	[tilespmem:s15+$0xFFFFFFA0] =	vst v2  }
0x1ce: {  	v2 =	vmul.f32 v27, v59;
	[tilespmem:s15+$0xFFFFFF90] =	vst v1  }
0x1cf: {  	v1 =	vmul.f32 v25, v58;
	[tilespmem:s15+$0xFFFFFFB0] =	vst v0  }
0x1d0: {  	v0 =	vmul.f32 v28, v57;
	[tilespmem:s15+$0xFFFFFFD0] =	vst v2  }
0x1d1: {  	v2 =	vmul.f32 v34, v56;
	[tilespmem:s15+$0xFFFFFFC0] =	vst v1  }
0x1d2: {  	v1 =	vmul.f32 v32, v60;
	[tilespmem:s15+$0xFFFFFFE0] =	vst v0  }
0x1d3: {  	v0 =	vmul.f32 v35, v55;
	[tilespmem:s15+$0x10] =	vst v2  }
0x1d4: {  	v2 =	vmul.f32 v44, v54;
	[tilespmem:s15+$0x0] =	vst v1  }
0x1d5: {  	v1 =	vmul.f32 v39, v53;
	[tilespmem:s15+$0x20] =	vst v0  }
0x1d6: {  	v0 =	vmul.f32 v40, v52;
	[tilespmem:s15+$0x40] =	vst v2  }
0x1d7: {  	v2 =	vmul.f32 v36, v46;
	[tilespmem:s15+$0x30] =	vst v1  }
0x1d8: {  	v1 =	vmul.f32 v33, v50;
	[tilespmem:s15+$0x50] =	vst v0  }
0x1d9: {  	[tilespmem:s15+$0x70] =	vst v2  }
0x1da: {  	[tilespmem:s15+$0x60] =	vst v1  }
0x1db: {  	v2 =	vld [tilespmem:$0x1FFC0]  }
0x1dc: {  	v0 =	vmul.f32 v29, v9  }
0x1dd: {  	v1 =	vmul.f32 v30, v11  }
0x1de: {  	[tilespmem:s15+$0x90] =	vst v0;
	v0 =	vmul.f32 v37, v10  }
0x1df: {  	[tilespmem:s15+$0xA0] =	vst v1;
	v1 =	vmul.f32 v38, v13  }
0x1e0: {  	[tilespmem:s15+$0xC0] =	vst v0;
	v2 =	vmul.f32 v31, v2  }
0x1e1: {  	v0 =	vmul.f32 v43, v42;
	[tilespmem:s15+$0xD0] =	vst v1  }
0x1e2: {  	[tilespmem:s15+$0xB0] =	vst v2;
	v2 =	vmul.f32 v41, v12  }
0x1e3: {  	[tilespmem:s15+$0xF0] =	vst v0  }
0x1e4: {  	[tilespmem:s15+$0xE0] =	vst v2;
	s15 =	simm.s32 @!p1 $0x3  }
0x1e5: {  	[spmem:s2] =	stream.indirect.scatter.add.f32 [tilespmem:s29], [sflag:$0x3], $0x90, s21, s26, $0xb8;
	[tilespmem:$0x1C660] =	vst v63  }
0x1e6: {  	_ =	swait.ge @!p1 [sflag:s15], $0x2D00  }
0x1e7: {  	[sflag:s15] =	ssyncset.done @!p1 $0x0  }
0x1e8: {  	[sflag:s15] =	ssyncadd.s32 @!p1 $0xFFFFD300;
	s15 =	simm.s32 @!p1 $0x6  }
0x1e9: {  	_ =	swait.ge @!p1 [sflag:s15], $0xF0  }
0x1ea: {  	s16 =	simm.s32 @!p1 $0x140;
	[sflag:s15] =	ssyncset.done @!p1 $0x0  }
0x1eb: {  	s22 =	simm.s32 @!p1 $0x2D0;
	[sflag:s15] =	ssyncadd.s32 @!p1 $0xFFFFFF10;
	s15 =	simm.s32 @!p1 $0x50  }
0x1ec: {  	[tilespmem:s22], [sflag:$0x1] =	stream.indirect.gather @!p1 [hbm4b:s1+s15], $0x10, s16, s15, $0xb8;
	[tilespmem:$0x1C660] =	vst v63  }
0x1ed: {  	s16 =	sadd.s32 @!p1 s31, s14  }
0x1ee: {  	s23 =	simm.s32 @!p1 $0xCD0;
	s22 =	simm.s32 @!p1 $0xF0;
	s16 =	smul.u32 @!p1 $0x1E, s16  }
0x1ef: {  	[tilespmem:s23], [sflag:$0x1] =	stream.indirect.gather @!p1 [hbm4b:s4+s15], $0x90, s22, s15, $0xb8;
	[tilespmem:$0x1C660] =	vst v63  }
0x1f0: {  	s22 =	simm.s32 @!p1 $0x1E0;
	s15 =	sadd.s32 @!p1 s6, s16;
	s16 =	simm.s32 @!p1 $0x0  }
0x1f1: {  	[tilespmem:s22], [sflag:$0x7] =	stream.linear.gather @!p1 [hbm4b:s15+s16], $0xF0, $0x38;
	[tilespmem:$0x1C660] =	vst v63  }
0x1f2: {  	_ =	swait.ge [sflag:s20], $0x500  }
0x1f3: {  	[sflag:s20] =	ssyncset.done $0x0  }
0x1f4: {  	[sflag:s20] =	ssyncadd.s32 $0xFFFFFB00  }
0x1f5: {  	_ =	swait.ge [sflag:s20], $0x2D00  }
0x1f6: {  	[sflag:s20] =	ssyncset.done $0x0  }
0x1f7: {  	s15 =	simm.s32 $0x3AF0;
	[sflag:s20] =	ssyncadd.s32 $0xFFFFD300  }
0x1f8: {  	s16 =	simm.s32 $0x7F0;
	v0 =	vld [tilespmem:s15+$0x110]  }
0x1f9: {  	v1 =	vld [tilespmem:s16+$0x10];
	_ =	sdelay $0x1  }
0x1fa: {  	v2 =	vld [tilespmem:s16+$0xFFFFFFE0]  }
0x1fb: {  	v7 =	vld [tilespmem:s15+$0xFFFFFEE0]  }
0x1fc: {  	v3 =	vld [tilespmem:s15+$0xFFFFFFF0]  }
0x1fd: {  	v4 =	vld [tilespmem:s16+$0xFFFFFFF0];
	v0 =	vadd.f32 v1, v0  }
0x1fe: {  	v5 =	vld [tilespmem:s15+$0x80]  }
0x1ff: {  	v6 =	vld [tilespmem:s16+$0x0];
	v8 =	vmul.f32 $2.000000030e-01, v0  }
0x200: {  	v1 =	vld [tilespmem:s15+$0xFFFFFF60];
	[tilespmem:$0x1FFB0] =	vst v7;
	vm0 =	vge.f32 v0, $0.0e+00  }
0x201: {  	v14 =	vld [tilespmem:s15+$0xFFFFFEF0];
	v0 =	vsel vm0, v0, v8  }
0x202: {  	v3 =	vadd.f32 v4, v3;
	v15 =	vld [tilespmem:s15+$0xFFFFFF00];
	v0 =	vmul.f32 $1.442695020e+00, v0  }
0x203: {  	v16 =	vld [tilespmem:s15+$0xFFFFFF10]  }
0x204: {  	v4 =	vadd.f32 v6, v5;
	v17 =	vld [tilespmem:s15+$0xFFFFFF20];
	v5 =	vmul.f32 $2.000000030e-01, v3;
	(erf) = vpow2.f32 v0  }
0x205: {  	v18 =	vld [tilespmem:s15+$0xFFFFFF30];
	vm14 =	vge.f32 v3, $0.0e+00  }
0x206: {  	v19 =	vld [tilespmem:s15+$0xFFFFFF40];
	v3 =	vsel vm14, v3, v5  }
0x207: {  	v20 =	vld [tilespmem:s15+$0xFFFFFF50];
	v3 =	vmul.f32 $1.442695020e+00, v3  }
0x208: {  	v21 =	vld [tilespmem:s15+$0xFFFFFF70];
	v1 =	vadd.f32 v2, v1  }
0x209: {  	v22 =	vld [tilespmem:s15+$0xFFFFFF80];
	v2 =	vmul.f32 $2.000000030e-01, v4;
	(erf) = vpow2.f32 v3  }
0x20a: {  	v23 =	vld [tilespmem:s15+$0xFFFFFF90];
	vm1 =	vge.f32 v4, $0.0e+00;
	v0 =	vmul.f32 $2.000000030e-01, v1  }
0x20b: {  	v24 =	vld [tilespmem:s15+$0xFFFFFFA0];
	vm15 =	vge.f32 v1, $0.0e+00;
	v2 =	vsel vm1, v4, v2  }
0x20c: {  	v26 =	vld [tilespmem:s15+$0xFFFFFFB0];
	v0 =	vsel vm15, v1, v0;
	v1 =	vmul.f32 $1.442695020e+00, v2  }
0x20d: {  	v37 =	vimm.s32 $0x2;
	v25 =	vld [tilespmem:s15+$0xFFFFFFC0];
	v0 =	vmul.f32 $1.442695020e+00, v0;
	v5 =	vpop (erf)  }
0x20e: {  	v27 =	vld [tilespmem:s15+$0xFFFFFFD0];
	(erf) = vpow2.f32 v1;
	v2 =	vperm.xlane v5, v37  }
0x20f: {  	v52 =	vimm.s32 $0x1;
	v46 =	vimm.s32 $0x4;
	v50 =	vimm.s32 $0x0;
	v28 =	vld [tilespmem:s15+$0xFFFFFFE0]  }
0x210: {  	v8 =	vimm.s32 $0x7;
	(erf) = vpow2.f32 v0;
	v0 =	vld [tilespmem:s15+$0x100];
	v9 =	vperm.xlane v5, v50;
	[tilespmem:$0x1FFA0] =	vst v2  }
0x211: {  	v41 =	vimm.s32 $0x3;
	v1 =	vperm.xlane v5, v8;
	v11 =	vperm.xlane v5, v52;
	v32 =	vld [tilespmem:s15+$0x0]  }
0x212: {  	v45 =	vimm.s32 $0x5;
	v10 =	vperm.xlane v5, v41;
	v13 =	vperm.xlane v5, v46;
	v6 =	vpop (erf);
	v34 =	vld [tilespmem:s15+$0x10]  }
0x213: {  	v12 =	vperm.xlane v5, v45;
	v49 =	vperm.xlane v6, v50;
	v35 =	vld [tilespmem:s15+$0x20]  }
0x214: {  	v47 =	vperm.xlane v6, v52;
	v51 =	vperm.xlane v6, v37;
	v39 =	vld [tilespmem:s15+$0x30]  }
0x215: {  	v48 =	vperm.xlane v6, v41;
	v61 =	vperm.xlane v6, v46;
	v44 =	vld [tilespmem:s15+$0x40]  }
0x216: {  	v7 =	vimm.s32 $0x6;
	v58 =	vperm.xlane v6, v45;
	v2 =	vmul.f32 v0, v1;
	v40 =	vld [tilespmem:s15+$0x50];
	[tilespmem:s15+$0x110] =	vst v5  }
0x217: {  	v59 =	vperm.xlane v6, v7;
	v57 =	vperm.xlane v6, v8;
	v42 =	vpop (erf);
	v33 =	vld [tilespmem:s15+$0x60];
	[tilespmem:s15+$0xFFFFFFF0] =	vst v6  }
0x218: {  	v29 =	vld [tilespmem:s15+$0x90];
	[tilespmem:s15+$0x100] =	vst v2;
	v60 =	vperm.xlane v42, v50;
	v56 =	vperm.xlane v42, v52  }
0x219: {  	v30 =	vld [tilespmem:s15+$0xA0];
	v38 =	vpop (erf);
	v55 =	vperm.xlane v42, v37;
	v53 =	vperm.xlane v42, v41;
	[tilespmem:s15+$0x80] =	vst v42  }
0x21a: {  	v31 =	vld [tilespmem:s15+$0xB0];
	v54 =	vperm.xlane v42, v46;
	v43 =	vperm.xlane v38, v50;
	[tilespmem:s15+$0xFFFFFF60] =	vst v38  }
0x21b: {  	v1 =	vperm.xlane v38, v52;
	v4 =	vperm.xlane v38, v37;
	v6 =	vld [tilespmem:$0x1FFB0]  }
0x21c: {  	v36 =	vld [tilespmem:s15+$0x70];
	v0 =	vperm.xlane v38, v41;
	v3 =	vperm.xlane v38, v46  }
0x21d: {  	v63 =	vperm.xlane v38, v45;
	v2 =	vperm.xlane v38, v7;
	v37 =	vld [tilespmem:s15+$0xC0]  }
0x21e: {  	v62 =	vperm.xlane v38, v8;
	v52 =	vperm.xlane v42, v45;
	v38 =	vld [tilespmem:s15+$0xD0]  }
0x21f: {  	v50 =	vperm.xlane v42, v7;
	v46 =	vperm.xlane v42, v8;
	v41 =	vld [tilespmem:s15+$0xE0]  }
0x220: {  	s23 =	simm.s32 $0x3D30;
	s22 =	simm.s32 $0x0;
	v42 =	vperm.xlane v5, v7;
	v45 =	vmul.f32 v6, v43;
	v43 =	vld [tilespmem:s15+$0xF0]  }
.LBB2_9:
0x221: {  	v1 =	vmul.f32 v14, v1  }
0x222: {  	s16 =	sadd.s32 $0x40, s16;
	[tilespmem:s15+$0xFFFFFEE0] =	vst v45;
	v4 =	vmul.f32 v15, v4  }
0x223: {  	v7 =	vld [tilespmem:s16+$0xFFFFFFE0];
	v0 =	vmul.f32 v16, v0;
	[tilespmem:s15+$0xFFFFFEF0] =	vst v1  }
0x224: {  	v5 =	vld [tilespmem:s23+$0x110];
	v3 =	vmul.f32 v17, v3;
	[tilespmem:s15+$0xFFFFFF00] =	vst v4  }
0x225: {  	v6 =	vld [tilespmem:s16+$0x10];
	v16 =	vmul.f32 v21, v49;
	[tilespmem:s15+$0xFFFFFF10] =	vst v0  }
0x226: {  	v15 =	vld [tilespmem:s23+$0xFFFFFFF0];
	v1 =	vmul.f32 v18, v63;
	[tilespmem:s15+$0xFFFFFF20] =	vst v3  }
0x227: {  	v2 =	vmul.f32 v19, v2;
	v17 =	vld [tilespmem:s16+$0xFFFFFFF0];
	v0 =	vmul.f32 v22, v47;
	[tilespmem:s15+$0xFFFFFF70] =	vst v16  }
0x228: {  	v19 =	vld [tilespmem:s23+$0x80];
	v4 =	vmul.f32 v20, v62;
	v18 =	vmul.f32 v23, v51;
	[tilespmem:s15+$0xFFFFFF30] =	vst v1  }
0x229: {  	v21 =	vld [tilespmem:s16+$0x0];
	v3 =	vmul.f32 v24, v48;
	v20 =	vmul.f32 v26, v61;
	[tilespmem:s15+$0xFFFFFF80] =	vst v0  }
0x22a: {  	v5 =	vadd.f32 v6, v5;
	v6 =	vmul.f32 v27, v59;
	v23 =	vmul.f32 v32, v60;
	v45 =	vld [tilespmem:s23+$0xFFFFFEE0];
	[tilespmem:s15+$0xFFFFFF90] =	vst v18  }
0x22b: {  	v26 =	vmul.f32 v35, v55;
	v27 =	vmul.f32 v44, v54;
	v14 =	vld [tilespmem:s23+$0xFFFFFEF0];
	[tilespmem:s15+$0xFFFFFFA0] =	vst v3  }
0x22c: {  	v1 =	vmul.f32 v25, v58;
	v24 =	vmul.f32 $2.000000030e-01, v5;
	[tilespmem:s15+$0xFFFFFFD0] =	vst v6;
	v22 =	vld [tilespmem:s23+$0xFFFFFF60]  }
0x22d: {  	vm0 =	vge.f32 v5, $0.0e+00;
	v0 =	vmul.f32 v39, v53;
	[tilespmem:s15+$0xFFFFFF40] =	vst v2;
	v25 =	vadd.f32 v17, v15;
	v15 =	vld [tilespmem:s23+$0xFFFFFF00]  }
0x22e: {  	v3 =	vmul.f32 v40, v52;
	v6 =	vmul.f32 v33, v50;
	[tilespmem:s15+$0xFFFFFF50] =	vst v4;
	v5 =	vsel vm0, v5, v24;
	v16 =	vld [tilespmem:s23+$0xFFFFFF10]  }
0x22f: {  	[tilespmem:s15+$0xFFFFFFB0] =	vst v20;
	v2 =	vmul.f32 v28, v57;
	v17 =	vld [tilespmem:s23+$0xFFFFFF20];
	v5 =	vmul.f32 $1.442695020e+00, v5  }
0x230: {  	[tilespmem:s15+$0x0] =	vst v23;
	v4 =	vmul.f32 v34, v56;
	v18 =	vld [tilespmem:s23+$0xFFFFFF30];
	v24 =	vmul.f32 $2.000000030e-01, v25  }
0x231: {  	v21 =	vadd.f32 v21, v19;
	v19 =	vld [tilespmem:s23+$0xFFFFFF40];
	[tilespmem:s15+$0x30] =	vst v0;
	vm15 =	vge.f32 v25, $0.0e+00;
	(erf) = vpow2.f32 v5  }
0x232: {  	v0 =	vld [tilespmem:$0x1FFA0];
	[tilespmem:s15+$0xFFFFFFE0] =	vst v2;
	v2 =	vmul.f32 v36, v46;
	v24 =	vsel vm15, v25, v24;
	v7 =	vadd.f32 v7, v22  }
0x233: {  	[tilespmem:s15+$0xFFFFFFC0] =	vst v1;
	v20 =	vld [tilespmem:s23+$0xFFFFFF50];
	v22 =	vmul.f32 $2.000000030e-01, v21;
	v1 =	vmul.f32 $1.442695020e+00, v24  }
0x234: {  	vm1 =	vge.f32 v21, $0.0e+00;
	v23 =	vld [tilespmem:s23+$0xFFFFFF90];
	[tilespmem:s15+$0x10] =	vst v4;
	v4 =	vmul.f32 v30, v11;
	v5 =	vmul.f32 $2.000000030e-01, v7  }
0x235: {  	[tilespmem:s15+$0x20] =	vst v26;
	v26 =	vld [tilespmem:s23+$0xFFFFFFB0];
	vm2 =	vge.f32 v7, $0.0e+00;
	v22 =	vsel vm1, v21, v22;
	(erf) = vpow2.f32 v1  }
0x236: {  	[tilespmem:s15+$0x40] =	vst v27;
	v30 =	vmul.f32 v41, v12;
	v27 =	vld [tilespmem:s23+$0xFFFFFFD0];
	v5 =	vsel vm2, v7, v5;
	v7 =	vmul.f32 $1.442695020e+00, v22  }
0x237: {  	v52 =	vimm.s32 $0x0;
	v28 =	vld [tilespmem:s23+$0xFFFFFFE0];
	v0 =	vmul.f32 v31, v0;
	v5 =	vmul.f32 $1.442695020e+00, v5  }
0x238: {  	v53 =	vimm.s32 $0x1;
	v32 =	vld [tilespmem:s23+$0x0];
	v31 =	vmul.f32 v43, v42;
	(erf) = vpow2.f32 v7  }
0x239: {  	v50 =	vimm.s32 $0x4;
	v1 =	vmul.f32 v29, v9;
	(erf) = vpow2.f32 v5;
	v5 =	vld [tilespmem:s23+$0x100]  }
0x23a: {  	[tilespmem:s15+$0x50] =	vst v3;
	v41 =	vimm.s32 $0x7;
	v34 =	vld [tilespmem:s23+$0x10];
	v29 =	vmul.f32 v38, v13;
	v7 =	vmul.f32 v37, v10;
	v8 =	vpop (erf)  }
0x23b: {  	[tilespmem:s15+$0x60] =	vst v6;
	v35 =	vld [tilespmem:s23+$0x20];
	v38 =	vimm.s32 $0x2;
	v9 =	vperm.xlane v8, v52;
	v3 =	vperm.xlane v8, v41  }
0x23c: {  	v39 =	vld [tilespmem:s23+$0x30];
	v43 =	vimm.s32 $0x3;
	v11 =	vperm.xlane v8, v53;
	v58 =	vperm.xlane v8, v38  }
0x23d: {  	v46 =	vimm.s32 $0x5;
	v25 =	vld [tilespmem:s23+$0xFFFFFFC0];
	v10 =	vperm.xlane v8, v43;
	v13 =	vperm.xlane v8, v50  }
0x23e: {  	[tilespmem:s15+$0x70] =	vst v2;
	v24 =	vld [tilespmem:s23+$0xFFFFFFA0];
	v12 =	vperm.xlane v8, v46;
	v2 =	vmul.f32 v5, v3;
	v5 =	vpop (erf)  }
0x23f: {  	[tilespmem:s15+$0xA0] =	vst v4;
	v44 =	vld [tilespmem:s23+$0x40];
	v49 =	vperm.xlane v5, v52;
	v47 =	vperm.xlane v5, v53  }
0x240: {  	v40 =	vld [tilespmem:s23+$0x50];
	[tilespmem:s15+$0xB0] =	vst v0;
	v51 =	vperm.xlane v5, v38;
	v48 =	vperm.xlane v5, v43  }
0x241: {  	v33 =	vld [tilespmem:s23+$0x60];
	[tilespmem:$0x1FFA0] =	vst v58;
	v61 =	vperm.xlane v5, v50;
	v58 =	vperm.xlane v5, v46;
	v6 =	vpop (erf)  }
0x242: {  	v36 =	vld [tilespmem:s23+$0x70];
	[tilespmem:s15+$0x90] =	vst v1;
	v57 =	vperm.xlane v5, v41;
	v60 =	vperm.xlane v6, v52  }
0x243: {  	v21 =	vld [tilespmem:s23+$0xFFFFFF70];
	[tilespmem:s15+$0xC0] =	vst v7;
	v59 =	vpop (erf);
	v56 =	vperm.xlane v6, v53;
	v55 =	vperm.xlane v6, v38  }
0x244: {  	v22 =	vld [tilespmem:s23+$0xFFFFFF80];
	[tilespmem:s23+$0x100] =	vst v2;
	v54 =	vperm.xlane v6, v50;
	v42 =	vperm.xlane v59, v52  }
0x245: {  	s22 =	sadd.s32 $0x4, s22;
	[tilespmem:s15+$0xD0] =	vst v29;
	v29 =	vld [tilespmem:s23+$0x90];
	v1 =	vperm.xlane v59, v53;
	v4 =	vperm.xlane v59, v38  }
0x246: {  	p2 =	slt.u32 s22, $0x4C;
	v7 =	vimm.s32 $0x6;
	[tilespmem:s15+$0xE0] =	vst v30;
	v30 =	vld [tilespmem:s23+$0xA0];
	v0 =	vperm.xlane v59, v43;
	v3 =	vperm.xlane v59, v50  }
.Ltmp5:
0x247: {  	[tilespmem:s15+$0xF0] =	vst v31;
	v31 =	vld [tilespmem:s23+$0xB0];
	v63 =	vperm.xlane v59, v46;
	v2 =	vperm.xlane v59, v7;
	(pc) =	sbr.rel @p2 .LBB2_9-.Ltmp5, $4  }
0x248: {  	v37 =	vld [tilespmem:s23+$0xC0];
	v62 =	vperm.xlane v59, v41;
	[tilespmem:s23+$0xFFFFFF60] =	vst v59;
	v59 =	vperm.xlane v5, v7  }
0x249: {  	[tilespmem:s23+$0xFFFFFFF0] =	vst v5;
	v53 =	vperm.xlane v6, v43;
	v52 =	vperm.xlane v6, v46;
	v38 =	vld [tilespmem:s23+$0xD0]  }
0x24a: {  	s15 =	smov.u32 s23;
	[tilespmem:s23+$0x110] =	vst v8;
	v50 =	vperm.xlane v6, v7;
	v46 =	vperm.xlane v6, v41;
	v41 =	vld [tilespmem:s23+$0xE0]  }
0x24b: {  	[tilespmem:s23+$0x80] =	vst v6;
	v43 =	vld [tilespmem:s15+$0xF0];
	s23 =	sadd.s32 $0x240, s23;
	v45 =	vmul.f32 v45, v42;
	v42 =	vperm.xlane v8, v7  }
0x24c: {  	v1 =	vmul.f32 v14, v1  }
0x24d: {  	v4 =	vmul.f32 v15, v4;
	[tilespmem:s15+$0xFFFFFEE0] =	vst v45  }
0x24e: {  	v0 =	vmul.f32 v16, v0;
	[tilespmem:s15+$0xFFFFFEF0] =	vst v1  }
0x24f: {  	v16 =	vmul.f32 v17, v3;
	[tilespmem:s15+$0xFFFFFF00] =	vst v4  }
0x250: {  	v17 =	vmul.f32 v18, v63;
	[tilespmem:s15+$0xFFFFFF10] =	vst v0  }
0x251: {  	v18 =	vmul.f32 v19, v2;
	[tilespmem:s15+$0xFFFFFF20] =	vst v16  }
0x252: {  	v19 =	vmul.f32 v20, v62;
	[tilespmem:s15+$0xFFFFFF30] =	vst v17  }
0x253: {  	v20 =	vmul.f32 v21, v49;
	[tilespmem:s15+$0xFFFFFF40] =	vst v18  }
0x254: {  	v21 =	vmul.f32 v22, v47;
	[tilespmem:s15+$0xFFFFFF50] =	vst v19  }
0x255: {  	v22 =	vmul.f32 v23, v51;
	[tilespmem:s15+$0xFFFFFF70] =	vst v20  }
0x256: {  	v23 =	vmul.f32 v24, v48;
	[tilespmem:s15+$0xFFFFFF80] =	vst v21  }
0x257: {  	v24 =	vmul.f32 v26, v61;
	[tilespmem:s15+$0xFFFFFF90] =	vst v22  }
0x258: {  	v26 =	vmul.f32 v25, v58;
	[tilespmem:s15+$0xFFFFFFA0] =	vst v23  }
0x259: {  	v47 =	vmul.f32 v28, v57;
	[tilespmem:s15+$0xFFFFFFB0] =	vst v24  }
0x25a: {  	v48 =	vmul.f32 v32, v60;
	[tilespmem:s15+$0xFFFFFFC0] =	vst v26  }
0x25b: {  	v49 =	vmul.f32 v34, v56;
	[tilespmem:s15+$0xFFFFFFE0] =	vst v47  }
0x25c: {  	v51 =	vmul.f32 v35, v55;
	[tilespmem:s15+$0x0] =	vst v48  }
0x25d: {  	v53 =	vmul.f32 v39, v53;
	[tilespmem:s15+$0x10] =	vst v49  }
0x25e: {  	v54 =	vmul.f32 v44, v54;
	[tilespmem:s15+$0x20] =	vst v51  }
0x25f: {  	v55 =	vmul.f32 v40, v52;
	[tilespmem:s15+$0x30] =	vst v53  }
0x260: {  	v56 =	vmul.f32 v33, v50;
	[tilespmem:s15+$0x40] =	vst v54  }
0x261: {  	v57 =	vmul.f32 v36, v46;
	[tilespmem:s15+$0x50] =	vst v55  }
0x262: {  	v45 =	vmul.f32 v27, v59;
	[tilespmem:s15+$0x60] =	vst v56  }
0x263: {  	[tilespmem:s15+$0x70] =	vst v57  }
0x264: {  	v58 =	vmul.f32 v29, v9;
	[tilespmem:s15+$0xFFFFFFD0] =	vst v45  }
0x265: {  	v59 =	vmul.f32 v30, v11;
	v2 =	vld [tilespmem:$0x1FFA0]  }
0x266: {  	v60 =	vmul.f32 v37, v10;
	[tilespmem:s15+$0x90] =	vst v58  }
0x267: {  	v61 =	vmul.f32 v38, v13;
	[tilespmem:s15+$0xA0] =	vst v59  }
0x268: {  	v62 =	vmul.f32 v41, v12;
	[tilespmem:s15+$0xC0] =	vst v60  }
.Ltmp6:
0x269: {  	v63 =	vmul.f32 v43, v42;
	[tilespmem:s15+$0xD0] =	vst v61;
	(pc) =	sbr.rel @p1 .LBB2_16-.Ltmp6, $4  }
0x26a: {  	[tilespmem:s15+$0xE0] =	vst v62;
	v2 =	vmul.f32 v31, v2  }
0x26b: {  	[tilespmem:s15+$0xF0] =	vst v63  }
0x26c: {  	[tilespmem:s15+$0xB0] =	vst v2  }
0x26d: {  	[spmem:s2] =	stream.indirect.scatter.add.f32 [tilespmem:s5], [sflag:$0x4], $0x90, s17, s26, $0xb8;
	[tilespmem:$0x1C660] =	vst v63  }
0x26e: {  	_ =	swait.ge [sflag:s7], $0x2D00  }
0x26f: {  	[sflag:s7] =	ssyncset.done $0x0  }
0x270: {  	[sflag:s7] =	ssyncadd.s32 $0xFFFFD300  }
0x271: {  	_ =	swait.ge [sflag:s19], $0xF0  }
0x272: {  	[sflag:s19] =	ssyncset.done $0x0  }
0x273: {  	s15 =	simm.s32 $0x230;
	s23 =	rddreg [dreg:$0x8];
	[sflag:s19] =	ssyncadd.s32 $0xFFFFFF10  }
0x274: {  	[tilespmem:s0], [sflag:$0x2] =	stream.indirect.gather [hbm4b:s1+s26], $0x10, s15, s26, $0xb8;
	[tilespmem:$0x1C660] =	vst v63  }
0x275: {  	s15 =	sadd.s32 s31, s23  }
0x276: {  	s15 =	smul.u32 $0x1E, s15  }
0x277: {  	[tilespmem:s5], [sflag:$0x2] =	stream.indirect.gather [hbm4b:s4+s26], $0x90, s9, s26, $0xb8;
	[tilespmem:$0x1C660] =	vst v63  }
0x278: {  	s15 =	sadd.s32 s6, s15  }
0x279: {  	[tilespmem:s3], [sflag:$0x5] =	stream.linear.gather [hbm4b:s15+s3], $0xF0, $0x38;
	[tilespmem:$0x1C660] =	vst v63  }
0x27a: {  	_ =	swait.ge [sflag:s10], $0x500  }
0x27b: {  	[sflag:s10] =	ssyncset.done $0x0  }
0x27c: {  	[sflag:s10] =	ssyncadd.s32 $0xFFFFFB00  }
0x27d: {  	_ =	swait.ge [sflag:s10], $0x2D00  }
0x27e: {  	[sflag:s10] =	ssyncset.done $0x0  }
0x27f: {  	s15 =	simm.s32 $0xDF0;
	[sflag:s10] =	ssyncadd.s32 $0xFFFFD300  }
0x280: {  	s16 =	simm.s32 $0x2F0;
	v0 =	vld [tilespmem:s15+$0x110]  }
0x281: {  	v1 =	vld [tilespmem:s16+$0x10];
	_ =	sdelay $0x2  }
0x282: {  	v2 =	vld [tilespmem:s16+$0xFFFFFFE0]  }
0x283: {  	v3 =	vld [tilespmem:s15+$0xFFFFFFF0]  }
0x284: {  	v4 =	vld [tilespmem:s16+$0xFFFFFFF0];
	v0 =	vadd.f32 v1, v0  }
0x285: {  	v5 =	vld [tilespmem:s15+$0x80]  }
0x286: {  	v6 =	vld [tilespmem:s16+$0x0];
	v8 =	vmul.f32 $2.000000030e-01, v0  }
0x287: {  	v7 =	vld [tilespmem:s15+$0xFFFFFEE0];
	vm0 =	vge.f32 v0, $0.0e+00  }
0x288: {  	v14 =	vld [tilespmem:s15+$0xFFFFFEF0];
	v0 =	vsel vm0, v0, v8  }
0x289: {  	v15 =	vld [tilespmem:s15+$0xFFFFFF00];
	v3 =	vadd.f32 v4, v3;
	v0 =	vmul.f32 $1.442695020e+00, v0  }
0x28a: {  	v1 =	vld [tilespmem:s15+$0xFFFFFF60]  }
0x28b: {  	v16 =	vld [tilespmem:s15+$0xFFFFFF10];
	v4 =	vadd.f32 v6, v5;
	v5 =	vmul.f32 $2.000000030e-01, v3;
	(erf) = vpow2.f32 v0  }
0x28c: {  	v17 =	vld [tilespmem:s15+$0xFFFFFF20];
	vm14 =	vge.f32 v3, $0.0e+00  }
0x28d: {  	v18 =	vld [tilespmem:s15+$0xFFFFFF30];
	v3 =	vsel vm14, v3, v5  }
0x28e: {  	v19 =	vld [tilespmem:s15+$0xFFFFFF40];
	v3 =	vmul.f32 $1.442695020e+00, v3  }
0x28f: {  	v20 =	vld [tilespmem:s15+$0xFFFFFF50];
	v1 =	vadd.f32 v2, v1  }
0x290: {  	v21 =	vld [tilespmem:s15+$0xFFFFFF70];
	v2 =	vmul.f32 $2.000000030e-01, v4;
	(erf) = vpow2.f32 v3  }
0x291: {  	v22 =	vld [tilespmem:s15+$0xFFFFFF80];
	vm1 =	vge.f32 v4, $0.0e+00;
	v0 =	vmul.f32 $2.000000030e-01, v1  }
0x292: {  	v23 =	vld [tilespmem:s15+$0xFFFFFF90];
	vm15 =	vge.f32 v1, $0.0e+00;
	v2 =	vsel vm1, v4, v2  }
0x293: {  	v24 =	vld [tilespmem:s15+$0xFFFFFFA0];
	v0 =	vsel vm15, v1, v0;
	v1 =	vmul.f32 $1.442695020e+00, v2  }
0x294: {  	v26 =	vld [tilespmem:s15+$0xFFFFFFB0];
	v8 =	vimm.s32 $0x0;
	v0 =	vmul.f32 $1.442695020e+00, v0;
	v5 =	vpop (erf)  }
0x295: {  	v45 =	vimm.s32 $0x2;
	v25 =	vld [tilespmem:s15+$0xFFFFFFC0];
	(erf) = vpow2.f32 v1;
	v1 =	vperm.xlane v5, v8  }
0x296: {  	v37 =	vimm.s32 $0x1;
	v27 =	vld [tilespmem:s15+$0xFFFFFFD0];
	v2 =	vperm.xlane v5, v45  }
0x297: {  	v46 =	vimm.s32 $0x3;
	v50 =	vimm.s32 $0x4;
	(erf) = vpow2.f32 v0;
	v0 =	vld [tilespmem:s15+$0x100];
	[tilespmem:$0x1FF80] =	vst v1  }
0x298: {  	v52 =	vimm.s32 $0x5;
	v11 =	vperm.xlane v5, v37;
	v10 =	vperm.xlane v5, v46;
	v28 =	vld [tilespmem:s15+$0xFFFFFFE0];
	[tilespmem:$0x1FF90] =	vst v2  }
0x299: {  	v13 =	vperm.xlane v5, v50;
	v12 =	vperm.xlane v5, v52;
	v6 =	vpop (erf);
	v32 =	vld [tilespmem:s15+$0x0]  }
0x29a: {  	v49 =	vperm.xlane v6, v8;
	v47 =	vperm.xlane v6, v37;
	v34 =	vld [tilespmem:s15+$0x10]  }
0x29b: {  	v41 =	vimm.s32 $0x7;
	v51 =	vperm.xlane v6, v45;
	v48 =	vperm.xlane v6, v46;
	v35 =	vld [tilespmem:s15+$0x20]  }
0x29c: {  	v9 =	vimm.s32 $0x6;
	v61 =	vperm.xlane v6, v50;
	v1 =	vperm.xlane v5, v41;
	v39 =	vld [tilespmem:s15+$0x30]  }
0x29d: {  	v58 =	vperm.xlane v6, v52;
	v59 =	vperm.xlane v6, v9;
	v44 =	vld [tilespmem:s15+$0x40]  }
0x29e: {  	v57 =	vperm.xlane v6, v41;
	v42 =	vpop (erf);
	v2 =	vmul.f32 v0, v1;
	v40 =	vld [tilespmem:s15+$0x50]  }
0x29f: {  	v33 =	vld [tilespmem:s15+$0x60];
	v60 =	vperm.xlane v42, v8;
	v56 =	vperm.xlane v42, v37  }
0x2a0: {  	v38 =	vpop (erf);
	v29 =	vld [tilespmem:s15+$0x90];
	v55 =	vperm.xlane v42, v45;
	v53 =	vperm.xlane v42, v46  }
0x2a1: {  	v30 =	vld [tilespmem:s15+$0xA0];
	v54 =	vperm.xlane v42, v50;
	v43 =	vperm.xlane v38, v8  }
0x2a2: {  	v31 =	vld [tilespmem:s15+$0xB0];
	v1 =	vperm.xlane v38, v37;
	v4 =	vperm.xlane v38, v45  }
0x2a3: {  	v36 =	vld [tilespmem:s15+$0x70];
	[tilespmem:s15+$0x110] =	vst v5;
	v0 =	vperm.xlane v38, v46;
	v3 =	vperm.xlane v38, v50  }
0x2a4: {  	[tilespmem:s15+$0xFFFFFFF0] =	vst v6;
	v63 =	vperm.xlane v38, v52;
	v62 =	vperm.xlane v38, v41;
	v37 =	vld [tilespmem:s15+$0xC0]  }
0x2a5: {  	[tilespmem:s15+$0xFFFFFF60] =	vst v38;
	v52 =	vperm.xlane v42, v52;
	v46 =	vperm.xlane v42, v41;
	v41 =	vld [tilespmem:s15+$0xE0]  }
0x2a6: {  	v50 =	vperm.xlane v42, v9;
	[tilespmem:s15+$0x100] =	vst v2;
	v2 =	vperm.xlane v38, v9;
	v38 =	vld [tilespmem:s15+$0xD0]  }
0x2a7: {  	s22 =	simm.s32 $0x0;
	s23 =	simm.s32 $0x1030;
	[tilespmem:s15+$0x80] =	vst v42;
	v42 =	vperm.xlane v5, v9;
	v45 =	vmul.f32 v7, v43;
	v43 =	vld [tilespmem:s15+$0xF0]  }
.LBB2_12:
0x2a8: {  	v1 =	vmul.f32 v14, v1  }
0x2a9: {  	v5 =	vld [tilespmem:s23+$0x110];
	s16 =	sadd.s32 $0x40, s16;
	[tilespmem:s15+$0xFFFFFEE0] =	vst v45;
	v4 =	vmul.f32 v15, v4  }
0x2aa: {  	v7 =	vld [tilespmem:s16+$0xFFFFFFE0];
	v0 =	vmul.f32 v16, v0;
	[tilespmem:s15+$0xFFFFFEF0] =	vst v1  }
0x2ab: {  	v6 =	vld [tilespmem:s16+$0x10];
	v3 =	vmul.f32 v17, v3;
	[tilespmem:s15+$0xFFFFFF00] =	vst v4  }
0x2ac: {  	v15 =	vld [tilespmem:s23+$0xFFFFFFF0];
	v16 =	vmul.f32 v21, v49;
	[tilespmem:s15+$0xFFFFFF10] =	vst v0  }
0x2ad: {  	v17 =	vld [tilespmem:s16+$0xFFFFFFF0];
	v1 =	vmul.f32 v18, v63;
	[tilespmem:s15+$0xFFFFFF20] =	vst v3  }
0x2ae: {  	v2 =	vmul.f32 v19, v2;
	v19 =	vld [tilespmem:s23+$0x80];
	v0 =	vmul.f32 v22, v47;
	[tilespmem:s15+$0xFFFFFF70] =	vst v16  }
0x2af: {  	v21 =	vld [tilespmem:s16+$0x0];
	v18 =	vmul.f32 v23, v51;
	[tilespmem:s15+$0xFFFFFF30] =	vst v1  }
0x2b0: {  	v4 =	vmul.f32 v20, v62;
	v3 =	vmul.f32 v24, v48;
	v5 =	vadd.f32 v6, v5;
	v45 =	vld [tilespmem:s23+$0xFFFFFEE0];
	[tilespmem:s15+$0xFFFFFF80] =	vst v0  }
0x2b1: {  	v20 =	vmul.f32 v26, v61;
	v6 =	vmul.f32 v27, v59;
	v14 =	vld [tilespmem:s23+$0xFFFFFEF0];
	[tilespmem:s15+$0xFFFFFF90] =	vst v18  }
0x2b2: {  	v23 =	vmul.f32 v32, v60;
	v24 =	vmul.f32 $2.000000030e-01, v5;
	[tilespmem:s15+$0xFFFFFFA0] =	vst v3;
	v22 =	vld [tilespmem:s23+$0xFFFFFF60]  }
0x2b3: {  	v1 =	vmul.f32 v25, v58;
	vm0 =	vge.f32 v5, $0.0e+00;
	[tilespmem:s15+$0xFFFFFF40] =	vst v2;
	v25 =	vadd.f32 v17, v15;
	v15 =	vld [tilespmem:s23+$0xFFFFFF00]  }
0x2b4: {  	v26 =	vmul.f32 v35, v55;
	v27 =	vmul.f32 v44, v54;
	[tilespmem:s15+$0xFFFFFF50] =	vst v4;
	v5 =	vsel vm0, v5, v24;
	v16 =	vld [tilespmem:s23+$0xFFFFFF10]  }
0x2b5: {  	[tilespmem:s15+$0xFFFFFFB0] =	vst v20;
	v17 =	vld [tilespmem:s23+$0xFFFFFF20];
	v24 =	vmul.f32 $2.000000030e-01, v25;
	v5 =	vmul.f32 $1.442695020e+00, v5  }
0x2b6: {  	v0 =	vmul.f32 v39, v53;
	v3 =	vmul.f32 v40, v52;
	[tilespmem:s15+$0xFFFFFFD0] =	vst v6;
	v18 =	vld [tilespmem:s23+$0xFFFFFF30];
	vm15 =	vge.f32 v25, $0.0e+00  }
0x2b7: {  	[tilespmem:s15+$0x0] =	vst v23;
	v21 =	vadd.f32 v21, v19;
	v19 =	vld [tilespmem:s23+$0xFFFFFF40];
	(erf) = vpow2.f32 v5;
	v24 =	vsel vm15, v25, v24  }
0x2b8: {  	v6 =	vmul.f32 v33, v50;
	[tilespmem:s15+$0xFFFFFFC0] =	vst v1;
	v20 =	vld [tilespmem:s23+$0xFFFFFF50];
	v1 =	vmul.f32 $1.442695020e+00, v24  }
0x2b9: {  	v2 =	vmul.f32 v28, v57;
	v4 =	vmul.f32 v34, v56;
	[tilespmem:s15+$0x30] =	vst v0;
	v0 =	vld [tilespmem:$0x1FF90];
	v7 =	vadd.f32 v7, v22  }
0x2ba: {  	[tilespmem:s15+$0x20] =	vst v26;
	v22 =	vmul.f32 $2.000000030e-01, v21;
	(erf) = vpow2.f32 v1;
	v1 =	vld [tilespmem:$0x1FF80]  }
0x2bb: {  	vm1 =	vge.f32 v21, $0.0e+00;
	[tilespmem:s15+$0xFFFFFFE0] =	vst v2;
	v2 =	vmul.f32 v36, v46;
	v23 =	vld [tilespmem:s23+$0xFFFFFF90];
	v5 =	vmul.f32 $2.000000030e-01, v7  }
0x2bc: {  	[tilespmem:s15+$0x10] =	vst v4;
	v4 =	vmul.f32 v30, v11;
	v26 =	vld [tilespmem:s23+$0xFFFFFFB0];
	vm2 =	vge.f32 v7, $0.0e+00;
	v22 =	vsel vm1, v21, v22  }
0x2bd: {  	[tilespmem:s15+$0x40] =	vst v27;
	v30 =	vmul.f32 v41, v12;
	v27 =	vld [tilespmem:s23+$0xFFFFFFD0];
	v5 =	vsel vm2, v7, v5;
	v7 =	vmul.f32 $1.442695020e+00, v22  }
0x2be: {  	v50 =	vimm.s32 $0x3;
	v28 =	vld [tilespmem:s23+$0xFFFFFFE0];
	v0 =	vmul.f32 v31, v0;
	v5 =	vmul.f32 $1.442695020e+00, v5  }
0x2bf: {  	v41 =	vimm.s32 $0x7;
	v32 =	vld [tilespmem:s23+$0x0];
	(erf) = vpow2.f32 v7;
	v1 =	vmul.f32 v29, v1  }
0x2c0: {  	(erf) = vpow2.f32 v5;
	v5 =	vld [tilespmem:s23+$0x100];
	v29 =	vmul.f32 v38, v13;
	v38 =	vimm.s32 $0x0;
	v8 =	vpop (erf)  }
0x2c1: {  	[tilespmem:s15+$0x50] =	vst v3;
	v34 =	vld [tilespmem:s23+$0x10];
	v31 =	vmul.f32 v43, v42;
	v43 =	vimm.s32 $0x1;
	v3 =	vperm.xlane v8, v38  }
0x2c2: {  	[tilespmem:s15+$0x60] =	vst v6;
	v46 =	vimm.s32 $0x2;
	v35 =	vld [tilespmem:s23+$0x20];
	v7 =	vmul.f32 v37, v10;
	v11 =	vperm.xlane v8, v43  }
0x2c3: {  	v52 =	vimm.s32 $0x4;
	v39 =	vld [tilespmem:s23+$0x30];
	v58 =	vperm.xlane v8, v46;
	[tilespmem:$0x1FF80] =	vst v3;
	v3 =	vperm.xlane v8, v41  }
0x2c4: {  	v9 =	vimm.s32 $0x5;
	v25 =	vld [tilespmem:s23+$0xFFFFFFC0];
	v10 =	vperm.xlane v8, v50;
	v13 =	vperm.xlane v8, v52  }
0x2c5: {  	[tilespmem:s15+$0x70] =	vst v2;
	v24 =	vld [tilespmem:s23+$0xFFFFFFA0];
	v12 =	vperm.xlane v8, v9;
	v2 =	vmul.f32 v5, v3;
	v5 =	vpop (erf)  }
0x2c6: {  	[tilespmem:s15+$0xA0] =	vst v4;
	v44 =	vld [tilespmem:s23+$0x40];
	v49 =	vperm.xlane v5, v38;
	v47 =	vperm.xlane v5, v43  }
0x2c7: {  	v40 =	vld [tilespmem:s23+$0x50];
	[tilespmem:s15+$0xB0] =	vst v0;
	v51 =	vperm.xlane v5, v46;
	v48 =	vperm.xlane v5, v50  }
0x2c8: {  	v33 =	vld [tilespmem:s23+$0x60];
	[tilespmem:$0x1FF90] =	vst v58;
	v61 =	vperm.xlane v5, v52;
	v58 =	vperm.xlane v5, v9;
	v6 =	vpop (erf)  }
0x2c9: {  	v36 =	vld [tilespmem:s23+$0x70];
	[tilespmem:s15+$0xC0] =	vst v7;
	v57 =	vperm.xlane v5, v41;
	v60 =	vperm.xlane v6, v38  }
0x2ca: {  	v21 =	vld [tilespmem:s23+$0xFFFFFF70];
	[tilespmem:s15+$0x90] =	vst v1;
	v56 =	vperm.xlane v6, v43;
	v55 =	vperm.xlane v6, v46  }
0x2cb: {  	v22 =	vld [tilespmem:s23+$0xFFFFFF80];
	[tilespmem:s23+$0x100] =	vst v2;
	v59 =	vpop (erf);
	v53 =	vperm.xlane v6, v50;
	v54 =	vperm.xlane v6, v52  }
0x2cc: {  	s22 =	sadd.s32 $0x4, s22;
	[tilespmem:s15+$0xD0] =	vst v29;
	v29 =	vld [tilespmem:s23+$0x90];
	v42 =	vperm.xlane v59, v38;
	v1 =	vperm.xlane v59, v43  }
0x2cd: {  	p1 =	slt.u32 s22, $0x4C;
	[tilespmem:s15+$0xE0] =	vst v30;
	v4 =	vperm.xlane v59, v46;
	v0 =	vperm.xlane v59, v50;
	v30 =	vld [tilespmem:s23+$0xA0]  }
.Ltmp7:
0x2ce: {  	v7 =	vimm.s32 $0x6;
	[tilespmem:s15+$0xF0] =	vst v31;
	v3 =	vperm.xlane v59, v52;
	v63 =	vperm.xlane v59, v9;
	v31 =	vld [tilespmem:s23+$0xB0];
	(pc) =	sbr.rel @p1 .LBB2_12-.Ltmp7, $4  }
0x2cf: {  	[tilespmem:s23+$0xFFFFFFF0] =	vst v5;
	v2 =	vperm.xlane v59, v7;
	v62 =	vperm.xlane v59, v41;
	v37 =	vld [tilespmem:s23+$0xC0]  }
0x2d0: {  	[tilespmem:s23+$0xFFFFFF60] =	vst v59;
	v59 =	vperm.xlane v5, v7;
	v52 =	vperm.xlane v6, v9;
	v38 =	vld [tilespmem:s23+$0xD0]  }
0x2d1: {  	s15 =	smov.u32 s23;
	[tilespmem:s23+$0x110] =	vst v8;
	v50 =	vperm.xlane v6, v7;
	v46 =	vperm.xlane v6, v41;
	v41 =	vld [tilespmem:s23+$0xE0]  }
0x2d2: {  	[tilespmem:s23+$0x80] =	vst v6;
	s23 =	sadd.s32 $0x240, s23;
	v43 =	vld [tilespmem:s15+$0xF0];
	v45 =	vmul.f32 v45, v42;
	v42 =	vperm.xlane v8, v7  }
0x2d3: {  	v1 =	vmul.f32 v14, v1  }
0x2d4: {  	v4 =	vmul.f32 v15, v4;
	[tilespmem:s15+$0xFFFFFEE0] =	vst v45  }
0x2d5: {  	v0 =	vmul.f32 v16, v0;
	[tilespmem:s15+$0xFFFFFEF0] =	vst v1  }
0x2d6: {  	v1 =	vmul.f32 v17, v3;
	[tilespmem:s15+$0xFFFFFF00] =	vst v4  }
0x2d7: {  	v3 =	vmul.f32 v18, v63;
	[tilespmem:s15+$0xFFFFFF10] =	vst v0  }
0x2d8: {  	v0 =	vmul.f32 v19, v2;
	[tilespmem:s15+$0xFFFFFF20] =	vst v1  }
0x2d9: {  	v2 =	vmul.f32 v21, v49;
	[tilespmem:s15+$0xFFFFFF30] =	vst v3  }
0x2da: {  	v1 =	vmul.f32 v20, v62;
	[tilespmem:s15+$0xFFFFFF40] =	vst v0  }
0x2db: {  	v0 =	vmul.f32 v22, v47;
	[tilespmem:s15+$0xFFFFFF70] =	vst v2  }
0x2dc: {  	v2 =	vmul.f32 v24, v48;
	[tilespmem:s15+$0xFFFFFF50] =	vst v1  }
0x2dd: {  	v1 =	vmul.f32 v23, v51;
	[tilespmem:s15+$0xFFFFFF80] =	vst v0  }
0x2de: {  	v0 =	vmul.f32 v26, v61;
	[tilespmem:s15+$0xFFFFFFA0] =	vst v2  }
0x2df: {  	v2 =	vmul.f32 v27, v59;
	[tilespmem:s15+$0xFFFFFF90] =	vst v1  }
0x2e0: {  	v1 =	vmul.f32 v25, v58;
	[tilespmem:s15+$0xFFFFFFB0] =	vst v0  }
0x2e1: {  	v0 =	vmul.f32 v28, v57;
	[tilespmem:s15+$0xFFFFFFD0] =	vst v2  }
0x2e2: {  	v2 =	vmul.f32 v34, v56;
	[tilespmem:s15+$0xFFFFFFC0] =	vst v1  }
0x2e3: {  	v1 =	vmul.f32 v32, v60;
	[tilespmem:s15+$0xFFFFFFE0] =	vst v0  }
0x2e4: {  	v0 =	vmul.f32 v35, v55;
	[tilespmem:s15+$0x10] =	vst v2  }
0x2e5: {  	v2 =	vmul.f32 v44, v54;
	[tilespmem:s15+$0x0] =	vst v1  }
0x2e6: {  	v1 =	vmul.f32 v39, v53;
	[tilespmem:s15+$0x20] =	vst v0  }
0x2e7: {  	v0 =	vmul.f32 v40, v52;
	[tilespmem:s15+$0x40] =	vst v2  }
0x2e8: {  	v2 =	vmul.f32 v36, v46;
	[tilespmem:s15+$0x30] =	vst v1  }
0x2e9: {  	v1 =	vmul.f32 v33, v50;
	[tilespmem:s15+$0x50] =	vst v0  }
0x2ea: {  	v0 =	vld [tilespmem:$0x1FF80];
	[tilespmem:s15+$0x70] =	vst v2  }
0x2eb: {  	[tilespmem:s15+$0x60] =	vst v1  }
0x2ec: {  	v2 =	vld [tilespmem:$0x1FF90]  }
0x2ed: {  	v1 =	vmul.f32 v30, v11;
	_ =	sdelay $0x1  }
0x2ee: {  	[tilespmem:s15+$0xA0] =	vst v1;
	v1 =	vmul.f32 v38, v13  }
0x2ef: {  	v0 =	vmul.f32 v29, v0  }
0x2f0: {  	[tilespmem:s15+$0xD0] =	vst v1;
	v2 =	vmul.f32 v31, v2  }
0x2f1: {  	[tilespmem:s15+$0x90] =	vst v0;
	v0 =	vmul.f32 v37, v10  }
0x2f2: {  	[tilespmem:s15+$0xB0] =	vst v2;
	v2 =	vmul.f32 v41, v12  }
0x2f3: {  	[tilespmem:s15+$0xC0] =	vst v0;
	v0 =	vmul.f32 v43, v42  }
0x2f4: {  	[tilespmem:s15+$0xE0] =	vst v2  }
0x2f5: {  	s22 =	simm.s32 $0x190;
	[tilespmem:s15+$0xF0] =	vst v0  }
0x2f6: {  	[spmem:s2] =	stream.indirect.scatter.add.f32 [tilespmem:s29], [sflag:$0x3], $0x90, s22, s26, $0xb8;
	[tilespmem:$0x1C660] =	vst v63  }
0x2f7: {  	_ =	swait.ge [sflag:s18], $0x2D00  }
0x2f8: {  	[sflag:s18] =	ssyncset.done $0x0  }
0x2f9: {  	[sflag:s18] =	ssyncadd.s32 $0xFFFFD300  }
0x2fa: {  	_ =	swait.ge [sflag:s25], $0xF0  }
0x2fb: {  	[sflag:s25] =	ssyncset.done $0x0;
	s23 =	rddreg [dreg:$0x9]  }
0x2fc: {  	[sflag:s25] =	ssyncadd.s32 $0xFFFFFF10;
	s15 =	sadd.s32 s31, s23  }
0x2fd: {  	[tilespmem:s28], [sflag:$0x1] =	stream.indirect.gather [hbm4b:s1+s26], $0x10, s26, s26, $0xb8;
	[tilespmem:$0x1C660] =	vst v63  }
0x2fe: {  	s15 =	smul.u32 $0x1E, s15  }
0x2ff: {  	[tilespmem:s29], [sflag:$0x1] =	stream.indirect.gather [hbm4b:s4+s26], $0x90, s3, s26, $0xb8;
	[tilespmem:$0x1C660] =	vst v63  }
0x300: {  	s15 =	sadd.s32 s6, s15  }
0x301: {  	[tilespmem:s24], [sflag:$0x6] =	stream.linear.gather [hbm4b:s15+s3], $0xF0, $0x38;
	[tilespmem:$0x1C660] =	vst v63  }
0x302: {  	_ =	swait.ge [sflag:s20], $0x500  }
0x303: {  	[sflag:s20] =	ssyncset.done $0x0  }
0x304: {  	[sflag:s20] =	ssyncadd.s32 $0xFFFFFB00  }
0x305: {  	_ =	swait.ge [sflag:s20], $0x2D00  }
0x306: {  	[sflag:s20] =	ssyncset.done $0x0  }
0x307: {  	s15 =	simm.s32 $0x3AF0;
	[sflag:s20] =	ssyncadd.s32 $0xFFFFD300  }
0x308: {  	s16 =	simm.s32 $0x7F0;
	v0 =	vld [tilespmem:s15+$0x110]  }
0x309: {  	v1 =	vld [tilespmem:s16+$0x10];
	_ =	sdelay $0x2  }
0x30a: {  	v2 =	vld [tilespmem:s16+$0xFFFFFFE0]  }
0x30b: {  	v3 =	vld [tilespmem:s15+$0xFFFFFFF0]  }
0x30c: {  	v4 =	vld [tilespmem:s16+$0xFFFFFFF0];
	v0 =	vadd.f32 v1, v0  }
0x30d: {  	v5 =	vld [tilespmem:s15+$0x80]  }
0x30e: {  	v6 =	vld [tilespmem:s16+$0x0];
	v8 =	vmul.f32 $2.000000030e-01, v0  }
0x30f: {  	v7 =	vld [tilespmem:s15+$0xFFFFFEE0];
	vm0 =	vge.f32 v0, $0.0e+00  }
0x310: {  	v14 =	vld [tilespmem:s15+$0xFFFFFEF0];
	v0 =	vsel vm0, v0, v8  }
0x311: {  	v15 =	vld [tilespmem:s15+$0xFFFFFF00];
	v3 =	vadd.f32 v4, v3;
	v0 =	vmul.f32 $1.442695020e+00, v0  }
0x312: {  	v1 =	vld [tilespmem:s15+$0xFFFFFF60]  }
0x313: {  	v16 =	vld [tilespmem:s15+$0xFFFFFF10];
	v4 =	vadd.f32 v6, v5;
	v5 =	vmul.f32 $2.000000030e-01, v3;
	(erf) = vpow2.f32 v0  }
0x314: {  	v17 =	vld [tilespmem:s15+$0xFFFFFF20];
	vm14 =	vge.f32 v3, $0.0e+00  }
0x315: {  	v18 =	vld [tilespmem:s15+$0xFFFFFF30];
	v3 =	vsel vm14, v3, v5  }
0x316: {  	v19 =	vld [tilespmem:s15+$0xFFFFFF40];
	v3 =	vmul.f32 $1.442695020e+00, v3  }
0x317: {  	v20 =	vld [tilespmem:s15+$0xFFFFFF50];
	v1 =	vadd.f32 v2, v1  }
0x318: {  	v21 =	vld [tilespmem:s15+$0xFFFFFF70];
	v2 =	vmul.f32 $2.000000030e-01, v4;
	(erf) = vpow2.f32 v3  }
0x319: {  	v22 =	vld [tilespmem:s15+$0xFFFFFF80];
	vm1 =	vge.f32 v4, $0.0e+00;
	v0 =	vmul.f32 $2.000000030e-01, v1  }
0x31a: {  	v23 =	vld [tilespmem:s15+$0xFFFFFF90];
	vm15 =	vge.f32 v1, $0.0e+00;
	v2 =	vsel vm1, v4, v2  }
0x31b: {  	v24 =	vld [tilespmem:s15+$0xFFFFFFA0];
	v0 =	vsel vm15, v1, v0;
	v1 =	vmul.f32 $1.442695020e+00, v2  }
0x31c: {  	v26 =	vld [tilespmem:s15+$0xFFFFFFB0];
	v8 =	vimm.s32 $0x0;
	v0 =	vmul.f32 $1.442695020e+00, v0;
	v5 =	vpop (erf)  }
0x31d: {  	v45 =	vimm.s32 $0x2;
	v25 =	vld [tilespmem:s15+$0xFFFFFFC0];
	(erf) = vpow2.f32 v1;
	v1 =	vperm.xlane v5, v8  }
0x31e: {  	v46 =	vimm.s32 $0x3;
	v27 =	vld [tilespmem:s15+$0xFFFFFFD0];
	v2 =	vperm.xlane v5, v45  }
0x31f: {  	v52 =	vimm.s32 $0x5;
	v37 =	vimm.s32 $0x1;
	(erf) = vpow2.f32 v0;
	v0 =	vld [tilespmem:s15+$0x100];
	[tilespmem:$0x1FF60] =	vst v1  }
0x320: {  	v50 =	vimm.s32 $0x4;
	v11 =	vperm.xlane v5, v37;
	v10 =	vperm.xlane v5, v46;
	v28 =	vld [tilespmem:s15+$0xFFFFFFE0];
	[tilespmem:$0x1FF70] =	vst v2  }
0x321: {  	v13 =	vperm.xlane v5, v50;
	v12 =	vperm.xlane v5, v52;
	v6 =	vpop (erf);
	v32 =	vld [tilespmem:s15+$0x0]  }
0x322: {  	v49 =	vperm.xlane v6, v8;
	v47 =	vperm.xlane v6, v37;
	v34 =	vld [tilespmem:s15+$0x10]  }
0x323: {  	v41 =	vimm.s32 $0x7;
	v51 =	vperm.xlane v6, v45;
	v48 =	vperm.xlane v6, v46;
	v35 =	vld [tilespmem:s15+$0x20]  }
0x324: {  	v9 =	vimm.s32 $0x6;
	v61 =	vperm.xlane v6, v50;
	v1 =	vperm.xlane v5, v41;
	v39 =	vld [tilespmem:s15+$0x30]  }
0x325: {  	v58 =	vperm.xlane v6, v52;
	v59 =	vperm.xlane v6, v9;
	v44 =	vld [tilespmem:s15+$0x40]  }
0x326: {  	v57 =	vperm.xlane v6, v41;
	v42 =	vpop (erf);
	v2 =	vmul.f32 v0, v1;
	v40 =	vld [tilespmem:s15+$0x50]  }
0x327: {  	v33 =	vld [tilespmem:s15+$0x60];
	v60 =	vperm.xlane v42, v8;
	v56 =	vperm.xlane v42, v37  }
0x328: {  	v38 =	vpop (erf);
	v29 =	vld [tilespmem:s15+$0x90];
	v55 =	vperm.xlane v42, v45;
	v53 =	vperm.xlane v42, v46  }
0x329: {  	v30 =	vld [tilespmem:s15+$0xA0];
	v54 =	vperm.xlane v42, v50;
	v43 =	vperm.xlane v38, v8  }
0x32a: {  	v31 =	vld [tilespmem:s15+$0xB0];
	v1 =	vperm.xlane v38, v37;
	v4 =	vperm.xlane v38, v45  }
0x32b: {  	v36 =	vld [tilespmem:s15+$0x70];
	[tilespmem:s15+$0x110] =	vst v5;
	v0 =	vperm.xlane v38, v46;
	v3 =	vperm.xlane v38, v50  }
0x32c: {  	[tilespmem:s15+$0xFFFFFFF0] =	vst v6;
	v63 =	vperm.xlane v38, v52;
	v62 =	vperm.xlane v38, v41;
	v37 =	vld [tilespmem:s15+$0xC0]  }
0x32d: {  	[tilespmem:s15+$0xFFFFFF60] =	vst v38;
	v52 =	vperm.xlane v42, v52;
	v46 =	vperm.xlane v42, v41;
	v41 =	vld [tilespmem:s15+$0xE0]  }
0x32e: {  	v50 =	vperm.xlane v42, v9;
	[tilespmem:s15+$0x100] =	vst v2;
	v2 =	vperm.xlane v38, v9;
	v38 =	vld [tilespmem:s15+$0xD0]  }
0x32f: {  	s22 =	simm.s32 $0x0;
	s23 =	simm.s32 $0x3D30;
	[tilespmem:s15+$0x80] =	vst v42;
	v42 =	vperm.xlane v5, v9;
	v45 =	vmul.f32 v7, v43;
	v43 =	vld [tilespmem:s15+$0xF0]  }
.LBB2_14:
0x330: {  	v1 =	vmul.f32 v14, v1  }
0x331: {  	v5 =	vld [tilespmem:s23+$0x110];
	s16 =	sadd.s32 $0x40, s16;
	[tilespmem:s15+$0xFFFFFEE0] =	vst v45;
	v4 =	vmul.f32 v15, v4  }
0x332: {  	v7 =	vld [tilespmem:s16+$0xFFFFFFE0];
	v0 =	vmul.f32 v16, v0;
	[tilespmem:s15+$0xFFFFFEF0] =	vst v1  }
0x333: {  	v6 =	vld [tilespmem:s16+$0x10];
	v3 =	vmul.f32 v17, v3;
	[tilespmem:s15+$0xFFFFFF00] =	vst v4  }
0x334: {  	v15 =	vld [tilespmem:s23+$0xFFFFFFF0];
	v16 =	vmul.f32 v21, v49;
	[tilespmem:s15+$0xFFFFFF10] =	vst v0  }
0x335: {  	v17 =	vld [tilespmem:s16+$0xFFFFFFF0];
	v1 =	vmul.f32 v18, v63;
	[tilespmem:s15+$0xFFFFFF20] =	vst v3  }
0x336: {  	v2 =	vmul.f32 v19, v2;
	v19 =	vld [tilespmem:s23+$0x80];
	v0 =	vmul.f32 v22, v47;
	[tilespmem:s15+$0xFFFFFF70] =	vst v16  }
0x337: {  	v21 =	vld [tilespmem:s16+$0x0];
	v18 =	vmul.f32 v23, v51;
	[tilespmem:s15+$0xFFFFFF30] =	vst v1  }
0x338: {  	v4 =	vmul.f32 v20, v62;
	v3 =	vmul.f32 v24, v48;
	v5 =	vadd.f32 v6, v5;
	v45 =	vld [tilespmem:s23+$0xFFFFFEE0];
	[tilespmem:s15+$0xFFFFFF80] =	vst v0  }
0x339: {  	v20 =	vmul.f32 v26, v61;
	v6 =	vmul.f32 v27, v59;
	v14 =	vld [tilespmem:s23+$0xFFFFFEF0];
	[tilespmem:s15+$0xFFFFFF90] =	vst v18  }
0x33a: {  	v23 =	vmul.f32 v32, v60;
	v24 =	vmul.f32 $2.000000030e-01, v5;
	[tilespmem:s15+$0xFFFFFFA0] =	vst v3;
	v22 =	vld [tilespmem:s23+$0xFFFFFF60]  }
0x33b: {  	v1 =	vmul.f32 v25, v58;
	vm0 =	vge.f32 v5, $0.0e+00;
	[tilespmem:s15+$0xFFFFFF40] =	vst v2;
	v25 =	vadd.f32 v17, v15;
	v15 =	vld [tilespmem:s23+$0xFFFFFF00]  }
0x33c: {  	v26 =	vmul.f32 v35, v55;
	v27 =	vmul.f32 v44, v54;
	[tilespmem:s15+$0xFFFFFF50] =	vst v4;
	v5 =	vsel vm0, v5, v24;
	v16 =	vld [tilespmem:s23+$0xFFFFFF10]  }
0x33d: {  	[tilespmem:s15+$0xFFFFFFB0] =	vst v20;
	v17 =	vld [tilespmem:s23+$0xFFFFFF20];
	v24 =	vmul.f32 $2.000000030e-01, v25;
	v5 =	vmul.f32 $1.442695020e+00, v5  }
0x33e: {  	v0 =	vmul.f32 v39, v53;
	v3 =	vmul.f32 v40, v52;
	[tilespmem:s15+$0xFFFFFFD0] =	vst v6;
	v18 =	vld [tilespmem:s23+$0xFFFFFF30];
	vm15 =	vge.f32 v25, $0.0e+00  }
0x33f: {  	[tilespmem:s15+$0x0] =	vst v23;
	v21 =	vadd.f32 v21, v19;
	v19 =	vld [tilespmem:s23+$0xFFFFFF40];
	(erf) = vpow2.f32 v5;
	v24 =	vsel vm15, v25, v24  }
0x340: {  	v6 =	vmul.f32 v33, v50;
	[tilespmem:s15+$0xFFFFFFC0] =	vst v1;
	v20 =	vld [tilespmem:s23+$0xFFFFFF50];
	v1 =	vmul.f32 $1.442695020e+00, v24  }
0x341: {  	v2 =	vmul.f32 v28, v57;
	v4 =	vmul.f32 v34, v56;
	[tilespmem:s15+$0x30] =	vst v0;
	v0 =	vld [tilespmem:$0x1FF70];
	v7 =	vadd.f32 v7, v22  }
0x342: {  	[tilespmem:s15+$0x20] =	vst v26;
	v22 =	vmul.f32 $2.000000030e-01, v21;
	(erf) = vpow2.f32 v1;
	v1 =	vld [tilespmem:$0x1FF60]  }
0x343: {  	vm1 =	vge.f32 v21, $0.0e+00;
	[tilespmem:s15+$0xFFFFFFE0] =	vst v2;
	v2 =	vmul.f32 v36, v46;
	v23 =	vld [tilespmem:s23+$0xFFFFFF90];
	v5 =	vmul.f32 $2.000000030e-01, v7  }
0x344: {  	[tilespmem:s15+$0x10] =	vst v4;
	v4 =	vmul.f32 v30, v11;
	v26 =	vld [tilespmem:s23+$0xFFFFFFB0];
	vm2 =	vge.f32 v7, $0.0e+00;
	v22 =	vsel vm1, v21, v22  }
0x345: {  	[tilespmem:s15+$0x40] =	vst v27;
	v30 =	vmul.f32 v41, v12;
	v27 =	vld [tilespmem:s23+$0xFFFFFFD0];
	v5 =	vsel vm2, v7, v5;
	v7 =	vmul.f32 $1.442695020e+00, v22  }
0x346: {  	v50 =	vimm.s32 $0x3;
	v28 =	vld [tilespmem:s23+$0xFFFFFFE0];
	v0 =	vmul.f32 v31, v0;
	v5 =	vmul.f32 $1.442695020e+00, v5  }
0x347: {  	v41 =	vimm.s32 $0x7;
	v32 =	vld [tilespmem:s23+$0x0];
	(erf) = vpow2.f32 v7;
	v1 =	vmul.f32 v29, v1  }
0x348: {  	(erf) = vpow2.f32 v5;
	v5 =	vld [tilespmem:s23+$0x100];
	v29 =	vmul.f32 v38, v13;
	v38 =	vimm.s32 $0x0;
	v8 =	vpop (erf)  }
0x349: {  	[tilespmem:s15+$0x50] =	vst v3;
	v34 =	vld [tilespmem:s23+$0x10];
	v31 =	vmul.f32 v43, v42;
	v43 =	vimm.s32 $0x1;
	v3 =	vperm.xlane v8, v38  }
0x34a: {  	[tilespmem:s15+$0x60] =	vst v6;
	v46 =	vimm.s32 $0x2;
	v35 =	vld [tilespmem:s23+$0x20];
	v7 =	vmul.f32 v37, v10;
	v11 =	vperm.xlane v8, v43  }
0x34b: {  	v52 =	vimm.s32 $0x4;
	v39 =	vld [tilespmem:s23+$0x30];
	v58 =	vperm.xlane v8, v46;
	[tilespmem:$0x1FF60] =	vst v3;
	v3 =	vperm.xlane v8, v41  }
0x34c: {  	v9 =	vimm.s32 $0x5;
	v25 =	vld [tilespmem:s23+$0xFFFFFFC0];
	v10 =	vperm.xlane v8, v50;
	v13 =	vperm.xlane v8, v52  }
0x34d: {  	[tilespmem:s15+$0x70] =	vst v2;
	v24 =	vld [tilespmem:s23+$0xFFFFFFA0];
	v12 =	vperm.xlane v8, v9;
	v2 =	vmul.f32 v5, v3;
	v5 =	vpop (erf)  }
0x34e: {  	[tilespmem:s15+$0xA0] =	vst v4;
	v44 =	vld [tilespmem:s23+$0x40];
	v49 =	vperm.xlane v5, v38;
	v47 =	vperm.xlane v5, v43  }
0x34f: {  	v40 =	vld [tilespmem:s23+$0x50];
	[tilespmem:s15+$0xB0] =	vst v0;
	v51 =	vperm.xlane v5, v46;
	v48 =	vperm.xlane v5, v50  }
0x350: {  	v33 =	vld [tilespmem:s23+$0x60];
	[tilespmem:$0x1FF70] =	vst v58;
	v61 =	vperm.xlane v5, v52;
	v58 =	vperm.xlane v5, v9;
	v6 =	vpop (erf)  }
0x351: {  	v36 =	vld [tilespmem:s23+$0x70];
	[tilespmem:s15+$0xC0] =	vst v7;
	v57 =	vperm.xlane v5, v41;
	v60 =	vperm.xlane v6, v38  }
0x352: {  	v21 =	vld [tilespmem:s23+$0xFFFFFF70];
	[tilespmem:s15+$0x90] =	vst v1;
	v56 =	vperm.xlane v6, v43;
	v55 =	vperm.xlane v6, v46  }
0x353: {  	v22 =	vld [tilespmem:s23+$0xFFFFFF80];
	[tilespmem:s23+$0x100] =	vst v2;
	v59 =	vpop (erf);
	v53 =	vperm.xlane v6, v50;
	v54 =	vperm.xlane v6, v52  }
0x354: {  	s22 =	sadd.s32 $0x4, s22;
	[tilespmem:s15+$0xD0] =	vst v29;
	v29 =	vld [tilespmem:s23+$0x90];
	v42 =	vperm.xlane v59, v38;
	v1 =	vperm.xlane v59, v43  }
0x355: {  	p1 =	slt.u32 s22, $0x4C;
	[tilespmem:s15+$0xE0] =	vst v30;
	v4 =	vperm.xlane v59, v46;
	v0 =	vperm.xlane v59, v50;
	v30 =	vld [tilespmem:s23+$0xA0]  }
.Ltmp8:
0x356: {  	v7 =	vimm.s32 $0x6;
	[tilespmem:s15+$0xF0] =	vst v31;
	v3 =	vperm.xlane v59, v52;
	v63 =	vperm.xlane v59, v9;
	v31 =	vld [tilespmem:s23+$0xB0];
	(pc) =	sbr.rel @p1 .LBB2_14-.Ltmp8, $4  }
0x357: {  	[tilespmem:s23+$0xFFFFFFF0] =	vst v5;
	v2 =	vperm.xlane v59, v7;
	v62 =	vperm.xlane v59, v41;
	v37 =	vld [tilespmem:s23+$0xC0]  }
0x358: {  	[tilespmem:s23+$0xFFFFFF60] =	vst v59;
	v59 =	vperm.xlane v5, v7;
	v52 =	vperm.xlane v6, v9;
	v38 =	vld [tilespmem:s23+$0xD0]  }
0x359: {  	s15 =	smov.u32 s23;
	[tilespmem:s23+$0x110] =	vst v8;
	v50 =	vperm.xlane v6, v7;
	v46 =	vperm.xlane v6, v41;
	v41 =	vld [tilespmem:s23+$0xE0]  }
0x35a: {  	[tilespmem:s23+$0x80] =	vst v6;
	s23 =	sadd.s32 $0x240, s23;
	v43 =	vld [tilespmem:s15+$0xF0];
	v45 =	vmul.f32 v45, v42;
	v42 =	vperm.xlane v8, v7  }
0x35b: {  	v1 =	vmul.f32 v14, v1  }
0x35c: {  	v4 =	vmul.f32 v15, v4;
	[tilespmem:s15+$0xFFFFFEE0] =	vst v45  }
0x35d: {  	v0 =	vmul.f32 v16, v0;
	[tilespmem:s15+$0xFFFFFEF0] =	vst v1  }
0x35e: {  	v16 =	vmul.f32 v17, v3;
	[tilespmem:s15+$0xFFFFFF00] =	vst v4  }
0x35f: {  	v17 =	vmul.f32 v18, v63;
	[tilespmem:s15+$0xFFFFFF10] =	vst v0  }
0x360: {  	v18 =	vmul.f32 v19, v2;
	[tilespmem:s15+$0xFFFFFF20] =	vst v16  }
0x361: {  	v19 =	vmul.f32 v20, v62;
	[tilespmem:s15+$0xFFFFFF30] =	vst v17  }
0x362: {  	v20 =	vmul.f32 v21, v49;
	[tilespmem:s15+$0xFFFFFF40] =	vst v18  }
0x363: {  	v21 =	vmul.f32 v22, v47;
	[tilespmem:s15+$0xFFFFFF50] =	vst v19  }
0x364: {  	v22 =	vmul.f32 v23, v51;
	[tilespmem:s15+$0xFFFFFF70] =	vst v20  }
0x365: {  	v23 =	vmul.f32 v24, v48;
	[tilespmem:s15+$0xFFFFFF80] =	vst v21  }
0x366: {  	v24 =	vmul.f32 v26, v61;
	[tilespmem:s15+$0xFFFFFF90] =	vst v22  }
0x367: {  	v26 =	vmul.f32 v25, v58;
	[tilespmem:s15+$0xFFFFFFA0] =	vst v23  }
0x368: {  	v47 =	vmul.f32 v28, v57;
	[tilespmem:s15+$0xFFFFFFB0] =	vst v24  }
0x369: {  	v48 =	vmul.f32 v32, v60;
	[tilespmem:s15+$0xFFFFFFC0] =	vst v26  }
0x36a: {  	v49 =	vmul.f32 v34, v56;
	[tilespmem:s15+$0xFFFFFFE0] =	vst v47  }
0x36b: {  	v51 =	vmul.f32 v35, v55;
	[tilespmem:s15+$0x0] =	vst v48  }
0x36c: {  	v53 =	vmul.f32 v39, v53;
	[tilespmem:s15+$0x10] =	vst v49  }
0x36d: {  	v55 =	vmul.f32 v44, v54;
	[tilespmem:s15+$0x20] =	vst v51  }
0x36e: {  	v56 =	vmul.f32 v40, v52;
	[tilespmem:s15+$0x30] =	vst v53  }
0x36f: {  	v45 =	vmul.f32 v27, v59;
	[tilespmem:s15+$0x40] =	vst v55  }
0x370: {  	v57 =	vmul.f32 v33, v50;
	[tilespmem:s15+$0x50] =	vst v56  }
0x371: {  	v58 =	vmul.f32 v36, v46;
	[tilespmem:s15+$0xFFFFFFD0] =	vst v45  }
0x372: {  	v0 =	vld [tilespmem:$0x1FF60];
	[tilespmem:s15+$0x60] =	vst v57  }
0x373: {  	v59 =	vmul.f32 v30, v11;
	[tilespmem:s15+$0x70] =	vst v58  }
0x374: {  	v60 =	vmul.f32 v37, v10;
	v2 =	vld [tilespmem:$0x1FF70]  }
0x375: {  	v61 =	vmul.f32 v38, v13;
	[tilespmem:s15+$0xA0] =	vst v59  }
0x376: {  	v62 =	vmul.f32 v41, v12;
	[tilespmem:s15+$0xC0] =	vst v60  }
0x377: {  	v63 =	vmul.f32 v43, v42;
	[tilespmem:s15+$0xD0] =	vst v61  }
.Ltmp9:
0x378: {  	[tilespmem:s15+$0xE0] =	vst v62;
	v0 =	vmul.f32 v29, v0;
	(pc) =	sbr.rel .LBB2_2-.Ltmp9, $4  }
0x379: {  	[tilespmem:s15+$0xF0] =	vst v63;
	v2 =	vmul.f32 v31, v2  }
0x37a: {  	v52 =	vimm.s32 $0x0;
	[tilespmem:s15+$0x90] =	vst v0  }
0x37b: {  	s8 =	sadd.s32 $0x1, s8;
	v6 =	vimm.s32 $0x1;
	v7 =	vimm.s32 $0x2;
	v46 =	vimm.s32 $0x4;
	[tilespmem:s15+$0xB0] =	vst v2  }
0x37c: {  	v50 =	vimm.s32 $0x5;
	v37 =	vimm.s32 $0x3;
	v11 =	vimm.s32 $0x7;
	[spmem:s2] =	stream.indirect.scatter.add.f32 [tilespmem:s5], [sflag:$0x4], $0x90, s21, s26, $0xb8;
	[tilespmem:$0x1C660] =	vst v63  }
.LBB2_17:
0x37d: {  	_ =	sfence.sel $0x180000  }
0x37e: {  	[bflag:$0x0] =	sbarrier.arrive $0xFFFF  }
0x37f: {  	_ =	strace $0x90000047  }
0x380: {  	s0 =	stileid.u32;
	[bflag:$0x2] =	sbarrier.arrive $0xFFFF  }
0x381: {  	p0 =	sne.s32 s0, $0x0;
	s0 =	rddreg [dreg:$0x3]  }
0x382: {  	s0 =	sadd.s32 @!p0 $0x100000, s0  }
0x383: {  	[sflag:s0] =	ssyncadd.tile.s32 @!p0 $0x1;
	_ =	shalt  }
.Lfunc_end2:
_tile_overlayer_lowered:
.L_overlay_start_2:
0x384: {  	(tag) =	ssettag $0x2  }
0x385: {  	s0 =	rddreg [dreg:$0x0];
	s2 =	stileid.u32  }
0x386: {  	s1 =	rddreg [dreg:$0x1];
	p0 =	sne.s32 s2, $0x0  }
0x387: {  	s3 =	rddreg [dreg:$0x2];
	[bflag:$0x3] =	sbarrier.arrive $0xFFFF;
	s2 =	simm.s32 @!p0 $0x1C08  }
0x388: {  	[timem:s3], [sflag:s2] =	dma.local @!p0 [hbm:s0], s1  }
0x389: {  	s0 =	simm.s32 @!p0 $0x8  }
0x38a: {  	_ =	swait.ge @!p0 [sflag:s0], s1  }
0x38b: {  	s1 =	ssub.s32 @!p0 $0x0, s1;
	[sflag:s0] =	ssyncset.done @!p0 $0x0  }
0x38c: {  	[sflag:s0] =	ssyncadd.s32 @!p0 s1  }
0x38d: {  	[bflag:$0x3] =	sbarrier.arrive $0xFFFF  }
0x38e: {  	_ =	shalt  }

</sc_bundles>
